<compile_context>
chip_gen: v7x
topology: tpu7x:2x2x1
jax: 0.10.2.dev20260603
libtpu: 0.0.44.dev20260713+nightly
codegen_flags: <defaults>
</compile_context>

<pallas_src>
import functools

import jax
import jax.numpy as jnp
from jax import lax
from jax.experimental import pallas as pl
from jax.experimental.pallas import tpu as pltpu
from jax.experimental.pallas import tpu_sc as plsc

EPS = 1e-5

NC = 2
NS = 16
K = 64


def _pre_all(h, Ws, Wd, ea, We, b):
    N, D = h.shape
    E, ED = ea.shape
    H = We.shape[1]
    BE = 8000
    BN = 2000
    NBA = N // BN
    clamp = lambda i: (jnp.minimum(i, NBA - 1), 0)

    def body(ea_ref, we_ref, b_ref, h_ref, ws_ref, wd_ref, c_ref, a_ref, b2_ref):
        c_ref[...] = (
            jnp.dot(ea_ref[...], we_ref[...], preferred_element_type=jnp.float32)
            + b_ref[...]
        )
        hb = h_ref[...]
        a_ref[...] = jnp.dot(hb, ws_ref[...], preferred_element_type=jnp.float32)
        b2_ref[...] = jnp.dot(hb, wd_ref[...], preferred_element_type=jnp.float32)

    return pl.pallas_call(
        body,
        grid=(E // BE,),
        in_specs=[
            pl.BlockSpec((BE, ED), lambda i: (i, 0)),
            pl.BlockSpec((ED, H), lambda i: (0, 0)),
            pl.BlockSpec((1, H), lambda i: (0, 0)),
            pl.BlockSpec((BN, D), clamp),
            pl.BlockSpec((D, H), lambda i: (0, 0)),
            pl.BlockSpec((D, H), lambda i: (0, 0)),
        ],
        out_specs=[
            pl.BlockSpec((BE, H), lambda i: (i, 0)),
            pl.BlockSpec((BN, H), clamp),
            pl.BlockSpec((BN, H), clamp),
        ],
        out_shape=[
            jax.ShapeDtypeStruct((E, H), jnp.float32),
            jax.ShapeDtypeStruct((N, H), jnp.float32),
            jax.ShapeDtypeStruct((N, H), jnp.float32),
        ],
    )(ea, We, b.reshape(1, H), h, Ws, Wd)


def _edge_msg(ei, dst, A, B, C):
    N, H = A.shape
    E = dst.shape[0]
    TCH = E // K
    CW = TCH // (NC * NS)
    XTRA = TCH % (NC * NS)
    RPT = (N // NS) // 8 * 8
    TAIL = N - NS * RPT
    mesh = plsc.VectorSubcoreMesh(core_axis_name="c", subcore_axis_name="s")

    @functools.partial(
        pl.kernel,
        out_type=[jax.ShapeDtypeStruct((NC, N, H), jnp.float32)],
        mesh=mesh,
        scratch_types=[
            pltpu.VMEM((2, K), jnp.int32),
            pltpu.VMEM((K, H), jnp.float32),
            pltpu.VMEM((K, H), jnp.float32),
            pltpu.VMEM((K, H), jnp.float32),
            pltpu.VMEM((2, K), jnp.int32),
            pltpu.VMEM((K, H), jnp.float32),
            pltpu.VMEM((K, H), jnp.float32),
            pltpu.VMEM((K, H), jnp.float32),
            pltpu.VMEM_SHARED((N, H), jnp.float32),
            pltpu.SemaphoreType.DMA,
            pltpu.SemaphoreType.DMA,
            pltpu.SemaphoreType.DMA,
            pltpu.SemaphoreType.DMA,
            pltpu.SemaphoreType.DMA,
            pltpu.SemaphoreType.DMA,
        ],
    )
    def body(ei_hbm, a_hbm, b_hbm, c_hbm, s_out,
             ib0, ra0, rb0, rc0,
             ib1, ra1, rb1, rc1, s_sh,
             semA0, semB0, semC0, semA1, semB1, semC1):
        c = lax.axis_index("c")
        s = lax.axis_index("s")
        z16 = jnp.zeros((16,), jnp.float32)
        sets = [
            (ib0, ra0, rb0, rc0, semA0, semB0, semC0),
            (ib1, ra1, rb1, rc1, semA1, semB1, semC1),
        ]

        def zero_row(i, _):
            for j in range(H // 16):
                ra0[i, pl.ds(j * 16, 16)] = z16
            return 0

        lax.fori_loop(0, K, zero_row, 0)

        nb = s * RPT
        nfull = RPT // K

        def zero_copy(q, _):
            pltpu.sync_copy(ra0, s_sh.at[pl.ds(nb + q * K, K)])
            return 0

        lax.fori_loop(0, nfull, zero_copy, 0)
        rem = RPT - nfull * K
        if rem:
            pltpu.sync_copy(ra0.at[pl.ds(0, rem)], s_sh.at[pl.ds(nb + nfull * K, rem)])
        if TAIL:
            @pl.when(s == NS - 1)
            def _zero_tail():
                pltpu.sync_copy(ra0.at[pl.ds(0, TAIL)], s_sh.at[pl.ds(NS * RPT, TAIL)])

        plsc.subcore_barrier()

        w = c * NS + s
        my_start = w * CW + jnp.minimum(w, XTRA)
        my_n = CW + (w < XTRA).astype(jnp.int32)

        def start_gathers(b, g):
            ibb, rab, rbb, rcb, sA, sB, sC = sets[b]
            gc = my_start + g
            pltpu.sync_copy(ei_hbm.at[gc], ibb)
            pltpu.async_copy(a_hbm.at[ibb.at[0]], rab, sA)
            pltpu.async_copy(b_hbm.at[ibb.at[1]], rbb, sB)
            pltpu.async_copy(c_hbm.at[pl.ds(gc * K, K)], rcb, sC)

        def finish_chunk(b, g):
            ibb, rab, rbb, rcb, sA, sB, sC = sets[b]
            pltpu.make_async_copy(a_hbm.at[ibb.at[0]], rab, sA).wait()
            pltpu.make_async_copy(b_hbm.at[ibb.at[1]], rbb, sB).wait()
            pltpu.make_async_copy(c_hbm.at[pl.ds(0, K)], rcb, sC).wait()

            @plsc.parallel_loop(0, K, unroll=4)
            def row(i):
                for j in range(H // 16):
                    sl = pl.ds(j * 16, 16)
                    rab[i, sl] = jnp.maximum(rab[i, sl] + rbb[i, sl] + rcb[i, sl], 0.0)

            pltpu.sync_copy(rab, s_sh.at[ibb.at[1]], add=True)

            @pl.when(g + 2 < my_n)
            def _prefetch():
                start_gathers(b, g + 2)

        start_gathers(0, 0)
        start_gathers(1, 1)

        def pair(gp, _):
            finish_chunk(0, 2 * gp)
            finish_chunk(1, 2 * gp + 1)
            return 0

        lax.fori_loop(0, my_n // 2, pair, 0)

        @pl.when(my_n % 2 == 1)
        def _odd_tail():
            finish_chunk(0, my_n - 1)

        plsc.subcore_barrier()
        pltpu.sync_copy(s_sh.at[pl.ds(nb, RPT)], s_out.at[c, pl.ds(nb, RPT)])
        if TAIL:
            @pl.when(s == NS - 1)
            def _out_tail():
                pltpu.sync_copy(s_sh.at[pl.ds(NS * RPT, TAIL)],
                                s_out.at[c, pl.ds(NS * RPT, TAIL)])

    return body(ei, A, B, C)[0]


def _edge_deg(dst, N, H):
    E = dst.shape[0]
    KD = 80
    EW = E // (NC * NS)
    NCHUNK = EW // KD
    RPT = (N // NS) // 8 * 8
    TAIL = N - NS * RPT
    mesh = plsc.VectorSubcoreMesh(core_axis_name="c", subcore_axis_name="s")

    @functools.partial(
        pl.kernel,
        out_type=[jax.ShapeDtypeStruct((NC, N, H), jnp.float32)],
        mesh=mesh,
        scratch_types=[
            pltpu.VMEM((KD,), jnp.int32),
            pltpu.VMEM((KD,), jnp.int32),
            pltpu.VMEM((KD, H), jnp.float32),
            pltpu.VMEM_SHARED((N, H), jnp.float32),
            pltpu.SemaphoreType.DMA,
            pltpu.SemaphoreType.DMA,
        ],
    )
    def body(dst_hbm, deg_out, id0, id1, dval, d_sh, semS0, semS1):
        c = lax.axis_index("c")
        s = lax.axis_index("s")
        z16 = jnp.zeros((16,), jnp.float32)

        def zero_row(i, _):
            for j in range(H // 16):
                dval[i, pl.ds(j * 16, 16)] = z16
            return 0

        lax.fori_loop(0, KD, zero_row, 0)

        nb = s * RPT
        nfull = RPT // KD

        def zero_copy(q, _):
            pltpu.sync_copy(dval, d_sh.at[pl.ds(nb + q * KD, KD)])
            return 0

        lax.fori_loop(0, nfull, zero_copy, 0)
        rem = RPT - nfull * KD
        if rem:
            pltpu.sync_copy(dval.at[pl.ds(0, rem)], d_sh.at[pl.ds(nb + nfull * KD, rem)])
        if TAIL:
            @pl.when(s == NS - 1)
            def _zero_tail():
                pltpu.sync_copy(dval.at[pl.ds(0, TAIL)], d_sh.at[pl.ds(NS * RPT, TAIL)])

        e0 = jnp.where(lax.iota(jnp.int32, 16) == 0, 1.0, 0.0).astype(jnp.float32)

        def ones_row(i, _):
            dval[i, pl.ds(0, 16)] = e0
            return 0

        lax.fori_loop(0, KD, ones_row, 0)

        plsc.subcore_barrier()

        base_e = (c * NS + s) * EW
        sets = [(id0, semS0), (id1, semS1)]

        def half(b, gp, g):
            idb, sS = sets[b]

            @pl.when(gp > 0)
            def _drain():
                pltpu.make_async_copy(dval, d_sh.at[idb], sS).wait()

            pltpu.sync_copy(dst_hbm.at[pl.ds(base_e + g * KD, KD)], idb)
            pltpu.async_copy(dval, d_sh.at[idb], sS, add=True)

        def pair(gp, _):
            half(0, gp, 2 * gp)
            half(1, gp, 2 * gp + 1)
            return 0

        NPAIR = NCHUNK // 2
        lax.fori_loop(0, NPAIR, pair, 0)
        if NCHUNK % 2:
            half(0, NPAIR, NCHUNK - 1)
        pltpu.make_async_copy(dval, d_sh.at[id0], semS0).wait()
        if NCHUNK > 1:
            pltpu.make_async_copy(dval, d_sh.at[id1], semS1).wait()

        plsc.subcore_barrier()
        pltpu.sync_copy(d_sh.at[pl.ds(nb, RPT)], deg_out.at[c, pl.ds(nb, RPT)])
        if TAIL:
            @pl.when(s == NS - 1)
            def _out_tail():
                pltpu.sync_copy(d_sh.at[pl.ds(NS * RPT, TAIL)],
                                deg_out.at[c, pl.ds(NS * RPT, TAIL)])

    return body(dst)[0]


def _node_post(h, S, deg, W2m, b2m, W1uh, W1ua, b1u, W2u, b2u, ln_g, ln_b):
    N, D = h.shape
    H = W2m.shape[0]
    BN = 2000

    def body(h_ref, s_ref, d_ref, w2m_ref, b2m_ref, w1uh_ref, w1ua_ref,
             b1u_ref, w2u_ref, b2u_ref, lng_ref, lnb_ref, out_ref):
        hb = h_ref[...]
        Sb = s_ref[0] + s_ref[1]
        degb = d_ref[0, :, 0:1] + d_ref[1, :, 0:1]
        agg = (
            jnp.dot(Sb, w2m_ref[...], preferred_element_type=jnp.float32)
            + degb * b2m_ref[...]
        )
        y = (
            jnp.dot(hb, w1uh_ref[...], preferred_element_type=jnp.float32)
            + jnp.dot(agg, w1ua_ref[...], preferred_element_type=jnp.float32)
            + b1u_ref[...]
        )
        y = jnp.maximum(y, 0.0)
        hn = jnp.dot(y, w2u_ref[...], preferred_element_type=jnp.float32) + b2u_ref[...]
        z = hb + hn
        mean = jnp.mean(z, axis=1, keepdims=True)
        zc = z - mean
        var = jnp.mean(zc * zc, axis=1, keepdims=True)
        out_ref[...] = zc * lax.rsqrt(var + EPS) * lng_ref[...] + lnb_ref[...]

    full = lambda r, c: pl.BlockSpec((r, c), lambda i: (0, 0))
    return pl.pallas_call(
        body,
        grid=(N // BN,),
        in_specs=[
            pl.BlockSpec((BN, D), lambda i: (i, 0)),
            pl.BlockSpec((NC, BN, H), lambda i: (0, i, 0)),
            pl.BlockSpec((NC, BN, H), lambda i: (0, i, 0)),
            full(H, D), full(1, D), full(D, H), full(H, H), full(1, H),
            full(H, D), full(1, D), full(1, D), full(1, D),
        ],
        out_specs=pl.BlockSpec((BN, D), lambda i: (i, 0)),
        out_shape=jax.ShapeDtypeStruct((N, D), jnp.float32),
    )(h, S, deg, W2m, b2m.reshape(1, -1), W1uh, W1ua, b1u.reshape(1, -1),
      W2u, b2u.reshape(1, -1), ln_g.reshape(1, -1), ln_b.reshape(1, -1))


def kernel(h, edge_index, edge_attr, num_nodes, W1m, b1m, g1m, be1m, W2m, b2m,
           W1u, b1u, g1u, be1u, W2u, b2u, ln_g, ln_b):
    N, D = h.shape
    H = W1m.shape[1]

    s1m = g1m * (1.0 / jnp.sqrt(1.0 + EPS))
    Wsrc = W1m[:D] * s1m
    Wdst = W1m[D:2 * D] * s1m
    We = W1m[2 * D:] * s1m
    b1m_f = b1m * s1m + be1m
    s1u = g1u * (1.0 / jnp.sqrt(1.0 + EPS))
    W1uh = W1u[:D] * s1u
    W1ua = W1u[D:] * s1u
    b1u_f = b1u * s1u + be1u

    src = edge_index[0]
    dst = edge_index[1]
    TCH = edge_index.shape[1] // K
    ei = jnp.stack([src.reshape(TCH, K), dst.reshape(TCH, K)], axis=1)

    C, A, B = _pre_all(h, Wsrc, Wdst, edge_attr, We, b1m_f)
    S = _edge_msg(ei, dst, A, B, C)
    deg = _edge_deg(dst, N, H)
    return _node_post(h, S, deg, W2m, b2m, W1uh, W1ua, b1u_f, W2u, b2u, ln_g, ln_b)

# --- scband reference (transcript-rebuilt; emitter-appended) ---
"""Pipeline reference for scband-pennlayer-24721831756521 (READ-ONLY COPY).

The authoritative reference and input builder live on the scoring server;
editing this copy changes nothing except your own understanding.
"""

import jax, jax.numpy as jnp
import numpy as np

N = 10000
E = 320000
D = 128
ED = 16
H = 128
EPS = 1e-5


def setup_inputs(seed: int = 0) -> dict:
    key = jax.random.key(seed)
    ks = jax.random.split(key, 12)
    inp = {}
    inp["h"] = jax.random.normal(ks[0], (N, D), dtype=jnp.float32)
    inp["edge_index"] = jax.random.randint(ks[1], (2, E), 0, N, dtype=jnp.int32)
    inp["edge_attr"] = jax.random.normal(ks[2], (E, ED), dtype=jnp.float32)
    inp["num_nodes"] = N
    # msg_mlp: Linear(2D+ED -> H), BN(H) [eval: running_mean=0, running_var=1], ReLU, Linear(H -> H)
    inp["W1m"] = jax.random.normal(ks[3], (2 * D + ED, H), dtype=jnp.float32) * 0.05
    inp["b1m"] = jax.random.normal(ks[4], (H,), dtype=jnp.float32) * 0.05
    inp["g1m"] = jnp.ones((H,), dtype=jnp.float32)
    inp["be1m"] = jnp.zeros((H,), dtype=jnp.float32)
    inp["W2m"] = jax.random.normal(ks[5], (H, H), dtype=jnp.float32) * 0.05
    inp["b2m"] = jax.random.normal(ks[6], (H,), dtype=jnp.float32) * 0.05
    # upd_mlp: Linear(D+H -> H), BN(H), ReLU, Linear(H -> D)
    inp["W1u"] = jax.random.normal(ks[7], (D + H, H), dtype=jnp.float32) * 0.05
    inp["b1u"] = jax.random.normal(ks[8], (H,), dtype=jnp.float32) * 0.05
    inp["g1u"] = jnp.ones((H,), dtype=jnp.float32)
    inp["be1u"] = jnp.zeros((H,), dtype=jnp.float32)
    inp["W2u"] = jax.random.normal(ks[9], (H, D), dtype=jnp.float32) * 0.05
    inp["b2u"] = jax.random.normal(ks[10], (D,), dtype=jnp.float32) * 0.05
    # LayerNorm(D)
    inp["ln_g"] = jnp.ones((D,), dtype=jnp.float32)
    inp["ln_b"] = jnp.zeros((D,), dtype=jnp.float32)
    return inp


def reference(h, edge_index, edge_attr, num_nodes, W1m, b1m, g1m, be1m, W2m, b2m, W1u, b1u, g1u, be1u, W2u, b2u, ln_g, ln_b):
    src = edge_index[0]
    dst = edge_index[1]
    # messages: MLP_msg(h_src || h_dst || e_ij)
    msg_input = jnp.concatenate([h[src], h[dst], edge_attr], axis=-1)
    x = msg_input @ W1m + b1m
    # BatchNorm1d in eval mode with running_mean=0, running_var=1
    x = x / jnp.sqrt(1.0 + EPS) * g1m + be1m
    x = jax.nn.relu(x)
    messages = x @ W2m + b2m
    # scatter-add aggregation over destination nodes
    valid = (dst < num_nodes)[:, None]
    messages = jnp.where(valid, messages, jnp.zeros_like(messages))
    agg = jax.ops.segment_sum(messages, dst, num_segments=h.shape[0])
    # update MLP
    upd_input = jnp.concatenate([h, agg], axis=-1)
    y = upd_input @ W1u + b1u
    y = y / jnp.sqrt(1.0 + EPS) * g1u + be1u
    y = jax.nn.relu(y)
    h_new = y @ W2u + b2u
    # residual + LayerNorm
    z = h + h_new
    mean = jnp.mean(z, axis=-1, keepdims=True)
    var = jnp.var(z, axis=-1, keepdims=True)
    out = (z - mean) / jnp.sqrt(var + EPS) * ln_g + ln_b
    return out

if __name__ == "__main__":
    import jax
    _d = setup_inputs()
    print(jax.jit(kernel)(*tuple(_d.values())))

</pallas_src>

<mosaic_0001>
#map = affine_map<(d0, d1) -> (0, 0, 0)>
#map1 = affine_map<(d0, d1) -> (0, 0)>
module attributes {stable_mosaic.version = 14 : i64} {
  func.func @body(%arg0: i32, %arg1: i32, %arg2: memref<5000x2x64xi32, #tpu.memory_space<hbm>>, %arg3: memref<10000x128xf32, #tpu.memory_space<hbm>>, %arg4: memref<10000x128xf32, #tpu.memory_space<hbm>>, %arg5: memref<320000x128xf32, #tpu.memory_space<hbm>>, %arg6: memref<2x10000x128xf32, #tpu.memory_space<hbm>>, %arg7: memref<2x64xi32, #tpu.memory_space<vmem>>, %arg8: memref<64x128xf32, #tpu.memory_space<vmem>>, %arg9: memref<64x128xf32, #tpu.memory_space<vmem>>, %arg10: memref<64x128xf32, #tpu.memory_space<vmem>>, %arg11: memref<2x64xi32, #tpu.memory_space<vmem>>, %arg12: memref<64x128xf32, #tpu.memory_space<vmem>>, %arg13: memref<64x128xf32, #tpu.memory_space<vmem>>, %arg14: memref<64x128xf32, #tpu.memory_space<vmem>>, %arg15: memref<10000x128xf32, #tpu.memory_space<vmem_shared>>, %arg16: memref<!tpu.dma_semaphore, #tpu.memory_space<semaphore_mem>>, %arg17: memref<!tpu.dma_semaphore, #tpu.memory_space<semaphore_mem>>, %arg18: memref<!tpu.dma_semaphore, #tpu.memory_space<semaphore_mem>>, %arg19: memref<!tpu.dma_semaphore, #tpu.memory_space<semaphore_mem>>, %arg20: memref<!tpu.dma_semaphore, #tpu.memory_space<semaphore_mem>>, %arg21: memref<!tpu.dma_semaphore, #tpu.memory_space<semaphore_mem>>) attributes {dimension_semantics = [#tpu.dimension_semantics<core_parallel>, #tpu.dimension_semantics<subcore_parallel>], iteration_bounds = array<i64: 2, 16>, scalar_prefetch = 0 : i64, scratch_operands = 15 : i64, tpu.core_type = #tpu.core_type<sc_vector_subcore>, window_params = [{transform_indices = #map}, {transform_indices = #map1}, {transform_indices = #map1}, {transform_indices = #map1}, {transform_indices = #map}]} {
    %broadcast_in_dim3A = arith.constant 0.000000e+00 : f32
    %broadcast_in_dim3A_0 = vector.broadcast %broadcast_in_dim3A : f32 to vector<16xf32>
    %scan3A = arith.constant 0 : i32
    %scan3A_1 = arith.constant 0 : i32
    %scan3A_2 = arith.constant 64 : i32
    %scan3A_3 = arith.addi %scan3A_1, %scan3A_2 : i32
    %scan3A_4 = arith.constant 1 : i32
    %scan3A_5 = scf.for %scan3A_126 = %scan3A_1 to %scan3A_3 step %scan3A_4 iter_args(%scan3A_127 = %scan3A) -> (i32)  : i32 {
      %swap3A = arith.index_cast %scan3A_126 : i32 to index
      %swap3A_128 = arith.constant 0 : index
      %swap3A_129 = tpu.vector_load %arg8[%swap3A, %swap3A_128] {strides = array<i32>} : memref<64x128xf32, #tpu.memory_space<vmem>>, vector<1x16xf32>,
      %swap3A_130 = vector.shape_cast %swap3A_129 : vector<1x16xf32> to vector<16xf32>
      %swap3A_131 = vector.shape_cast %broadcast_in_dim3A_0 : vector<16xf32> to vector<1x16xf32>
      tpu.vector_store %arg8[%swap3A, %swap3A_128], %swap3A_131 {strides = array<i32>} : memref<64x128xf32, #tpu.memory_space<vmem>>, vector<1x16xf32>,
      %swap3A_132 = arith.index_cast %scan3A_126 : i32 to index
      %swap3A_133 = arith.constant 16 : index
      %swap3A_134 = tpu.vector_load %arg8[%swap3A_132, %swap3A_133] {strides = array<i32>} : memref<64x128xf32, #tpu.memory_space<vmem>>, vector<1x16xf32>,
      %swap3A_135 = vector.shape_cast %swap3A_134 : vector<1x16xf32> to vector<16xf32>
      %swap3A_136 = vector.shape_cast %broadcast_in_dim3A_0 : vector<16xf32> to vector<1x16xf32>
      tpu.vector_store %arg8[%swap3A_132, %swap3A_133], %swap3A_136 {strides = array<i32>} : memref<64x128xf32, #tpu.memory_space<vmem>>, vector<1x16xf32>,
      %swap3A_137 = arith.index_cast %scan3A_126 : i32 to index
      %swap3A_138 = arith.constant 32 : index
      %swap3A_139 = tpu.vector_load %arg8[%swap3A_137, %swap3A_138] {strides = array<i32>} : memref<64x128xf32, #tpu.memory_space<vmem>>, vector<1x16xf32>,
      %swap3A_140 = vector.shape_cast %swap3A_139 : vector<1x16xf32> to vector<16xf32>
      %swap3A_141 = vector.shape_cast %broadcast_in_dim3A_0 : vector<16xf32> to vector<1x16xf32>
      tpu.vector_store %arg8[%swap3A_137, %swap3A_138], %swap3A_141 {strides = array<i32>} : memref<64x128xf32, #tpu.memory_space<vmem>>, vector<1x16xf32>,
      %swap3A_142 = arith.index_cast %scan3A_126 : i32 to index
      %swap3A_143 = arith.constant 48 : index
      %swap3A_144 = tpu.vector_load %arg8[%swap3A_142, %swap3A_143] {strides = array<i32>} : memref<64x128xf32, #tpu.memory_space<vmem>>, vector<1x16xf32>,
      %swap3A_145 = vector.shape_cast %swap3A_144 : vector<1x16xf32> to vector<16xf32>
      %swap3A_146 = vector.shape_cast %broadcast_in_dim3A_0 : vector<16xf32> to vector<1x16xf32>
      tpu.vector_store %arg8[%swap3A_142, %swap3A_143], %swap3A_146 {strides = array<i32>} : memref<64x128xf32, #tpu.memory_space<vmem>>, vector<1x16xf32>,
      %swap3A_147 = arith.index_cast %scan3A_126 : i32 to index
      %swap3A_148 = arith.constant 64 : index
      %swap3A_149 = tpu.vector_load %arg8[%swap3A_147, %swap3A_148] {strides = array<i32>} : memref<64x128xf32, #tpu.memory_space<vmem>>, vector<1x16xf32>,
      %swap3A_150 = vector.shape_cast %swap3A_149 : vector<1x16xf32> to vector<16xf32>
      %swap3A_151 = vector.shape_cast %broadcast_in_dim3A_0 : vector<16xf32> to vector<1x16xf32>
      tpu.vector_store %arg8[%swap3A_147, %swap3A_148], %swap3A_151 {strides = array<i32>} : memref<64x128xf32, #tpu.memory_space<vmem>>, vector<1x16xf32>,
      %swap3A_152 = arith.index_cast %scan3A_126 : i32 to index
      %swap3A_153 = arith.constant 80 : index
      %swap3A_154 = tpu.vector_load %arg8[%swap3A_152, %swap3A_153] {strides = array<i32>} : memref<64x128xf32, #tpu.memory_space<vmem>>, vector<1x16xf32>,
      %swap3A_155 = vector.shape_cast %swap3A_154 : vector<1x16xf32> to vector<16xf32>
      %swap3A_156 = vector.shape_cast %broadcast_in_dim3A_0 : vector<16xf32> to vector<1x16xf32>
      tpu.vector_store %arg8[%swap3A_152, %swap3A_153], %swap3A_156 {strides = array<i32>} : memref<64x128xf32, #tpu.memory_space<vmem>>, vector<1x16xf32>,
      %swap3A_157 = arith.index_cast %scan3A_126 : i32 to index
      %swap3A_158 = arith.constant 96 : index
      %swap3A_159 = tpu.vector_load %arg8[%swap3A_157, %swap3A_158] {strides = array<i32>} : memref<64x128xf32, #tpu.memory_space<vmem>>, vector<1x16xf32>,
      %swap3A_160 = vector.shape_cast %swap3A_159 : vector<1x16xf32> to vector<16xf32>
      %swap3A_161 = vector.shape_cast %broadcast_in_dim3A_0 : vector<16xf32> to vector<1x16xf32>
      tpu.vector_store %arg8[%swap3A_157, %swap3A_158], %swap3A_161 {strides = array<i32>} : memref<64x128xf32, #tpu.memory_space<vmem>>, vector<1x16xf32>,
      %swap3A_162 = arith.index_cast %scan3A_126 : i32 to index
      %swap3A_163 = arith.constant 112 : index
      %swap3A_164 = tpu.vector_load %arg8[%swap3A_162, %swap3A_163] {strides = array<i32>} : memref<64x128xf32, #tpu.memory_space<vmem>>, vector<1x16xf32>,
      %swap3A_165 = vector.shape_cast %swap3A_164 : vector<1x16xf32> to vector<16xf32>
      %swap3A_166 = vector.shape_cast %broadcast_in_dim3A_0 : vector<16xf32> to vector<1x16xf32>
      tpu.vector_store %arg8[%swap3A_162, %swap3A_163], %swap3A_166 {strides = array<i32>} : memref<64x128xf32, #tpu.memory_space<vmem>>, vector<1x16xf32>,
      %scan3A_167 = arith.constant 0 : i32
      scf.yield %scan3A_167 : i32
    }
    %scan3A_6 = arith.constant 64 : i32
    %mul3A = arith.constant 624 : i32
    %mul3A_7 = arith.muli %arg1, %mul3A : i32
    %scan3A_8 = arith.constant 0 : i32
    %scan3A_9 = arith.constant 0 : i32
    %scan3A_10 = arith.constant 9 : i32
    %scan3A_11 = arith.addi %scan3A_9, %scan3A_10 : i32
    %scan3A_12 = arith.constant 1 : i32
    %scan3A_13 = scf.for %scan3A_126 = %scan3A_9 to %scan3A_11 step %scan3A_12 iter_args(%scan3A_127 = %scan3A_8) -> (i32)  : i32 {
      %mul3A_128 = arith.constant 64 : i32
      %mul3A_129 = arith.muli %scan3A_126, %mul3A_128 : i32
      %add3A_130 = arith.addi %mul3A_7, %mul3A_129 : i32
      "tpu.region"() ({
        %run_scoped3A = tpu.sem_alloc : memref<!tpu.dma_semaphore, #tpu.memory_space<semaphore_mem>>
        %dma_start3A_132 = arith.constant 0 : i32
        %dma_start3A_133 = tpu.memref_slice %arg15[%add3A_130, %dma_start3A_132] : memref<10000x128xf32, #tpu.memory_space<vmem_shared>> -> memref<64x128xf32, #tpu.memory_space<vmem_shared>>
        %dma_start3A_134 = arith.constant 0 : i32
        %dma_start3A_135 = tpu.memref_slice %arg15[%add3A_130, %dma_start3A_134] : memref<10000x128xf32, #tpu.memory_space<vmem_shared>> -> memref<64x128xf32, #tpu.memory_space<vmem_shared>>
        tpu.enqueue_dma source(%arg8 : memref<64x128xf32, #tpu.memory_space<vmem>>) target(%dma_start3A_135 : memref<64x128xf32, #tpu.memory_space<vmem_shared>>) target_semaphore(%run_scoped3A : memref<!tpu.dma_semaphore, #tpu.memory_space<semaphore_mem>>)
        %dma_wait3A = arith.constant 0 : i32
        %dma_wait3A_136 = tpu.memref_slice %arg15[%add3A_130, %dma_wait3A] : memref<10000x128xf32, #tpu.memory_space<vmem_shared>> -> memref<64x128xf32, #tpu.memory_space<vmem_shared>>
        %dma_wait3A_137 = arith.constant 0 : i32
        %dma_wait3A_138 = tpu.memref_slice %arg15[%add3A_130, %dma_wait3A_137] : memref<10000x128xf32, #tpu.memory_space<vmem_shared>> -> memref<64x128xf32, #tpu.memory_space<vmem_shared>>
        tpu.wait_dma2 semaphore(%run_scoped3A : memref<!tpu.dma_semaphore, #tpu.memory_space<semaphore_mem>>) src(%arg8 : memref<64x128xf32, #tpu.memory_space<vmem>>) dst(%dma_wait3A_138 : memref<64x128xf32, #tpu.memory_space<vmem_shared>>)
        tpu.yield
      }) : () -> ()
      %scan3A_131 = arith.constant 0 : i32
      scf.yield %scan3A_131 : i32
    }
    %scan3A_14 = arith.constant 9 : i32
    %add3A = arith.constant 576 : i32
    %add3A_15 = arith.addi %mul3A_7, %add3A : i32
    "tpu.region"() ({
      %run_scoped3A = tpu.sem_alloc : memref<!tpu.dma_semaphore, #tpu.memory_space<semaphore_mem>>
      %dma_start3A_126 = arith.constant 0 : i32
      %dma_start3A_127 = arith.constant 0 : i32
      %dma_start3A_128 = tpu.memref_slice %arg8[%dma_start3A_126, %dma_start3A_127] : memref<64x128xf32, #tpu.memory_space<vmem>> -> memref<48x128xf32, #tpu.memory_space<vmem>>
      %dma_start3A_129 = arith.constant 0 : i32
      %dma_start3A_130 = tpu.memref_slice %arg15[%add3A_15, %dma_start3A_129] : memref<10000x128xf32, #tpu.memory_space<vmem_shared>> -> memref<48x128xf32, #tpu.memory_space<vmem_shared>>
      %dma_start3A_131 = arith.constant 0 : i32
      %dma_start3A_132 = tpu.memref_slice %arg15[%add3A_15, %dma_start3A_131] : memref<10000x128xf32, #tpu.memory_space<vmem_shared>> -> memref<48x128xf32, #tpu.memory_space<vmem_shared>>
      %dma_start3A_133 = arith.constant 0 : i32
      %dma_start3A_134 = arith.constant 0 : i32
      %dma_start3A_135 = tpu.memref_slice %arg8[%dma_start3A_133, %dma_start3A_134] : memref<64x128xf32, #tpu.memory_space<vmem>> -> memref<48x128xf32, #tpu.memory_space<vmem>>
      tpu.enqueue_dma source(%dma_start3A_135 : memref<48x128xf32, #tpu.memory_space<vmem>>) target(%dma_start3A_132 : memref<48x128xf32, #tpu.memory_space<vmem_shared>>) target_semaphore(%run_scoped3A : memref<!tpu.dma_semaphore, #tpu.memory_space<semaphore_mem>>)
      %dma_wait3A = arith.constant 0 : i32
      %dma_wait3A_136 = arith.constant 0 : i32
      %dma_wait3A_137 = tpu.memref_slice %arg8[%dma_wait3A, %dma_wait3A_136] : memref<64x128xf32, #tpu.memory_space<vmem>> -> memref<48x128xf32, #tpu.memory_space<vmem>>
      %dma_wait3A_138 = arith.constant 0 : i32
      %dma_wait3A_139 = tpu.memref_slice %arg15[%add3A_15, %dma_wait3A_138] : memref<10000x128xf32, #tpu.memory_space<vmem_shared>> -> memref<48x128xf32, #tpu.memory_space<vmem_shared>>
      %dma_wait3A_140 = arith.constant 0 : i32
      %dma_wait3A_141 = tpu.memref_slice %arg15[%add3A_15, %dma_wait3A_140] : memref<10000x128xf32, #tpu.memory_space<vmem_shared>> -> memref<48x128xf32, #tpu.memory_space<vmem_shared>>
      %dma_wait3A_142 = arith.constant 0 : i32
      %dma_wait3A_143 = arith.constant 0 : i32
      %dma_wait3A_144 = tpu.memref_slice %arg8[%dma_wait3A_142, %dma_wait3A_143] : memref<64x128xf32, #tpu.memory_space<vmem>> -> memref<48x128xf32, #tpu.memory_space<vmem>>
      tpu.wait_dma2 semaphore(%run_scoped3A : memref<!tpu.dma_semaphore, #tpu.memory_space<semaphore_mem>>) src(%dma_wait3A_144 : memref<48x128xf32, #tpu.memory_space<vmem>>) dst(%dma_wait3A_141 : memref<48x128xf32, #tpu.memory_space<vmem_shared>>)
      tpu.yield
    }) : () -> ()
    %eq3A = arith.constant 15 : i32
    %eq3A_16 = arith.cmpi eq, %arg1, %eq3A : i32
    %convert_element_type3A = arith.extui %eq3A_16 : i1 to i32
    %cond3A = arith.constant 0 : i32
    %cond3A_17 = arith.cmpi ne, %convert_element_type3A, %cond3A : i32
    scf.if %cond3A_17 {
      "tpu.region"() ({
        %run_scoped3A = tpu.sem_alloc : memref<!tpu.dma_semaphore, #tpu.memory_space<semaphore_mem>>
        %dma_start3A_126 = arith.constant 0 : i32
        %dma_start3A_127 = arith.constant 0 : i32
        %dma_start3A_128 = tpu.memref_slice %arg8[%dma_start3A_126, %dma_start3A_127] : memref<64x128xf32, #tpu.memory_space<vmem>> -> memref<16x128xf32, #tpu.memory_space<vmem>>
        %dma_start3A_129 = arith.constant 9984 : i32
        %dma_start3A_130 = arith.constant 0 : i32
        %dma_start3A_131 = tpu.memref_slice %arg15[%dma_start3A_129, %dma_start3A_130] : memref<10000x128xf32, #tpu.memory_space<vmem_shared>> -> memref<16x128xf32, #tpu.memory_space<vmem_shared>>
        %dma_start3A_132 = arith.constant 9984 : i32
        %dma_start3A_133 = arith.constant 0 : i32
        %dma_start3A_134 = tpu.memref_slice %arg15[%dma_start3A_132, %dma_start3A_133] : memref<10000x128xf32, #tpu.memory_space<vmem_shared>> -> memref<16x128xf32, #tpu.memory_space<vmem_shared>>
        %dma_start3A_135 = arith.constant 0 : i32
        %dma_start3A_136 = arith.constant 0 : i32
        %dma_start3A_137 = tpu.memref_slice %arg8[%dma_start3A_135, %dma_start3A_136] : memref<64x128xf32, #tpu.memory_space<vmem>> -> memref<16x128xf32, #tpu.memory_space<vmem>>
        tpu.enqueue_dma source(%dma_start3A_137 : memref<16x128xf32, #tpu.memory_space<vmem>>) target(%dma_start3A_134 : memref<16x128xf32, #tpu.memory_space<vmem_shared>>) target_semaphore(%run_scoped3A : memref<!tpu.dma_semaphore, #tpu.memory_space<semaphore_mem>>)
        %dma_wait3A = arith.constant 0 : i32
        %dma_wait3A_138 = arith.constant 0 : i32
        %dma_wait3A_139 = tpu.memref_slice %arg8[%dma_wait3A, %dma_wait3A_138] : memref<64x128xf32, #tpu.memory_space<vmem>> -> memref<16x128xf32, #tpu.memory_space<vmem>>
        %dma_wait3A_140 = arith.constant 9984 : i32
        %dma_wait3A_141 = arith.constant 0 : i32
        %dma_wait3A_142 = tpu.memref_slice %arg15[%dma_wait3A_140, %dma_wait3A_141] : memref<10000x128xf32, #tpu.memory_space<vmem_shared>> -> memref<16x128xf32, #tpu.memory_space<vmem_shared>>
        %dma_wait3A_143 = arith.constant 9984 : i32
        %dma_wait3A_144 = arith.constant 0 : i32
        %dma_wait3A_145 = tpu.memref_slice %arg15[%dma_wait3A_143, %dma_wait3A_144] : memref<10000x128xf32, #tpu.memory_space<vmem_shared>> -> memref<16x128xf32, #tpu.memory_space<vmem_shared>>
        %dma_wait3A_146 = arith.constant 0 : i32
        %dma_wait3A_147 = arith.constant 0 : i32
        %dma_wait3A_148 = tpu.memref_slice %arg8[%dma_wait3A_146, %dma_wait3A_147] : memref<64x128xf32, #tpu.memory_space<vmem>> -> memref<16x128xf32, #tpu.memory_space<vmem>>
        tpu.wait_dma2 semaphore(%run_scoped3A : memref<!tpu.dma_semaphore, #tpu.memory_space<semaphore_mem>>) src(%dma_wait3A_148 : memref<16x128xf32, #tpu.memory_space<vmem>>) dst(%dma_wait3A_145 : memref<16x128xf32, #tpu.memory_space<vmem_shared>>)
        tpu.yield
      }) : () -> ()
    } else {
    }
    %barrier3A = arith.constant 0 : index
    tpu.barrier barrier_id(%barrier3A)
    %mul3A_18 = arith.constant 16 : i32
    %mul3A_19 = arith.muli %arg0, %mul3A_18 : i32
    %add3A_20 = arith.addi %mul3A_19, %arg1 : i32
    %mul3A_21 = arith.constant 156 : i32
    %mul3A_22 = arith.muli %add3A_20, %mul3A_21 : i32
    %min3A = arith.constant 8 : i32
    %min3A_23 = arith.minsi %add3A_20, %min3A : i32
    %add3A_24 = arith.addi %mul3A_22, %min3A_23 : i32
    %lt3A = arith.constant 8 : i32
    %lt3A_25 = arith.cmpi slt, %add3A_20, %lt3A : i32
    %convert_element_type3A_26 = arith.extui %lt3A_25 : i1 to i32
    %add3A_27 = arith.constant 156 : i32
    %add3A_28 = arith.addi %add3A_27, %convert_element_type3A_26 : i32
    %add3A_29 = arith.constant 0 : i32
    %add3A_30 = arith.addi %add3A_24, %add3A_29 : i32
    "tpu.region"() ({
      %run_scoped3A = tpu.sem_alloc : memref<!tpu.dma_semaphore, #tpu.memory_space<semaphore_mem>>
      %dma_start3A_126 = arith.constant 0 : i32
      %dma_start3A_127 = arith.constant 0 : i32
      %dma_start3A_128 = tpu.memref_slice %arg2[%add3A_30, %dma_start3A_126, %dma_start3A_127] : memref<5000x2x64xi32, #tpu.memory_space<hbm>> -> memref<1x2x64xi32, #tpu.memory_space<hbm>>
      %dma_start3A_129 = tpu.memref_squeeze %dma_start3A_128 : memref<1x2x64xi32, #tpu.memory_space<hbm>> -> memref<2x64xi32, #tpu.memory_space<hbm>>
      %dma_start3A_130 = arith.constant 0 : i32
      %dma_start3A_131 = arith.constant 0 : i32
      %dma_start3A_132 = tpu.memref_slice %arg2[%add3A_30, %dma_start3A_130, %dma_start3A_131] : memref<5000x2x64xi32, #tpu.memory_space<hbm>> -> memref<1x2x64xi32, #tpu.memory_space<hbm>>
      %dma_start3A_133 = tpu.memref_squeeze %dma_start3A_132 : memref<1x2x64xi32, #tpu.memory_space<hbm>> -> memref<2x64xi32, #tpu.memory_space<hbm>>
      tpu.enqueue_dma source(%dma_start3A_133 : memref<2x64xi32, #tpu.memory_space<hbm>>) target(%arg7 : memref<2x64xi32, #tpu.memory_space<vmem>>) target_semaphore(%run_scoped3A : memref<!tpu.dma_semaphore, #tpu.memory_space<semaphore_mem>>)
      %dma_wait3A = arith.constant 0 : i32
      %dma_wait3A_134 = arith.constant 0 : i32
      %dma_wait3A_135 = tpu.memref_slice %arg2[%add3A_30, %dma_wait3A, %dma_wait3A_134] : memref<5000x2x64xi32, #tpu.memory_space<hbm>> -> memref<1x2x64xi32, #tpu.memory_space<hbm>>
      %dma_wait3A_136 = tpu.memref_squeeze %dma_wait3A_135 : memref<1x2x64xi32, #tpu.memory_space<hbm>> -> memref<2x64xi32, #tpu.memory_space<hbm>>
      %dma_wait3A_137 = arith.constant 0 : i32
      %dma_wait3A_138 = arith.constant 0 : i32
      %dma_wait3A_139 = tpu.memref_slice %arg2[%add3A_30, %dma_wait3A_137, %dma_wait3A_138] : memref<5000x2x64xi32, #tpu.memory_space<hbm>> -> memref<1x2x64xi32, #tpu.memory_space<hbm>>
      %dma_wait3A_140 = tpu.memref_squeeze %dma_wait3A_139 : memref<1x2x64xi32, #tpu.memory_space<hbm>> -> memref<2x64xi32, #tpu.memory_space<hbm>>
      tpu.wait_dma2 semaphore(%run_scoped3A : memref<!tpu.dma_semaphore, #tpu.memory_space<semaphore_mem>>) src(%dma_wait3A_140 : memref<2x64xi32, #tpu.memory_space<hbm>>) dst(%arg7 : memref<2x64xi32, #tpu.memory_space<vmem>>)
      tpu.yield
    }) : () -> ()
    %dma_start3A = arith.constant 0 : i32
    %dma_start3A_31 = arith.constant 0 : i32
    %dma_start3A_32 = tpu.memref_slice %arg7[%dma_start3A, %dma_start3A_31] : memref<2x64xi32, #tpu.memory_space<vmem>> -> memref<1x64xi32, #tpu.memory_space<vmem>>
    %dma_start3A_33 = tpu.memref_squeeze %dma_start3A_32 : memref<1x64xi32, #tpu.memory_space<vmem>> -> memref<64xi32, #tpu.memory_space<vmem>>
    %dma_start3A_34 = arith.constant 0 : i32
    %dma_start3A_35 = arith.constant 0 : i32
    %dma_start3A_36 = tpu.memref_slice %arg3[%dma_start3A_34, %dma_start3A_35] : memref<10000x128xf32, #tpu.memory_space<hbm>> -> memref<10000x128xf32, #tpu.memory_space<hbm>>
    tpu.enqueue_indirect_dma source(%dma_start3A_36 : memref<10000x128xf32, #tpu.memory_space<hbm>>) target(%arg8 : memref<64x128xf32, #tpu.memory_space<vmem>>) offsets(%dma_start3A_33 : memref<64xi32, #tpu.memory_space<vmem>>) semaphore(%arg16 : memref<!tpu.dma_semaphore, #tpu.memory_space<semaphore_mem>>)
    %dma_start3A_37 = arith.constant 1 : i32
    %dma_start3A_38 = arith.constant 0 : i32
    %dma_start3A_39 = tpu.memref_slice %arg7[%dma_start3A_37, %dma_start3A_38] : memref<2x64xi32, #tpu.memory_space<vmem>> -> memref<1x64xi32, #tpu.memory_space<vmem>>
    %dma_start3A_40 = tpu.memref_squeeze %dma_start3A_39 : memref<1x64xi32, #tpu.memory_space<vmem>> -> memref<64xi32, #tpu.memory_space<vmem>>
    %dma_start3A_41 = arith.constant 0 : i32
    %dma_start3A_42 = arith.constant 0 : i32
    %dma_start3A_43 = tpu.memref_slice %arg4[%dma_start3A_41, %dma_start3A_42] : memref<10000x128xf32, #tpu.memory_space<hbm>> -> memref<10000x128xf32, #tpu.memory_space<hbm>>
    tpu.enqueue_indirect_dma source(%dma_start3A_43 : memref<10000x128xf32, #tpu.memory_space<hbm>>) target(%arg9 : memref<64x128xf32, #tpu.memory_space<vmem>>) offsets(%dma_start3A_40 : memref<64xi32, #tpu.memory_space<vmem>>) semaphore(%arg17 : memref<!tpu.dma_semaphore, #tpu.memory_space<semaphore_mem>>)
    %mul3A_44 = arith.constant 64 : i32
    %mul3A_45 = arith.muli %add3A_30, %mul3A_44 : i32
    %dma_start3A_46 = arith.constant 0 : i32
    %dma_start3A_47 = tpu.memref_slice %arg5[%mul3A_45, %dma_start3A_46] : memref<320000x128xf32, #tpu.memory_space<hbm>> -> memref<64x128xf32, #tpu.memory_space<hbm>>
    %dma_start3A_48 = arith.constant 0 : i32
    %dma_start3A_49 = tpu.memref_slice %arg5[%mul3A_45, %dma_start3A_48] : memref<320000x128xf32, #tpu.memory_space<hbm>> -> memref<64x128xf32, #tpu.memory_space<hbm>>
    tpu.enqueue_dma source(%dma_start3A_49 : memref<64x128xf32, #tpu.memory_space<hbm>>) target(%arg10 : memref<64x128xf32, #tpu.memory_space<vmem>>) target_semaphore(%arg18 : memref<!tpu.dma_semaphore, #tpu.memory_space<semaphore_mem>>)
    %add3A_50 = arith.constant 1 : i32
    %add3A_51 = arith.addi %add3A_24, %add3A_50 : i32
    "tpu.region"() ({
      %run_scoped3A = tpu.sem_alloc : memref<!tpu.dma_semaphore, #tpu.memory_space<semaphore_mem>>
      %dma_start3A_126 = arith.constant 0 : i32
      %dma_start3A_127 = arith.constant 0 : i32
      %dma_start3A_128 = tpu.memref_slice %arg2[%add3A_51, %dma_start3A_126, %dma_start3A_127] : memref<5000x2x64xi32, #tpu.memory_space<hbm>> -> memref<1x2x64xi32, #tpu.memory_space<hbm>>
      %dma_start3A_129 = tpu.memref_squeeze %dma_start3A_128 : memref<1x2x64xi32, #tpu.memory_space<hbm>> -> memref<2x64xi32, #tpu.memory_space<hbm>>
      %dma_start3A_130 = arith.constant 0 : i32
      %dma_start3A_131 = arith.constant 0 : i32
      %dma_start3A_132 = tpu.memref_slice %arg2[%add3A_51, %dma_start3A_130, %dma_start3A_131] : memref<5000x2x64xi32, #tpu.memory_space<hbm>> -> memref<1x2x64xi32, #tpu.memory_space<hbm>>
      %dma_start3A_133 = tpu.memref_squeeze %dma_start3A_132 : memref<1x2x64xi32, #tpu.memory_space<hbm>> -> memref<2x64xi32, #tpu.memory_space<hbm>>
      tpu.enqueue_dma source(%dma_start3A_133 : memref<2x64xi32, #tpu.memory_space<hbm>>) target(%arg11 : memref<2x64xi32, #tpu.memory_space<vmem>>) target_semaphore(%run_scoped3A : memref<!tpu.dma_semaphore, #tpu.memory_space<semaphore_mem>>)
      %dma_wait3A = arith.constant 0 : i32
      %dma_wait3A_134 = arith.constant 0 : i32
      %dma_wait3A_135 = tpu.memref_slice %arg2[%add3A_51, %dma_wait3A, %dma_wait3A_134] : memref<5000x2x64xi32, #tpu.memory_space<hbm>> -> memref<1x2x64xi32, #tpu.memory_space<hbm>>
      %dma_wait3A_136 = tpu.memref_squeeze %dma_wait3A_135 : memref<1x2x64xi32, #tpu.memory_space<hbm>> -> memref<2x64xi32, #tpu.memory_space<hbm>>
      %dma_wait3A_137 = arith.constant 0 : i32
      %dma_wait3A_138 = arith.constant 0 : i32
      %dma_wait3A_139 = tpu.memref_slice %arg2[%add3A_51, %dma_wait3A_137, %dma_wait3A_138] : memref<5000x2x64xi32, #tpu.memory_space<hbm>> -> memref<1x2x64xi32, #tpu.memory_space<hbm>>
      %dma_wait3A_140 = tpu.memref_squeeze %dma_wait3A_139 : memref<1x2x64xi32, #tpu.memory_space<hbm>> -> memref<2x64xi32, #tpu.memory_space<hbm>>
      tpu.wait_dma2 semaphore(%run_scoped3A : memref<!tpu.dma_semaphore, #tpu.memory_space<semaphore_mem>>) src(%dma_wait3A_140 : memref<2x64xi32, #tpu.memory_space<hbm>>) dst(%arg11 : memref<2x64xi32, #tpu.memory_space<vmem>>)
      tpu.yield
    }) : () -> ()
    %dma_start3A_52 = arith.constant 0 : i32
    %dma_start3A_53 = arith.constant 0 : i32
    %dma_start3A_54 = tpu.memref_slice %arg11[%dma_start3A_52, %dma_start3A_53] : memref<2x64xi32, #tpu.memory_space<vmem>> -> memref<1x64xi32, #tpu.memory_space<vmem>>
    %dma_start3A_55 = tpu.memref_squeeze %dma_start3A_54 : memref<1x64xi32, #tpu.memory_space<vmem>> -> memref<64xi32, #tpu.memory_space<vmem>>
    %dma_start3A_56 = arith.constant 0 : i32
    %dma_start3A_57 = arith.constant 0 : i32
    %dma_start3A_58 = tpu.memref_slice %arg3[%dma_start3A_56, %dma_start3A_57] : memref<10000x128xf32, #tpu.memory_space<hbm>> -> memref<10000x128xf32, #tpu.memory_space<hbm>>
    tpu.enqueue_indirect_dma source(%dma_start3A_58 : memref<10000x128xf32, #tpu.memory_space<hbm>>) target(%arg12 : memref<64x128xf32, #tpu.memory_space<vmem>>) offsets(%dma_start3A_55 : memref<64xi32, #tpu.memory_space<vmem>>) semaphore(%arg19 : memref<!tpu.dma_semaphore, #tpu.memory_space<semaphore_mem>>)
    %dma_start3A_59 = arith.constant 1 : i32
    %dma_start3A_60 = arith.constant 0 : i32
    %dma_start3A_61 = tpu.memref_slice %arg11[%dma_start3A_59, %dma_start3A_60] : memref<2x64xi32, #tpu.memory_space<vmem>> -> memref<1x64xi32, #tpu.memory_space<vmem>>
    %dma_start3A_62 = tpu.memref_squeeze %dma_start3A_61 : memref<1x64xi32, #tpu.memory_space<vmem>> -> memref<64xi32, #tpu.memory_space<vmem>>
    %dma_start3A_63 = arith.constant 0 : i32
    %dma_start3A_64 = arith.constant 0 : i32
    %dma_start3A_65 = tpu.memref_slice %arg4[%dma_start3A_63, %dma_start3A_64] : memref<10000x128xf32, #tpu.memory_space<hbm>> -> memref<10000x128xf32, #tpu.memory_space<hbm>>
    tpu.enqueue_indirect_dma source(%dma_start3A_65 : memref<10000x128xf32, #tpu.memory_space<hbm>>) target(%arg13 : memref<64x128xf32, #tpu.memory_space<vmem>>) offsets(%dma_start3A_62 : memref<64xi32, #tpu.memory_space<vmem>>) semaphore(%arg20 : memref<!tpu.dma_semaphore, #tpu.memory_space<semaphore_mem>>)
    %mul3A_66 = arith.constant 64 : i32
    %mul3A_67 = arith.muli %add3A_51, %mul3A_66 : i32
    %dma_start3A_68 = arith.constant 0 : i32
    %dma_start3A_69 = tpu.memref_slice %arg5[%mul3A_67, %dma_start3A_68] : memref<320000x128xf32, #tpu.memory_space<hbm>> -> memref<64x128xf32, #tpu.memory_space<hbm>>
    %dma_start3A_70 = arith.constant 0 : i32
    %dma_start3A_71 = tpu.memref_slice %arg5[%mul3A_67, %dma_start3A_70] : memref<320000x128xf32, #tpu.memory_space<hbm>> -> memref<64x128xf32, #tpu.memory_space<hbm>>
    tpu.enqueue_dma source(%dma_start3A_71 : memref<64x128xf32, #tpu.memory_space<hbm>>) target(%arg14 : memref<64x128xf32, #tpu.memory_space<vmem>>) target_semaphore(%arg21 : memref<!tpu.dma_semaphore, #tpu.memory_space<semaphore_mem>>)
    %jit3A = arith.constant 2 : i32
    %div3A = arith.divsi %add3A_28, %jit3A : i32
    %sign3A = arith.constant 0 : i32
    %sign3A_72 = arith.cmpi sgt, %add3A_28, %sign3A : i32
    %sign3A_73 = arith.extui %sign3A_72 : i1 to i32
    %sign3A_74 = arith.constant 0 : i32
    %sign3A_75 = arith.cmpi slt, %add3A_28, %sign3A_74 : i32
    %sign3A_76 = arith.extui %sign3A_75 : i1 to i32
    %sign3A_77 = arith.subi %sign3A_73, %sign3A_76 : i32
    %sign3A_78 = arith.constant 0 : i32
    %sign3A_79 = arith.cmpi sgt, %jit3A, %sign3A_78 : i32
    %sign3A_80 = arith.extui %sign3A_79 : i1 to i32
    %sign3A_81 = arith.constant 0 : i32
    %sign3A_82 = arith.cmpi slt, %jit3A, %sign3A_81 : i32
    %sign3A_83 = arith.extui %sign3A_82 : i1 to i32
    %sign3A_84 = arith.subi %sign3A_80, %sign3A_83 : i32
    %ne3A = arith.cmpi ne, %sign3A_77, %sign3A_84 : i32
    %rem3A = arith.remsi %add3A_28, %jit3A : i32
    %ne3A_85 = arith.constant 0 : i32
    %ne3A_86 = arith.cmpi ne, %rem3A, %ne3A_85 : i32
    %and3A = arith.andi %ne3A, %ne3A_86 : i1
    %sub3A = arith.constant 1 : i32
    %sub3A_87 = arith.subi %div3A, %sub3A : i32
    %select_n3A = arith.select %and3A, %sub3A_87, %div3A : i32
    %while3A = arith.constant 0 : i32
    %while3A_88 = arith.constant 0 : i32
    %while3A_89 = arith.subi %select_n3A, %while3A : i32
    %while3A_90 = arith.addi %while3A, %while3A_89 : i32
    %while3A_91 = arith.constant 1 : i32
    %while3A_92 = arith.divsi %while3A_89, %while3A_91 : i32
    %while3A_93 = arith.muli %while3A_92, %while3A_91 : i32
    %while3A_94 = arith.addi %while3A, %while3A_93 : i32
    %while3A_95 = arith.constant 1 : i32
    %while3A_96 = scf.for %while3A_126 = %while3A to %while3A_94 step %while3A_95 iter_args(%while3A_127 = %while3A_88) -> (i32)  : i32 {
      %mul3A_128 = arith.constant 2 : i32
      %mul3A_129 = arith.muli %mul3A_128, %while3A_126 : i32
      %dma_wait3A = arith.constant 0 : i32
      %dma_wait3A_130 = arith.constant 0 : i32
      %dma_wait3A_131 = tpu.memref_slice %arg7[%dma_wait3A, %dma_wait3A_130] : memref<2x64xi32, #tpu.memory_space<vmem>> -> memref<1x64xi32, #tpu.memory_space<vmem>>
      %dma_wait3A_132 = tpu.memref_squeeze %dma_wait3A_131 : memref<1x64xi32, #tpu.memory_space<vmem>> -> memref<64xi32, #tpu.memory_space<vmem>>
      %dma_wait3A_133 = arith.constant 0 : i32
      %dma_wait3A_134 = arith.constant 0 : i32
      %dma_wait3A_135 = tpu.memref_slice %arg3[%dma_wait3A_133, %dma_wait3A_134] : memref<10000x128xf32, #tpu.memory_space<hbm>> -> memref<10000x128xf32, #tpu.memory_space<hbm>>
      tpu.wait_indirect_dma semaphore(%arg16 : memref<!tpu.dma_semaphore, #tpu.memory_space<semaphore_mem>>) src(%dma_wait3A_135 : memref<10000x128xf32, #tpu.memory_space<hbm>>) dst(%arg8 : memref<64x128xf32, #tpu.memory_space<vmem>>)
      %dma_wait3A_136 = arith.constant 1 : i32
      %dma_wait3A_137 = arith.constant 0 : i32
      %dma_wait3A_138 = tpu.memref_slice %arg7[%dma_wait3A_136, %dma_wait3A_137] : memref<2x64xi32, #tpu.memory_space<vmem>> -> memref<1x64xi32, #tpu.memory_space<vmem>>
      %dma_wait3A_139 = tpu.memref_squeeze %dma_wait3A_138 : memref<1x64xi32, #tpu.memory_space<vmem>> -> memref<64xi32, #tpu.memory_space<vmem>>
      %dma_wait3A_140 = arith.constant 0 : i32
      %dma_wait3A_141 = arith.constant 0 : i32
      %dma_wait3A_142 = tpu.memref_slice %arg4[%dma_wait3A_140, %dma_wait3A_141] : memref<10000x128xf32, #tpu.memory_space<hbm>> -> memref<10000x128xf32, #tpu.memory_space<hbm>>
      tpu.wait_indirect_dma semaphore(%arg17 : memref<!tpu.dma_semaphore, #tpu.memory_space<semaphore_mem>>) src(%dma_wait3A_142 : memref<10000x128xf32, #tpu.memory_space<hbm>>) dst(%arg9 : memref<64x128xf32, #tpu.memory_space<vmem>>)
      %dma_wait3A_143 = arith.constant 0 : i32
      %dma_wait3A_144 = arith.constant 0 : i32
      %dma_wait3A_145 = tpu.memref_slice %arg5[%dma_wait3A_143, %dma_wait3A_144] : memref<320000x128xf32, #tpu.memory_space<hbm>> -> memref<64x128xf32, #tpu.memory_space<hbm>>
      %dma_wait3A_146 = arith.constant 0 : i32
      %dma_wait3A_147 = arith.constant 0 : i32
      %dma_wait3A_148 = tpu.memref_slice %arg5[%dma_wait3A_146, %dma_wait3A_147] : memref<320000x128xf32, #tpu.memory_space<hbm>> -> memref<64x128xf32, #tpu.memory_space<hbm>>
      tpu.wait_dma2 semaphore(%arg18 : memref<!tpu.dma_semaphore, #tpu.memory_space<semaphore_mem>>) src(%dma_wait3A_148 : memref<64x128xf32, #tpu.memory_space<hbm>>) dst(%arg10 : memref<64x128xf32, #tpu.memory_space<vmem>>)
      %parallel_loop3A = arith.constant 0 : i32
      %parallel_loop3A_149 = arith.constant 64 : i32
      %parallel_loop3A_150 = arith.constant 1 : i32
      scf.for %parallel_loop3A_192 = %parallel_loop3A to %parallel_loop3A_149 step %parallel_loop3A_150  : i32 {
        %parallel_loop3A_193 = arith.index_cast %parallel_loop3A_192 : i32 to index
        %parallel_loop3A_194 = arith.constant 0 : index
        %parallel_loop3A_195 = tpu.vector_load %arg8[%parallel_loop3A_193, %parallel_loop3A_194] {strides = array<i32>} : memref<64x128xf32, #tpu.memory_space<vmem>>, vector<1x16xf32>,
        %parallel_loop3A_196 = vector.shape_cast %parallel_loop3A_195 : vector<1x16xf32> to vector<16xf32>
        %parallel_loop3A_197 = arith.index_cast %parallel_loop3A_192 : i32 to index
        %parallel_loop3A_198 = arith.constant 0 : index
        %parallel_loop3A_199 = tpu.vector_load %arg9[%parallel_loop3A_197, %parallel_loop3A_198] {strides = array<i32>} : memref<64x128xf32, #tpu.memory_space<vmem>>, vector<1x16xf32>,
        %parallel_loop3A_200 = vector.shape_cast %parallel_loop3A_199 : vector<1x16xf32> to vector<16xf32>
        %parallel_loop3A_201 = arith.addf %parallel_loop3A_196, %parallel_loop3A_200 : vector<16xf32>
        %parallel_loop3A_202 = arith.index_cast %parallel_loop3A_192 : i32 to index
        %parallel_loop3A_203 = arith.constant 0 : index
        %parallel_loop3A_204 = tpu.vector_load %arg10[%parallel_loop3A_202, %parallel_loop3A_203] {strides = array<i32>} : memref<64x128xf32, #tpu.memory_space<vmem>>, vector<1x16xf32>,
        %parallel_loop3A_205 = vector.shape_cast %parallel_loop3A_204 : vector<1x16xf32> to vector<16xf32>
        %parallel_loop3A_206 = arith.addf %parallel_loop3A_201, %parallel_loop3A_205 : vector<16xf32>
        %parallel_loop3A_207 = arith.constant 0.000000e+00 : f32
        %parallel_loop3A_208 = vector.broadcast %parallel_loop3A_207 : f32 to vector<16xf32>
        %parallel_loop3A_209 = arith.maximumf %parallel_loop3A_206, %parallel_loop3A_208 : vector<16xf32>
        %parallel_loop3A_210 = arith.index_cast %parallel_loop3A_192 : i32 to index
        %parallel_loop3A_211 = arith.constant 0 : index
        %parallel_loop3A_212 = tpu.vector_load %arg8[%parallel_loop3A_210, %parallel_loop3A_211] {strides = array<i32>} : memref<64x128xf32, #tpu.memory_space<vmem>>, vector<1x16xf32>,
        %parallel_loop3A_213 = vector.shape_cast %parallel_loop3A_212 : vector<1x16xf32> to vector<16xf32>
        %parallel_loop3A_214 = vector.shape_cast %parallel_loop3A_209 : vector<16xf32> to vector<1x16xf32>
        tpu.vector_store %arg8[%parallel_loop3A_210, %parallel_loop3A_211], %parallel_loop3A_214 {strides = array<i32>} : memref<64x128xf32, #tpu.memory_space<vmem>>, vector<1x16xf32>,
        %parallel_loop3A_215 = arith.index_cast %parallel_loop3A_192 : i32 to index
        %parallel_loop3A_216 = arith.constant 16 : index
        %parallel_loop3A_217 = tpu.vector_load %arg8[%parallel_loop3A_215, %parallel_loop3A_216] {strides = array<i32>} : memref<64x128xf32, #tpu.memory_space<vmem>>, vector<1x16xf32>,
        %parallel_loop3A_218 = vector.shape_cast %parallel_loop3A_217 : vector<1x16xf32> to vector<16xf32>
        %parallel_loop3A_219 = arith.index_cast %parallel_loop3A_192 : i32 to index
        %parallel_loop3A_220 = arith.constant 16 : index
        %parallel_loop3A_221 = tpu.vector_load %arg9[%parallel_loop3A_219, %parallel_loop3A_220] {strides = array<i32>} : memref<64x128xf32, #tpu.memory_space<vmem>>, vector<1x16xf32>,
        %parallel_loop3A_222 = vector.shape_cast %parallel_loop3A_221 : vector<1x16xf32> to vector<16xf32>
        %parallel_loop3A_223 = arith.addf %parallel_loop3A_218, %parallel_loop3A_222 : vector<16xf32>
        %parallel_loop3A_224 = arith.index_cast %parallel_loop3A_192 : i32 to index
        %parallel_loop3A_225 = arith.constant 16 : index
        %parallel_loop3A_226 = tpu.vector_load %arg10[%parallel_loop3A_224, %parallel_loop3A_225] {strides = array<i32>} : memref<64x128xf32, #tpu.memory_space<vmem>>, vector<1x16xf32>,
        %parallel_loop3A_227 = vector.shape_cast %parallel_loop3A_226 : vector<1x16xf32> to vector<16xf32>
        %parallel_loop3A_228 = arith.addf %parallel_loop3A_223, %parallel_loop3A_227 : vector<16xf32>
        %parallel_loop3A_229 = arith.constant 0.000000e+00 : f32
        %parallel_loop3A_230 = vector.broadcast %parallel_loop3A_229 : f32 to vector<16xf32>
        %parallel_loop3A_231 = arith.maximumf %parallel_loop3A_228, %parallel_loop3A_230 : vector<16xf32>
        %parallel_loop3A_232 = arith.index_cast %parallel_loop3A_192 : i32 to index
        %parallel_loop3A_233 = arith.constant 16 : index
        %parallel_loop3A_234 = tpu.vector_load %arg8[%parallel_loop3A_232, %parallel_loop3A_233] {strides = array<i32>} : memref<64x128xf32, #tpu.memory_space<vmem>>, vector<1x16xf32>,
        %parallel_loop3A_235 = vector.shape_cast %parallel_loop3A_234 : vector<1x16xf32> to vector<16xf32>
        %parallel_loop3A_236 = vector.shape_cast %parallel_loop3A_231 : vector<16xf32> to vector<1x16xf32>
        tpu.vector_store %arg8[%parallel_loop3A_232, %parallel_loop3A_233], %parallel_loop3A_236 {strides = array<i32>} : memref<64x128xf32, #tpu.memory_space<vmem>>, vector<1x16xf32>,
        %parallel_loop3A_237 = arith.index_cast %parallel_loop3A_192 : i32 to index
        %parallel_loop3A_238 = arith.constant 32 : index
        %parallel_loop3A_239 = tpu.vector_load %arg8[%parallel_loop3A_237, %parallel_loop3A_238] {strides = array<i32>} : memref<64x128xf32, #tpu.memory_space<vmem>>, vector<1x16xf32>,
        %parallel_loop3A_240 = vector.shape_cast %parallel_loop3A_239 : vector<1x16xf32> to vector<16xf32>
        %parallel_loop3A_241 = arith.index_cast %parallel_loop3A_192 : i32 to index
        %parallel_loop3A_242 = arith.constant 32 : index
        %parallel_loop3A_243 = tpu.vector_load %arg9[%parallel_loop3A_241, %parallel_loop3A_242] {strides = array<i32>} : memref<64x128xf32, #tpu.memory_space<vmem>>, vector<1x16xf32>,
        %parallel_loop3A_244 = vector.shape_cast %parallel_loop3A_243 : vector<1x16xf32> to vector<16xf32>
        %parallel_loop3A_245 = arith.addf %parallel_loop3A_240, %parallel_loop3A_244 : vector<16xf32>
        %parallel_loop3A_246 = arith.index_cast %parallel_loop3A_192 : i32 to index
        %parallel_loop3A_247 = arith.constant 32 : index
        %parallel_loop3A_248 = tpu.vector_load %arg10[%parallel_loop3A_246, %parallel_loop3A_247] {strides = array<i32>} : memref<64x128xf32, #tpu.memory_space<vmem>>, vector<1x16xf32>,
        %parallel_loop3A_249 = vector.shape_cast %parallel_loop3A_248 : vector<1x16xf32> to vector<16xf32>
        %parallel_loop3A_250 = arith.addf %parallel_loop3A_245, %parallel_loop3A_249 : vector<16xf32>
        %parallel_loop3A_251 = arith.constant 0.000000e+00 : f32
        %parallel_loop3A_252 = vector.broadcast %parallel_loop3A_251 : f32 to vector<16xf32>
        %parallel_loop3A_253 = arith.maximumf %parallel_loop3A_250, %parallel_loop3A_252 : vector<16xf32>
        %parallel_loop3A_254 = arith.index_cast %parallel_loop3A_192 : i32 to index
        %parallel_loop3A_255 = arith.constant 32 : index
        %parallel_loop3A_256 = tpu.vector_load %arg8[%parallel_loop3A_254, %parallel_loop3A_255] {strides = array<i32>} : memref<64x128xf32, #tpu.memory_space<vmem>>, vector<1x16xf32>,
        %parallel_loop3A_257 = vector.shape_cast %parallel_loop3A_256 : vector<1x16xf32> to vector<16xf32>
        %parallel_loop3A_258 = vector.shape_cast %parallel_loop3A_253 : vector<16xf32> to vector<1x16xf32>
        tpu.vector_store %arg8[%parallel_loop3A_254, %parallel_loop3A_255], %parallel_loop3A_258 {strides = array<i32>} : memref<64x128xf32, #tpu.memory_space<vmem>>, vector<1x16xf32>,
        %parallel_loop3A_259 = arith.index_cast %parallel_loop3A_192 : i32 to index
        %parallel_loop3A_260 = arith.constant 48 : index
        %parallel_loop3A_261 = tpu.vector_load %arg8[%parallel_loop3A_259, %parallel_loop3A_260] {strides = array<i32>} : memref<64x128xf32, #tpu.memory_space<vmem>>, vector<1x16xf32>,
        %parallel_loop3A_262 = vector.shape_cast %parallel_loop3A_261 : vector<1x16xf32> to vector<16xf32>
        %parallel_loop3A_263 = arith.index_cast %parallel_loop3A_192 : i32 to index
        %parallel_loop3A_264 = arith.constant 48 : index
        %parallel_loop3A_265 = tpu.vector_load %arg9[%parallel_loop3A_263, %parallel_loop3A_264] {strides = array<i32>} : memref<64x128xf32, #tpu.memory_space<vmem>>, vector<1x16xf32>,
        %parallel_loop3A_266 = vector.shape_cast %parallel_loop3A_265 : vector<1x16xf32> to vector<16xf32>
        %parallel_loop3A_267 = arith.addf %parallel_loop3A_262, %parallel_loop3A_266 : vector<16xf32>
        %parallel_loop3A_268 = arith.index_cast %parallel_loop3A_192 : i32 to index
        %parallel_loop3A_269 = arith.constant 48 : index
        %parallel_loop3A_270 = tpu.vector_load %arg10[%parallel_loop3A_268, %parallel_loop3A_269] {strides = array<i32>} : memref<64x128xf32, #tpu.memory_space<vmem>>, vector<1x16xf32>,
        %parallel_loop3A_271 = vector.shape_cast %parallel_loop3A_270 : vector<1x16xf32> to vector<16xf32>
        %parallel_loop3A_272 = arith.addf %parallel_loop3A_267, %parallel_loop3A_271 : vector<16xf32>
        %parallel_loop3A_273 = arith.constant 0.000000e+00 : f32
        %parallel_loop3A_274 = vector.broadcast %parallel_loop3A_273 : f32 to vector<16xf32>
        %parallel_loop3A_275 = arith.maximumf %parallel_loop3A_272, %parallel_loop3A_274 : vector<16xf32>
        %parallel_loop3A_276 = arith.index_cast %parallel_loop3A_192 : i32 to index
        %parallel_loop3A_277 = arith.constant 48 : index
        %parallel_loop3A_278 = tpu.vector_load %arg8[%parallel_loop3A_276, %parallel_loop3A_277] {strides = array<i32>} : memref<64x128xf32, #tpu.memory_space<vmem>>, vector<1x16xf32>,
        %parallel_loop3A_279 = vector.shape_cast %parallel_loop3A_278 : vector<1x16xf32> to vector<16xf32>
        %parallel_loop3A_280 = vector.shape_cast %parallel_loop3A_275 : vector<16xf32> to vector<1x16xf32>
        tpu.vector_store %arg8[%parallel_loop3A_276, %parallel_loop3A_277], %parallel_loop3A_280 {strides = array<i32>} : memref<64x128xf32, #tpu.memory_space<vmem>>, vector<1x16xf32>,
        %parallel_loop3A_281 = arith.index_cast %parallel_loop3A_192 : i32 to index
        %parallel_loop3A_282 = arith.constant 64 : index
        %parallel_loop3A_283 = tpu.vector_load %arg8[%parallel_loop3A_281, %parallel_loop3A_282] {strides = array<i32>} : memref<64x128xf32, #tpu.memory_space<vmem>>, vector<1x16xf32>,
        %parallel_loop3A_284 = vector.shape_cast %parallel_loop3A_283 : vector<1x16xf32> to vector<16xf32>
        %parallel_loop3A_285 = arith.index_cast %parallel_loop3A_192 : i32 to index
        %parallel_loop3A_286 = arith.constant 64 : index
        %parallel_loop3A_287 = tpu.vector_load %arg9[%parallel_loop3A_285, %parallel_loop3A_286] {strides = array<i32>} : memref<64x128xf32, #tpu.memory_space<vmem>>, vector<1x16xf32>,
        %parallel_loop3A_288 = vector.shape_cast %parallel_loop3A_287 : vector<1x16xf32> to vector<16xf32>
        %parallel_loop3A_289 = arith.addf %parallel_loop3A_284, %parallel_loop3A_288 : vector<16xf32>
        %parallel_loop3A_290 = arith.index_cast %parallel_loop3A_192 : i32 to index
        %parallel_loop3A_291 = arith.constant 64 : index
        %parallel_loop3A_292 = tpu.vector_load %arg10[%parallel_loop3A_290, %parallel_loop3A_291] {strides = array<i32>} : memref<64x128xf32, #tpu.memory_space<vmem>>, vector<1x16xf32>,
        %parallel_loop3A_293 = vector.shape_cast %parallel_loop3A_292 : vector<1x16xf32> to vector<16xf32>
        %parallel_loop3A_294 = arith.addf %parallel_loop3A_289, %parallel_loop3A_293 : vector<16xf32>
        %parallel_loop3A_295 = arith.constant 0.000000e+00 : f32
        %parallel_loop3A_296 = vector.broadcast %parallel_loop3A_295 : f32 to vector<16xf32>
        %parallel_loop3A_297 = arith.maximumf %parallel_loop3A_294, %parallel_loop3A_296 : vector<16xf32>
        %parallel_loop3A_298 = arith.index_cast %parallel_loop3A_192 : i32 to index
        %parallel_loop3A_299 = arith.constant 64 : index
        %parallel_loop3A_300 = tpu.vector_load %arg8[%parallel_loop3A_298, %parallel_loop3A_299] {strides = array<i32>} : memref<64x128xf32, #tpu.memory_space<vmem>>, vector<1x16xf32>,
        %parallel_loop3A_301 = vector.shape_cast %parallel_loop3A_300 : vector<1x16xf32> to vector<16xf32>
        %parallel_loop3A_302 = vector.shape_cast %parallel_loop3A_297 : vector<16xf32> to vector<1x16xf32>
        tpu.vector_store %arg8[%parallel_loop3A_298, %parallel_loop3A_299], %parallel_loop3A_302 {strides = array<i32>} : memref<64x128xf32, #tpu.memory_space<vmem>>, vector<1x16xf32>,
        %parallel_loop3A_303 = arith.index_cast %parallel_loop3A_192 : i32 to index
        %parallel_loop3A_304 = arith.constant 80 : index
        %parallel_loop3A_305 = tpu.vector_load %arg8[%parallel_loop3A_303, %parallel_loop3A_304] {strides = array<i32>} : memref<64x128xf32, #tpu.memory_space<vmem>>, vector<1x16xf32>,
        %parallel_loop3A_306 = vector.shape_cast %parallel_loop3A_305 : vector<1x16xf32> to vector<16xf32>
        %parallel_loop3A_307 = arith.index_cast %parallel_loop3A_192 : i32 to index
        %parallel_loop3A_308 = arith.constant 80 : index
        %parallel_loop3A_309 = tpu.vector_load %arg9[%parallel_loop3A_307, %parallel_loop3A_308] {strides = array<i32>} : memref<64x128xf32, #tpu.memory_space<vmem>>, vector<1x16xf32>,
        %parallel_loop3A_310 = vector.shape_cast %parallel_loop3A_309 : vector<1x16xf32> to vector<16xf32>
        %parallel_loop3A_311 = arith.addf %parallel_loop3A_306, %parallel_loop3A_310 : vector<16xf32>
        %parallel_loop3A_312 = arith.index_cast %parallel_loop3A_192 : i32 to index
        %parallel_loop3A_313 = arith.constant 80 : index
        %parallel_loop3A_314 = tpu.vector_load %arg10[%parallel_loop3A_312, %parallel_loop3A_313] {strides = array<i32>} : memref<64x128xf32, #tpu.memory_space<vmem>>, vector<1x16xf32>,
        %parallel_loop3A_315 = vector.shape_cast %parallel_loop3A_314 : vector<1x16xf32> to vector<16xf32>
        %parallel_loop3A_316 = arith.addf %parallel_loop3A_311, %parallel_loop3A_315 : vector<16xf32>
        %parallel_loop3A_317 = arith.constant 0.000000e+00 : f32
        %parallel_loop3A_318 = vector.broadcast %parallel_loop3A_317 : f32 to vector<16xf32>
        %parallel_loop3A_319 = arith.maximumf %parallel_loop3A_316, %parallel_loop3A_318 : vector<16xf32>
        %parallel_loop3A_320 = arith.index_cast %parallel_loop3A_192 : i32 to index
        %parallel_loop3A_321 = arith.constant 80 : index
        %parallel_loop3A_322 = tpu.vector_load %arg8[%parallel_loop3A_320, %parallel_loop3A_321] {strides = array<i32>} : memref<64x128xf32, #tpu.memory_space<vmem>>, vector<1x16xf32>,
        %parallel_loop3A_323 = vector.shape_cast %parallel_loop3A_322 : vector<1x16xf32> to vector<16xf32>
        %parallel_loop3A_324 = vector.shape_cast %parallel_loop3A_319 : vector<16xf32> to vector<1x16xf32>
        tpu.vector_store %arg8[%parallel_loop3A_320, %parallel_loop3A_321], %parallel_loop3A_324 {strides = array<i32>} : memref<64x128xf32, #tpu.memory_space<vmem>>, vector<1x16xf32>,
        %parallel_loop3A_325 = arith.index_cast %parallel_loop3A_192 : i32 to index
        %parallel_loop3A_326 = arith.constant 96 : index
        %parallel_loop3A_327 = tpu.vector_load %arg8[%parallel_loop3A_325, %parallel_loop3A_326] {strides = array<i32>} : memref<64x128xf32, #tpu.memory_space<vmem>>, vector<1x16xf32>,
        %parallel_loop3A_328 = vector.shape_cast %parallel_loop3A_327 : vector<1x16xf32> to vector<16xf32>
        %parallel_loop3A_329 = arith.index_cast %parallel_loop3A_192 : i32 to index
        %parallel_loop3A_330 = arith.constant 96 : index
        %parallel_loop3A_331 = tpu.vector_load %arg9[%parallel_loop3A_329, %parallel_loop3A_330] {strides = array<i32>} : memref<64x128xf32, #tpu.memory_space<vmem>>, vector<1x16xf32>,
        %parallel_loop3A_332 = vector.shape_cast %parallel_loop3A_331 : vector<1x16xf32> to vector<16xf32>
        %parallel_loop3A_333 = arith.addf %parallel_loop3A_328, %parallel_loop3A_332 : vector<16xf32>
        %parallel_loop3A_334 = arith.index_cast %parallel_loop3A_192 : i32 to index
        %parallel_loop3A_335 = arith.constant 96 : index
        %parallel_loop3A_336 = tpu.vector_load %arg10[%parallel_loop3A_334, %parallel_loop3A_335] {strides = array<i32>} : memref<64x128xf32, #tpu.memory_space<vmem>>, vector<1x16xf32>,
        %parallel_loop3A_337 = vector.shape_cast %parallel_loop3A_336 : vector<1x16xf32> to vector<16xf32>
        %parallel_loop3A_338 = arith.addf %parallel_loop3A_333, %parallel_loop3A_337 : vector<16xf32>
        %parallel_loop3A_339 = arith.constant 0.000000e+00 : f32
        %parallel_loop3A_340 = vector.broadcast %parallel_loop3A_339 : f32 to vector<16xf32>
        %parallel_loop3A_341 = arith.maximumf %parallel_loop3A_338, %parallel_loop3A_340 : vector<16xf32>
        %parallel_loop3A_342 = arith.index_cast %parallel_loop3A_192 : i32 to index
        %parallel_loop3A_343 = arith.constant 96 : index
        %parallel_loop3A_344 = tpu.vector_load %arg8[%parallel_loop3A_342, %parallel_loop3A_343] {strides = array<i32>} : memref<64x128xf32, #tpu.memory_space<vmem>>, vector<1x16xf32>,
        %parallel_loop3A_345 = vector.shape_cast %parallel_loop3A_344 : vector<1x16xf32> to vector<16xf32>
        %parallel_loop3A_346 = vector.shape_cast %parallel_loop3A_341 : vector<16xf32> to vector<1x16xf32>
        tpu.vector_store %arg8[%parallel_loop3A_342, %parallel_loop3A_343], %parallel_loop3A_346 {strides = array<i32>} : memref<64x128xf32, #tpu.memory_space<vmem>>, vector<1x16xf32>,
        %parallel_loop3A_347 = arith.index_cast %parallel_loop3A_192 : i32 to index
        %parallel_loop3A_348 = arith.constant 112 : index
        %parallel_loop3A_349 = tpu.vector_load %arg8[%parallel_loop3A_347, %parallel_loop3A_348] {strides = array<i32>} : memref<64x128xf32, #tpu.memory_space<vmem>>, vector<1x16xf32>,
        %parallel_loop3A_350 = vector.shape_cast %parallel_loop3A_349 : vector<1x16xf32> to vector<16xf32>
        %parallel_loop3A_351 = arith.index_cast %parallel_loop3A_192 : i32 to index
        %parallel_loop3A_352 = arith.constant 112 : index
        %parallel_loop3A_353 = tpu.vector_load %arg9[%parallel_loop3A_351, %parallel_loop3A_352] {strides = array<i32>} : memref<64x128xf32, #tpu.memory_space<vmem>>, vector<1x16xf32>,
        %parallel_loop3A_354 = vector.shape_cast %parallel_loop3A_353 : vector<1x16xf32> to vector<16xf32>
        %parallel_loop3A_355 = arith.addf %parallel_loop3A_350, %parallel_loop3A_354 : vector<16xf32>
        %parallel_loop3A_356 = arith.index_cast %parallel_loop3A_192 : i32 to index
        %parallel_loop3A_357 = arith.constant 112 : index
        %parallel_loop3A_358 = tpu.vector_load %arg10[%parallel_loop3A_356, %parallel_loop3A_357] {strides = array<i32>} : memref<64x128xf32, #tpu.memory_space<vmem>>, vector<1x16xf32>,
        %parallel_loop3A_359 = vector.shape_cast %parallel_loop3A_358 : vector<1x16xf32> to vector<16xf32>
        %parallel_loop3A_360 = arith.addf %parallel_loop3A_355, %parallel_loop3A_359 : vector<16xf32>
        %parallel_loop3A_361 = arith.constant 0.000000e+00 : f32
        %parallel_loop3A_362 = vector.broadcast %parallel_loop3A_361 : f32 to vector<16xf32>
        %parallel_loop3A_363 = arith.maximumf %parallel_loop3A_360, %parallel_loop3A_362 : vector<16xf32>
        %parallel_loop3A_364 = arith.index_cast %parallel_loop3A_192 : i32 to index
        %parallel_loop3A_365 = arith.constant 112 : index
        %parallel_loop3A_366 = tpu.vector_load %arg8[%parallel_loop3A_364, %parallel_loop3A_365] {strides = array<i32>} : memref<64x128xf32, #tpu.memory_space<vmem>>, vector<1x16xf32>,
        %parallel_loop3A_367 = vector.shape_cast %parallel_loop3A_366 : vector<1x16xf32> to vector<16xf32>
        %parallel_loop3A_368 = vector.shape_cast %parallel_loop3A_363 : vector<16xf32> to vector<1x16xf32>
        tpu.vector_store %arg8[%parallel_loop3A_364, %parallel_loop3A_365], %parallel_loop3A_368 {strides = array<i32>} : memref<64x128xf32, #tpu.memory_space<vmem>>, vector<1x16xf32>,
      } {sc.loop_unroll_factor = 4 : i64, sc.parallel_access}
      %run_scoped3A = arith.constant 1 : i32
      "tpu.region"() ({
        %run_scoped3A_192 = tpu.sem_alloc : memref<!tpu.dma_semaphore, #tpu.memory_space<semaphore_mem>>
        %dma_start3A_193 = arith.constant 0 : i32
        %dma_start3A_194 = tpu.memref_slice %arg7[%run_scoped3A, %dma_start3A_193] : memref<2x64xi32, #tpu.memory_space<vmem>> -> memref<1x64xi32, #tpu.memory_space<vmem>>
        %dma_start3A_195 = tpu.memref_squeeze %dma_start3A_194 : memref<1x64xi32, #tpu.memory_space<vmem>> -> memref<64xi32, #tpu.memory_space<vmem>>
        %dma_start3A_196 = arith.constant 0 : i32
        %dma_start3A_197 = arith.constant 0 : i32
        %dma_start3A_198 = tpu.memref_slice %arg15[%dma_start3A_196, %dma_start3A_197] : memref<10000x128xf32, #tpu.memory_space<vmem_shared>> -> memref<10000x128xf32, #tpu.memory_space<vmem_shared>>
        tpu.enqueue_indirect_dma source(%arg8 : memref<64x128xf32, #tpu.memory_space<vmem>>) target(%dma_start3A_198 : memref<10000x128xf32, #tpu.memory_space<vmem_shared>>) offsets(%dma_start3A_195 : memref<64xi32, #tpu.memory_space<vmem>>) semaphore(%run_scoped3A_192 : memref<!tpu.dma_semaphore, #tpu.memory_space<semaphore_mem>>) {add = true}
        %dma_wait3A_199 = arith.constant 0 : i32
        %dma_wait3A_200 = tpu.memref_slice %arg7[%run_scoped3A, %dma_wait3A_199] : memref<2x64xi32, #tpu.memory_space<vmem>> -> memref<1x64xi32, #tpu.memory_space<vmem>>
        %dma_wait3A_201 = tpu.memref_squeeze %dma_wait3A_200 : memref<1x64xi32, #tpu.memory_space<vmem>> -> memref<64xi32, #tpu.memory_space<vmem>>
        %dma_wait3A_202 = arith.constant 0 : i32
        %dma_wait3A_203 = arith.constant 0 : i32
        %dma_wait3A_204 = tpu.memref_slice %arg15[%dma_wait3A_202, %dma_wait3A_203] : memref<10000x128xf32, #tpu.memory_space<vmem_shared>> -> memref<10000x128xf32, #tpu.memory_space<vmem_shared>>
        tpu.wait_indirect_dma semaphore(%run_scoped3A_192 : memref<!tpu.dma_semaphore, #tpu.memory_space<semaphore_mem>>) src(%arg8 : memref<64x128xf32, #tpu.memory_space<vmem>>) dst(%dma_wait3A_204 : memref<10000x128xf32, #tpu.memory_space<vmem_shared>>)
        tpu.yield
      }) : () -> ()
      %add3A_151 = arith.constant 2 : i32
      %add3A_152 = arith.addi %mul3A_129, %add3A_151 : i32
      %lt3A_153 = arith.cmpi slt, %add3A_152, %add3A_28 : i32
      %convert_element_type3A_154 = arith.extui %lt3A_153 : i1 to i32
      %cond3A_155 = arith.constant 0 : i32
      %cond3A_156 = arith.cmpi ne, %convert_element_type3A_154, %cond3A_155 : i32
      scf.if %cond3A_156 {
        %add3A_192 = arith.constant 2 : i32
        %add3A_193 = arith.addi %mul3A_129, %add3A_192 : i32
        %add3A_194 = arith.addi %add3A_24, %add3A_193 : i32
        "tpu.region"() ({
          %run_scoped3A_215 = tpu.sem_alloc : memref<!tpu.dma_semaphore, #tpu.memory_space<semaphore_mem>>
          %dma_start3A_216 = arith.constant 0 : i32
          %dma_start3A_217 = arith.constant 0 : i32
          %dma_start3A_218 = tpu.memref_slice %arg2[%add3A_194, %dma_start3A_216, %dma_start3A_217] : memref<5000x2x64xi32, #tpu.memory_space<hbm>> -> memref<1x2x64xi32, #tpu.memory_space<hbm>>
          %dma_start3A_219 = tpu.memref_squeeze %dma_start3A_218 : memref<1x2x64xi32, #tpu.memory_space<hbm>> -> memref<2x64xi32, #tpu.memory_space<hbm>>
          %dma_start3A_220 = arith.constant 0 : i32
          %dma_start3A_221 = arith.constant 0 : i32
          %dma_start3A_222 = tpu.memref_slice %arg2[%add3A_194, %dma_start3A_220, %dma_start3A_221] : memref<5000x2x64xi32, #tpu.memory_space<hbm>> -> memref<1x2x64xi32, #tpu.memory_space<hbm>>
          %dma_start3A_223 = tpu.memref_squeeze %dma_start3A_222 : memref<1x2x64xi32, #tpu.memory_space<hbm>> -> memref<2x64xi32, #tpu.memory_space<hbm>>
          tpu.enqueue_dma source(%dma_start3A_223 : memref<2x64xi32, #tpu.memory_space<hbm>>) target(%arg7 : memref<2x64xi32, #tpu.memory_space<vmem>>) target_semaphore(%run_scoped3A_215 : memref<!tpu.dma_semaphore, #tpu.memory_space<semaphore_mem>>)
          %dma_wait3A_224 = arith.constant 0 : i32
          %dma_wait3A_225 = arith.constant 0 : i32
          %dma_wait3A_226 = tpu.memref_slice %arg2[%add3A_194, %dma_wait3A_224, %dma_wait3A_225] : memref<5000x2x64xi32, #tpu.memory_space<hbm>> -> memref<1x2x64xi32, #tpu.memory_space<hbm>>
          %dma_wait3A_227 = tpu.memref_squeeze %dma_wait3A_226 : memref<1x2x64xi32, #tpu.memory_space<hbm>> -> memref<2x64xi32, #tpu.memory_space<hbm>>
          %dma_wait3A_228 = arith.constant 0 : i32
          %dma_wait3A_229 = arith.constant 0 : i32
          %dma_wait3A_230 = tpu.memref_slice %arg2[%add3A_194, %dma_wait3A_228, %dma_wait3A_229] : memref<5000x2x64xi32, #tpu.memory_space<hbm>> -> memref<1x2x64xi32, #tpu.memory_space<hbm>>
          %dma_wait3A_231 = tpu.memref_squeeze %dma_wait3A_230 : memref<1x2x64xi32, #tpu.memory_space<hbm>> -> memref<2x64xi32, #tpu.memory_space<hbm>>
          tpu.wait_dma2 semaphore(%run_scoped3A_215 : memref<!tpu.dma_semaphore, #tpu.memory_space<semaphore_mem>>) src(%dma_wait3A_231 : memref<2x64xi32, #tpu.memory_space<hbm>>) dst(%arg7 : memref<2x64xi32, #tpu.memory_space<vmem>>)
          tpu.yield
        }) : () -> ()
        %dma_start3A_195 = arith.constant 0 : i32
        %dma_start3A_196 = arith.constant 0 : i32
        %dma_start3A_197 = tpu.memref_slice %arg7[%dma_start3A_195, %dma_start3A_196] : memref<2x64xi32, #tpu.memory_space<vmem>> -> memref<1x64xi32, #tpu.memory_space<vmem>>
        %dma_start3A_198 = tpu.memref_squeeze %dma_start3A_197 : memref<1x64xi32, #tpu.memory_space<vmem>> -> memref<64xi32, #tpu.memory_space<vmem>>
        %dma_start3A_199 = arith.constant 0 : i32
        %dma_start3A_200 = arith.constant 0 : i32
        %dma_start3A_201 = tpu.memref_slice %arg3[%dma_start3A_199, %dma_start3A_200] : memref<10000x128xf32, #tpu.memory_space<hbm>> -> memref<10000x128xf32, #tpu.memory_space<hbm>>
        tpu.enqueue_indirect_dma source(%dma_start3A_201 : memref<10000x128xf32, #tpu.memory_space<hbm>>) target(%arg8 : memref<64x128xf32, #tpu.memory_space<vmem>>) offsets(%dma_start3A_198 : memref<64xi32, #tpu.memory_space<vmem>>) semaphore(%arg16 : memref<!tpu.dma_semaphore, #tpu.memory_space<semaphore_mem>>)
        %dma_start3A_202 = arith.constant 1 : i32
        %dma_start3A_203 = arith.constant 0 : i32
        %dma_start3A_204 = tpu.memref_slice %arg7[%dma_start3A_202, %dma_start3A_203] : memref<2x64xi32, #tpu.memory_space<vmem>> -> memref<1x64xi32, #tpu.memory_space<vmem>>
        %dma_start3A_205 = tpu.memref_squeeze %dma_start3A_204 : memref<1x64xi32, #tpu.memory_space<vmem>> -> memref<64xi32, #tpu.memory_space<vmem>>
        %dma_start3A_206 = arith.constant 0 : i32
        %dma_start3A_207 = arith.constant 0 : i32
        %dma_start3A_208 = tpu.memref_slice %arg4[%dma_start3A_206, %dma_start3A_207] : memref<10000x128xf32, #tpu.memory_space<hbm>> -> memref<10000x128xf32, #tpu.memory_space<hbm>>
        tpu.enqueue_indirect_dma source(%dma_start3A_208 : memref<10000x128xf32, #tpu.memory_space<hbm>>) target(%arg9 : memref<64x128xf32, #tpu.memory_space<vmem>>) offsets(%dma_start3A_205 : memref<64xi32, #tpu.memory_space<vmem>>) semaphore(%arg17 : memref<!tpu.dma_semaphore, #tpu.memory_space<semaphore_mem>>)
        %mul3A_209 = arith.constant 64 : i32
        %mul3A_210 = arith.muli %add3A_194, %mul3A_209 : i32
        %dma_start3A_211 = arith.constant 0 : i32
        %dma_start3A_212 = tpu.memref_slice %arg5[%mul3A_210, %dma_start3A_211] : memref<320000x128xf32, #tpu.memory_space<hbm>> -> memref<64x128xf32, #tpu.memory_space<hbm>>
        %dma_start3A_213 = arith.constant 0 : i32
        %dma_start3A_214 = tpu.memref_slice %arg5[%mul3A_210, %dma_start3A_213] : memref<320000x128xf32, #tpu.memory_space<hbm>> -> memref<64x128xf32, #tpu.memory_space<hbm>>
        tpu.enqueue_dma source(%dma_start3A_214 : memref<64x128xf32, #tpu.memory_space<hbm>>) target(%arg10 : memref<64x128xf32, #tpu.memory_space<vmem>>) target_semaphore(%arg18 : memref<!tpu.dma_semaphore, #tpu.memory_space<semaphore_mem>>)
      } else {
      }
      %mul3A_157 = arith.constant 2 : i32
      %mul3A_158 = arith.muli %mul3A_157, %while3A_126 : i32
      %add3A_159 = arith.constant 1 : i32
      %add3A_160 = arith.addi %mul3A_158, %add3A_159 : i32
      %dma_wait3A_161 = arith.constant 0 : i32
      %dma_wait3A_162 = arith.constant 0 : i32
      %dma_wait3A_163 = tpu.memref_slice %arg11[%dma_wait3A_161, %dma_wait3A_162] : memref<2x64xi32, #tpu.memory_space<vmem>> -> memref<1x64xi32, #tpu.memory_space<vmem>>
      %dma_wait3A_164 = tpu.memref_squeeze %dma_wait3A_163 : memref<1x64xi32, #tpu.memory_space<vmem>> -> memref<64xi32, #tpu.memory_space<vmem>>
      %dma_wait3A_165 = arith.constant 0 : i32
      %dma_wait3A_166 = arith.constant 0 : i32
      %dma_wait3A_167 = tpu.memref_slice %arg3[%dma_wait3A_165, %dma_wait3A_166] : memref<10000x128xf32, #tpu.memory_space<hbm>> -> memref<10000x128xf32, #tpu.memory_space<hbm>>
      tpu.wait_indirect_dma semaphore(%arg19 : memref<!tpu.dma_semaphore, #tpu.memory_space<semaphore_mem>>) src(%dma_wait3A_167 : memref<10000x128xf32, #tpu.memory_space<hbm>>) dst(%arg12 : memref<64x128xf32, #tpu.memory_space<vmem>>)
      %dma_wait3A_168 = arith.constant 1 : i32
      %dma_wait3A_169 = arith.constant 0 : i32
      %dma_wait3A_170 = tpu.memref_slice %arg11[%dma_wait3A_168, %dma_wait3A_169] : memref<2x64xi32, #tpu.memory_space<vmem>> -> memref<1x64xi32, #tpu.memory_space<vmem>>
      %dma_wait3A_171 = tpu.memref_squeeze %dma_wait3A_170 : memref<1x64xi32, #tpu.memory_space<vmem>> -> memref<64xi32, #tpu.memory_space<vmem>>
      %dma_wait3A_172 = arith.constant 0 : i32
      %dma_wait3A_173 = arith.constant 0 : i32
      %dma_wait3A_174 = tpu.memref_slice %arg4[%dma_wait3A_172, %dma_wait3A_173] : memref<10000x128xf32, #tpu.memory_space<hbm>> -> memref<10000x128xf32, #tpu.memory_space<hbm>>
      tpu.wait_indirect_dma semaphore(%arg20 : memref<!tpu.dma_semaphore, #tpu.memory_space<semaphore_mem>>) src(%dma_wait3A_174 : memref<10000x128xf32, #tpu.memory_space<hbm>>) dst(%arg13 : memref<64x128xf32, #tpu.memory_space<vmem>>)
      %dma_wait3A_175 = arith.constant 0 : i32
      %dma_wait3A_176 = arith.constant 0 : i32
      %dma_wait3A_177 = tpu.memref_slice %arg5[%dma_wait3A_175, %dma_wait3A_176] : memref<320000x128xf32, #tpu.memory_space<hbm>> -> memref<64x128xf32, #tpu.memory_space<hbm>>
      %dma_wait3A_178 = arith.constant 0 : i32
      %dma_wait3A_179 = arith.constant 0 : i32
      %dma_wait3A_180 = tpu.memref_slice %arg5[%dma_wait3A_178, %dma_wait3A_179] : memref<320000x128xf32, #tpu.memory_space<hbm>> -> memref<64x128xf32, #tpu.memory_space<hbm>>
      tpu.wait_dma2 semaphore(%arg21 : memref<!tpu.dma_semaphore, #tpu.memory_space<semaphore_mem>>) src(%dma_wait3A_180 : memref<64x128xf32, #tpu.memory_space<hbm>>) dst(%arg14 : memref<64x128xf32, #tpu.memory_space<vmem>>)
      %parallel_loop3A_181 = arith.constant 0 : i32
      %parallel_loop3A_182 = arith.constant 64 : i32
      %parallel_loop3A_183 = arith.constant 1 : i32
      scf.for %parallel_loop3A_192 = %parallel_loop3A_181 to %parallel_loop3A_182 step %parallel_loop3A_183  : i32 {
        %parallel_loop3A_193 = arith.index_cast %parallel_loop3A_192 : i32 to index
        %parallel_loop3A_194 = arith.constant 0 : index
        %parallel_loop3A_195 = tpu.vector_load %arg12[%parallel_loop3A_193, %parallel_loop3A_194] {strides = array<i32>} : memref<64x128xf32, #tpu.memory_space<vmem>>, vector<1x16xf32>,
        %parallel_loop3A_196 = vector.shape_cast %parallel_loop3A_195 : vector<1x16xf32> to vector<16xf32>
        %parallel_loop3A_197 = arith.index_cast %parallel_loop3A_192 : i32 to index
        %parallel_loop3A_198 = arith.constant 0 : index
        %parallel_loop3A_199 = tpu.vector_load %arg13[%parallel_loop3A_197, %parallel_loop3A_198] {strides = array<i32>} : memref<64x128xf32, #tpu.memory_space<vmem>>, vector<1x16xf32>,
        %parallel_loop3A_200 = vector.shape_cast %parallel_loop3A_199 : vector<1x16xf32> to vector<16xf32>
        %parallel_loop3A_201 = arith.addf %parallel_loop3A_196, %parallel_loop3A_200 : vector<16xf32>
        %parallel_loop3A_202 = arith.index_cast %parallel_loop3A_192 : i32 to index
        %parallel_loop3A_203 = arith.constant 0 : index
        %parallel_loop3A_204 = tpu.vector_load %arg14[%parallel_loop3A_202, %parallel_loop3A_203] {strides = array<i32>} : memref<64x128xf32, #tpu.memory_space<vmem>>, vector<1x16xf32>,
        %parallel_loop3A_205 = vector.shape_cast %parallel_loop3A_204 : vector<1x16xf32> to vector<16xf32>
        %parallel_loop3A_206 = arith.addf %parallel_loop3A_201, %parallel_loop3A_205 : vector<16xf32>
        %parallel_loop3A_207 = arith.constant 0.000000e+00 : f32
        %parallel_loop3A_208 = vector.broadcast %parallel_loop3A_207 : f32 to vector<16xf32>
        %parallel_loop3A_209 = arith.maximumf %parallel_loop3A_206, %parallel_loop3A_208 : vector<16xf32>
        %parallel_loop3A_210 = arith.index_cast %parallel_loop3A_192 : i32 to index
        %parallel_loop3A_211 = arith.constant 0 : index
        %parallel_loop3A_212 = tpu.vector_load %arg12[%parallel_loop3A_210, %parallel_loop3A_211] {strides = array<i32>} : memref<64x128xf32, #tpu.memory_space<vmem>>, vector<1x16xf32>,
        %parallel_loop3A_213 = vector.shape_cast %parallel_loop3A_212 : vector<1x16xf32> to vector<16xf32>
        %parallel_loop3A_214 = vector.shape_cast %parallel_loop3A_209 : vector<16xf32> to vector<1x16xf32>
        tpu.vector_store %arg12[%parallel_loop3A_210, %parallel_loop3A_211], %parallel_loop3A_214 {strides = array<i32>} : memref<64x128xf32, #tpu.memory_space<vmem>>, vector<1x16xf32>,
        %parallel_loop3A_215 = arith.index_cast %parallel_loop3A_192 : i32 to index
        %parallel_loop3A_216 = arith.constant 16 : index
        %parallel_loop3A_217 = tpu.vector_load %arg12[%parallel_loop3A_215, %parallel_loop3A_216] {strides = array<i32>} : memref<64x128xf32, #tpu.memory_space<vmem>>, vector<1x16xf32>,
        %parallel_loop3A_218 = vector.shape_cast %parallel_loop3A_217 : vector<1x16xf32> to vector<16xf32>
        %parallel_loop3A_219 = arith.index_cast %parallel_loop3A_192 : i32 to index
        %parallel_loop3A_220 = arith.constant 16 : index
        %parallel_loop3A_221 = tpu.vector_load %arg13[%parallel_loop3A_219, %parallel_loop3A_220] {strides = array<i32>} : memref<64x128xf32, #tpu.memory_space<vmem>>, vector<1x16xf32>,
        %parallel_loop3A_222 = vector.shape_cast %parallel_loop3A_221 : vector<1x16xf32> to vector<16xf32>
        %parallel_loop3A_223 = arith.addf %parallel_loop3A_218, %parallel_loop3A_222 : vector<16xf32>
        %parallel_loop3A_224 = arith.index_cast %parallel_loop3A_192 : i32 to index
        %parallel_loop3A_225 = arith.constant 16 : index
        %parallel_loop3A_226 = tpu.vector_load %arg14[%parallel_loop3A_224, %parallel_loop3A_225] {strides = array<i32>} : memref<64x128xf32, #tpu.memory_space<vmem>>, vector<1x16xf32>,
        %parallel_loop3A_227 = vector.shape_cast %parallel_loop3A_226 : vector<1x16xf32> to vector<16xf32>
        %parallel_loop3A_228 = arith.addf %parallel_loop3A_223, %parallel_loop3A_227 : vector<16xf32>
        %parallel_loop3A_229 = arith.constant 0.000000e+00 : f32
        %parallel_loop3A_230 = vector.broadcast %parallel_loop3A_229 : f32 to vector<16xf32>
        %parallel_loop3A_231 = arith.maximumf %parallel_loop3A_228, %parallel_loop3A_230 : vector<16xf32>
        %parallel_loop3A_232 = arith.index_cast %parallel_loop3A_192 : i32 to index
        %parallel_loop3A_233 = arith.constant 16 : index
        %parallel_loop3A_234 = tpu.vector_load %arg12[%parallel_loop3A_232, %parallel_loop3A_233] {strides = array<i32>} : memref<64x128xf32, #tpu.memory_space<vmem>>, vector<1x16xf32>,
        %parallel_loop3A_235 = vector.shape_cast %parallel_loop3A_234 : vector<1x16xf32> to vector<16xf32>
        %parallel_loop3A_236 = vector.shape_cast %parallel_loop3A_231 : vector<16xf32> to vector<1x16xf32>
        tpu.vector_store %arg12[%parallel_loop3A_232, %parallel_loop3A_233], %parallel_loop3A_236 {strides = array<i32>} : memref<64x128xf32, #tpu.memory_space<vmem>>, vector<1x16xf32>,
        %parallel_loop3A_237 = arith.index_cast %parallel_loop3A_192 : i32 to index
        %parallel_loop3A_238 = arith.constant 32 : index
        %parallel_loop3A_239 = tpu.vector_load %arg12[%parallel_loop3A_237, %parallel_loop3A_238] {strides = array<i32>} : memref<64x128xf32, #tpu.memory_space<vmem>>, vector<1x16xf32>,
        %parallel_loop3A_240 = vector.shape_cast %parallel_loop3A_239 : vector<1x16xf32> to vector<16xf32>
        %parallel_loop3A_241 = arith.index_cast %parallel_loop3A_192 : i32 to index
        %parallel_loop3A_242 = arith.constant 32 : index
        %parallel_loop3A_243 = tpu.vector_load %arg13[%parallel_loop3A_241, %parallel_loop3A_242] {strides = array<i32>} : memref<64x128xf32, #tpu.memory_space<vmem>>, vector<1x16xf32>,
        %parallel_loop3A_244 = vector.shape_cast %parallel_loop3A_243 : vector<1x16xf32> to vector<16xf32>
        %parallel_loop3A_245 = arith.addf %parallel_loop3A_240, %parallel_loop3A_244 : vector<16xf32>
        %parallel_loop3A_246 = arith.index_cast %parallel_loop3A_192 : i32 to index
        %parallel_loop3A_247 = arith.constant 32 : index
        %parallel_loop3A_248 = tpu.vector_load %arg14[%parallel_loop3A_246, %parallel_loop3A_247] {strides = array<i32>} : memref<64x128xf32, #tpu.memory_space<vmem>>, vector<1x16xf32>,
        %parallel_loop3A_249 = vector.shape_cast %parallel_loop3A_248 : vector<1x16xf32> to vector<16xf32>
        %parallel_loop3A_250 = arith.addf %parallel_loop3A_245, %parallel_loop3A_249 : vector<16xf32>
        %parallel_loop3A_251 = arith.constant 0.000000e+00 : f32
        %parallel_loop3A_252 = vector.broadcast %parallel_loop3A_251 : f32 to vector<16xf32>
        %parallel_loop3A_253 = arith.maximumf %parallel_loop3A_250, %parallel_loop3A_252 : vector<16xf32>
        %parallel_loop3A_254 = arith.index_cast %parallel_loop3A_192 : i32 to index
        %parallel_loop3A_255 = arith.constant 32 : index
        %parallel_loop3A_256 = tpu.vector_load %arg12[%parallel_loop3A_254, %parallel_loop3A_255] {strides = array<i32>} : memref<64x128xf32, #tpu.memory_space<vmem>>, vector<1x16xf32>,
        %parallel_loop3A_257 = vector.shape_cast %parallel_loop3A_256 : vector<1x16xf32> to vector<16xf32>
        %parallel_loop3A_258 = vector.shape_cast %parallel_loop3A_253 : vector<16xf32> to vector<1x16xf32>
        tpu.vector_store %arg12[%parallel_loop3A_254, %parallel_loop3A_255], %parallel_loop3A_258 {strides = array<i32>} : memref<64x128xf32, #tpu.memory_space<vmem>>, vector<1x16xf32>,
        %parallel_loop3A_259 = arith.index_cast %parallel_loop3A_192 : i32 to index
        %parallel_loop3A_260 = arith.constant 48 : index
        %parallel_loop3A_261 = tpu.vector_load %arg12[%parallel_loop3A_259, %parallel_loop3A_260] {strides = array<i32>} : memref<64x128xf32, #tpu.memory_space<vmem>>, vector<1x16xf32>,
        %parallel_loop3A_262 = vector.shape_cast %parallel_loop3A_261 : vector<1x16xf32> to vector<16xf32>
        %parallel_loop3A_263 = arith.index_cast %parallel_loop3A_192 : i32 to index
        %parallel_loop3A_264 = arith.constant 48 : index
        %parallel_loop3A_265 = tpu.vector_load %arg13[%parallel_loop3A_263, %parallel_loop3A_264] {strides = array<i32>} : memref<64x128xf32, #tpu.memory_space<vmem>>, vector<1x16xf32>,
        %parallel_loop3A_266 = vector.shape_cast %parallel_loop3A_265 : vector<1x16xf32> to vector<16xf32>
        %parallel_loop3A_267 = arith.addf %parallel_loop3A_262, %parallel_loop3A_266 : vector<16xf32>
        %parallel_loop3A_268 = arith.index_cast %parallel_loop3A_192 : i32 to index
        %parallel_loop3A_269 = arith.constant 48 : index
        %parallel_loop3A_270 = tpu.vector_load %arg14[%parallel_loop3A_268, %parallel_loop3A_269] {strides = array<i32>} : memref<64x128xf32, #tpu.memory_space<vmem>>, vector<1x16xf32>,
        %parallel_loop3A_271 = vector.shape_cast %parallel_loop3A_270 : vector<1x16xf32> to vector<16xf32>
        %parallel_loop3A_272 = arith.addf %parallel_loop3A_267, %parallel_loop3A_271 : vector<16xf32>
        %parallel_loop3A_273 = arith.constant 0.000000e+00 : f32
        %parallel_loop3A_274 = vector.broadcast %parallel_loop3A_273 : f32 to vector<16xf32>
        %parallel_loop3A_275 = arith.maximumf %parallel_loop3A_272, %parallel_loop3A_274 : vector<16xf32>
        %parallel_loop3A_276 = arith.index_cast %parallel_loop3A_192 : i32 to index
        %parallel_loop3A_277 = arith.constant 48 : index
        %parallel_loop3A_278 = tpu.vector_load %arg12[%parallel_loop3A_276, %parallel_loop3A_277] {strides = array<i32>} : memref<64x128xf32, #tpu.memory_space<vmem>>, vector<1x16xf32>,
        %parallel_loop3A_279 = vector.shape_cast %parallel_loop3A_278 : vector<1x16xf32> to vector<16xf32>
        %parallel_loop3A_280 = vector.shape_cast %parallel_loop3A_275 : vector<16xf32> to vector<1x16xf32>
        tpu.vector_store %arg12[%parallel_loop3A_276, %parallel_loop3A_277], %parallel_loop3A_280 {strides = array<i32>} : memref<64x128xf32, #tpu.memory_space<vmem>>, vector<1x16xf32>,
        %parallel_loop3A_281 = arith.index_cast %parallel_loop3A_192 : i32 to index
        %parallel_loop3A_282 = arith.constant 64 : index
        %parallel_loop3A_283 = tpu.vector_load %arg12[%parallel_loop3A_281, %parallel_loop3A_282] {strides = array<i32>} : memref<64x128xf32, #tpu.memory_space<vmem>>, vector<1x16xf32>,
        %parallel_loop3A_284 = vector.shape_cast %parallel_loop3A_283 : vector<1x16xf32> to vector<16xf32>
        %parallel_loop3A_285 = arith.index_cast %parallel_loop3A_192 : i32 to index
        %parallel_loop3A_286 = arith.constant 64 : index
        %parallel_loop3A_287 = tpu.vector_load %arg13[%parallel_loop3A_285, %parallel_loop3A_286] {strides = array<i32>} : memref<64x128xf32, #tpu.memory_space<vmem>>, vector<1x16xf32>,
        %parallel_loop3A_288 = vector.shape_cast %parallel_loop3A_287 : vector<1x16xf32> to vector<16xf32>
        %parallel_loop3A_289 = arith.addf %parallel_loop3A_284, %parallel_loop3A_288 : vector<16xf32>
        %parallel_loop3A_290 = arith.index_cast %parallel_loop3A_192 : i32 to index
        %parallel_loop3A_291 = arith.constant 64 : index
        %parallel_loop3A_292 = tpu.vector_load %arg14[%parallel_loop3A_290, %parallel_loop3A_291] {strides = array<i32>} : memref<64x128xf32, #tpu.memory_space<vmem>>, vector<1x16xf32>,
        %parallel_loop3A_293 = vector.shape_cast %parallel_loop3A_292 : vector<1x16xf32> to vector<16xf32>
        %parallel_loop3A_294 = arith.addf %parallel_loop3A_289, %parallel_loop3A_293 : vector<16xf32>
        %parallel_loop3A_295 = arith.constant 0.000000e+00 : f32
        %parallel_loop3A_296 = vector.broadcast %parallel_loop3A_295 : f32 to vector<16xf32>
        %parallel_loop3A_297 = arith.maximumf %parallel_loop3A_294, %parallel_loop3A_296 : vector<16xf32>
        %parallel_loop3A_298 = arith.index_cast %parallel_loop3A_192 : i32 to index
        %parallel_loop3A_299 = arith.constant 64 : index
        %parallel_loop3A_300 = tpu.vector_load %arg12[%parallel_loop3A_298, %parallel_loop3A_299] {strides = array<i32>} : memref<64x128xf32, #tpu.memory_space<vmem>>, vector<1x16xf32>,
        %parallel_loop3A_301 = vector.shape_cast %parallel_loop3A_300 : vector<1x16xf32> to vector<16xf32>
        %parallel_loop3A_302 = vector.shape_cast %parallel_loop3A_297 : vector<16xf32> to vector<1x16xf32>
        tpu.vector_store %arg12[%parallel_loop3A_298, %parallel_loop3A_299], %parallel_loop3A_302 {strides = array<i32>} : memref<64x128xf32, #tpu.memory_space<vmem>>, vector<1x16xf32>,
        %parallel_loop3A_303 = arith.index_cast %parallel_loop3A_192 : i32 to index
        %parallel_loop3A_304 = arith.constant 80 : index
        %parallel_loop3A_305 = tpu.vector_load %arg12[%parallel_loop3A_303, %parallel_loop3A_304] {strides = array<i32>} : memref<64x128xf32, #tpu.memory_space<vmem>>, vector<1x16xf32>,
        %parallel_loop3A_306 = vector.shape_cast %parallel_loop3A_305 : vector<1x16xf32> to vector<16xf32>
        %parallel_loop3A_307 = arith.index_cast %parallel_loop3A_192 : i32 to index
        %parallel_loop3A_308 = arith.constant 80 : index
        %parallel_loop3A_309 = tpu.vector_load %arg13[%parallel_loop3A_307, %parallel_loop3A_308] {strides = array<i32>} : memref<64x128xf32, #tpu.memory_space<vmem>>, vector<1x16xf32>,
        %parallel_loop3A_310 = vector.shape_cast %parallel_loop3A_309 : vector<1x16xf32> to vector<16xf32>
        %parallel_loop3A_311 = arith.addf %parallel_loop3A_306, %parallel_loop3A_310 : vector<16xf32>
        %parallel_loop3A_312 = arith.index_cast %parallel_loop3A_192 : i32 to index
        %parallel_loop3A_313 = arith.constant 80 : index
        %parallel_loop3A_314 = tpu.vector_load %arg14[%parallel_loop3A_312, %parallel_loop3A_313] {strides = array<i32>} : memref<64x128xf32, #tpu.memory_space<vmem>>, vector<1x16xf32>,
        %parallel_loop3A_315 = vector.shape_cast %parallel_loop3A_314 : vector<1x16xf32> to vector<16xf32>
        %parallel_loop3A_316 = arith.addf %parallel_loop3A_311, %parallel_loop3A_315 : vector<16xf32>
        %parallel_loop3A_317 = arith.constant 0.000000e+00 : f32
        %parallel_loop3A_318 = vector.broadcast %parallel_loop3A_317 : f32 to vector<16xf32>
        %parallel_loop3A_319 = arith.maximumf %parallel_loop3A_316, %parallel_loop3A_318 : vector<16xf32>
        %parallel_loop3A_320 = arith.index_cast %parallel_loop3A_192 : i32 to index
        %parallel_loop3A_321 = arith.constant 80 : index
        %parallel_loop3A_322 = tpu.vector_load %arg12[%parallel_loop3A_320, %parallel_loop3A_321] {strides = array<i32>} : memref<64x128xf32, #tpu.memory_space<vmem>>, vector<1x16xf32>,
        %parallel_loop3A_323 = vector.shape_cast %parallel_loop3A_322 : vector<1x16xf32> to vector<16xf32>
        %parallel_loop3A_324 = vector.shape_cast %parallel_loop3A_319 : vector<16xf32> to vector<1x16xf32>
        tpu.vector_store %arg12[%parallel_loop3A_320, %parallel_loop3A_321], %parallel_loop3A_324 {strides = array<i32>} : memref<64x128xf32, #tpu.memory_space<vmem>>, vector<1x16xf32>,
        %parallel_loop3A_325 = arith.index_cast %parallel_loop3A_192 : i32 to index
        %parallel_loop3A_326 = arith.constant 96 : index
        %parallel_loop3A_327 = tpu.vector_load %arg12[%parallel_loop3A_325, %parallel_loop3A_326] {strides = array<i32>} : memref<64x128xf32, #tpu.memory_space<vmem>>, vector<1x16xf32>,
        %parallel_loop3A_328 = vector.shape_cast %parallel_loop3A_327 : vector<1x16xf32> to vector<16xf32>
        %parallel_loop3A_329 = arith.index_cast %parallel_loop3A_192 : i32 to index
        %parallel_loop3A_330 = arith.constant 96 : index
        %parallel_loop3A_331 = tpu.vector_load %arg13[%parallel_loop3A_329, %parallel_loop3A_330] {strides = array<i32>} : memref<64x128xf32, #tpu.memory_space<vmem>>, vector<1x16xf32>,
        %parallel_loop3A_332 = vector.shape_cast %parallel_loop3A_331 : vector<1x16xf32> to vector<16xf32>
        %parallel_loop3A_333 = arith.addf %parallel_loop3A_328, %parallel_loop3A_332 : vector<16xf32>
        %parallel_loop3A_334 = arith.index_cast %parallel_loop3A_192 : i32 to index
        %parallel_loop3A_335 = arith.constant 96 : index
        %parallel_loop3A_336 = tpu.vector_load %arg14[%parallel_loop3A_334, %parallel_loop3A_335] {strides = array<i32>} : memref<64x128xf32, #tpu.memory_space<vmem>>, vector<1x16xf32>,
        %parallel_loop3A_337 = vector.shape_cast %parallel_loop3A_336 : vector<1x16xf32> to vector<16xf32>
        %parallel_loop3A_338 = arith.addf %parallel_loop3A_333, %parallel_loop3A_337 : vector<16xf32>
        %parallel_loop3A_339 = arith.constant 0.000000e+00 : f32
        %parallel_loop3A_340 = vector.broadcast %parallel_loop3A_339 : f32 to vector<16xf32>
        %parallel_loop3A_341 = arith.maximumf %parallel_loop3A_338, %parallel_loop3A_340 : vector<16xf32>
        %parallel_loop3A_342 = arith.index_cast %parallel_loop3A_192 : i32 to index
        %parallel_loop3A_343 = arith.constant 96 : index
        %parallel_loop3A_344 = tpu.vector_load %arg12[%parallel_loop3A_342, %parallel_loop3A_343] {strides = array<i32>} : memref<64x128xf32, #tpu.memory_space<vmem>>, vector<1x16xf32>,
        %parallel_loop3A_345 = vector.shape_cast %parallel_loop3A_344 : vector<1x16xf32> to vector<16xf32>
        %parallel_loop3A_346 = vector.shape_cast %parallel_loop3A_341 : vector<16xf32> to vector<1x16xf32>
        tpu.vector_store %arg12[%parallel_loop3A_342, %parallel_loop3A_343], %parallel_loop3A_346 {strides = array<i32>} : memref<64x128xf32, #tpu.memory_space<vmem>>, vector<1x16xf32>,
        %parallel_loop3A_347 = arith.index_cast %parallel_loop3A_192 : i32 to index
        %parallel_loop3A_348 = arith.constant 112 : index
        %parallel_loop3A_349 = tpu.vector_load %arg12[%parallel_loop3A_347, %parallel_loop3A_348] {strides = array<i32>} : memref<64x128xf32, #tpu.memory_space<vmem>>, vector<1x16xf32>,
        %parallel_loop3A_350 = vector.shape_cast %parallel_loop3A_349 : vector<1x16xf32> to vector<16xf32>
        %parallel_loop3A_351 = arith.index_cast %parallel_loop3A_192 : i32 to index
        %parallel_loop3A_352 = arith.constant 112 : index
        %parallel_loop3A_353 = tpu.vector_load %arg13[%parallel_loop3A_351, %parallel_loop3A_352] {strides = array<i32>} : memref<64x128xf32, #tpu.memory_space<vmem>>, vector<1x16xf32>,
        %parallel_loop3A_354 = vector.shape_cast %parallel_loop3A_353 : vector<1x16xf32> to vector<16xf32>
        %parallel_loop3A_355 = arith.addf %parallel_loop3A_350, %parallel_loop3A_354 : vector<16xf32>
        %parallel_loop3A_356 = arith.index_cast %parallel_loop3A_192 : i32 to index
        %parallel_loop3A_357 = arith.constant 112 : index
        %parallel_loop3A_358 = tpu.vector_load %arg14[%parallel_loop3A_356, %parallel_loop3A_357] {strides = array<i32>} : memref<64x128xf32, #tpu.memory_space<vmem>>, vector<1x16xf32>,
        %parallel_loop3A_359 = vector.shape_cast %parallel_loop3A_358 : vector<1x16xf32> to vector<16xf32>
        %parallel_loop3A_360 = arith.addf %parallel_loop3A_355, %parallel_loop3A_359 : vector<16xf32>
        %parallel_loop3A_361 = arith.constant 0.000000e+00 : f32
        %parallel_loop3A_362 = vector.broadcast %parallel_loop3A_361 : f32 to vector<16xf32>
        %parallel_loop3A_363 = arith.maximumf %parallel_loop3A_360, %parallel_loop3A_362 : vector<16xf32>
        %parallel_loop3A_364 = arith.index_cast %parallel_loop3A_192 : i32 to index
        %parallel_loop3A_365 = arith.constant 112 : index
        %parallel_loop3A_366 = tpu.vector_load %arg12[%parallel_loop3A_364, %parallel_loop3A_365] {strides = array<i32>} : memref<64x128xf32, #tpu.memory_space<vmem>>, vector<1x16xf32>,
        %parallel_loop3A_367 = vector.shape_cast %parallel_loop3A_366 : vector<1x16xf32> to vector<16xf32>
        %parallel_loop3A_368 = vector.shape_cast %parallel_loop3A_363 : vector<16xf32> to vector<1x16xf32>
        tpu.vector_store %arg12[%parallel_loop3A_364, %parallel_loop3A_365], %parallel_loop3A_368 {strides = array<i32>} : memref<64x128xf32, #tpu.memory_space<vmem>>, vector<1x16xf32>,
      } {sc.loop_unroll_factor = 4 : i64, sc.parallel_access}
      %run_scoped3A_184 = arith.constant 1 : i32
      "tpu.region"() ({
        %run_scoped3A_192 = tpu.sem_alloc : memref<!tpu.dma_semaphore, #tpu.memory_space<semaphore_mem>>
        %dma_start3A_193 = arith.constant 0 : i32
        %dma_start3A_194 = tpu.memref_slice %arg11[%run_scoped3A_184, %dma_start3A_193] : memref<2x64xi32, #tpu.memory_space<vmem>> -> memref<1x64xi32, #tpu.memory_space<vmem>>
        %dma_start3A_195 = tpu.memref_squeeze %dma_start3A_194 : memref<1x64xi32, #tpu.memory_space<vmem>> -> memref<64xi32, #tpu.memory_space<vmem>>
        %dma_start3A_196 = arith.constant 0 : i32
        %dma_start3A_197 = arith.constant 0 : i32
        %dma_start3A_198 = tpu.memref_slice %arg15[%dma_start3A_196, %dma_start3A_197] : memref<10000x128xf32, #tpu.memory_space<vmem_shared>> -> memref<10000x128xf32, #tpu.memory_space<vmem_shared>>
        tpu.enqueue_indirect_dma source(%arg12 : memref<64x128xf32, #tpu.memory_space<vmem>>) target(%dma_start3A_198 : memref<10000x128xf32, #tpu.memory_space<vmem_shared>>) offsets(%dma_start3A_195 : memref<64xi32, #tpu.memory_space<vmem>>) semaphore(%run_scoped3A_192 : memref<!tpu.dma_semaphore, #tpu.memory_space<semaphore_mem>>) {add = true}
        %dma_wait3A_199 = arith.constant 0 : i32
        %dma_wait3A_200 = tpu.memref_slice %arg11[%run_scoped3A_184, %dma_wait3A_199] : memref<2x64xi32, #tpu.memory_space<vmem>> -> memref<1x64xi32, #tpu.memory_space<vmem>>
        %dma_wait3A_201 = tpu.memref_squeeze %dma_wait3A_200 : memref<1x64xi32, #tpu.memory_space<vmem>> -> memref<64xi32, #tpu.memory_space<vmem>>
        %dma_wait3A_202 = arith.constant 0 : i32
        %dma_wait3A_203 = arith.constant 0 : i32
        %dma_wait3A_204 = tpu.memref_slice %arg15[%dma_wait3A_202, %dma_wait3A_203] : memref<10000x128xf32, #tpu.memory_space<vmem_shared>> -> memref<10000x128xf32, #tpu.memory_space<vmem_shared>>
        tpu.wait_indirect_dma semaphore(%run_scoped3A_192 : memref<!tpu.dma_semaphore, #tpu.memory_space<semaphore_mem>>) src(%arg12 : memref<64x128xf32, #tpu.memory_space<vmem>>) dst(%dma_wait3A_204 : memref<10000x128xf32, #tpu.memory_space<vmem_shared>>)
        tpu.yield
      }) : () -> ()
      %add3A_185 = arith.constant 2 : i32
      %add3A_186 = arith.addi %add3A_160, %add3A_185 : i32
      %lt3A_187 = arith.cmpi slt, %add3A_186, %add3A_28 : i32
      %convert_element_type3A_188 = arith.extui %lt3A_187 : i1 to i32
      %cond3A_189 = arith.constant 0 : i32
      %cond3A_190 = arith.cmpi ne, %convert_element_type3A_188, %cond3A_189 : i32
      scf.if %cond3A_190 {
        %add3A_192 = arith.constant 2 : i32
        %add3A_193 = arith.addi %add3A_160, %add3A_192 : i32
        %add3A_194 = arith.addi %add3A_24, %add3A_193 : i32
        "tpu.region"() ({
          %run_scoped3A_215 = tpu.sem_alloc : memref<!tpu.dma_semaphore, #tpu.memory_space<semaphore_mem>>
          %dma_start3A_216 = arith.constant 0 : i32
          %dma_start3A_217 = arith.constant 0 : i32
          %dma_start3A_218 = tpu.memref_slice %arg2[%add3A_194, %dma_start3A_216, %dma_start3A_217] : memref<5000x2x64xi32, #tpu.memory_space<hbm>> -> memref<1x2x64xi32, #tpu.memory_space<hbm>>
          %dma_start3A_219 = tpu.memref_squeeze %dma_start3A_218 : memref<1x2x64xi32, #tpu.memory_space<hbm>> -> memref<2x64xi32, #tpu.memory_space<hbm>>
          %dma_start3A_220 = arith.constant 0 : i32
          %dma_start3A_221 = arith.constant 0 : i32
          %dma_start3A_222 = tpu.memref_slice %arg2[%add3A_194, %dma_start3A_220, %dma_start3A_221] : memref<5000x2x64xi32, #tpu.memory_space<hbm>> -> memref<1x2x64xi32, #tpu.memory_space<hbm>>
          %dma_start3A_223 = tpu.memref_squeeze %dma_start3A_222 : memref<1x2x64xi32, #tpu.memory_space<hbm>> -> memref<2x64xi32, #tpu.memory_space<hbm>>
          tpu.enqueue_dma source(%dma_start3A_223 : memref<2x64xi32, #tpu.memory_space<hbm>>) target(%arg11 : memref<2x64xi32, #tpu.memory_space<vmem>>) target_semaphore(%run_scoped3A_215 : memref<!tpu.dma_semaphore, #tpu.memory_space<semaphore_mem>>)
          %dma_wait3A_224 = arith.constant 0 : i32
          %dma_wait3A_225 = arith.constant 0 : i32
          %dma_wait3A_226 = tpu.memref_slice %arg2[%add3A_194, %dma_wait3A_224, %dma_wait3A_225] : memref<5000x2x64xi32, #tpu.memory_space<hbm>> -> memref<1x2x64xi32, #tpu.memory_space<hbm>>
          %dma_wait3A_227 = tpu.memref_squeeze %dma_wait3A_226 : memref<1x2x64xi32, #tpu.memory_space<hbm>> -> memref<2x64xi32, #tpu.memory_space<hbm>>
          %dma_wait3A_228 = arith.constant 0 : i32
          %dma_wait3A_229 = arith.constant 0 : i32
          %dma_wait3A_230 = tpu.memref_slice %arg2[%add3A_194, %dma_wait3A_228, %dma_wait3A_229] : memref<5000x2x64xi32, #tpu.memory_space<hbm>> -> memref<1x2x64xi32, #tpu.memory_space<hbm>>
          %dma_wait3A_231 = tpu.memref_squeeze %dma_wait3A_230 : memref<1x2x64xi32, #tpu.memory_space<hbm>> -> memref<2x64xi32, #tpu.memory_space<hbm>>
          tpu.wait_dma2 semaphore(%run_scoped3A_215 : memref<!tpu.dma_semaphore, #tpu.memory_space<semaphore_mem>>) src(%dma_wait3A_231 : memref<2x64xi32, #tpu.memory_space<hbm>>) dst(%arg11 : memref<2x64xi32, #tpu.memory_space<vmem>>)
          tpu.yield
        }) : () -> ()
        %dma_start3A_195 = arith.constant 0 : i32
        %dma_start3A_196 = arith.constant 0 : i32
        %dma_start3A_197 = tpu.memref_slice %arg11[%dma_start3A_195, %dma_start3A_196] : memref<2x64xi32, #tpu.memory_space<vmem>> -> memref<1x64xi32, #tpu.memory_space<vmem>>
        %dma_start3A_198 = tpu.memref_squeeze %dma_start3A_197 : memref<1x64xi32, #tpu.memory_space<vmem>> -> memref<64xi32, #tpu.memory_space<vmem>>
        %dma_start3A_199 = arith.constant 0 : i32
        %dma_start3A_200 = arith.constant 0 : i32
        %dma_start3A_201 = tpu.memref_slice %arg3[%dma_start3A_199, %dma_start3A_200] : memref<10000x128xf32, #tpu.memory_space<hbm>> -> memref<10000x128xf32, #tpu.memory_space<hbm>>
        tpu.enqueue_indirect_dma source(%dma_start3A_201 : memref<10000x128xf32, #tpu.memory_space<hbm>>) target(%arg12 : memref<64x128xf32, #tpu.memory_space<vmem>>) offsets(%dma_start3A_198 : memref<64xi32, #tpu.memory_space<vmem>>) semaphore(%arg19 : memref<!tpu.dma_semaphore, #tpu.memory_space<semaphore_mem>>)
        %dma_start3A_202 = arith.constant 1 : i32
        %dma_start3A_203 = arith.constant 0 : i32
        %dma_start3A_204 = tpu.memref_slice %arg11[%dma_start3A_202, %dma_start3A_203] : memref<2x64xi32, #tpu.memory_space<vmem>> -> memref<1x64xi32, #tpu.memory_space<vmem>>
        %dma_start3A_205 = tpu.memref_squeeze %dma_start3A_204 : memref<1x64xi32, #tpu.memory_space<vmem>> -> memref<64xi32, #tpu.memory_space<vmem>>
        %dma_start3A_206 = arith.constant 0 : i32
        %dma_start3A_207 = arith.constant 0 : i32
        %dma_start3A_208 = tpu.memref_slice %arg4[%dma_start3A_206, %dma_start3A_207] : memref<10000x128xf32, #tpu.memory_space<hbm>> -> memref<10000x128xf32, #tpu.memory_space<hbm>>
        tpu.enqueue_indirect_dma source(%dma_start3A_208 : memref<10000x128xf32, #tpu.memory_space<hbm>>) target(%arg13 : memref<64x128xf32, #tpu.memory_space<vmem>>) offsets(%dma_start3A_205 : memref<64xi32, #tpu.memory_space<vmem>>) semaphore(%arg20 : memref<!tpu.dma_semaphore, #tpu.memory_space<semaphore_mem>>)
        %mul3A_209 = arith.constant 64 : i32
        %mul3A_210 = arith.muli %add3A_194, %mul3A_209 : i32
        %dma_start3A_211 = arith.constant 0 : i32
        %dma_start3A_212 = tpu.memref_slice %arg5[%mul3A_210, %dma_start3A_211] : memref<320000x128xf32, #tpu.memory_space<hbm>> -> memref<64x128xf32, #tpu.memory_space<hbm>>
        %dma_start3A_213 = arith.constant 0 : i32
        %dma_start3A_214 = tpu.memref_slice %arg5[%mul3A_210, %dma_start3A_213] : memref<320000x128xf32, #tpu.memory_space<hbm>> -> memref<64x128xf32, #tpu.memory_space<hbm>>
        tpu.enqueue_dma source(%dma_start3A_214 : memref<64x128xf32, #tpu.memory_space<hbm>>) target(%arg14 : memref<64x128xf32, #tpu.memory_space<vmem>>) target_semaphore(%arg21 : memref<!tpu.dma_semaphore, #tpu.memory_space<semaphore_mem>>)
      } else {
      }
      %while3A_191 = arith.constant 0 : i32
      scf.yield %while3A_191 : i32
    }
    %while3A_97 = arith.constant 1 : i32
    %while3A_98 = scf.for %while3A_126 = %while3A_94 to %while3A_90 step %while3A_97 iter_args(%while3A_127 = %while3A_96) -> (i32)  : i32 {
      %mul3A_128 = arith.constant 2 : i32
      %mul3A_129 = arith.muli %mul3A_128, %while3A_126 : i32
      %dma_wait3A = arith.constant 0 : i32
      %dma_wait3A_130 = arith.constant 0 : i32
      %dma_wait3A_131 = tpu.memref_slice %arg7[%dma_wait3A, %dma_wait3A_130] : memref<2x64xi32, #tpu.memory_space<vmem>> -> memref<1x64xi32, #tpu.memory_space<vmem>>
      %dma_wait3A_132 = tpu.memref_squeeze %dma_wait3A_131 : memref<1x64xi32, #tpu.memory_space<vmem>> -> memref<64xi32, #tpu.memory_space<vmem>>
      %dma_wait3A_133 = arith.constant 0 : i32
      %dma_wait3A_134 = arith.constant 0 : i32
      %dma_wait3A_135 = tpu.memref_slice %arg3[%dma_wait3A_133, %dma_wait3A_134] : memref<10000x128xf32, #tpu.memory_space<hbm>> -> memref<10000x128xf32, #tpu.memory_space<hbm>>
      tpu.wait_indirect_dma semaphore(%arg16 : memref<!tpu.dma_semaphore, #tpu.memory_space<semaphore_mem>>) src(%dma_wait3A_135 : memref<10000x128xf32, #tpu.memory_space<hbm>>) dst(%arg8 : memref<64x128xf32, #tpu.memory_space<vmem>>)
      %dma_wait3A_136 = arith.constant 1 : i32
      %dma_wait3A_137 = arith.constant 0 : i32
      %dma_wait3A_138 = tpu.memref_slice %arg7[%dma_wait3A_136, %dma_wait3A_137] : memref<2x64xi32, #tpu.memory_space<vmem>> -> memref<1x64xi32, #tpu.memory_space<vmem>>
      %dma_wait3A_139 = tpu.memref_squeeze %dma_wait3A_138 : memref<1x64xi32, #tpu.memory_space<vmem>> -> memref<64xi32, #tpu.memory_space<vmem>>
      %dma_wait3A_140 = arith.constant 0 : i32
      %dma_wait3A_141 = arith.constant 0 : i32
      %dma_wait3A_142 = tpu.memref_slice %arg4[%dma_wait3A_140, %dma_wait3A_141] : memref<10000x128xf32, #tpu.memory_space<hbm>> -> memref<10000x128xf32, #tpu.memory_space<hbm>>
      tpu.wait_indirect_dma semaphore(%arg17 : memref<!tpu.dma_semaphore, #tpu.memory_space<semaphore_mem>>) src(%dma_wait3A_142 : memref<10000x128xf32, #tpu.memory_space<hbm>>) dst(%arg9 : memref<64x128xf32, #tpu.memory_space<vmem>>)
      %dma_wait3A_143 = arith.constant 0 : i32
      %dma_wait3A_144 = arith.constant 0 : i32
      %dma_wait3A_145 = tpu.memref_slice %arg5[%dma_wait3A_143, %dma_wait3A_144] : memref<320000x128xf32, #tpu.memory_space<hbm>> -> memref<64x128xf32, #tpu.memory_space<hbm>>
      %dma_wait3A_146 = arith.constant 0 : i32
      %dma_wait3A_147 = arith.constant 0 : i32
      %dma_wait3A_148 = tpu.memref_slice %arg5[%dma_wait3A_146, %dma_wait3A_147] : memref<320000x128xf32, #tpu.memory_space<hbm>> -> memref<64x128xf32, #tpu.memory_space<hbm>>
      tpu.wait_dma2 semaphore(%arg18 : memref<!tpu.dma_semaphore, #tpu.memory_space<semaphore_mem>>) src(%dma_wait3A_148 : memref<64x128xf32, #tpu.memory_space<hbm>>) dst(%arg10 : memref<64x128xf32, #tpu.memory_space<vmem>>)
      %parallel_loop3A = arith.constant 0 : i32
      %parallel_loop3A_149 = arith.constant 64 : i32
      %parallel_loop3A_150 = arith.constant 1 : i32
      scf.for %parallel_loop3A_192 = %parallel_loop3A to %parallel_loop3A_149 step %parallel_loop3A_150  : i32 {
        %parallel_loop3A_193 = arith.index_cast %parallel_loop3A_192 : i32 to index
        %parallel_loop3A_194 = arith.constant 0 : index
        %parallel_loop3A_195 = tpu.vector_load %arg8[%parallel_loop3A_193, %parallel_loop3A_194] {strides = array<i32>} : memref<64x128xf32, #tpu.memory_space<vmem>>, vector<1x16xf32>,
        %parallel_loop3A_196 = vector.shape_cast %parallel_loop3A_195 : vector<1x16xf32> to vector<16xf32>
        %parallel_loop3A_197 = arith.index_cast %parallel_loop3A_192 : i32 to index
        %parallel_loop3A_198 = arith.constant 0 : index
        %parallel_loop3A_199 = tpu.vector_load %arg9[%parallel_loop3A_197, %parallel_loop3A_198] {strides = array<i32>} : memref<64x128xf32, #tpu.memory_space<vmem>>, vector<1x16xf32>,
        %parallel_loop3A_200 = vector.shape_cast %parallel_loop3A_199 : vector<1x16xf32> to vector<16xf32>
        %parallel_loop3A_201 = arith.addf %parallel_loop3A_196, %parallel_loop3A_200 : vector<16xf32>
        %parallel_loop3A_202 = arith.index_cast %parallel_loop3A_192 : i32 to index
        %parallel_loop3A_203 = arith.constant 0 : index
        %parallel_loop3A_204 = tpu.vector_load %arg10[%parallel_loop3A_202, %parallel_loop3A_203] {strides = array<i32>} : memref<64x128xf32, #tpu.memory_space<vmem>>, vector<1x16xf32>,
        %parallel_loop3A_205 = vector.shape_cast %parallel_loop3A_204 : vector<1x16xf32> to vector<16xf32>
        %parallel_loop3A_206 = arith.addf %parallel_loop3A_201, %parallel_loop3A_205 : vector<16xf32>
        %parallel_loop3A_207 = arith.constant 0.000000e+00 : f32
        %parallel_loop3A_208 = vector.broadcast %parallel_loop3A_207 : f32 to vector<16xf32>
        %parallel_loop3A_209 = arith.maximumf %parallel_loop3A_206, %parallel_loop3A_208 : vector<16xf32>
        %parallel_loop3A_210 = arith.index_cast %parallel_loop3A_192 : i32 to index
        %parallel_loop3A_211 = arith.constant 0 : index
        %parallel_loop3A_212 = tpu.vector_load %arg8[%parallel_loop3A_210, %parallel_loop3A_211] {strides = array<i32>} : memref<64x128xf32, #tpu.memory_space<vmem>>, vector<1x16xf32>,
        %parallel_loop3A_213 = vector.shape_cast %parallel_loop3A_212 : vector<1x16xf32> to vector<16xf32>
        %parallel_loop3A_214 = vector.shape_cast %parallel_loop3A_209 : vector<16xf32> to vector<1x16xf32>
        tpu.vector_store %arg8[%parallel_loop3A_210, %parallel_loop3A_211], %parallel_loop3A_214 {strides = array<i32>} : memref<64x128xf32, #tpu.memory_space<vmem>>, vector<1x16xf32>,
        %parallel_loop3A_215 = arith.index_cast %parallel_loop3A_192 : i32 to index
        %parallel_loop3A_216 = arith.constant 16 : index
        %parallel_loop3A_217 = tpu.vector_load %arg8[%parallel_loop3A_215, %parallel_loop3A_216] {strides = array<i32>} : memref<64x128xf32, #tpu.memory_space<vmem>>, vector<1x16xf32>,
        %parallel_loop3A_218 = vector.shape_cast %parallel_loop3A_217 : vector<1x16xf32> to vector<16xf32>
        %parallel_loop3A_219 = arith.index_cast %parallel_loop3A_192 : i32 to index
        %parallel_loop3A_220 = arith.constant 16 : index
        %parallel_loop3A_221 = tpu.vector_load %arg9[%parallel_loop3A_219, %parallel_loop3A_220] {strides = array<i32>} : memref<64x128xf32, #tpu.memory_space<vmem>>, vector<1x16xf32>,
        %parallel_loop3A_222 = vector.shape_cast %parallel_loop3A_221 : vector<1x16xf32> to vector<16xf32>
        %parallel_loop3A_223 = arith.addf %parallel_loop3A_218, %parallel_loop3A_222 : vector<16xf32>
        %parallel_loop3A_224 = arith.index_cast %parallel_loop3A_192 : i32 to index
        %parallel_loop3A_225 = arith.constant 16 : index
        %parallel_loop3A_226 = tpu.vector_load %arg10[%parallel_loop3A_224, %parallel_loop3A_225] {strides = array<i32>} : memref<64x128xf32, #tpu.memory_space<vmem>>, vector<1x16xf32>,
        %parallel_loop3A_227 = vector.shape_cast %parallel_loop3A_226 : vector<1x16xf32> to vector<16xf32>
        %parallel_loop3A_228 = arith.addf %parallel_loop3A_223, %parallel_loop3A_227 : vector<16xf32>
        %parallel_loop3A_229 = arith.constant 0.000000e+00 : f32
        %parallel_loop3A_230 = vector.broadcast %parallel_loop3A_229 : f32 to vector<16xf32>
        %parallel_loop3A_231 = arith.maximumf %parallel_loop3A_228, %parallel_loop3A_230 : vector<16xf32>
        %parallel_loop3A_232 = arith.index_cast %parallel_loop3A_192 : i32 to index
        %parallel_loop3A_233 = arith.constant 16 : index
        %parallel_loop3A_234 = tpu.vector_load %arg8[%parallel_loop3A_232, %parallel_loop3A_233] {strides = array<i32>} : memref<64x128xf32, #tpu.memory_space<vmem>>, vector<1x16xf32>,
        %parallel_loop3A_235 = vector.shape_cast %parallel_loop3A_234 : vector<1x16xf32> to vector<16xf32>
        %parallel_loop3A_236 = vector.shape_cast %parallel_loop3A_231 : vector<16xf32> to vector<1x16xf32>
        tpu.vector_store %arg8[%parallel_loop3A_232, %parallel_loop3A_233], %parallel_loop3A_236 {strides = array<i32>} : memref<64x128xf32, #tpu.memory_space<vmem>>, vector<1x16xf32>,
        %parallel_loop3A_237 = arith.index_cast %parallel_loop3A_192 : i32 to index
        %parallel_loop3A_238 = arith.constant 32 : index
        %parallel_loop3A_239 = tpu.vector_load %arg8[%parallel_loop3A_237, %parallel_loop3A_238] {strides = array<i32>} : memref<64x128xf32, #tpu.memory_space<vmem>>, vector<1x16xf32>,
        %parallel_loop3A_240 = vector.shape_cast %parallel_loop3A_239 : vector<1x16xf32> to vector<16xf32>
        %parallel_loop3A_241 = arith.index_cast %parallel_loop3A_192 : i32 to index
        %parallel_loop3A_242 = arith.constant 32 : index
        %parallel_loop3A_243 = tpu.vector_load %arg9[%parallel_loop3A_241, %parallel_loop3A_242] {strides = array<i32>} : memref<64x128xf32, #tpu.memory_space<vmem>>, vector<1x16xf32>,
        %parallel_loop3A_244 = vector.shape_cast %parallel_loop3A_243 : vector<1x16xf32> to vector<16xf32>
        %parallel_loop3A_245 = arith.addf %parallel_loop3A_240, %parallel_loop3A_244 : vector<16xf32>
        %parallel_loop3A_246 = arith.index_cast %parallel_loop3A_192 : i32 to index
        %parallel_loop3A_247 = arith.constant 32 : index
        %parallel_loop3A_248 = tpu.vector_load %arg10[%parallel_loop3A_246, %parallel_loop3A_247] {strides = array<i32>} : memref<64x128xf32, #tpu.memory_space<vmem>>, vector<1x16xf32>,
        %parallel_loop3A_249 = vector.shape_cast %parallel_loop3A_248 : vector<1x16xf32> to vector<16xf32>
        %parallel_loop3A_250 = arith.addf %parallel_loop3A_245, %parallel_loop3A_249 : vector<16xf32>
        %parallel_loop3A_251 = arith.constant 0.000000e+00 : f32
        %parallel_loop3A_252 = vector.broadcast %parallel_loop3A_251 : f32 to vector<16xf32>
        %parallel_loop3A_253 = arith.maximumf %parallel_loop3A_250, %parallel_loop3A_252 : vector<16xf32>
        %parallel_loop3A_254 = arith.index_cast %parallel_loop3A_192 : i32 to index
        %parallel_loop3A_255 = arith.constant 32 : index
        %parallel_loop3A_256 = tpu.vector_load %arg8[%parallel_loop3A_254, %parallel_loop3A_255] {strides = array<i32>} : memref<64x128xf32, #tpu.memory_space<vmem>>, vector<1x16xf32>,
        %parallel_loop3A_257 = vector.shape_cast %parallel_loop3A_256 : vector<1x16xf32> to vector<16xf32>
        %parallel_loop3A_258 = vector.shape_cast %parallel_loop3A_253 : vector<16xf32> to vector<1x16xf32>
        tpu.vector_store %arg8[%parallel_loop3A_254, %parallel_loop3A_255], %parallel_loop3A_258 {strides = array<i32>} : memref<64x128xf32, #tpu.memory_space<vmem>>, vector<1x16xf32>,
        %parallel_loop3A_259 = arith.index_cast %parallel_loop3A_192 : i32 to index
        %parallel_loop3A_260 = arith.constant 48 : index
        %parallel_loop3A_261 = tpu.vector_load %arg8[%parallel_loop3A_259, %parallel_loop3A_260] {strides = array<i32>} : memref<64x128xf32, #tpu.memory_space<vmem>>, vector<1x16xf32>,
        %parallel_loop3A_262 = vector.shape_cast %parallel_loop3A_261 : vector<1x16xf32> to vector<16xf32>
        %parallel_loop3A_263 = arith.index_cast %parallel_loop3A_192 : i32 to index
        %parallel_loop3A_264 = arith.constant 48 : index
        %parallel_loop3A_265 = tpu.vector_load %arg9[%parallel_loop3A_263, %parallel_loop3A_264] {strides = array<i32>} : memref<64x128xf32, #tpu.memory_space<vmem>>, vector<1x16xf32>,
        %parallel_loop3A_266 = vector.shape_cast %parallel_loop3A_265 : vector<1x16xf32> to vector<16xf32>
        %parallel_loop3A_267 = arith.addf %parallel_loop3A_262, %parallel_loop3A_266 : vector<16xf32>
        %parallel_loop3A_268 = arith.index_cast %parallel_loop3A_192 : i32 to index
        %parallel_loop3A_269 = arith.constant 48 : index
        %parallel_loop3A_270 = tpu.vector_load %arg10[%parallel_loop3A_268, %parallel_loop3A_269] {strides = array<i32>} : memref<64x128xf32, #tpu.memory_space<vmem>>, vector<1x16xf32>,
        %parallel_loop3A_271 = vector.shape_cast %parallel_loop3A_270 : vector<1x16xf32> to vector<16xf32>
        %parallel_loop3A_272 = arith.addf %parallel_loop3A_267, %parallel_loop3A_271 : vector<16xf32>
        %parallel_loop3A_273 = arith.constant 0.000000e+00 : f32
        %parallel_loop3A_274 = vector.broadcast %parallel_loop3A_273 : f32 to vector<16xf32>
        %parallel_loop3A_275 = arith.maximumf %parallel_loop3A_272, %parallel_loop3A_274 : vector<16xf32>
        %parallel_loop3A_276 = arith.index_cast %parallel_loop3A_192 : i32 to index
        %parallel_loop3A_277 = arith.constant 48 : index
        %parallel_loop3A_278 = tpu.vector_load %arg8[%parallel_loop3A_276, %parallel_loop3A_277] {strides = array<i32>} : memref<64x128xf32, #tpu.memory_space<vmem>>, vector<1x16xf32>,
        %parallel_loop3A_279 = vector.shape_cast %parallel_loop3A_278 : vector<1x16xf32> to vector<16xf32>
        %parallel_loop3A_280 = vector.shape_cast %parallel_loop3A_275 : vector<16xf32> to vector<1x16xf32>
        tpu.vector_store %arg8[%parallel_loop3A_276, %parallel_loop3A_277], %parallel_loop3A_280 {strides = array<i32>} : memref<64x128xf32, #tpu.memory_space<vmem>>, vector<1x16xf32>,
        %parallel_loop3A_281 = arith.index_cast %parallel_loop3A_192 : i32 to index
        %parallel_loop3A_282 = arith.constant 64 : index
        %parallel_loop3A_283 = tpu.vector_load %arg8[%parallel_loop3A_281, %parallel_loop3A_282] {strides = array<i32>} : memref<64x128xf32, #tpu.memory_space<vmem>>, vector<1x16xf32>,
        %parallel_loop3A_284 = vector.shape_cast %parallel_loop3A_283 : vector<1x16xf32> to vector<16xf32>
        %parallel_loop3A_285 = arith.index_cast %parallel_loop3A_192 : i32 to index
        %parallel_loop3A_286 = arith.constant 64 : index
        %parallel_loop3A_287 = tpu.vector_load %arg9[%parallel_loop3A_285, %parallel_loop3A_286] {strides = array<i32>} : memref<64x128xf32, #tpu.memory_space<vmem>>, vector<1x16xf32>,
        %parallel_loop3A_288 = vector.shape_cast %parallel_loop3A_287 : vector<1x16xf32> to vector<16xf32>
        %parallel_loop3A_289 = arith.addf %parallel_loop3A_284, %parallel_loop3A_288 : vector<16xf32>
        %parallel_loop3A_290 = arith.index_cast %parallel_loop3A_192 : i32 to index
        %parallel_loop3A_291 = arith.constant 64 : index
        %parallel_loop3A_292 = tpu.vector_load %arg10[%parallel_loop3A_290, %parallel_loop3A_291] {strides = array<i32>} : memref<64x128xf32, #tpu.memory_space<vmem>>, vector<1x16xf32>,
        %parallel_loop3A_293 = vector.shape_cast %parallel_loop3A_292 : vector<1x16xf32> to vector<16xf32>
        %parallel_loop3A_294 = arith.addf %parallel_loop3A_289, %parallel_loop3A_293 : vector<16xf32>
        %parallel_loop3A_295 = arith.constant 0.000000e+00 : f32
        %parallel_loop3A_296 = vector.broadcast %parallel_loop3A_295 : f32 to vector<16xf32>
        %parallel_loop3A_297 = arith.maximumf %parallel_loop3A_294, %parallel_loop3A_296 : vector<16xf32>
        %parallel_loop3A_298 = arith.index_cast %parallel_loop3A_192 : i32 to index
        %parallel_loop3A_299 = arith.constant 64 : index
        %parallel_loop3A_300 = tpu.vector_load %arg8[%parallel_loop3A_298, %parallel_loop3A_299] {strides = array<i32>} : memref<64x128xf32, #tpu.memory_space<vmem>>, vector<1x16xf32>,
        %parallel_loop3A_301 = vector.shape_cast %parallel_loop3A_300 : vector<1x16xf32> to vector<16xf32>
        %parallel_loop3A_302 = vector.shape_cast %parallel_loop3A_297 : vector<16xf32> to vector<1x16xf32>
        tpu.vector_store %arg8[%parallel_loop3A_298, %parallel_loop3A_299], %parallel_loop3A_302 {strides = array<i32>} : memref<64x128xf32, #tpu.memory_space<vmem>>, vector<1x16xf32>,
        %parallel_loop3A_303 = arith.index_cast %parallel_loop3A_192 : i32 to index
        %parallel_loop3A_304 = arith.constant 80 : index
        %parallel_loop3A_305 = tpu.vector_load %arg8[%parallel_loop3A_303, %parallel_loop3A_304] {strides = array<i32>} : memref<64x128xf32, #tpu.memory_space<vmem>>, vector<1x16xf32>,
        %parallel_loop3A_306 = vector.shape_cast %parallel_loop3A_305 : vector<1x16xf32> to vector<16xf32>
        %parallel_loop3A_307 = arith.index_cast %parallel_loop3A_192 : i32 to index
        %parallel_loop3A_308 = arith.constant 80 : index
        %parallel_loop3A_309 = tpu.vector_load %arg9[%parallel_loop3A_307, %parallel_loop3A_308] {strides = array<i32>} : memref<64x128xf32, #tpu.memory_space<vmem>>, vector<1x16xf32>,
        %parallel_loop3A_310 = vector.shape_cast %parallel_loop3A_309 : vector<1x16xf32> to vector<16xf32>
        %parallel_loop3A_311 = arith.addf %parallel_loop3A_306, %parallel_loop3A_310 : vector<16xf32>
        %parallel_loop3A_312 = arith.index_cast %parallel_loop3A_192 : i32 to index
        %parallel_loop3A_313 = arith.constant 80 : index
        %parallel_loop3A_314 = tpu.vector_load %arg10[%parallel_loop3A_312, %parallel_loop3A_313] {strides = array<i32>} : memref<64x128xf32, #tpu.memory_space<vmem>>, vector<1x16xf32>,
        %parallel_loop3A_315 = vector.shape_cast %parallel_loop3A_314 : vector<1x16xf32> to vector<16xf32>
        %parallel_loop3A_316 = arith.addf %parallel_loop3A_311, %parallel_loop3A_315 : vector<16xf32>
        %parallel_loop3A_317 = arith.constant 0.000000e+00 : f32
        %parallel_loop3A_318 = vector.broadcast %parallel_loop3A_317 : f32 to vector<16xf32>
        %parallel_loop3A_319 = arith.maximumf %parallel_loop3A_316, %parallel_loop3A_318 : vector<16xf32>
        %parallel_loop3A_320 = arith.index_cast %parallel_loop3A_192 : i32 to index
        %parallel_loop3A_321 = arith.constant 80 : index
        %parallel_loop3A_322 = tpu.vector_load %arg8[%parallel_loop3A_320, %parallel_loop3A_321] {strides = array<i32>} : memref<64x128xf32, #tpu.memory_space<vmem>>, vector<1x16xf32>,
        %parallel_loop3A_323 = vector.shape_cast %parallel_loop3A_322 : vector<1x16xf32> to vector<16xf32>
        %parallel_loop3A_324 = vector.shape_cast %parallel_loop3A_319 : vector<16xf32> to vector<1x16xf32>
        tpu.vector_store %arg8[%parallel_loop3A_320, %parallel_loop3A_321], %parallel_loop3A_324 {strides = array<i32>} : memref<64x128xf32, #tpu.memory_space<vmem>>, vector<1x16xf32>,
        %parallel_loop3A_325 = arith.index_cast %parallel_loop3A_192 : i32 to index
        %parallel_loop3A_326 = arith.constant 96 : index
        %parallel_loop3A_327 = tpu.vector_load %arg8[%parallel_loop3A_325, %parallel_loop3A_326] {strides = array<i32>} : memref<64x128xf32, #tpu.memory_space<vmem>>, vector<1x16xf32>,
        %parallel_loop3A_328 = vector.shape_cast %parallel_loop3A_327 : vector<1x16xf32> to vector<16xf32>
        %parallel_loop3A_329 = arith.index_cast %parallel_loop3A_192 : i32 to index
        %parallel_loop3A_330 = arith.constant 96 : index
        %parallel_loop3A_331 = tpu.vector_load %arg9[%parallel_loop3A_329, %parallel_loop3A_330] {strides = array<i32>} : memref<64x128xf32, #tpu.memory_space<vmem>>, vector<1x16xf32>,
        %parallel_loop3A_332 = vector.shape_cast %parallel_loop3A_331 : vector<1x16xf32> to vector<16xf32>
        %parallel_loop3A_333 = arith.addf %parallel_loop3A_328, %parallel_loop3A_332 : vector<16xf32>
        %parallel_loop3A_334 = arith.index_cast %parallel_loop3A_192 : i32 to index
        %parallel_loop3A_335 = arith.constant 96 : index
        %parallel_loop3A_336 = tpu.vector_load %arg10[%parallel_loop3A_334, %parallel_loop3A_335] {strides = array<i32>} : memref<64x128xf32, #tpu.memory_space<vmem>>, vector<1x16xf32>,
        %parallel_loop3A_337 = vector.shape_cast %parallel_loop3A_336 : vector<1x16xf32> to vector<16xf32>
        %parallel_loop3A_338 = arith.addf %parallel_loop3A_333, %parallel_loop3A_337 : vector<16xf32>
        %parallel_loop3A_339 = arith.constant 0.000000e+00 : f32
        %parallel_loop3A_340 = vector.broadcast %parallel_loop3A_339 : f32 to vector<16xf32>
        %parallel_loop3A_341 = arith.maximumf %parallel_loop3A_338, %parallel_loop3A_340 : vector<16xf32>
        %parallel_loop3A_342 = arith.index_cast %parallel_loop3A_192 : i32 to index
        %parallel_loop3A_343 = arith.constant 96 : index
        %parallel_loop3A_344 = tpu.vector_load %arg8[%parallel_loop3A_342, %parallel_loop3A_343] {strides = array<i32>} : memref<64x128xf32, #tpu.memory_space<vmem>>, vector<1x16xf32>,
        %parallel_loop3A_345 = vector.shape_cast %parallel_loop3A_344 : vector<1x16xf32> to vector<16xf32>
        %parallel_loop3A_346 = vector.shape_cast %parallel_loop3A_341 : vector<16xf32> to vector<1x16xf32>
        tpu.vector_store %arg8[%parallel_loop3A_342, %parallel_loop3A_343], %parallel_loop3A_346 {strides = array<i32>} : memref<64x128xf32, #tpu.memory_space<vmem>>, vector<1x16xf32>,
        %parallel_loop3A_347 = arith.index_cast %parallel_loop3A_192 : i32 to index
        %parallel_loop3A_348 = arith.constant 112 : index
        %parallel_loop3A_349 = tpu.vector_load %arg8[%parallel_loop3A_347, %parallel_loop3A_348] {strides = array<i32>} : memref<64x128xf32, #tpu.memory_space<vmem>>, vector<1x16xf32>,
        %parallel_loop3A_350 = vector.shape_cast %parallel_loop3A_349 : vector<1x16xf32> to vector<16xf32>
        %parallel_loop3A_351 = arith.index_cast %parallel_loop3A_192 : i32 to index
        %parallel_loop3A_352 = arith.constant 112 : index
        %parallel_loop3A_353 = tpu.vector_load %arg9[%parallel_loop3A_351, %parallel_loop3A_352] {strides = array<i32>} : memref<64x128xf32, #tpu.memory_space<vmem>>, vector<1x16xf32>,
        %parallel_loop3A_354 = vector.shape_cast %parallel_loop3A_353 : vector<1x16xf32> to vector<16xf32>
        %parallel_loop3A_355 = arith.addf %parallel_loop3A_350, %parallel_loop3A_354 : vector<16xf32>
        %parallel_loop3A_356 = arith.index_cast %parallel_loop3A_192 : i32 to index
        %parallel_loop3A_357 = arith.constant 112 : index
        %parallel_loop3A_358 = tpu.vector_load %arg10[%parallel_loop3A_356, %parallel_loop3A_357] {strides = array<i32>} : memref<64x128xf32, #tpu.memory_space<vmem>>, vector<1x16xf32>,
        %parallel_loop3A_359 = vector.shape_cast %parallel_loop3A_358 : vector<1x16xf32> to vector<16xf32>
        %parallel_loop3A_360 = arith.addf %parallel_loop3A_355, %parallel_loop3A_359 : vector<16xf32>
        %parallel_loop3A_361 = arith.constant 0.000000e+00 : f32
        %parallel_loop3A_362 = vector.broadcast %parallel_loop3A_361 : f32 to vector<16xf32>
        %parallel_loop3A_363 = arith.maximumf %parallel_loop3A_360, %parallel_loop3A_362 : vector<16xf32>
        %parallel_loop3A_364 = arith.index_cast %parallel_loop3A_192 : i32 to index
        %parallel_loop3A_365 = arith.constant 112 : index
        %parallel_loop3A_366 = tpu.vector_load %arg8[%parallel_loop3A_364, %parallel_loop3A_365] {strides = array<i32>} : memref<64x128xf32, #tpu.memory_space<vmem>>, vector<1x16xf32>,
        %parallel_loop3A_367 = vector.shape_cast %parallel_loop3A_366 : vector<1x16xf32> to vector<16xf32>
        %parallel_loop3A_368 = vector.shape_cast %parallel_loop3A_363 : vector<16xf32> to vector<1x16xf32>
        tpu.vector_store %arg8[%parallel_loop3A_364, %parallel_loop3A_365], %parallel_loop3A_368 {strides = array<i32>} : memref<64x128xf32, #tpu.memory_space<vmem>>, vector<1x16xf32>,
      } {sc.loop_unroll_factor = 4 : i64, sc.parallel_access}
      %run_scoped3A = arith.constant 1 : i32
      "tpu.region"() ({
        %run_scoped3A_192 = tpu.sem_alloc : memref<!tpu.dma_semaphore, #tpu.memory_space<semaphore_mem>>
        %dma_start3A_193 = arith.constant 0 : i32
        %dma_start3A_194 = tpu.memref_slice %arg7[%run_scoped3A, %dma_start3A_193] : memref<2x64xi32, #tpu.memory_space<vmem>> -> memref<1x64xi32, #tpu.memory_space<vmem>>
        %dma_start3A_195 = tpu.memref_squeeze %dma_start3A_194 : memref<1x64xi32, #tpu.memory_space<vmem>> -> memref<64xi32, #tpu.memory_space<vmem>>
        %dma_start3A_196 = arith.constant 0 : i32
        %dma_start3A_197 = arith.constant 0 : i32
        %dma_start3A_198 = tpu.memref_slice %arg15[%dma_start3A_196, %dma_start3A_197] : memref<10000x128xf32, #tpu.memory_space<vmem_shared>> -> memref<10000x128xf32, #tpu.memory_space<vmem_shared>>
        tpu.enqueue_indirect_dma source(%arg8 : memref<64x128xf32, #tpu.memory_space<vmem>>) target(%dma_start3A_198 : memref<10000x128xf32, #tpu.memory_space<vmem_shared>>) offsets(%dma_start3A_195 : memref<64xi32, #tpu.memory_space<vmem>>) semaphore(%run_scoped3A_192 : memref<!tpu.dma_semaphore, #tpu.memory_space<semaphore_mem>>) {add = true}
        %dma_wait3A_199 = arith.constant 0 : i32
        %dma_wait3A_200 = tpu.memref_slice %arg7[%run_scoped3A, %dma_wait3A_199] : memref<2x64xi32, #tpu.memory_space<vmem>> -> memref<1x64xi32, #tpu.memory_space<vmem>>
        %dma_wait3A_201 = tpu.memref_squeeze %dma_wait3A_200 : memref<1x64xi32, #tpu.memory_space<vmem>> -> memref<64xi32, #tpu.memory_space<vmem>>
        %dma_wait3A_202 = arith.constant 0 : i32
        %dma_wait3A_203 = arith.constant 0 : i32
        %dma_wait3A_204 = tpu.memref_slice %arg15[%dma_wait3A_202, %dma_wait3A_203] : memref<10000x128xf32, #tpu.memory_space<vmem_shared>> -> memref<10000x128xf32, #tpu.memory_space<vmem_shared>>
        tpu.wait_indirect_dma semaphore(%run_scoped3A_192 : memref<!tpu.dma_semaphore, #tpu.memory_space<semaphore_mem>>) src(%arg8 : memref<64x128xf32, #tpu.memory_space<vmem>>) dst(%dma_wait3A_204 : memref<10000x128xf32, #tpu.memory_space<vmem_shared>>)
        tpu.yield
      }) : () -> ()
      %add3A_151 = arith.constant 2 : i32
      %add3A_152 = arith.addi %mul3A_129, %add3A_151 : i32
      %lt3A_153 = arith.cmpi slt, %add3A_152, %add3A_28 : i32
      %convert_element_type3A_154 = arith.extui %lt3A_153 : i1 to i32
      %cond3A_155 = arith.constant 0 : i32
      %cond3A_156 = arith.cmpi ne, %convert_element_type3A_154, %cond3A_155 : i32
      scf.if %cond3A_156 {
        %add3A_192 = arith.constant 2 : i32
        %add3A_193 = arith.addi %mul3A_129, %add3A_192 : i32
        %add3A_194 = arith.addi %add3A_24, %add3A_193 : i32
        "tpu.region"() ({
          %run_scoped3A_215 = tpu.sem_alloc : memref<!tpu.dma_semaphore, #tpu.memory_space<semaphore_mem>>
          %dma_start3A_216 = arith.constant 0 : i32
          %dma_start3A_217 = arith.constant 0 : i32
          %dma_start3A_218 = tpu.memref_slice %arg2[%add3A_194, %dma_start3A_216, %dma_start3A_217] : memref<5000x2x64xi32, #tpu.memory_space<hbm>> -> memref<1x2x64xi32, #tpu.memory_space<hbm>>
          %dma_start3A_219 = tpu.memref_squeeze %dma_start3A_218 : memref<1x2x64xi32, #tpu.memory_space<hbm>> -> memref<2x64xi32, #tpu.memory_space<hbm>>
          %dma_start3A_220 = arith.constant 0 : i32
          %dma_start3A_221 = arith.constant 0 : i32
          %dma_start3A_222 = tpu.memref_slice %arg2[%add3A_194, %dma_start3A_220, %dma_start3A_221] : memref<5000x2x64xi32, #tpu.memory_space<hbm>> -> memref<1x2x64xi32, #tpu.memory_space<hbm>>
          %dma_start3A_223 = tpu.memref_squeeze %dma_start3A_222 : memref<1x2x64xi32, #tpu.memory_space<hbm>> -> memref<2x64xi32, #tpu.memory_space<hbm>>
          tpu.enqueue_dma source(%dma_start3A_223 : memref<2x64xi32, #tpu.memory_space<hbm>>) target(%arg7 : memref<2x64xi32, #tpu.memory_space<vmem>>) target_semaphore(%run_scoped3A_215 : memref<!tpu.dma_semaphore, #tpu.memory_space<semaphore_mem>>)
          %dma_wait3A_224 = arith.constant 0 : i32
          %dma_wait3A_225 = arith.constant 0 : i32
          %dma_wait3A_226 = tpu.memref_slice %arg2[%add3A_194, %dma_wait3A_224, %dma_wait3A_225] : memref<5000x2x64xi32, #tpu.memory_space<hbm>> -> memref<1x2x64xi32, #tpu.memory_space<hbm>>
          %dma_wait3A_227 = tpu.memref_squeeze %dma_wait3A_226 : memref<1x2x64xi32, #tpu.memory_space<hbm>> -> memref<2x64xi32, #tpu.memory_space<hbm>>
          %dma_wait3A_228 = arith.constant 0 : i32
          %dma_wait3A_229 = arith.constant 0 : i32
          %dma_wait3A_230 = tpu.memref_slice %arg2[%add3A_194, %dma_wait3A_228, %dma_wait3A_229] : memref<5000x2x64xi32, #tpu.memory_space<hbm>> -> memref<1x2x64xi32, #tpu.memory_space<hbm>>
          %dma_wait3A_231 = tpu.memref_squeeze %dma_wait3A_230 : memref<1x2x64xi32, #tpu.memory_space<hbm>> -> memref<2x64xi32, #tpu.memory_space<hbm>>
          tpu.wait_dma2 semaphore(%run_scoped3A_215 : memref<!tpu.dma_semaphore, #tpu.memory_space<semaphore_mem>>) src(%dma_wait3A_231 : memref<2x64xi32, #tpu.memory_space<hbm>>) dst(%arg7 : memref<2x64xi32, #tpu.memory_space<vmem>>)
          tpu.yield
        }) : () -> ()
        %dma_start3A_195 = arith.constant 0 : i32
        %dma_start3A_196 = arith.constant 0 : i32
        %dma_start3A_197 = tpu.memref_slice %arg7[%dma_start3A_195, %dma_start3A_196] : memref<2x64xi32, #tpu.memory_space<vmem>> -> memref<1x64xi32, #tpu.memory_space<vmem>>
        %dma_start3A_198 = tpu.memref_squeeze %dma_start3A_197 : memref<1x64xi32, #tpu.memory_space<vmem>> -> memref<64xi32, #tpu.memory_space<vmem>>
        %dma_start3A_199 = arith.constant 0 : i32
        %dma_start3A_200 = arith.constant 0 : i32
        %dma_start3A_201 = tpu.memref_slice %arg3[%dma_start3A_199, %dma_start3A_200] : memref<10000x128xf32, #tpu.memory_space<hbm>> -> memref<10000x128xf32, #tpu.memory_space<hbm>>
        tpu.enqueue_indirect_dma source(%dma_start3A_201 : memref<10000x128xf32, #tpu.memory_space<hbm>>) target(%arg8 : memref<64x128xf32, #tpu.memory_space<vmem>>) offsets(%dma_start3A_198 : memref<64xi32, #tpu.memory_space<vmem>>) semaphore(%arg16 : memref<!tpu.dma_semaphore, #tpu.memory_space<semaphore_mem>>)
        %dma_start3A_202 = arith.constant 1 : i32
        %dma_start3A_203 = arith.constant 0 : i32
        %dma_start3A_204 = tpu.memref_slice %arg7[%dma_start3A_202, %dma_start3A_203] : memref<2x64xi32, #tpu.memory_space<vmem>> -> memref<1x64xi32, #tpu.memory_space<vmem>>
        %dma_start3A_205 = tpu.memref_squeeze %dma_start3A_204 : memref<1x64xi32, #tpu.memory_space<vmem>> -> memref<64xi32, #tpu.memory_space<vmem>>
        %dma_start3A_206 = arith.constant 0 : i32
        %dma_start3A_207 = arith.constant 0 : i32
        %dma_start3A_208 = tpu.memref_slice %arg4[%dma_start3A_206, %dma_start3A_207] : memref<10000x128xf32, #tpu.memory_space<hbm>> -> memref<10000x128xf32, #tpu.memory_space<hbm>>
        tpu.enqueue_indirect_dma source(%dma_start3A_208 : memref<10000x128xf32, #tpu.memory_space<hbm>>) target(%arg9 : memref<64x128xf32, #tpu.memory_space<vmem>>) offsets(%dma_start3A_205 : memref<64xi32, #tpu.memory_space<vmem>>) semaphore(%arg17 : memref<!tpu.dma_semaphore, #tpu.memory_space<semaphore_mem>>)
        %mul3A_209 = arith.constant 64 : i32
        %mul3A_210 = arith.muli %add3A_194, %mul3A_209 : i32
        %dma_start3A_211 = arith.constant 0 : i32
        %dma_start3A_212 = tpu.memref_slice %arg5[%mul3A_210, %dma_start3A_211] : memref<320000x128xf32, #tpu.memory_space<hbm>> -> memref<64x128xf32, #tpu.memory_space<hbm>>
        %dma_start3A_213 = arith.constant 0 : i32
        %dma_start3A_214 = tpu.memref_slice %arg5[%mul3A_210, %dma_start3A_213] : memref<320000x128xf32, #tpu.memory_space<hbm>> -> memref<64x128xf32, #tpu.memory_space<hbm>>
        tpu.enqueue_dma source(%dma_start3A_214 : memref<64x128xf32, #tpu.memory_space<hbm>>) target(%arg10 : memref<64x128xf32, #tpu.memory_space<vmem>>) target_semaphore(%arg18 : memref<!tpu.dma_semaphore, #tpu.memory_space<semaphore_mem>>)
      } else {
      }
      %mul3A_157 = arith.constant 2 : i32
      %mul3A_158 = arith.muli %mul3A_157, %while3A_126 : i32
      %add3A_159 = arith.constant 1 : i32
      %add3A_160 = arith.addi %mul3A_158, %add3A_159 : i32
      %dma_wait3A_161 = arith.constant 0 : i32
      %dma_wait3A_162 = arith.constant 0 : i32
      %dma_wait3A_163 = tpu.memref_slice %arg11[%dma_wait3A_161, %dma_wait3A_162] : memref<2x64xi32, #tpu.memory_space<vmem>> -> memref<1x64xi32, #tpu.memory_space<vmem>>
      %dma_wait3A_164 = tpu.memref_squeeze %dma_wait3A_163 : memref<1x64xi32, #tpu.memory_space<vmem>> -> memref<64xi32, #tpu.memory_space<vmem>>
      %dma_wait3A_165 = arith.constant 0 : i32
      %dma_wait3A_166 = arith.constant 0 : i32
      %dma_wait3A_167 = tpu.memref_slice %arg3[%dma_wait3A_165, %dma_wait3A_166] : memref<10000x128xf32, #tpu.memory_space<hbm>> -> memref<10000x128xf32, #tpu.memory_space<hbm>>
      tpu.wait_indirect_dma semaphore(%arg19 : memref<!tpu.dma_semaphore, #tpu.memory_space<semaphore_mem>>) src(%dma_wait3A_167 : memref<10000x128xf32, #tpu.memory_space<hbm>>) dst(%arg12 : memref<64x128xf32, #tpu.memory_space<vmem>>)
      %dma_wait3A_168 = arith.constant 1 : i32
      %dma_wait3A_169 = arith.constant 0 : i32
      %dma_wait3A_170 = tpu.memref_slice %arg11[%dma_wait3A_168, %dma_wait3A_169] : memref<2x64xi32, #tpu.memory_space<vmem>> -> memref<1x64xi32, #tpu.memory_space<vmem>>
      %dma_wait3A_171 = tpu.memref_squeeze %dma_wait3A_170 : memref<1x64xi32, #tpu.memory_space<vmem>> -> memref<64xi32, #tpu.memory_space<vmem>>
      %dma_wait3A_172 = arith.constant 0 : i32
      %dma_wait3A_173 = arith.constant 0 : i32
      %dma_wait3A_174 = tpu.memref_slice %arg4[%dma_wait3A_172, %dma_wait3A_173] : memref<10000x128xf32, #tpu.memory_space<hbm>> -> memref<10000x128xf32, #tpu.memory_space<hbm>>
      tpu.wait_indirect_dma semaphore(%arg20 : memref<!tpu.dma_semaphore, #tpu.memory_space<semaphore_mem>>) src(%dma_wait3A_174 : memref<10000x128xf32, #tpu.memory_space<hbm>>) dst(%arg13 : memref<64x128xf32, #tpu.memory_space<vmem>>)
      %dma_wait3A_175 = arith.constant 0 : i32
      %dma_wait3A_176 = arith.constant 0 : i32
      %dma_wait3A_177 = tpu.memref_slice %arg5[%dma_wait3A_175, %dma_wait3A_176] : memref<320000x128xf32, #tpu.memory_space<hbm>> -> memref<64x128xf32, #tpu.memory_space<hbm>>
      %dma_wait3A_178 = arith.constant 0 : i32
      %dma_wait3A_179 = arith.constant 0 : i32
      %dma_wait3A_180 = tpu.memref_slice %arg5[%dma_wait3A_178, %dma_wait3A_179] : memref<320000x128xf32, #tpu.memory_space<hbm>> -> memref<64x128xf32, #tpu.memory_space<hbm>>
      tpu.wait_dma2 semaphore(%arg21 : memref<!tpu.dma_semaphore, #tpu.memory_space<semaphore_mem>>) src(%dma_wait3A_180 : memref<64x128xf32, #tpu.memory_space<hbm>>) dst(%arg14 : memref<64x128xf32, #tpu.memory_space<vmem>>)
      %parallel_loop3A_181 = arith.constant 0 : i32
      %parallel_loop3A_182 = arith.constant 64 : i32
      %parallel_loop3A_183 = arith.constant 1 : i32
      scf.for %parallel_loop3A_192 = %parallel_loop3A_181 to %parallel_loop3A_182 step %parallel_loop3A_183  : i32 {
        %parallel_loop3A_193 = arith.index_cast %parallel_loop3A_192 : i32 to index
        %parallel_loop3A_194 = arith.constant 0 : index
        %parallel_loop3A_195 = tpu.vector_load %arg12[%parallel_loop3A_193, %parallel_loop3A_194] {strides = array<i32>} : memref<64x128xf32, #tpu.memory_space<vmem>>, vector<1x16xf32>,
        %parallel_loop3A_196 = vector.shape_cast %parallel_loop3A_195 : vector<1x16xf32> to vector<16xf32>
        %parallel_loop3A_197 = arith.index_cast %parallel_loop3A_192 : i32 to index
        %parallel_loop3A_198 = arith.constant 0 : index
        %parallel_loop3A_199 = tpu.vector_load %arg13[%parallel_loop3A_197, %parallel_loop3A_198] {strides = array<i32>} : memref<64x128xf32, #tpu.memory_space<vmem>>, vector<1x16xf32>,
        %parallel_loop3A_200 = vector.shape_cast %parallel_loop3A_199 : vector<1x16xf32> to vector<16xf32>
        %parallel_loop3A_201 = arith.addf %parallel_loop3A_196, %parallel_loop3A_200 : vector<16xf32>
        %parallel_loop3A_202 = arith.index_cast %parallel_loop3A_192 : i32 to index
        %parallel_loop3A_203 = arith.constant 0 : index
        %parallel_loop3A_204 = tpu.vector_load %arg14[%parallel_loop3A_202, %parallel_loop3A_203] {strides = array<i32>} : memref<64x128xf32, #tpu.memory_space<vmem>>, vector<1x16xf32>,
        %parallel_loop3A_205 = vector.shape_cast %parallel_loop3A_204 : vector<1x16xf32> to vector<16xf32>
        %parallel_loop3A_206 = arith.addf %parallel_loop3A_201, %parallel_loop3A_205 : vector<16xf32>
        %parallel_loop3A_207 = arith.constant 0.000000e+00 : f32
        %parallel_loop3A_208 = vector.broadcast %parallel_loop3A_207 : f32 to vector<16xf32>
        %parallel_loop3A_209 = arith.maximumf %parallel_loop3A_206, %parallel_loop3A_208 : vector<16xf32>
        %parallel_loop3A_210 = arith.index_cast %parallel_loop3A_192 : i32 to index
        %parallel_loop3A_211 = arith.constant 0 : index
        %parallel_loop3A_212 = tpu.vector_load %arg12[%parallel_loop3A_210, %parallel_loop3A_211] {strides = array<i32>} : memref<64x128xf32, #tpu.memory_space<vmem>>, vector<1x16xf32>,
        %parallel_loop3A_213 = vector.shape_cast %parallel_loop3A_212 : vector<1x16xf32> to vector<16xf32>
        %parallel_loop3A_214 = vector.shape_cast %parallel_loop3A_209 : vector<16xf32> to vector<1x16xf32>
        tpu.vector_store %arg12[%parallel_loop3A_210, %parallel_loop3A_211], %parallel_loop3A_214 {strides = array<i32>} : memref<64x128xf32, #tpu.memory_space<vmem>>, vector<1x16xf32>,
        %parallel_loop3A_215 = arith.index_cast %parallel_loop3A_192 : i32 to index
        %parallel_loop3A_216 = arith.constant 16 : index
        %parallel_loop3A_217 = tpu.vector_load %arg12[%parallel_loop3A_215, %parallel_loop3A_216] {strides = array<i32>} : memref<64x128xf32, #tpu.memory_space<vmem>>, vector<1x16xf32>,
        %parallel_loop3A_218 = vector.shape_cast %parallel_loop3A_217 : vector<1x16xf32> to vector<16xf32>
        %parallel_loop3A_219 = arith.index_cast %parallel_loop3A_192 : i32 to index
        %parallel_loop3A_220 = arith.constant 16 : index
        %parallel_loop3A_221 = tpu.vector_load %arg13[%parallel_loop3A_219, %parallel_loop3A_220] {strides = array<i32>} : memref<64x128xf32, #tpu.memory_space<vmem>>, vector<1x16xf32>,
        %parallel_loop3A_222 = vector.shape_cast %parallel_loop3A_221 : vector<1x16xf32> to vector<16xf32>
        %parallel_loop3A_223 = arith.addf %parallel_loop3A_218, %parallel_loop3A_222 : vector<16xf32>
        %parallel_loop3A_224 = arith.index_cast %parallel_loop3A_192 : i32 to index
        %parallel_loop3A_225 = arith.constant 16 : index
        %parallel_loop3A_226 = tpu.vector_load %arg14[%parallel_loop3A_224, %parallel_loop3A_225] {strides = array<i32>} : memref<64x128xf32, #tpu.memory_space<vmem>>, vector<1x16xf32>,
        %parallel_loop3A_227 = vector.shape_cast %parallel_loop3A_226 : vector<1x16xf32> to vector<16xf32>
        %parallel_loop3A_228 = arith.addf %parallel_loop3A_223, %parallel_loop3A_227 : vector<16xf32>
        %parallel_loop3A_229 = arith.constant 0.000000e+00 : f32
        %parallel_loop3A_230 = vector.broadcast %parallel_loop3A_229 : f32 to vector<16xf32>
        %parallel_loop3A_231 = arith.maximumf %parallel_loop3A_228, %parallel_loop3A_230 : vector<16xf32>
        %parallel_loop3A_232 = arith.index_cast %parallel_loop3A_192 : i32 to index
        %parallel_loop3A_233 = arith.constant 16 : index
        %parallel_loop3A_234 = tpu.vector_load %arg12[%parallel_loop3A_232, %parallel_loop3A_233] {strides = array<i32>} : memref<64x128xf32, #tpu.memory_space<vmem>>, vector<1x16xf32>,
        %parallel_loop3A_235 = vector.shape_cast %parallel_loop3A_234 : vector<1x16xf32> to vector<16xf32>
        %parallel_loop3A_236 = vector.shape_cast %parallel_loop3A_231 : vector<16xf32> to vector<1x16xf32>
        tpu.vector_store %arg12[%parallel_loop3A_232, %parallel_loop3A_233], %parallel_loop3A_236 {strides = array<i32>} : memref<64x128xf32, #tpu.memory_space<vmem>>, vector<1x16xf32>,
        %parallel_loop3A_237 = arith.index_cast %parallel_loop3A_192 : i32 to index
        %parallel_loop3A_238 = arith.constant 32 : index
        %parallel_loop3A_239 = tpu.vector_load %arg12[%parallel_loop3A_237, %parallel_loop3A_238] {strides = array<i32>} : memref<64x128xf32, #tpu.memory_space<vmem>>, vector<1x16xf32>,
        %parallel_loop3A_240 = vector.shape_cast %parallel_loop3A_239 : vector<1x16xf32> to vector<16xf32>
        %parallel_loop3A_241 = arith.index_cast %parallel_loop3A_192 : i32 to index
        %parallel_loop3A_242 = arith.constant 32 : index
        %parallel_loop3A_243 = tpu.vector_load %arg13[%parallel_loop3A_241, %parallel_loop3A_242] {strides = array<i32>} : memref<64x128xf32, #tpu.memory_space<vmem>>, vector<1x16xf32>,
        %parallel_loop3A_244 = vector.shape_cast %parallel_loop3A_243 : vector<1x16xf32> to vector<16xf32>
        %parallel_loop3A_245 = arith.addf %parallel_loop3A_240, %parallel_loop3A_244 : vector<16xf32>
        %parallel_loop3A_246 = arith.index_cast %parallel_loop3A_192 : i32 to index
        %parallel_loop3A_247 = arith.constant 32 : index
        %parallel_loop3A_248 = tpu.vector_load %arg14[%parallel_loop3A_246, %parallel_loop3A_247] {strides = array<i32>} : memref<64x128xf32, #tpu.memory_space<vmem>>, vector<1x16xf32>,
        %parallel_loop3A_249 = vector.shape_cast %parallel_loop3A_248 : vector<1x16xf32> to vector<16xf32>
        %parallel_loop3A_250 = arith.addf %parallel_loop3A_245, %parallel_loop3A_249 : vector<16xf32>
        %parallel_loop3A_251 = arith.constant 0.000000e+00 : f32
        %parallel_loop3A_252 = vector.broadcast %parallel_loop3A_251 : f32 to vector<16xf32>
        %parallel_loop3A_253 = arith.maximumf %parallel_loop3A_250, %parallel_loop3A_252 : vector<16xf32>
        %parallel_loop3A_254 = arith.index_cast %parallel_loop3A_192 : i32 to index
        %parallel_loop3A_255 = arith.constant 32 : index
        %parallel_loop3A_256 = tpu.vector_load %arg12[%parallel_loop3A_254, %parallel_loop3A_255] {strides = array<i32>} : memref<64x128xf32, #tpu.memory_space<vmem>>, vector<1x16xf32>,
        %parallel_loop3A_257 = vector.shape_cast %parallel_loop3A_256 : vector<1x16xf32> to vector<16xf32>
        %parallel_loop3A_258 = vector.shape_cast %parallel_loop3A_253 : vector<16xf32> to vector<1x16xf32>
        tpu.vector_store %arg12[%parallel_loop3A_254, %parallel_loop3A_255], %parallel_loop3A_258 {strides = array<i32>} : memref<64x128xf32, #tpu.memory_space<vmem>>, vector<1x16xf32>,
        %parallel_loop3A_259 = arith.index_cast %parallel_loop3A_192 : i32 to index
        %parallel_loop3A_260 = arith.constant 48 : index
        %parallel_loop3A_261 = tpu.vector_load %arg12[%parallel_loop3A_259, %parallel_loop3A_260] {strides = array<i32>} : memref<64x128xf32, #tpu.memory_space<vmem>>, vector<1x16xf32>,
        %parallel_loop3A_262 = vector.shape_cast %parallel_loop3A_261 : vector<1x16xf32> to vector<16xf32>
        %parallel_loop3A_263 = arith.index_cast %parallel_loop3A_192 : i32 to index
        %parallel_loop3A_264 = arith.constant 48 : index
        %parallel_loop3A_265 = tpu.vector_load %arg13[%parallel_loop3A_263, %parallel_loop3A_264] {strides = array<i32>} : memref<64x128xf32, #tpu.memory_space<vmem>>, vector<1x16xf32>,
        %parallel_loop3A_266 = vector.shape_cast %parallel_loop3A_265 : vector<1x16xf32> to vector<16xf32>
        %parallel_loop3A_267 = arith.addf %parallel_loop3A_262, %parallel_loop3A_266 : vector<16xf32>
        %parallel_loop3A_268 = arith.index_cast %parallel_loop3A_192 : i32 to index
        %parallel_loop3A_269 = arith.constant 48 : index
        %parallel_loop3A_270 = tpu.vector_load %arg14[%parallel_loop3A_268, %parallel_loop3A_269] {strides = array<i32>} : memref<64x128xf32, #tpu.memory_space<vmem>>, vector<1x16xf32>,
        %parallel_loop3A_271 = vector.shape_cast %parallel_loop3A_270 : vector<1x16xf32> to vector<16xf32>
        %parallel_loop3A_272 = arith.addf %parallel_loop3A_267, %parallel_loop3A_271 : vector<16xf32>
        %parallel_loop3A_273 = arith.constant 0.000000e+00 : f32
        %parallel_loop3A_274 = vector.broadcast %parallel_loop3A_273 : f32 to vector<16xf32>
        %parallel_loop3A_275 = arith.maximumf %parallel_loop3A_272, %parallel_loop3A_274 : vector<16xf32>
        %parallel_loop3A_276 = arith.index_cast %parallel_loop3A_192 : i32 to index
        %parallel_loop3A_277 = arith.constant 48 : index
        %parallel_loop3A_278 = tpu.vector_load %arg12[%parallel_loop3A_276, %parallel_loop3A_277] {strides = array<i32>} : memref<64x128xf32, #tpu.memory_space<vmem>>, vector<1x16xf32>,
        %parallel_loop3A_279 = vector.shape_cast %parallel_loop3A_278 : vector<1x16xf32> to vector<16xf32>
        %parallel_loop3A_280 = vector.shape_cast %parallel_loop3A_275 : vector<16xf32> to vector<1x16xf32>
        tpu.vector_store %arg12[%parallel_loop3A_276, %parallel_loop3A_277], %parallel_loop3A_280 {strides = array<i32>} : memref<64x128xf32, #tpu.memory_space<vmem>>, vector<1x16xf32>,
        %parallel_loop3A_281 = arith.index_cast %parallel_loop3A_192 : i32 to index
        %parallel_loop3A_282 = arith.constant 64 : index
        %parallel_loop3A_283 = tpu.vector_load %arg12[%parallel_loop3A_281, %parallel_loop3A_282] {strides = array<i32>} : memref<64x128xf32, #tpu.memory_space<vmem>>, vector<1x16xf32>,
        %parallel_loop3A_284 = vector.shape_cast %parallel_loop3A_283 : vector<1x16xf32> to vector<16xf32>
        %parallel_loop3A_285 = arith.index_cast %parallel_loop3A_192 : i32 to index
        %parallel_loop3A_286 = arith.constant 64 : index
        %parallel_loop3A_287 = tpu.vector_load %arg13[%parallel_loop3A_285, %parallel_loop3A_286] {strides = array<i32>} : memref<64x128xf32, #tpu.memory_space<vmem>>, vector<1x16xf32>,
        %parallel_loop3A_288 = vector.shape_cast %parallel_loop3A_287 : vector<1x16xf32> to vector<16xf32>
        %parallel_loop3A_289 = arith.addf %parallel_loop3A_284, %parallel_loop3A_288 : vector<16xf32>
        %parallel_loop3A_290 = arith.index_cast %parallel_loop3A_192 : i32 to index
        %parallel_loop3A_291 = arith.constant 64 : index
        %parallel_loop3A_292 = tpu.vector_load %arg14[%parallel_loop3A_290, %parallel_loop3A_291] {strides = array<i32>} : memref<64x128xf32, #tpu.memory_space<vmem>>, vector<1x16xf32>,
        %parallel_loop3A_293 = vector.shape_cast %parallel_loop3A_292 : vector<1x16xf32> to vector<16xf32>
        %parallel_loop3A_294 = arith.addf %parallel_loop3A_289, %parallel_loop3A_293 : vector<16xf32>
        %parallel_loop3A_295 = arith.constant 0.000000e+00 : f32
        %parallel_loop3A_296 = vector.broadcast %parallel_loop3A_295 : f32 to vector<16xf32>
        %parallel_loop3A_297 = arith.maximumf %parallel_loop3A_294, %parallel_loop3A_296 : vector<16xf32>
        %parallel_loop3A_298 = arith.index_cast %parallel_loop3A_192 : i32 to index
        %parallel_loop3A_299 = arith.constant 64 : index
        %parallel_loop3A_300 = tpu.vector_load %arg12[%parallel_loop3A_298, %parallel_loop3A_299] {strides = array<i32>} : memref<64x128xf32, #tpu.memory_space<vmem>>, vector<1x16xf32>,
        %parallel_loop3A_301 = vector.shape_cast %parallel_loop3A_300 : vector<1x16xf32> to vector<16xf32>
        %parallel_loop3A_302 = vector.shape_cast %parallel_loop3A_297 : vector<16xf32> to vector<1x16xf32>
        tpu.vector_store %arg12[%parallel_loop3A_298, %parallel_loop3A_299], %parallel_loop3A_302 {strides = array<i32>} : memref<64x128xf32, #tpu.memory_space<vmem>>, vector<1x16xf32>,
        %parallel_loop3A_303 = arith.index_cast %parallel_loop3A_192 : i32 to index
        %parallel_loop3A_304 = arith.constant 80 : index
        %parallel_loop3A_305 = tpu.vector_load %arg12[%parallel_loop3A_303, %parallel_loop3A_304] {strides = array<i32>} : memref<64x128xf32, #tpu.memory_space<vmem>>, vector<1x16xf32>,
        %parallel_loop3A_306 = vector.shape_cast %parallel_loop3A_305 : vector<1x16xf32> to vector<16xf32>
        %parallel_loop3A_307 = arith.index_cast %parallel_loop3A_192 : i32 to index
        %parallel_loop3A_308 = arith.constant 80 : index
        %parallel_loop3A_309 = tpu.vector_load %arg13[%parallel_loop3A_307, %parallel_loop3A_308] {strides = array<i32>} : memref<64x128xf32, #tpu.memory_space<vmem>>, vector<1x16xf32>,
        %parallel_loop3A_310 = vector.shape_cast %parallel_loop3A_309 : vector<1x16xf32> to vector<16xf32>
        %parallel_loop3A_311 = arith.addf %parallel_loop3A_306, %parallel_loop3A_310 : vector<16xf32>
        %parallel_loop3A_312 = arith.index_cast %parallel_loop3A_192 : i32 to index
        %parallel_loop3A_313 = arith.constant 80 : index
        %parallel_loop3A_314 = tpu.vector_load %arg14[%parallel_loop3A_312, %parallel_loop3A_313] {strides = array<i32>} : memref<64x128xf32, #tpu.memory_space<vmem>>, vector<1x16xf32>,
        %parallel_loop3A_315 = vector.shape_cast %parallel_loop3A_314 : vector<1x16xf32> to vector<16xf32>
        %parallel_loop3A_316 = arith.addf %parallel_loop3A_311, %parallel_loop3A_315 : vector<16xf32>
        %parallel_loop3A_317 = arith.constant 0.000000e+00 : f32
        %parallel_loop3A_318 = vector.broadcast %parallel_loop3A_317 : f32 to vector<16xf32>
        %parallel_loop3A_319 = arith.maximumf %parallel_loop3A_316, %parallel_loop3A_318 : vector<16xf32>
        %parallel_loop3A_320 = arith.index_cast %parallel_loop3A_192 : i32 to index
        %parallel_loop3A_321 = arith.constant 80 : index
        %parallel_loop3A_322 = tpu.vector_load %arg12[%parallel_loop3A_320, %parallel_loop3A_321] {strides = array<i32>} : memref<64x128xf32, #tpu.memory_space<vmem>>, vector<1x16xf32>,
        %parallel_loop3A_323 = vector.shape_cast %parallel_loop3A_322 : vector<1x16xf32> to vector<16xf32>
        %parallel_loop3A_324 = vector.shape_cast %parallel_loop3A_319 : vector<16xf32> to vector<1x16xf32>
        tpu.vector_store %arg12[%parallel_loop3A_320, %parallel_loop3A_321], %parallel_loop3A_324 {strides = array<i32>} : memref<64x128xf32, #tpu.memory_space<vmem>>, vector<1x16xf32>,
        %parallel_loop3A_325 = arith.index_cast %parallel_loop3A_192 : i32 to index
        %parallel_loop3A_326 = arith.constant 96 : index
        %parallel_loop3A_327 = tpu.vector_load %arg12[%parallel_loop3A_325, %parallel_loop3A_326] {strides = array<i32>} : memref<64x128xf32, #tpu.memory_space<vmem>>, vector<1x16xf32>,
        %parallel_loop3A_328 = vector.shape_cast %parallel_loop3A_327 : vector<1x16xf32> to vector<16xf32>
        %parallel_loop3A_329 = arith.index_cast %parallel_loop3A_192 : i32 to index
        %parallel_loop3A_330 = arith.constant 96 : index
        %parallel_loop3A_331 = tpu.vector_load %arg13[%parallel_loop3A_329, %parallel_loop3A_330] {strides = array<i32>} : memref<64x128xf32, #tpu.memory_space<vmem>>, vector<1x16xf32>,
        %parallel_loop3A_332 = vector.shape_cast %parallel_loop3A_331 : vector<1x16xf32> to vector<16xf32>
        %parallel_loop3A_333 = arith.addf %parallel_loop3A_328, %parallel_loop3A_332 : vector<16xf32>
        %parallel_loop3A_334 = arith.index_cast %parallel_loop3A_192 : i32 to index
        %parallel_loop3A_335 = arith.constant 96 : index
        %parallel_loop3A_336 = tpu.vector_load %arg14[%parallel_loop3A_334, %parallel_loop3A_335] {strides = array<i32>} : memref<64x128xf32, #tpu.memory_space<vmem>>, vector<1x16xf32>,
        %parallel_loop3A_337 = vector.shape_cast %parallel_loop3A_336 : vector<1x16xf32> to vector<16xf32>
        %parallel_loop3A_338 = arith.addf %parallel_loop3A_333, %parallel_loop3A_337 : vector<16xf32>
        %parallel_loop3A_339 = arith.constant 0.000000e+00 : f32
        %parallel_loop3A_340 = vector.broadcast %parallel_loop3A_339 : f32 to vector<16xf32>
        %parallel_loop3A_341 = arith.maximumf %parallel_loop3A_338, %parallel_loop3A_340 : vector<16xf32>
        %parallel_loop3A_342 = arith.index_cast %parallel_loop3A_192 : i32 to index
        %parallel_loop3A_343 = arith.constant 96 : index
        %parallel_loop3A_344 = tpu.vector_load %arg12[%parallel_loop3A_342, %parallel_loop3A_343] {strides = array<i32>} : memref<64x128xf32, #tpu.memory_space<vmem>>, vector<1x16xf32>,
        %parallel_loop3A_345 = vector.shape_cast %parallel_loop3A_344 : vector<1x16xf32> to vector<16xf32>
        %parallel_loop3A_346 = vector.shape_cast %parallel_loop3A_341 : vector<16xf32> to vector<1x16xf32>
        tpu.vector_store %arg12[%parallel_loop3A_342, %parallel_loop3A_343], %parallel_loop3A_346 {strides = array<i32>} : memref<64x128xf32, #tpu.memory_space<vmem>>, vector<1x16xf32>,
        %parallel_loop3A_347 = arith.index_cast %parallel_loop3A_192 : i32 to index
        %parallel_loop3A_348 = arith.constant 112 : index
        %parallel_loop3A_349 = tpu.vector_load %arg12[%parallel_loop3A_347, %parallel_loop3A_348] {strides = array<i32>} : memref<64x128xf32, #tpu.memory_space<vmem>>, vector<1x16xf32>,
        %parallel_loop3A_350 = vector.shape_cast %parallel_loop3A_349 : vector<1x16xf32> to vector<16xf32>
        %parallel_loop3A_351 = arith.index_cast %parallel_loop3A_192 : i32 to index
        %parallel_loop3A_352 = arith.constant 112 : index
        %parallel_loop3A_353 = tpu.vector_load %arg13[%parallel_loop3A_351, %parallel_loop3A_352] {strides = array<i32>} : memref<64x128xf32, #tpu.memory_space<vmem>>, vector<1x16xf32>,
        %parallel_loop3A_354 = vector.shape_cast %parallel_loop3A_353 : vector<1x16xf32> to vector<16xf32>
        %parallel_loop3A_355 = arith.addf %parallel_loop3A_350, %parallel_loop3A_354 : vector<16xf32>
        %parallel_loop3A_356 = arith.index_cast %parallel_loop3A_192 : i32 to index
        %parallel_loop3A_357 = arith.constant 112 : index
        %parallel_loop3A_358 = tpu.vector_load %arg14[%parallel_loop3A_356, %parallel_loop3A_357] {strides = array<i32>} : memref<64x128xf32, #tpu.memory_space<vmem>>, vector<1x16xf32>,
        %parallel_loop3A_359 = vector.shape_cast %parallel_loop3A_358 : vector<1x16xf32> to vector<16xf32>
        %parallel_loop3A_360 = arith.addf %parallel_loop3A_355, %parallel_loop3A_359 : vector<16xf32>
        %parallel_loop3A_361 = arith.constant 0.000000e+00 : f32
        %parallel_loop3A_362 = vector.broadcast %parallel_loop3A_361 : f32 to vector<16xf32>
        %parallel_loop3A_363 = arith.maximumf %parallel_loop3A_360, %parallel_loop3A_362 : vector<16xf32>
        %parallel_loop3A_364 = arith.index_cast %parallel_loop3A_192 : i32 to index
        %parallel_loop3A_365 = arith.constant 112 : index
        %parallel_loop3A_366 = tpu.vector_load %arg12[%parallel_loop3A_364, %parallel_loop3A_365] {strides = array<i32>} : memref<64x128xf32, #tpu.memory_space<vmem>>, vector<1x16xf32>,
        %parallel_loop3A_367 = vector.shape_cast %parallel_loop3A_366 : vector<1x16xf32> to vector<16xf32>
        %parallel_loop3A_368 = vector.shape_cast %parallel_loop3A_363 : vector<16xf32> to vector<1x16xf32>
        tpu.vector_store %arg12[%parallel_loop3A_364, %parallel_loop3A_365], %parallel_loop3A_368 {strides = array<i32>} : memref<64x128xf32, #tpu.memory_space<vmem>>, vector<1x16xf32>,
      } {sc.loop_unroll_factor = 4 : i64, sc.parallel_access}
      %run_scoped3A_184 = arith.constant 1 : i32
      "tpu.region"() ({
        %run_scoped3A_192 = tpu.sem_alloc : memref<!tpu.dma_semaphore, #tpu.memory_space<semaphore_mem>>
        %dma_start3A_193 = arith.constant 0 : i32
        %dma_start3A_194 = tpu.memref_slice %arg11[%run_scoped3A_184, %dma_start3A_193] : memref<2x64xi32, #tpu.memory_space<vmem>> -> memref<1x64xi32, #tpu.memory_space<vmem>>
        %dma_start3A_195 = tpu.memref_squeeze %dma_start3A_194 : memref<1x64xi32, #tpu.memory_space<vmem>> -> memref<64xi32, #tpu.memory_space<vmem>>
        %dma_start3A_196 = arith.constant 0 : i32
        %dma_start3A_197 = arith.constant 0 : i32
        %dma_start3A_198 = tpu.memref_slice %arg15[%dma_start3A_196, %dma_start3A_197] : memref<10000x128xf32, #tpu.memory_space<vmem_shared>> -> memref<10000x128xf32, #tpu.memory_space<vmem_shared>>
        tpu.enqueue_indirect_dma source(%arg12 : memref<64x128xf32, #tpu.memory_space<vmem>>) target(%dma_start3A_198 : memref<10000x128xf32, #tpu.memory_space<vmem_shared>>) offsets(%dma_start3A_195 : memref<64xi32, #tpu.memory_space<vmem>>) semaphore(%run_scoped3A_192 : memref<!tpu.dma_semaphore, #tpu.memory_space<semaphore_mem>>) {add = true}
        %dma_wait3A_199 = arith.constant 0 : i32
        %dma_wait3A_200 = tpu.memref_slice %arg11[%run_scoped3A_184, %dma_wait3A_199] : memref<2x64xi32, #tpu.memory_space<vmem>> -> memref<1x64xi32, #tpu.memory_space<vmem>>
        %dma_wait3A_201 = tpu.memref_squeeze %dma_wait3A_200 : memref<1x64xi32, #tpu.memory_space<vmem>> -> memref<64xi32, #tpu.memory_space<vmem>>
        %dma_wait3A_202 = arith.constant 0 : i32
        %dma_wait3A_203 = arith.constant 0 : i32
        %dma_wait3A_204 = tpu.memref_slice %arg15[%dma_wait3A_202, %dma_wait3A_203] : memref<10000x128xf32, #tpu.memory_space<vmem_shared>> -> memref<10000x128xf32, #tpu.memory_space<vmem_shared>>
        tpu.wait_indirect_dma semaphore(%run_scoped3A_192 : memref<!tpu.dma_semaphore, #tpu.memory_space<semaphore_mem>>) src(%arg12 : memref<64x128xf32, #tpu.memory_space<vmem>>) dst(%dma_wait3A_204 : memref<10000x128xf32, #tpu.memory_space<vmem_shared>>)
        tpu.yield
      }) : () -> ()
      %add3A_185 = arith.constant 2 : i32
      %add3A_186 = arith.addi %add3A_160, %add3A_185 : i32
      %lt3A_187 = arith.cmpi slt, %add3A_186, %add3A_28 : i32
      %convert_element_type3A_188 = arith.extui %lt3A_187 : i1 to i32
      %cond3A_189 = arith.constant 0 : i32
      %cond3A_190 = arith.cmpi ne, %convert_element_type3A_188, %cond3A_189 : i32
      scf.if %cond3A_190 {
        %add3A_192 = arith.constant 2 : i32
        %add3A_193 = arith.addi %add3A_160, %add3A_192 : i32
        %add3A_194 = arith.addi %add3A_24, %add3A_193 : i32
        "tpu.region"() ({
          %run_scoped3A_215 = tpu.sem_alloc : memref<!tpu.dma_semaphore, #tpu.memory_space<semaphore_mem>>
          %dma_start3A_216 = arith.constant 0 : i32
          %dma_start3A_217 = arith.constant 0 : i32
          %dma_start3A_218 = tpu.memref_slice %arg2[%add3A_194, %dma_start3A_216, %dma_start3A_217] : memref<5000x2x64xi32, #tpu.memory_space<hbm>> -> memref<1x2x64xi32, #tpu.memory_space<hbm>>
          %dma_start3A_219 = tpu.memref_squeeze %dma_start3A_218 : memref<1x2x64xi32, #tpu.memory_space<hbm>> -> memref<2x64xi32, #tpu.memory_space<hbm>>
          %dma_start3A_220 = arith.constant 0 : i32
          %dma_start3A_221 = arith.constant 0 : i32
          %dma_start3A_222 = tpu.memref_slice %arg2[%add3A_194, %dma_start3A_220, %dma_start3A_221] : memref<5000x2x64xi32, #tpu.memory_space<hbm>> -> memref<1x2x64xi32, #tpu.memory_space<hbm>>
          %dma_start3A_223 = tpu.memref_squeeze %dma_start3A_222 : memref<1x2x64xi32, #tpu.memory_space<hbm>> -> memref<2x64xi32, #tpu.memory_space<hbm>>
          tpu.enqueue_dma source(%dma_start3A_223 : memref<2x64xi32, #tpu.memory_space<hbm>>) target(%arg11 : memref<2x64xi32, #tpu.memory_space<vmem>>) target_semaphore(%run_scoped3A_215 : memref<!tpu.dma_semaphore, #tpu.memory_space<semaphore_mem>>)
          %dma_wait3A_224 = arith.constant 0 : i32
          %dma_wait3A_225 = arith.constant 0 : i32
          %dma_wait3A_226 = tpu.memref_slice %arg2[%add3A_194, %dma_wait3A_224, %dma_wait3A_225] : memref<5000x2x64xi32, #tpu.memory_space<hbm>> -> memref<1x2x64xi32, #tpu.memory_space<hbm>>
          %dma_wait3A_227 = tpu.memref_squeeze %dma_wait3A_226 : memref<1x2x64xi32, #tpu.memory_space<hbm>> -> memref<2x64xi32, #tpu.memory_space<hbm>>
          %dma_wait3A_228 = arith.constant 0 : i32
          %dma_wait3A_229 = arith.constant 0 : i32
          %dma_wait3A_230 = tpu.memref_slice %arg2[%add3A_194, %dma_wait3A_228, %dma_wait3A_229] : memref<5000x2x64xi32, #tpu.memory_space<hbm>> -> memref<1x2x64xi32, #tpu.memory_space<hbm>>
          %dma_wait3A_231 = tpu.memref_squeeze %dma_wait3A_230 : memref<1x2x64xi32, #tpu.memory_space<hbm>> -> memref<2x64xi32, #tpu.memory_space<hbm>>
          tpu.wait_dma2 semaphore(%run_scoped3A_215 : memref<!tpu.dma_semaphore, #tpu.memory_space<semaphore_mem>>) src(%dma_wait3A_231 : memref<2x64xi32, #tpu.memory_space<hbm>>) dst(%arg11 : memref<2x64xi32, #tpu.memory_space<vmem>>)
          tpu.yield
        }) : () -> ()
        %dma_start3A_195 = arith.constant 0 : i32
        %dma_start3A_196 = arith.constant 0 : i32
        %dma_start3A_197 = tpu.memref_slice %arg11[%dma_start3A_195, %dma_start3A_196] : memref<2x64xi32, #tpu.memory_space<vmem>> -> memref<1x64xi32, #tpu.memory_space<vmem>>
        %dma_start3A_198 = tpu.memref_squeeze %dma_start3A_197 : memref<1x64xi32, #tpu.memory_space<vmem>> -> memref<64xi32, #tpu.memory_space<vmem>>
        %dma_start3A_199 = arith.constant 0 : i32
        %dma_start3A_200 = arith.constant 0 : i32
        %dma_start3A_201 = tpu.memref_slice %arg3[%dma_start3A_199, %dma_start3A_200] : memref<10000x128xf32, #tpu.memory_space<hbm>> -> memref<10000x128xf32, #tpu.memory_space<hbm>>
        tpu.enqueue_indirect_dma source(%dma_start3A_201 : memref<10000x128xf32, #tpu.memory_space<hbm>>) target(%arg12 : memref<64x128xf32, #tpu.memory_space<vmem>>) offsets(%dma_start3A_198 : memref<64xi32, #tpu.memory_space<vmem>>) semaphore(%arg19 : memref<!tpu.dma_semaphore, #tpu.memory_space<semaphore_mem>>)
        %dma_start3A_202 = arith.constant 1 : i32
        %dma_start3A_203 = arith.constant 0 : i32
        %dma_start3A_204 = tpu.memref_slice %arg11[%dma_start3A_202, %dma_start3A_203] : memref<2x64xi32, #tpu.memory_space<vmem>> -> memref<1x64xi32, #tpu.memory_space<vmem>>
        %dma_start3A_205 = tpu.memref_squeeze %dma_start3A_204 : memref<1x64xi32, #tpu.memory_space<vmem>> -> memref<64xi32, #tpu.memory_space<vmem>>
        %dma_start3A_206 = arith.constant 0 : i32
        %dma_start3A_207 = arith.constant 0 : i32
        %dma_start3A_208 = tpu.memref_slice %arg4[%dma_start3A_206, %dma_start3A_207] : memref<10000x128xf32, #tpu.memory_space<hbm>> -> memref<10000x128xf32, #tpu.memory_space<hbm>>
        tpu.enqueue_indirect_dma source(%dma_start3A_208 : memref<10000x128xf32, #tpu.memory_space<hbm>>) target(%arg13 : memref<64x128xf32, #tpu.memory_space<vmem>>) offsets(%dma_start3A_205 : memref<64xi32, #tpu.memory_space<vmem>>) semaphore(%arg20 : memref<!tpu.dma_semaphore, #tpu.memory_space<semaphore_mem>>)
        %mul3A_209 = arith.constant 64 : i32
        %mul3A_210 = arith.muli %add3A_194, %mul3A_209 : i32
        %dma_start3A_211 = arith.constant 0 : i32
        %dma_start3A_212 = tpu.memref_slice %arg5[%mul3A_210, %dma_start3A_211] : memref<320000x128xf32, #tpu.memory_space<hbm>> -> memref<64x128xf32, #tpu.memory_space<hbm>>
        %dma_start3A_213 = arith.constant 0 : i32
        %dma_start3A_214 = tpu.memref_slice %arg5[%mul3A_210, %dma_start3A_213] : memref<320000x128xf32, #tpu.memory_space<hbm>> -> memref<64x128xf32, #tpu.memory_space<hbm>>
        tpu.enqueue_dma source(%dma_start3A_214 : memref<64x128xf32, #tpu.memory_space<hbm>>) target(%arg14 : memref<64x128xf32, #tpu.memory_space<vmem>>) target_semaphore(%arg21 : memref<!tpu.dma_semaphore, #tpu.memory_space<semaphore_mem>>)
      } else {
      }
      %while3A_191 = arith.constant 0 : i32
      scf.yield %while3A_191 : i32
    }
    %jit3A_99 = arith.constant 2 : i32
    %eq3A_100 = arith.constant 0 : i32
    %eq3A_101 = arith.cmpi eq, %jit3A_99, %eq3A_100 : i32
    %jit3A_102 = arith.constant 1 : i32
    %select_n3A_103 = arith.select %eq3A_101, %jit3A_102, %jit3A_99 : i32
    %rem3A_104 = arith.remsi %add3A_28, %select_n3A_103 : i32
    %ne3A_105 = arith.constant 0 : i32
    %ne3A_106 = arith.cmpi ne, %rem3A_104, %ne3A_105 : i32
    %lt3A_107 = arith.constant 0 : i32
    %lt3A_108 = arith.cmpi slt, %rem3A_104, %lt3A_107 : i32
    %lt3A_109 = arith.constant 0 : i32
    %lt3A_110 = arith.cmpi slt, %select_n3A_103, %lt3A_109 : i32
    %ne3A_111 = arith.xori %lt3A_108, %lt3A_110 : i1
    %and3A_112 = arith.andi %ne3A_111, %ne3A_106 : i1
    %add3A_113 = arith.addi %rem3A_104, %select_n3A_103 : i32
    %select_n3A_114 = arith.select %and3A_112, %add3A_113, %rem3A_104 : i32
    %eq3A_115 = arith.constant 1 : i32
    %eq3A_116 = arith.cmpi eq, %select_n3A_114, %eq3A_115 : i32
    %convert_element_type3A_117 = arith.extui %eq3A_116 : i1 to i32
    %cond3A_118 = arith.constant 0 : i32
    %cond3A_119 = arith.cmpi ne, %convert_element_type3A_117, %cond3A_118 : i32
    scf.if %cond3A_119 {
      %sub3A_126 = arith.constant 1 : i32
      %sub3A_127 = arith.subi %add3A_28, %sub3A_126 : i32
      %dma_wait3A = arith.constant 0 : i32
      %dma_wait3A_128 = arith.constant 0 : i32
      %dma_wait3A_129 = tpu.memref_slice %arg7[%dma_wait3A, %dma_wait3A_128] : memref<2x64xi32, #tpu.memory_space<vmem>> -> memref<1x64xi32, #tpu.memory_space<vmem>>
      %dma_wait3A_130 = tpu.memref_squeeze %dma_wait3A_129 : memref<1x64xi32, #tpu.memory_space<vmem>> -> memref<64xi32, #tpu.memory_space<vmem>>
      %dma_wait3A_131 = arith.constant 0 : i32
      %dma_wait3A_132 = arith.constant 0 : i32
      %dma_wait3A_133 = tpu.memref_slice %arg3[%dma_wait3A_131, %dma_wait3A_132] : memref<10000x128xf32, #tpu.memory_space<hbm>> -> memref<10000x128xf32, #tpu.memory_space<hbm>>
      tpu.wait_indirect_dma semaphore(%arg16 : memref<!tpu.dma_semaphore, #tpu.memory_space<semaphore_mem>>) src(%dma_wait3A_133 : memref<10000x128xf32, #tpu.memory_space<hbm>>) dst(%arg8 : memref<64x128xf32, #tpu.memory_space<vmem>>)
      %dma_wait3A_134 = arith.constant 1 : i32
      %dma_wait3A_135 = arith.constant 0 : i32
      %dma_wait3A_136 = tpu.memref_slice %arg7[%dma_wait3A_134, %dma_wait3A_135] : memref<2x64xi32, #tpu.memory_space<vmem>> -> memref<1x64xi32, #tpu.memory_space<vmem>>
      %dma_wait3A_137 = tpu.memref_squeeze %dma_wait3A_136 : memref<1x64xi32, #tpu.memory_space<vmem>> -> memref<64xi32, #tpu.memory_space<vmem>>
      %dma_wait3A_138 = arith.constant 0 : i32
      %dma_wait3A_139 = arith.constant 0 : i32
      %dma_wait3A_140 = tpu.memref_slice %arg4[%dma_wait3A_138, %dma_wait3A_139] : memref<10000x128xf32, #tpu.memory_space<hbm>> -> memref<10000x128xf32, #tpu.memory_space<hbm>>
      tpu.wait_indirect_dma semaphore(%arg17 : memref<!tpu.dma_semaphore, #tpu.memory_space<semaphore_mem>>) src(%dma_wait3A_140 : memref<10000x128xf32, #tpu.memory_space<hbm>>) dst(%arg9 : memref<64x128xf32, #tpu.memory_space<vmem>>)
      %dma_wait3A_141 = arith.constant 0 : i32
      %dma_wait3A_142 = arith.constant 0 : i32
      %dma_wait3A_143 = tpu.memref_slice %arg5[%dma_wait3A_141, %dma_wait3A_142] : memref<320000x128xf32, #tpu.memory_space<hbm>> -> memref<64x128xf32, #tpu.memory_space<hbm>>
      %dma_wait3A_144 = arith.constant 0 : i32
      %dma_wait3A_145 = arith.constant 0 : i32
      %dma_wait3A_146 = tpu.memref_slice %arg5[%dma_wait3A_144, %dma_wait3A_145] : memref<320000x128xf32, #tpu.memory_space<hbm>> -> memref<64x128xf32, #tpu.memory_space<hbm>>
      tpu.wait_dma2 semaphore(%arg18 : memref<!tpu.dma_semaphore, #tpu.memory_space<semaphore_mem>>) src(%dma_wait3A_146 : memref<64x128xf32, #tpu.memory_space<hbm>>) dst(%arg10 : memref<64x128xf32, #tpu.memory_space<vmem>>)
      %parallel_loop3A = arith.constant 0 : i32
      %parallel_loop3A_147 = arith.constant 64 : i32
      %parallel_loop3A_148 = arith.constant 1 : i32
      scf.for %parallel_loop3A_155 = %parallel_loop3A to %parallel_loop3A_147 step %parallel_loop3A_148  : i32 {
        %parallel_loop3A_156 = arith.index_cast %parallel_loop3A_155 : i32 to index
        %parallel_loop3A_157 = arith.constant 0 : index
        %parallel_loop3A_158 = tpu.vector_load %arg8[%parallel_loop3A_156, %parallel_loop3A_157] {strides = array<i32>} : memref<64x128xf32, #tpu.memory_space<vmem>>, vector<1x16xf32>,
        %parallel_loop3A_159 = vector.shape_cast %parallel_loop3A_158 : vector<1x16xf32> to vector<16xf32>
        %parallel_loop3A_160 = arith.index_cast %parallel_loop3A_155 : i32 to index
        %parallel_loop3A_161 = arith.constant 0 : index
        %parallel_loop3A_162 = tpu.vector_load %arg9[%parallel_loop3A_160, %parallel_loop3A_161] {strides = array<i32>} : memref<64x128xf32, #tpu.memory_space<vmem>>, vector<1x16xf32>,
        %parallel_loop3A_163 = vector.shape_cast %parallel_loop3A_162 : vector<1x16xf32> to vector<16xf32>
        %parallel_loop3A_164 = arith.addf %parallel_loop3A_159, %parallel_loop3A_163 : vector<16xf32>
        %parallel_loop3A_165 = arith.index_cast %parallel_loop3A_155 : i32 to index
        %parallel_loop3A_166 = arith.constant 0 : index
        %parallel_loop3A_167 = tpu.vector_load %arg10[%parallel_loop3A_165, %parallel_loop3A_166] {strides = array<i32>} : memref<64x128xf32, #tpu.memory_space<vmem>>, vector<1x16xf32>,
        %parallel_loop3A_168 = vector.shape_cast %parallel_loop3A_167 : vector<1x16xf32> to vector<16xf32>
        %parallel_loop3A_169 = arith.addf %parallel_loop3A_164, %parallel_loop3A_168 : vector<16xf32>
        %parallel_loop3A_170 = arith.constant 0.000000e+00 : f32
        %parallel_loop3A_171 = vector.broadcast %parallel_loop3A_170 : f32 to vector<16xf32>
        %parallel_loop3A_172 = arith.maximumf %parallel_loop3A_169, %parallel_loop3A_171 : vector<16xf32>
        %parallel_loop3A_173 = arith.index_cast %parallel_loop3A_155 : i32 to index
        %parallel_loop3A_174 = arith.constant 0 : index
        %parallel_loop3A_175 = tpu.vector_load %arg8[%parallel_loop3A_173, %parallel_loop3A_174] {strides = array<i32>} : memref<64x128xf32, #tpu.memory_space<vmem>>, vector<1x16xf32>,
        %parallel_loop3A_176 = vector.shape_cast %parallel_loop3A_175 : vector<1x16xf32> to vector<16xf32>
        %parallel_loop3A_177 = vector.shape_cast %parallel_loop3A_172 : vector<16xf32> to vector<1x16xf32>
        tpu.vector_store %arg8[%parallel_loop3A_173, %parallel_loop3A_174], %parallel_loop3A_177 {strides = array<i32>} : memref<64x128xf32, #tpu.memory_space<vmem>>, vector<1x16xf32>,
        %parallel_loop3A_178 = arith.index_cast %parallel_loop3A_155 : i32 to index
        %parallel_loop3A_179 = arith.constant 16 : index
        %parallel_loop3A_180 = tpu.vector_load %arg8[%parallel_loop3A_178, %parallel_loop3A_179] {strides = array<i32>} : memref<64x128xf32, #tpu.memory_space<vmem>>, vector<1x16xf32>,
        %parallel_loop3A_181 = vector.shape_cast %parallel_loop3A_180 : vector<1x16xf32> to vector<16xf32>
        %parallel_loop3A_182 = arith.index_cast %parallel_loop3A_155 : i32 to index
        %parallel_loop3A_183 = arith.constant 16 : index
        %parallel_loop3A_184 = tpu.vector_load %arg9[%parallel_loop3A_182, %parallel_loop3A_183] {strides = array<i32>} : memref<64x128xf32, #tpu.memory_space<vmem>>, vector<1x16xf32>,
        %parallel_loop3A_185 = vector.shape_cast %parallel_loop3A_184 : vector<1x16xf32> to vector<16xf32>
        %parallel_loop3A_186 = arith.addf %parallel_loop3A_181, %parallel_loop3A_185 : vector<16xf32>
        %parallel_loop3A_187 = arith.index_cast %parallel_loop3A_155 : i32 to index
        %parallel_loop3A_188 = arith.constant 16 : index
        %parallel_loop3A_189 = tpu.vector_load %arg10[%parallel_loop3A_187, %parallel_loop3A_188] {strides = array<i32>} : memref<64x128xf32, #tpu.memory_space<vmem>>, vector<1x16xf32>,
        %parallel_loop3A_190 = vector.shape_cast %parallel_loop3A_189 : vector<1x16xf32> to vector<16xf32>
        %parallel_loop3A_191 = arith.addf %parallel_loop3A_186, %parallel_loop3A_190 : vector<16xf32>
        %parallel_loop3A_192 = arith.constant 0.000000e+00 : f32
        %parallel_loop3A_193 = vector.broadcast %parallel_loop3A_192 : f32 to vector<16xf32>
        %parallel_loop3A_194 = arith.maximumf %parallel_loop3A_191, %parallel_loop3A_193 : vector<16xf32>
        %parallel_loop3A_195 = arith.index_cast %parallel_loop3A_155 : i32 to index
        %parallel_loop3A_196 = arith.constant 16 : index
        %parallel_loop3A_197 = tpu.vector_load %arg8[%parallel_loop3A_195, %parallel_loop3A_196] {strides = array<i32>} : memref<64x128xf32, #tpu.memory_space<vmem>>, vector<1x16xf32>,
        %parallel_loop3A_198 = vector.shape_cast %parallel_loop3A_197 : vector<1x16xf32> to vector<16xf32>
        %parallel_loop3A_199 = vector.shape_cast %parallel_loop3A_194 : vector<16xf32> to vector<1x16xf32>
        tpu.vector_store %arg8[%parallel_loop3A_195, %parallel_loop3A_196], %parallel_loop3A_199 {strides = array<i32>} : memref<64x128xf32, #tpu.memory_space<vmem>>, vector<1x16xf32>,
        %parallel_loop3A_200 = arith.index_cast %parallel_loop3A_155 : i32 to index
        %parallel_loop3A_201 = arith.constant 32 : index
        %parallel_loop3A_202 = tpu.vector_load %arg8[%parallel_loop3A_200, %parallel_loop3A_201] {strides = array<i32>} : memref<64x128xf32, #tpu.memory_space<vmem>>, vector<1x16xf32>,
        %parallel_loop3A_203 = vector.shape_cast %parallel_loop3A_202 : vector<1x16xf32> to vector<16xf32>
        %parallel_loop3A_204 = arith.index_cast %parallel_loop3A_155 : i32 to index
        %parallel_loop3A_205 = arith.constant 32 : index
        %parallel_loop3A_206 = tpu.vector_load %arg9[%parallel_loop3A_204, %parallel_loop3A_205] {strides = array<i32>} : memref<64x128xf32, #tpu.memory_space<vmem>>, vector<1x16xf32>,
        %parallel_loop3A_207 = vector.shape_cast %parallel_loop3A_206 : vector<1x16xf32> to vector<16xf32>
        %parallel_loop3A_208 = arith.addf %parallel_loop3A_203, %parallel_loop3A_207 : vector<16xf32>
        %parallel_loop3A_209 = arith.index_cast %parallel_loop3A_155 : i32 to index
        %parallel_loop3A_210 = arith.constant 32 : index
        %parallel_loop3A_211 = tpu.vector_load %arg10[%parallel_loop3A_209, %parallel_loop3A_210] {strides = array<i32>} : memref<64x128xf32, #tpu.memory_space<vmem>>, vector<1x16xf32>,
        %parallel_loop3A_212 = vector.shape_cast %parallel_loop3A_211 : vector<1x16xf32> to vector<16xf32>
        %parallel_loop3A_213 = arith.addf %parallel_loop3A_208, %parallel_loop3A_212 : vector<16xf32>
        %parallel_loop3A_214 = arith.constant 0.000000e+00 : f32
        %parallel_loop3A_215 = vector.broadcast %parallel_loop3A_214 : f32 to vector<16xf32>
        %parallel_loop3A_216 = arith.maximumf %parallel_loop3A_213, %parallel_loop3A_215 : vector<16xf32>
        %parallel_loop3A_217 = arith.index_cast %parallel_loop3A_155 : i32 to index
        %parallel_loop3A_218 = arith.constant 32 : index
        %parallel_loop3A_219 = tpu.vector_load %arg8[%parallel_loop3A_217, %parallel_loop3A_218] {strides = array<i32>} : memref<64x128xf32, #tpu.memory_space<vmem>>, vector<1x16xf32>,
        %parallel_loop3A_220 = vector.shape_cast %parallel_loop3A_219 : vector<1x16xf32> to vector<16xf32>
        %parallel_loop3A_221 = vector.shape_cast %parallel_loop3A_216 : vector<16xf32> to vector<1x16xf32>
        tpu.vector_store %arg8[%parallel_loop3A_217, %parallel_loop3A_218], %parallel_loop3A_221 {strides = array<i32>} : memref<64x128xf32, #tpu.memory_space<vmem>>, vector<1x16xf32>,
        %parallel_loop3A_222 = arith.index_cast %parallel_loop3A_155 : i32 to index
        %parallel_loop3A_223 = arith.constant 48 : index
        %parallel_loop3A_224 = tpu.vector_load %arg8[%parallel_loop3A_222, %parallel_loop3A_223] {strides = array<i32>} : memref<64x128xf32, #tpu.memory_space<vmem>>, vector<1x16xf32>,
        %parallel_loop3A_225 = vector.shape_cast %parallel_loop3A_224 : vector<1x16xf32> to vector<16xf32>
        %parallel_loop3A_226 = arith.index_cast %parallel_loop3A_155 : i32 to index
        %parallel_loop3A_227 = arith.constant 48 : index
        %parallel_loop3A_228 = tpu.vector_load %arg9[%parallel_loop3A_226, %parallel_loop3A_227] {strides = array<i32>} : memref<64x128xf32, #tpu.memory_space<vmem>>, vector<1x16xf32>,
        %parallel_loop3A_229 = vector.shape_cast %parallel_loop3A_228 : vector<1x16xf32> to vector<16xf32>
        %parallel_loop3A_230 = arith.addf %parallel_loop3A_225, %parallel_loop3A_229 : vector<16xf32>
        %parallel_loop3A_231 = arith.index_cast %parallel_loop3A_155 : i32 to index
        %parallel_loop3A_232 = arith.constant 48 : index
        %parallel_loop3A_233 = tpu.vector_load %arg10[%parallel_loop3A_231, %parallel_loop3A_232] {strides = array<i32>} : memref<64x128xf32, #tpu.memory_space<vmem>>, vector<1x16xf32>,
        %parallel_loop3A_234 = vector.shape_cast %parallel_loop3A_233 : vector<1x16xf32> to vector<16xf32>
        %parallel_loop3A_235 = arith.addf %parallel_loop3A_230, %parallel_loop3A_234 : vector<16xf32>
        %parallel_loop3A_236 = arith.constant 0.000000e+00 : f32
        %parallel_loop3A_237 = vector.broadcast %parallel_loop3A_236 : f32 to vector<16xf32>
        %parallel_loop3A_238 = arith.maximumf %parallel_loop3A_235, %parallel_loop3A_237 : vector<16xf32>
        %parallel_loop3A_239 = arith.index_cast %parallel_loop3A_155 : i32 to index
        %parallel_loop3A_240 = arith.constant 48 : index
        %parallel_loop3A_241 = tpu.vector_load %arg8[%parallel_loop3A_239, %parallel_loop3A_240] {strides = array<i32>} : memref<64x128xf32, #tpu.memory_space<vmem>>, vector<1x16xf32>,
        %parallel_loop3A_242 = vector.shape_cast %parallel_loop3A_241 : vector<1x16xf32> to vector<16xf32>
        %parallel_loop3A_243 = vector.shape_cast %parallel_loop3A_238 : vector<16xf32> to vector<1x16xf32>
        tpu.vector_store %arg8[%parallel_loop3A_239, %parallel_loop3A_240], %parallel_loop3A_243 {strides = array<i32>} : memref<64x128xf32, #tpu.memory_space<vmem>>, vector<1x16xf32>,
        %parallel_loop3A_244 = arith.index_cast %parallel_loop3A_155 : i32 to index
        %parallel_loop3A_245 = arith.constant 64 : index
        %parallel_loop3A_246 = tpu.vector_load %arg8[%parallel_loop3A_244, %parallel_loop3A_245] {strides = array<i32>} : memref<64x128xf32, #tpu.memory_space<vmem>>, vector<1x16xf32>,
        %parallel_loop3A_247 = vector.shape_cast %parallel_loop3A_246 : vector<1x16xf32> to vector<16xf32>
        %parallel_loop3A_248 = arith.index_cast %parallel_loop3A_155 : i32 to index
        %parallel_loop3A_249 = arith.constant 64 : index
        %parallel_loop3A_250 = tpu.vector_load %arg9[%parallel_loop3A_248, %parallel_loop3A_249] {strides = array<i32>} : memref<64x128xf32, #tpu.memory_space<vmem>>, vector<1x16xf32>,
        %parallel_loop3A_251 = vector.shape_cast %parallel_loop3A_250 : vector<1x16xf32> to vector<16xf32>
        %parallel_loop3A_252 = arith.addf %parallel_loop3A_247, %parallel_loop3A_251 : vector<16xf32>
        %parallel_loop3A_253 = arith.index_cast %parallel_loop3A_155 : i32 to index
        %parallel_loop3A_254 = arith.constant 64 : index
        %parallel_loop3A_255 = tpu.vector_load %arg10[%parallel_loop3A_253, %parallel_loop3A_254] {strides = array<i32>} : memref<64x128xf32, #tpu.memory_space<vmem>>, vector<1x16xf32>,
        %parallel_loop3A_256 = vector.shape_cast %parallel_loop3A_255 : vector<1x16xf32> to vector<16xf32>
        %parallel_loop3A_257 = arith.addf %parallel_loop3A_252, %parallel_loop3A_256 : vector<16xf32>
        %parallel_loop3A_258 = arith.constant 0.000000e+00 : f32
        %parallel_loop3A_259 = vector.broadcast %parallel_loop3A_258 : f32 to vector<16xf32>
        %parallel_loop3A_260 = arith.maximumf %parallel_loop3A_257, %parallel_loop3A_259 : vector<16xf32>
        %parallel_loop3A_261 = arith.index_cast %parallel_loop3A_155 : i32 to index
        %parallel_loop3A_262 = arith.constant 64 : index
        %parallel_loop3A_263 = tpu.vector_load %arg8[%parallel_loop3A_261, %parallel_loop3A_262] {strides = array<i32>} : memref<64x128xf32, #tpu.memory_space<vmem>>, vector<1x16xf32>,
        %parallel_loop3A_264 = vector.shape_cast %parallel_loop3A_263 : vector<1x16xf32> to vector<16xf32>
        %parallel_loop3A_265 = vector.shape_cast %parallel_loop3A_260 : vector<16xf32> to vector<1x16xf32>
        tpu.vector_store %arg8[%parallel_loop3A_261, %parallel_loop3A_262], %parallel_loop3A_265 {strides = array<i32>} : memref<64x128xf32, #tpu.memory_space<vmem>>, vector<1x16xf32>,
        %parallel_loop3A_266 = arith.index_cast %parallel_loop3A_155 : i32 to index
        %parallel_loop3A_267 = arith.constant 80 : index
        %parallel_loop3A_268 = tpu.vector_load %arg8[%parallel_loop3A_266, %parallel_loop3A_267] {strides = array<i32>} : memref<64x128xf32, #tpu.memory_space<vmem>>, vector<1x16xf32>,
        %parallel_loop3A_269 = vector.shape_cast %parallel_loop3A_268 : vector<1x16xf32> to vector<16xf32>
        %parallel_loop3A_270 = arith.index_cast %parallel_loop3A_155 : i32 to index
        %parallel_loop3A_271 = arith.constant 80 : index
        %parallel_loop3A_272 = tpu.vector_load %arg9[%parallel_loop3A_270, %parallel_loop3A_271] {strides = array<i32>} : memref<64x128xf32, #tpu.memory_space<vmem>>, vector<1x16xf32>,
        %parallel_loop3A_273 = vector.shape_cast %parallel_loop3A_272 : vector<1x16xf32> to vector<16xf32>
        %parallel_loop3A_274 = arith.addf %parallel_loop3A_269, %parallel_loop3A_273 : vector<16xf32>
        %parallel_loop3A_275 = arith.index_cast %parallel_loop3A_155 : i32 to index
        %parallel_loop3A_276 = arith.constant 80 : index
        %parallel_loop3A_277 = tpu.vector_load %arg10[%parallel_loop3A_275, %parallel_loop3A_276] {strides = array<i32>} : memref<64x128xf32, #tpu.memory_space<vmem>>, vector<1x16xf32>,
        %parallel_loop3A_278 = vector.shape_cast %parallel_loop3A_277 : vector<1x16xf32> to vector<16xf32>
        %parallel_loop3A_279 = arith.addf %parallel_loop3A_274, %parallel_loop3A_278 : vector<16xf32>
        %parallel_loop3A_280 = arith.constant 0.000000e+00 : f32
        %parallel_loop3A_281 = vector.broadcast %parallel_loop3A_280 : f32 to vector<16xf32>
        %parallel_loop3A_282 = arith.maximumf %parallel_loop3A_279, %parallel_loop3A_281 : vector<16xf32>
        %parallel_loop3A_283 = arith.index_cast %parallel_loop3A_155 : i32 to index
        %parallel_loop3A_284 = arith.constant 80 : index
        %parallel_loop3A_285 = tpu.vector_load %arg8[%parallel_loop3A_283, %parallel_loop3A_284] {strides = array<i32>} : memref<64x128xf32, #tpu.memory_space<vmem>>, vector<1x16xf32>,
        %parallel_loop3A_286 = vector.shape_cast %parallel_loop3A_285 : vector<1x16xf32> to vector<16xf32>
        %parallel_loop3A_287 = vector.shape_cast %parallel_loop3A_282 : vector<16xf32> to vector<1x16xf32>
        tpu.vector_store %arg8[%parallel_loop3A_283, %parallel_loop3A_284], %parallel_loop3A_287 {strides = array<i32>} : memref<64x128xf32, #tpu.memory_space<vmem>>, vector<1x16xf32>,
        %parallel_loop3A_288 = arith.index_cast %parallel_loop3A_155 : i32 to index
        %parallel_loop3A_289 = arith.constant 96 : index
        %parallel_loop3A_290 = tpu.vector_load %arg8[%parallel_loop3A_288, %parallel_loop3A_289] {strides = array<i32>} : memref<64x128xf32, #tpu.memory_space<vmem>>, vector<1x16xf32>,
        %parallel_loop3A_291 = vector.shape_cast %parallel_loop3A_290 : vector<1x16xf32> to vector<16xf32>
        %parallel_loop3A_292 = arith.index_cast %parallel_loop3A_155 : i32 to index
        %parallel_loop3A_293 = arith.constant 96 : index
        %parallel_loop3A_294 = tpu.vector_load %arg9[%parallel_loop3A_292, %parallel_loop3A_293] {strides = array<i32>} : memref<64x128xf32, #tpu.memory_space<vmem>>, vector<1x16xf32>,
        %parallel_loop3A_295 = vector.shape_cast %parallel_loop3A_294 : vector<1x16xf32> to vector<16xf32>
        %parallel_loop3A_296 = arith.addf %parallel_loop3A_291, %parallel_loop3A_295 : vector<16xf32>
        %parallel_loop3A_297 = arith.index_cast %parallel_loop3A_155 : i32 to index
        %parallel_loop3A_298 = arith.constant 96 : index
        %parallel_loop3A_299 = tpu.vector_load %arg10[%parallel_loop3A_297, %parallel_loop3A_298] {strides = array<i32>} : memref<64x128xf32, #tpu.memory_space<vmem>>, vector<1x16xf32>,
        %parallel_loop3A_300 = vector.shape_cast %parallel_loop3A_299 : vector<1x16xf32> to vector<16xf32>
        %parallel_loop3A_301 = arith.addf %parallel_loop3A_296, %parallel_loop3A_300 : vector<16xf32>
        %parallel_loop3A_302 = arith.constant 0.000000e+00 : f32
        %parallel_loop3A_303 = vector.broadcast %parallel_loop3A_302 : f32 to vector<16xf32>
        %parallel_loop3A_304 = arith.maximumf %parallel_loop3A_301, %parallel_loop3A_303 : vector<16xf32>
        %parallel_loop3A_305 = arith.index_cast %parallel_loop3A_155 : i32 to index
        %parallel_loop3A_306 = arith.constant 96 : index
        %parallel_loop3A_307 = tpu.vector_load %arg8[%parallel_loop3A_305, %parallel_loop3A_306] {strides = array<i32>} : memref<64x128xf32, #tpu.memory_space<vmem>>, vector<1x16xf32>,
        %parallel_loop3A_308 = vector.shape_cast %parallel_loop3A_307 : vector<1x16xf32> to vector<16xf32>
        %parallel_loop3A_309 = vector.shape_cast %parallel_loop3A_304 : vector<16xf32> to vector<1x16xf32>
        tpu.vector_store %arg8[%parallel_loop3A_305, %parallel_loop3A_306], %parallel_loop3A_309 {strides = array<i32>} : memref<64x128xf32, #tpu.memory_space<vmem>>, vector<1x16xf32>,
        %parallel_loop3A_310 = arith.index_cast %parallel_loop3A_155 : i32 to index
        %parallel_loop3A_311 = arith.constant 112 : index
        %parallel_loop3A_312 = tpu.vector_load %arg8[%parallel_loop3A_310, %parallel_loop3A_311] {strides = array<i32>} : memref<64x128xf32, #tpu.memory_space<vmem>>, vector<1x16xf32>,
        %parallel_loop3A_313 = vector.shape_cast %parallel_loop3A_312 : vector<1x16xf32> to vector<16xf32>
        %parallel_loop3A_314 = arith.index_cast %parallel_loop3A_155 : i32 to index
        %parallel_loop3A_315 = arith.constant 112 : index
        %parallel_loop3A_316 = tpu.vector_load %arg9[%parallel_loop3A_314, %parallel_loop3A_315] {strides = array<i32>} : memref<64x128xf32, #tpu.memory_space<vmem>>, vector<1x16xf32>,
        %parallel_loop3A_317 = vector.shape_cast %parallel_loop3A_316 : vector<1x16xf32> to vector<16xf32>
        %parallel_loop3A_318 = arith.addf %parallel_loop3A_313, %parallel_loop3A_317 : vector<16xf32>
        %parallel_loop3A_319 = arith.index_cast %parallel_loop3A_155 : i32 to index
        %parallel_loop3A_320 = arith.constant 112 : index
        %parallel_loop3A_321 = tpu.vector_load %arg10[%parallel_loop3A_319, %parallel_loop3A_320] {strides = array<i32>} : memref<64x128xf32, #tpu.memory_space<vmem>>, vector<1x16xf32>,
        %parallel_loop3A_322 = vector.shape_cast %parallel_loop3A_321 : vector<1x16xf32> to vector<16xf32>
        %parallel_loop3A_323 = arith.addf %parallel_loop3A_318, %parallel_loop3A_322 : vector<16xf32>
        %parallel_loop3A_324 = arith.constant 0.000000e+00 : f32
        %parallel_loop3A_325 = vector.broadcast %parallel_loop3A_324 : f32 to vector<16xf32>
        %parallel_loop3A_326 = arith.maximumf %parallel_loop3A_323, %parallel_loop3A_325 : vector<16xf32>
        %parallel_loop3A_327 = arith.index_cast %parallel_loop3A_155 : i32 to index
        %parallel_loop3A_328 = arith.constant 112 : index
        %parallel_loop3A_329 = tpu.vector_load %arg8[%parallel_loop3A_327, %parallel_loop3A_328] {strides = array<i32>} : memref<64x128xf32, #tpu.memory_space<vmem>>, vector<1x16xf32>,
        %parallel_loop3A_330 = vector.shape_cast %parallel_loop3A_329 : vector<1x16xf32> to vector<16xf32>
        %parallel_loop3A_331 = vector.shape_cast %parallel_loop3A_326 : vector<16xf32> to vector<1x16xf32>
        tpu.vector_store %arg8[%parallel_loop3A_327, %parallel_loop3A_328], %parallel_loop3A_331 {strides = array<i32>} : memref<64x128xf32, #tpu.memory_space<vmem>>, vector<1x16xf32>,
      } {sc.loop_unroll_factor = 4 : i64, sc.parallel_access}
      %run_scoped3A = arith.constant 1 : i32
      "tpu.region"() ({
        %run_scoped3A_155 = tpu.sem_alloc : memref<!tpu.dma_semaphore, #tpu.memory_space<semaphore_mem>>
        %dma_start3A_156 = arith.constant 0 : i32
        %dma_start3A_157 = tpu.memref_slice %arg7[%run_scoped3A, %dma_start3A_156] : memref<2x64xi32, #tpu.memory_space<vmem>> -> memref<1x64xi32, #tpu.memory_space<vmem>>
        %dma_start3A_158 = tpu.memref_squeeze %dma_start3A_157 : memref<1x64xi32, #tpu.memory_space<vmem>> -> memref<64xi32, #tpu.memory_space<vmem>>
        %dma_start3A_159 = arith.constant 0 : i32
        %dma_start3A_160 = arith.constant 0 : i32
        %dma_start3A_161 = tpu.memref_slice %arg15[%dma_start3A_159, %dma_start3A_160] : memref<10000x128xf32, #tpu.memory_space<vmem_shared>> -> memref<10000x128xf32, #tpu.memory_space<vmem_shared>>
        tpu.enqueue_indirect_dma source(%arg8 : memref<64x128xf32, #tpu.memory_space<vmem>>) target(%dma_start3A_161 : memref<10000x128xf32, #tpu.memory_space<vmem_shared>>) offsets(%dma_start3A_158 : memref<64xi32, #tpu.memory_space<vmem>>) semaphore(%run_scoped3A_155 : memref<!tpu.dma_semaphore, #tpu.memory_space<semaphore_mem>>) {add = true}
        %dma_wait3A_162 = arith.constant 0 : i32
        %dma_wait3A_163 = tpu.memref_slice %arg7[%run_scoped3A, %dma_wait3A_162] : memref<2x64xi32, #tpu.memory_space<vmem>> -> memref<1x64xi32, #tpu.memory_space<vmem>>
        %dma_wait3A_164 = tpu.memref_squeeze %dma_wait3A_163 : memref<1x64xi32, #tpu.memory_space<vmem>> -> memref<64xi32, #tpu.memory_space<vmem>>
        %dma_wait3A_165 = arith.constant 0 : i32
        %dma_wait3A_166 = arith.constant 0 : i32
        %dma_wait3A_167 = tpu.memref_slice %arg15[%dma_wait3A_165, %dma_wait3A_166] : memref<10000x128xf32, #tpu.memory_space<vmem_shared>> -> memref<10000x128xf32, #tpu.memory_space<vmem_shared>>
        tpu.wait_indirect_dma semaphore(%run_scoped3A_155 : memref<!tpu.dma_semaphore, #tpu.memory_space<semaphore_mem>>) src(%arg8 : memref<64x128xf32, #tpu.memory_space<vmem>>) dst(%dma_wait3A_167 : memref<10000x128xf32, #tpu.memory_space<vmem_shared>>)
        tpu.yield
      }) : () -> ()
      %add3A_149 = arith.constant 2 : i32
      %add3A_150 = arith.addi %sub3A_127, %add3A_149 : i32
      %lt3A_151 = arith.cmpi slt, %add3A_150, %add3A_28 : i32
      %convert_element_type3A_152 = arith.extui %lt3A_151 : i1 to i32
      %cond3A_153 = arith.constant 0 : i32
      %cond3A_154 = arith.cmpi ne, %convert_element_type3A_152, %cond3A_153 : i32
      scf.if %cond3A_154 {
        %add3A_155 = arith.constant 2 : i32
        %add3A_156 = arith.addi %sub3A_127, %add3A_155 : i32
        %add3A_157 = arith.addi %add3A_24, %add3A_156 : i32
        "tpu.region"() ({
          %run_scoped3A_178 = tpu.sem_alloc : memref<!tpu.dma_semaphore, #tpu.memory_space<semaphore_mem>>
          %dma_start3A_179 = arith.constant 0 : i32
          %dma_start3A_180 = arith.constant 0 : i32
          %dma_start3A_181 = tpu.memref_slice %arg2[%add3A_157, %dma_start3A_179, %dma_start3A_180] : memref<5000x2x64xi32, #tpu.memory_space<hbm>> -> memref<1x2x64xi32, #tpu.memory_space<hbm>>
          %dma_start3A_182 = tpu.memref_squeeze %dma_start3A_181 : memref<1x2x64xi32, #tpu.memory_space<hbm>> -> memref<2x64xi32, #tpu.memory_space<hbm>>
          %dma_start3A_183 = arith.constant 0 : i32
          %dma_start3A_184 = arith.constant 0 : i32
          %dma_start3A_185 = tpu.memref_slice %arg2[%add3A_157, %dma_start3A_183, %dma_start3A_184] : memref<5000x2x64xi32, #tpu.memory_space<hbm>> -> memref<1x2x64xi32, #tpu.memory_space<hbm>>
          %dma_start3A_186 = tpu.memref_squeeze %dma_start3A_185 : memref<1x2x64xi32, #tpu.memory_space<hbm>> -> memref<2x64xi32, #tpu.memory_space<hbm>>
          tpu.enqueue_dma source(%dma_start3A_186 : memref<2x64xi32, #tpu.memory_space<hbm>>) target(%arg7 : memref<2x64xi32, #tpu.memory_space<vmem>>) target_semaphore(%run_scoped3A_178 : memref<!tpu.dma_semaphore, #tpu.memory_space<semaphore_mem>>)
          %dma_wait3A_187 = arith.constant 0 : i32
          %dma_wait3A_188 = arith.constant 0 : i32
          %dma_wait3A_189 = tpu.memref_slice %arg2[%add3A_157, %dma_wait3A_187, %dma_wait3A_188] : memref<5000x2x64xi32, #tpu.memory_space<hbm>> -> memref<1x2x64xi32, #tpu.memory_space<hbm>>
          %dma_wait3A_190 = tpu.memref_squeeze %dma_wait3A_189 : memref<1x2x64xi32, #tpu.memory_space<hbm>> -> memref<2x64xi32, #tpu.memory_space<hbm>>
          %dma_wait3A_191 = arith.constant 0 : i32
          %dma_wait3A_192 = arith.constant 0 : i32
          %dma_wait3A_193 = tpu.memref_slice %arg2[%add3A_157, %dma_wait3A_191, %dma_wait3A_192] : memref<5000x2x64xi32, #tpu.memory_space<hbm>> -> memref<1x2x64xi32, #tpu.memory_space<hbm>>
          %dma_wait3A_194 = tpu.memref_squeeze %dma_wait3A_193 : memref<1x2x64xi32, #tpu.memory_space<hbm>> -> memref<2x64xi32, #tpu.memory_space<hbm>>
          tpu.wait_dma2 semaphore(%run_scoped3A_178 : memref<!tpu.dma_semaphore, #tpu.memory_space<semaphore_mem>>) src(%dma_wait3A_194 : memref<2x64xi32, #tpu.memory_space<hbm>>) dst(%arg7 : memref<2x64xi32, #tpu.memory_space<vmem>>)
          tpu.yield
        }) : () -> ()
        %dma_start3A_158 = arith.constant 0 : i32
        %dma_start3A_159 = arith.constant 0 : i32
        %dma_start3A_160 = tpu.memref_slice %arg7[%dma_start3A_158, %dma_start3A_159] : memref<2x64xi32, #tpu.memory_space<vmem>> -> memref<1x64xi32, #tpu.memory_space<vmem>>
        %dma_start3A_161 = tpu.memref_squeeze %dma_start3A_160 : memref<1x64xi32, #tpu.memory_space<vmem>> -> memref<64xi32, #tpu.memory_space<vmem>>
        %dma_start3A_162 = arith.constant 0 : i32
        %dma_start3A_163 = arith.constant 0 : i32
        %dma_start3A_164 = tpu.memref_slice %arg3[%dma_start3A_162, %dma_start3A_163] : memref<10000x128xf32, #tpu.memory_space<hbm>> -> memref<10000x128xf32, #tpu.memory_space<hbm>>
        tpu.enqueue_indirect_dma source(%dma_start3A_164 : memref<10000x128xf32, #tpu.memory_space<hbm>>) target(%arg8 : memref<64x128xf32, #tpu.memory_space<vmem>>) offsets(%dma_start3A_161 : memref<64xi32, #tpu.memory_space<vmem>>) semaphore(%arg16 : memref<!tpu.dma_semaphore, #tpu.memory_space<semaphore_mem>>)
        %dma_start3A_165 = arith.constant 1 : i32
        %dma_start3A_166 = arith.constant 0 : i32
        %dma_start3A_167 = tpu.memref_slice %arg7[%dma_start3A_165, %dma_start3A_166] : memref<2x64xi32, #tpu.memory_space<vmem>> -> memref<1x64xi32, #tpu.memory_space<vmem>>
        %dma_start3A_168 = tpu.memref_squeeze %dma_start3A_167 : memref<1x64xi32, #tpu.memory_space<vmem>> -> memref<64xi32, #tpu.memory_space<vmem>>
        %dma_start3A_169 = arith.constant 0 : i32
        %dma_start3A_170 = arith.constant 0 : i32
        %dma_start3A_171 = tpu.memref_slice %arg4[%dma_start3A_169, %dma_start3A_170] : memref<10000x128xf32, #tpu.memory_space<hbm>> -> memref<10000x128xf32, #tpu.memory_space<hbm>>
        tpu.enqueue_indirect_dma source(%dma_start3A_171 : memref<10000x128xf32, #tpu.memory_space<hbm>>) target(%arg9 : memref<64x128xf32, #tpu.memory_space<vmem>>) offsets(%dma_start3A_168 : memref<64xi32, #tpu.memory_space<vmem>>) semaphore(%arg17 : memref<!tpu.dma_semaphore, #tpu.memory_space<semaphore_mem>>)
        %mul3A_172 = arith.constant 64 : i32
        %mul3A_173 = arith.muli %add3A_157, %mul3A_172 : i32
        %dma_start3A_174 = arith.constant 0 : i32
        %dma_start3A_175 = tpu.memref_slice %arg5[%mul3A_173, %dma_start3A_174] : memref<320000x128xf32, #tpu.memory_space<hbm>> -> memref<64x128xf32, #tpu.memory_space<hbm>>
        %dma_start3A_176 = arith.constant 0 : i32
        %dma_start3A_177 = tpu.memref_slice %arg5[%mul3A_173, %dma_start3A_176] : memref<320000x128xf32, #tpu.memory_space<hbm>> -> memref<64x128xf32, #tpu.memory_space<hbm>>
        tpu.enqueue_dma source(%dma_start3A_177 : memref<64x128xf32, #tpu.memory_space<hbm>>) target(%arg10 : memref<64x128xf32, #tpu.memory_space<vmem>>) target_semaphore(%arg18 : memref<!tpu.dma_semaphore, #tpu.memory_space<semaphore_mem>>)
      } else {
      }
    } else {
    }
    %barrier3A_120 = arith.constant 0 : index
    tpu.barrier barrier_id(%barrier3A_120)
    "tpu.region"() ({
      %run_scoped3A = tpu.sem_alloc : memref<!tpu.dma_semaphore, #tpu.memory_space<semaphore_mem>>
      %dma_start3A_126 = arith.constant 0 : i32
      %dma_start3A_127 = tpu.memref_slice %arg6[%arg0, %mul3A_7, %dma_start3A_126] : memref<2x10000x128xf32, #tpu.memory_space<hbm>> -> memref<1x624x128xf32, #tpu.memory_space<hbm>>
      %dma_start3A_128 = tpu.memref_squeeze %dma_start3A_127 : memref<1x624x128xf32, #tpu.memory_space<hbm>> -> memref<624x128xf32, #tpu.memory_space<hbm>>
      %dma_start3A_129 = arith.constant 0 : i32
      %dma_start3A_130 = tpu.memref_slice %arg15[%mul3A_7, %dma_start3A_129] : memref<10000x128xf32, #tpu.memory_space<vmem_shared>> -> memref<624x128xf32, #tpu.memory_space<vmem_shared>>
      tpu.enqueue_dma source(%dma_start3A_130 : memref<624x128xf32, #tpu.memory_space<vmem_shared>>) target(%dma_start3A_128 : memref<624x128xf32, #tpu.memory_space<hbm>>) target_semaphore(%run_scoped3A : memref<!tpu.dma_semaphore, #tpu.memory_space<semaphore_mem>>)
      %dma_wait3A = arith.constant 0 : i32
      %dma_wait3A_131 = tpu.memref_slice %arg6[%arg0, %mul3A_7, %dma_wait3A] : memref<2x10000x128xf32, #tpu.memory_space<hbm>> -> memref<1x624x128xf32, #tpu.memory_space<hbm>>
      %dma_wait3A_132 = tpu.memref_squeeze %dma_wait3A_131 : memref<1x624x128xf32, #tpu.memory_space<hbm>> -> memref<624x128xf32, #tpu.memory_space<hbm>>
      %dma_wait3A_133 = arith.constant 0 : i32
      %dma_wait3A_134 = tpu.memref_slice %arg15[%mul3A_7, %dma_wait3A_133] : memref<10000x128xf32, #tpu.memory_space<vmem_shared>> -> memref<624x128xf32, #tpu.memory_space<vmem_shared>>
      tpu.wait_dma2 semaphore(%run_scoped3A : memref<!tpu.dma_semaphore, #tpu.memory_space<semaphore_mem>>) src(%dma_wait3A_134 : memref<624x128xf32, #tpu.memory_space<vmem_shared>>) dst(%dma_wait3A_132 : memref<624x128xf32, #tpu.memory_space<hbm>>)
      tpu.yield
    }) : () -> ()
    %eq3A_121 = arith.constant 15 : i32
    %eq3A_122 = arith.cmpi eq, %arg1, %eq3A_121 : i32
    %convert_element_type3A_123 = arith.extui %eq3A_122 : i1 to i32
    %cond3A_124 = arith.constant 0 : i32
    %cond3A_125 = arith.cmpi ne, %convert_element_type3A_123, %cond3A_124 : i32
    scf.if %cond3A_125 {
      "tpu.region"() ({
        %run_scoped3A = tpu.sem_alloc : memref<!tpu.dma_semaphore, #tpu.memory_space<semaphore_mem>>
        %dma_start3A_126 = arith.constant 9984 : i32
        %dma_start3A_127 = arith.constant 0 : i32
        %dma_start3A_128 = tpu.memref_slice %arg6[%arg0, %dma_start3A_126, %dma_start3A_127] : memref<2x10000x128xf32, #tpu.memory_space<hbm>> -> memref<1x16x128xf32, #tpu.memory_space<hbm>>
        %dma_start3A_129 = tpu.memref_squeeze %dma_start3A_128 : memref<1x16x128xf32, #tpu.memory_space<hbm>> -> memref<16x128xf32, #tpu.memory_space<hbm>>
        %dma_start3A_130 = arith.constant 9984 : i32
        %dma_start3A_131 = arith.constant 0 : i32
        %dma_start3A_132 = tpu.memref_slice %arg15[%dma_start3A_130, %dma_start3A_131] : memref<10000x128xf32, #tpu.memory_space<vmem_shared>> -> memref<16x128xf32, #tpu.memory_space<vmem_shared>>
        tpu.enqueue_dma source(%dma_start3A_132 : memref<16x128xf32, #tpu.memory_space<vmem_shared>>) target(%dma_start3A_129 : memref<16x128xf32, #tpu.memory_space<hbm>>) target_semaphore(%run_scoped3A : memref<!tpu.dma_semaphore, #tpu.memory_space<semaphore_mem>>)
        %dma_wait3A = arith.constant 9984 : i32
        %dma_wait3A_133 = arith.constant 0 : i32
        %dma_wait3A_134 = tpu.memref_slice %arg6[%arg0, %dma_wait3A, %dma_wait3A_133] : memref<2x10000x128xf32, #tpu.memory_space<hbm>> -> memref<1x16x128xf32, #tpu.memory_space<hbm>>
        %dma_wait3A_135 = tpu.memref_squeeze %dma_wait3A_134 : memref<1x16x128xf32, #tpu.memory_space<hbm>> -> memref<16x128xf32, #tpu.memory_space<hbm>>
        %dma_wait3A_136 = arith.constant 9984 : i32
        %dma_wait3A_137 = arith.constant 0 : i32
        %dma_wait3A_138 = tpu.memref_slice %arg15[%dma_wait3A_136, %dma_wait3A_137] : memref<10000x128xf32, #tpu.memory_space<vmem_shared>> -> memref<16x128xf32, #tpu.memory_space<vmem_shared>>
        tpu.wait_dma2 semaphore(%run_scoped3A : memref<!tpu.dma_semaphore, #tpu.memory_space<semaphore_mem>>) src(%dma_wait3A_138 : memref<16x128xf32, #tpu.memory_space<vmem_shared>>) dst(%dma_wait3A_135 : memref<16x128xf32, #tpu.memory_space<hbm>>)
        tpu.yield
      }) : () -> ()
    } else {
    }
    return
  }
}

#map = affine_map<(d0, d1) -> (0)>
#map1 = affine_map<(d0, d1) -> (0, 0, 0)>
module attributes {stable_mosaic.version = 14 : i64} {
  func.func @body(%arg0: i32, %arg1: i32, %arg2: memref<320000xi32, #tpu.memory_space<hbm>>, %arg3: memref<2x10000x128xf32, #tpu.memory_space<hbm>>, %arg4: memref<80xi32, #tpu.memory_space<vmem>>, %arg5: memref<80xi32, #tpu.memory_space<vmem>>, %arg6: memref<80x128xf32, #tpu.memory_space<vmem>>, %arg7: memref<10000x128xf32, #tpu.memory_space<vmem_shared>>, %arg8: memref<!tpu.dma_semaphore, #tpu.memory_space<semaphore_mem>>, %arg9: memref<!tpu.dma_semaphore, #tpu.memory_space<semaphore_mem>>) attributes {dimension_semantics = [#tpu.dimension_semantics<core_parallel>, #tpu.dimension_semantics<subcore_parallel>], iteration_bounds = array<i64: 2, 16>, scalar_prefetch = 0 : i64, scratch_operands = 6 : i64, tpu.core_type = #tpu.core_type<sc_vector_subcore>, window_params = [{transform_indices = #map}, {transform_indices = #map1}]} {
    %broadcast_in_dim3A = arith.constant 0.000000e+00 : f32
    %broadcast_in_dim3A_0 = vector.broadcast %broadcast_in_dim3A : f32 to vector<16xf32>
    %scan3A = arith.constant 0 : i32
    %scan3A_1 = arith.constant 0 : i32
    %scan3A_2 = arith.constant 80 : i32
    %scan3A_3 = arith.addi %scan3A_1, %scan3A_2 : i32
    %scan3A_4 = arith.constant 1 : i32
    %scan3A_5 = scf.for %scan3A_61 = %scan3A_1 to %scan3A_3 step %scan3A_4 iter_args(%scan3A_62 = %scan3A) -> (i32)  : i32 {
      %swap3A = arith.index_cast %scan3A_61 : i32 to index
      %swap3A_63 = arith.constant 0 : index
      %swap3A_64 = tpu.vector_load %arg6[%swap3A, %swap3A_63] {strides = array<i32>} : memref<80x128xf32, #tpu.memory_space<vmem>>, vector<1x16xf32>,
      %swap3A_65 = vector.shape_cast %swap3A_64 : vector<1x16xf32> to vector<16xf32>
      %swap3A_66 = vector.shape_cast %broadcast_in_dim3A_0 : vector<16xf32> to vector<1x16xf32>
      tpu.vector_store %arg6[%swap3A, %swap3A_63], %swap3A_66 {strides = array<i32>} : memref<80x128xf32, #tpu.memory_space<vmem>>, vector<1x16xf32>,
      %swap3A_67 = arith.index_cast %scan3A_61 : i32 to index
      %swap3A_68 = arith.constant 16 : index
      %swap3A_69 = tpu.vector_load %arg6[%swap3A_67, %swap3A_68] {strides = array<i32>} : memref<80x128xf32, #tpu.memory_space<vmem>>, vector<1x16xf32>,
      %swap3A_70 = vector.shape_cast %swap3A_69 : vector<1x16xf32> to vector<16xf32>
      %swap3A_71 = vector.shape_cast %broadcast_in_dim3A_0 : vector<16xf32> to vector<1x16xf32>
      tpu.vector_store %arg6[%swap3A_67, %swap3A_68], %swap3A_71 {strides = array<i32>} : memref<80x128xf32, #tpu.memory_space<vmem>>, vector<1x16xf32>,
      %swap3A_72 = arith.index_cast %scan3A_61 : i32 to index
      %swap3A_73 = arith.constant 32 : index
      %swap3A_74 = tpu.vector_load %arg6[%swap3A_72, %swap3A_73] {strides = array<i32>} : memref<80x128xf32, #tpu.memory_space<vmem>>, vector<1x16xf32>,
      %swap3A_75 = vector.shape_cast %swap3A_74 : vector<1x16xf32> to vector<16xf32>
      %swap3A_76 = vector.shape_cast %broadcast_in_dim3A_0 : vector<16xf32> to vector<1x16xf32>
      tpu.vector_store %arg6[%swap3A_72, %swap3A_73], %swap3A_76 {strides = array<i32>} : memref<80x128xf32, #tpu.memory_space<vmem>>, vector<1x16xf32>,
      %swap3A_77 = arith.index_cast %scan3A_61 : i32 to index
      %swap3A_78 = arith.constant 48 : index
      %swap3A_79 = tpu.vector_load %arg6[%swap3A_77, %swap3A_78] {strides = array<i32>} : memref<80x128xf32, #tpu.memory_space<vmem>>, vector<1x16xf32>,
      %swap3A_80 = vector.shape_cast %swap3A_79 : vector<1x16xf32> to vector<16xf32>
      %swap3A_81 = vector.shape_cast %broadcast_in_dim3A_0 : vector<16xf32> to vector<1x16xf32>
      tpu.vector_store %arg6[%swap3A_77, %swap3A_78], %swap3A_81 {strides = array<i32>} : memref<80x128xf32, #tpu.memory_space<vmem>>, vector<1x16xf32>,
      %swap3A_82 = arith.index_cast %scan3A_61 : i32 to index
      %swap3A_83 = arith.constant 64 : index
      %swap3A_84 = tpu.vector_load %arg6[%swap3A_82, %swap3A_83] {strides = array<i32>} : memref<80x128xf32, #tpu.memory_space<vmem>>, vector<1x16xf32>,
      %swap3A_85 = vector.shape_cast %swap3A_84 : vector<1x16xf32> to vector<16xf32>
      %swap3A_86 = vector.shape_cast %broadcast_in_dim3A_0 : vector<16xf32> to vector<1x16xf32>
      tpu.vector_store %arg6[%swap3A_82, %swap3A_83], %swap3A_86 {strides = array<i32>} : memref<80x128xf32, #tpu.memory_space<vmem>>, vector<1x16xf32>,
      %swap3A_87 = arith.index_cast %scan3A_61 : i32 to index
      %swap3A_88 = arith.constant 80 : index
      %swap3A_89 = tpu.vector_load %arg6[%swap3A_87, %swap3A_88] {strides = array<i32>} : memref<80x128xf32, #tpu.memory_space<vmem>>, vector<1x16xf32>,
      %swap3A_90 = vector.shape_cast %swap3A_89 : vector<1x16xf32> to vector<16xf32>
      %swap3A_91 = vector.shape_cast %broadcast_in_dim3A_0 : vector<16xf32> to vector<1x16xf32>
      tpu.vector_store %arg6[%swap3A_87, %swap3A_88], %swap3A_91 {strides = array<i32>} : memref<80x128xf32, #tpu.memory_space<vmem>>, vector<1x16xf32>,
      %swap3A_92 = arith.index_cast %scan3A_61 : i32 to index
      %swap3A_93 = arith.constant 96 : index
      %swap3A_94 = tpu.vector_load %arg6[%swap3A_92, %swap3A_93] {strides = array<i32>} : memref<80x128xf32, #tpu.memory_space<vmem>>, vector<1x16xf32>,
      %swap3A_95 = vector.shape_cast %swap3A_94 : vector<1x16xf32> to vector<16xf32>
      %swap3A_96 = vector.shape_cast %broadcast_in_dim3A_0 : vector<16xf32> to vector<1x16xf32>
      tpu.vector_store %arg6[%swap3A_92, %swap3A_93], %swap3A_96 {strides = array<i32>} : memref<80x128xf32, #tpu.memory_space<vmem>>, vector<1x16xf32>,
      %swap3A_97 = arith.index_cast %scan3A_61 : i32 to index
      %swap3A_98 = arith.constant 112 : index
      %swap3A_99 = tpu.vector_load %arg6[%swap3A_97, %swap3A_98] {strides = array<i32>} : memref<80x128xf32, #tpu.memory_space<vmem>>, vector<1x16xf32>,
      %swap3A_100 = vector.shape_cast %swap3A_99 : vector<1x16xf32> to vector<16xf32>
      %swap3A_101 = vector.shape_cast %broadcast_in_dim3A_0 : vector<16xf32> to vector<1x16xf32>
      tpu.vector_store %arg6[%swap3A_97, %swap3A_98], %swap3A_101 {strides = array<i32>} : memref<80x128xf32, #tpu.memory_space<vmem>>, vector<1x16xf32>,
      %scan3A_102 = arith.constant 0 : i32
      scf.yield %scan3A_102 : i32
    }
    %scan3A_6 = arith.constant 80 : i32
    %mul3A = arith.constant 624 : i32
    %mul3A_7 = arith.muli %arg1, %mul3A : i32
    %scan3A_8 = arith.constant 0 : i32
    %scan3A_9 = arith.constant 0 : i32
    %scan3A_10 = arith.constant 7 : i32
    %scan3A_11 = arith.addi %scan3A_9, %scan3A_10 : i32
    %scan3A_12 = arith.constant 1 : i32
    %scan3A_13 = scf.for %scan3A_61 = %scan3A_9 to %scan3A_11 step %scan3A_12 iter_args(%scan3A_62 = %scan3A_8) -> (i32)  : i32 {
      %mul3A_63 = arith.constant 80 : i32
      %mul3A_64 = arith.muli %scan3A_61, %mul3A_63 : i32
      %add3A_65 = arith.addi %mul3A_7, %mul3A_64 : i32
      "tpu.region"() ({
        %run_scoped3A = tpu.sem_alloc : memref<!tpu.dma_semaphore, #tpu.memory_space<semaphore_mem>>
        %dma_start3A_67 = arith.constant 0 : i32
        %dma_start3A_68 = tpu.memref_slice %arg7[%add3A_65, %dma_start3A_67] : memref<10000x128xf32, #tpu.memory_space<vmem_shared>> -> memref<80x128xf32, #tpu.memory_space<vmem_shared>>
        %dma_start3A_69 = arith.constant 0 : i32
        %dma_start3A_70 = tpu.memref_slice %arg7[%add3A_65, %dma_start3A_69] : memref<10000x128xf32, #tpu.memory_space<vmem_shared>> -> memref<80x128xf32, #tpu.memory_space<vmem_shared>>
        tpu.enqueue_dma source(%arg6 : memref<80x128xf32, #tpu.memory_space<vmem>>) target(%dma_start3A_70 : memref<80x128xf32, #tpu.memory_space<vmem_shared>>) target_semaphore(%run_scoped3A : memref<!tpu.dma_semaphore, #tpu.memory_space<semaphore_mem>>)
        %dma_wait3A_71 = arith.constant 0 : i32
        %dma_wait3A_72 = tpu.memref_slice %arg7[%add3A_65, %dma_wait3A_71] : memref<10000x128xf32, #tpu.memory_space<vmem_shared>> -> memref<80x128xf32, #tpu.memory_space<vmem_shared>>
        %dma_wait3A_73 = arith.constant 0 : i32
        %dma_wait3A_74 = tpu.memref_slice %arg7[%add3A_65, %dma_wait3A_73] : memref<10000x128xf32, #tpu.memory_space<vmem_shared>> -> memref<80x128xf32, #tpu.memory_space<vmem_shared>>
        tpu.wait_dma2 semaphore(%run_scoped3A : memref<!tpu.dma_semaphore, #tpu.memory_space<semaphore_mem>>) src(%arg6 : memref<80x128xf32, #tpu.memory_space<vmem>>) dst(%dma_wait3A_74 : memref<80x128xf32, #tpu.memory_space<vmem_shared>>)
        tpu.yield
      }) : () -> ()
      %scan3A_66 = arith.constant 0 : i32
      scf.yield %scan3A_66 : i32
    }
    %scan3A_14 = arith.constant 7 : i32
    %add3A = arith.constant 560 : i32
    %add3A_15 = arith.addi %mul3A_7, %add3A : i32
    "tpu.region"() ({
      %run_scoped3A = tpu.sem_alloc : memref<!tpu.dma_semaphore, #tpu.memory_space<semaphore_mem>>
      %dma_start3A_61 = arith.constant 0 : i32
      %dma_start3A_62 = arith.constant 0 : i32
      %dma_start3A_63 = tpu.memref_slice %arg6[%dma_start3A_61, %dma_start3A_62] : memref<80x128xf32, #tpu.memory_space<vmem>> -> memref<64x128xf32, #tpu.memory_space<vmem>>
      %dma_start3A_64 = arith.constant 0 : i32
      %dma_start3A_65 = tpu.memref_slice %arg7[%add3A_15, %dma_start3A_64] : memref<10000x128xf32, #tpu.memory_space<vmem_shared>> -> memref<64x128xf32, #tpu.memory_space<vmem_shared>>
      %dma_start3A_66 = arith.constant 0 : i32
      %dma_start3A_67 = tpu.memref_slice %arg7[%add3A_15, %dma_start3A_66] : memref<10000x128xf32, #tpu.memory_space<vmem_shared>> -> memref<64x128xf32, #tpu.memory_space<vmem_shared>>
      %dma_start3A_68 = arith.constant 0 : i32
      %dma_start3A_69 = arith.constant 0 : i32
      %dma_start3A_70 = tpu.memref_slice %arg6[%dma_start3A_68, %dma_start3A_69] : memref<80x128xf32, #tpu.memory_space<vmem>> -> memref<64x128xf32, #tpu.memory_space<vmem>>
      tpu.enqueue_dma source(%dma_start3A_70 : memref<64x128xf32, #tpu.memory_space<vmem>>) target(%dma_start3A_67 : memref<64x128xf32, #tpu.memory_space<vmem_shared>>) target_semaphore(%run_scoped3A : memref<!tpu.dma_semaphore, #tpu.memory_space<semaphore_mem>>)
      %dma_wait3A_71 = arith.constant 0 : i32
      %dma_wait3A_72 = arith.constant 0 : i32
      %dma_wait3A_73 = tpu.memref_slice %arg6[%dma_wait3A_71, %dma_wait3A_72] : memref<80x128xf32, #tpu.memory_space<vmem>> -> memref<64x128xf32, #tpu.memory_space<vmem>>
      %dma_wait3A_74 = arith.constant 0 : i32
      %dma_wait3A_75 = tpu.memref_slice %arg7[%add3A_15, %dma_wait3A_74] : memref<10000x128xf32, #tpu.memory_space<vmem_shared>> -> memref<64x128xf32, #tpu.memory_space<vmem_shared>>
      %dma_wait3A_76 = arith.constant 0 : i32
      %dma_wait3A_77 = tpu.memref_slice %arg7[%add3A_15, %dma_wait3A_76] : memref<10000x128xf32, #tpu.memory_space<vmem_shared>> -> memref<64x128xf32, #tpu.memory_space<vmem_shared>>
      %dma_wait3A_78 = arith.constant 0 : i32
      %dma_wait3A_79 = arith.constant 0 : i32
      %dma_wait3A_80 = tpu.memref_slice %arg6[%dma_wait3A_78, %dma_wait3A_79] : memref<80x128xf32, #tpu.memory_space<vmem>> -> memref<64x128xf32, #tpu.memory_space<vmem>>
      tpu.wait_dma2 semaphore(%run_scoped3A : memref<!tpu.dma_semaphore, #tpu.memory_space<semaphore_mem>>) src(%dma_wait3A_80 : memref<64x128xf32, #tpu.memory_space<vmem>>) dst(%dma_wait3A_77 : memref<64x128xf32, #tpu.memory_space<vmem_shared>>)
      tpu.yield
    }) : () -> ()
    %eq3A = arith.constant 15 : i32
    %eq3A_16 = arith.cmpi eq, %arg1, %eq3A : i32
    %convert_element_type3A = arith.extui %eq3A_16 : i1 to i32
    %cond3A = arith.constant 0 : i32
    %cond3A_17 = arith.cmpi ne, %convert_element_type3A, %cond3A : i32
    scf.if %cond3A_17 {
      "tpu.region"() ({
        %run_scoped3A = tpu.sem_alloc : memref<!tpu.dma_semaphore, #tpu.memory_space<semaphore_mem>>
        %dma_start3A_61 = arith.constant 0 : i32
        %dma_start3A_62 = arith.constant 0 : i32
        %dma_start3A_63 = tpu.memref_slice %arg6[%dma_start3A_61, %dma_start3A_62] : memref<80x128xf32, #tpu.memory_space<vmem>> -> memref<16x128xf32, #tpu.memory_space<vmem>>
        %dma_start3A_64 = arith.constant 9984 : i32
        %dma_start3A_65 = arith.constant 0 : i32
        %dma_start3A_66 = tpu.memref_slice %arg7[%dma_start3A_64, %dma_start3A_65] : memref<10000x128xf32, #tpu.memory_space<vmem_shared>> -> memref<16x128xf32, #tpu.memory_space<vmem_shared>>
        %dma_start3A_67 = arith.constant 9984 : i32
        %dma_start3A_68 = arith.constant 0 : i32
        %dma_start3A_69 = tpu.memref_slice %arg7[%dma_start3A_67, %dma_start3A_68] : memref<10000x128xf32, #tpu.memory_space<vmem_shared>> -> memref<16x128xf32, #tpu.memory_space<vmem_shared>>
        %dma_start3A_70 = arith.constant 0 : i32
        %dma_start3A_71 = arith.constant 0 : i32
        %dma_start3A_72 = tpu.memref_slice %arg6[%dma_start3A_70, %dma_start3A_71] : memref<80x128xf32, #tpu.memory_space<vmem>> -> memref<16x128xf32, #tpu.memory_space<vmem>>
        tpu.enqueue_dma source(%dma_start3A_72 : memref<16x128xf32, #tpu.memory_space<vmem>>) target(%dma_start3A_69 : memref<16x128xf32, #tpu.memory_space<vmem_shared>>) target_semaphore(%run_scoped3A : memref<!tpu.dma_semaphore, #tpu.memory_space<semaphore_mem>>)
        %dma_wait3A_73 = arith.constant 0 : i32
        %dma_wait3A_74 = arith.constant 0 : i32
        %dma_wait3A_75 = tpu.memref_slice %arg6[%dma_wait3A_73, %dma_wait3A_74] : memref<80x128xf32, #tpu.memory_space<vmem>> -> memref<16x128xf32, #tpu.memory_space<vmem>>
        %dma_wait3A_76 = arith.constant 9984 : i32
        %dma_wait3A_77 = arith.constant 0 : i32
        %dma_wait3A_78 = tpu.memref_slice %arg7[%dma_wait3A_76, %dma_wait3A_77] : memref<10000x128xf32, #tpu.memory_space<vmem_shared>> -> memref<16x128xf32, #tpu.memory_space<vmem_shared>>
        %dma_wait3A_79 = arith.constant 9984 : i32
        %dma_wait3A_80 = arith.constant 0 : i32
        %dma_wait3A_81 = tpu.memref_slice %arg7[%dma_wait3A_79, %dma_wait3A_80] : memref<10000x128xf32, #tpu.memory_space<vmem_shared>> -> memref<16x128xf32, #tpu.memory_space<vmem_shared>>
        %dma_wait3A_82 = arith.constant 0 : i32
        %dma_wait3A_83 = arith.constant 0 : i32
        %dma_wait3A_84 = tpu.memref_slice %arg6[%dma_wait3A_82, %dma_wait3A_83] : memref<80x128xf32, #tpu.memory_space<vmem>> -> memref<16x128xf32, #tpu.memory_space<vmem>>
        tpu.wait_dma2 semaphore(%run_scoped3A : memref<!tpu.dma_semaphore, #tpu.memory_space<semaphore_mem>>) src(%dma_wait3A_84 : memref<16x128xf32, #tpu.memory_space<vmem>>) dst(%dma_wait3A_81 : memref<16x128xf32, #tpu.memory_space<vmem_shared>>)
        tpu.yield
      }) : () -> ()
    } else {
    }
    %iota3A = tpu.iota {dimensions = array<i32: 0>} : vector<16xi32>
    %eq3A_18 = arith.constant 0 : i32
    %eq3A_19 = vector.broadcast %eq3A_18 : i32 to vector<16xi32>
    %eq3A_20 = arith.cmpi eq, %iota3A, %eq3A_19 : vector<16xi32>
    %jit3A = arith.constant 1.000000e+00 : f32
    %jit3A_21 = arith.constant 0.000000e+00 : f32
    %broadcast_in_dim3A_22 = vector.broadcast %jit3A : f32 to vector<16xf32>
    %broadcast_in_dim3A_23 = vector.broadcast %jit3A_21 : f32 to vector<16xf32>
    %select_n3A = arith.select %eq3A_20, %broadcast_in_dim3A_22, %broadcast_in_dim3A_23 : vector<16xi1>, vector<16xf32>
    %scan3A_24 = arith.constant 0 : i32
    %scan3A_25 = arith.constant 0 : i32
    %scan3A_26 = arith.constant 80 : i32
    %scan3A_27 = arith.addi %scan3A_25, %scan3A_26 : i32
    %scan3A_28 = arith.constant 1 : i32
    %scan3A_29 = scf.for %scan3A_61 = %scan3A_25 to %scan3A_27 step %scan3A_28 iter_args(%scan3A_62 = %scan3A_24) -> (i32)  : i32 {
      %swap3A = arith.index_cast %scan3A_61 : i32 to index
      %swap3A_63 = arith.constant 0 : index
      %swap3A_64 = tpu.vector_load %arg6[%swap3A, %swap3A_63] {strides = array<i32>} : memref<80x128xf32, #tpu.memory_space<vmem>>, vector<1x16xf32>,
      %swap3A_65 = vector.shape_cast %swap3A_64 : vector<1x16xf32> to vector<16xf32>
      %swap3A_66 = vector.shape_cast %select_n3A : vector<16xf32> to vector<1x16xf32>
      tpu.vector_store %arg6[%swap3A, %swap3A_63], %swap3A_66 {strides = array<i32>} : memref<80x128xf32, #tpu.memory_space<vmem>>, vector<1x16xf32>,
      %scan3A_67 = arith.constant 0 : i32
      scf.yield %scan3A_67 : i32
    }
    %scan3A_30 = arith.constant 80 : i32
    %barrier3A = arith.constant 0 : index
    tpu.barrier barrier_id(%barrier3A)
    %mul3A_31 = arith.constant 16 : i32
    %mul3A_32 = arith.muli %arg0, %mul3A_31 : i32
    %add3A_33 = arith.addi %mul3A_32, %arg1 : i32
    %mul3A_34 = arith.constant 10000 : i32
    %mul3A_35 = arith.muli %add3A_33, %mul3A_34 : i32
    %scan3A_36 = arith.constant 0 : i32
    %scan3A_37 = arith.constant 0 : i32
    %scan3A_38 = arith.constant 62 : i32
    %scan3A_39 = arith.addi %scan3A_37, %scan3A_38 : i32
    %scan3A_40 = arith.constant 1 : i32
    %scan3A_41 = scf.for %scan3A_61 = %scan3A_37 to %scan3A_39 step %scan3A_40 iter_args(%scan3A_62 = %scan3A_36) -> (i32)  : i32 {
      %mul3A_63 = arith.constant 2 : i32
      %mul3A_64 = arith.muli %mul3A_63, %scan3A_61 : i32
      %gt3A = arith.constant 0 : i32
      %gt3A_65 = arith.cmpi sgt, %scan3A_61, %gt3A : i32
      %convert_element_type3A_66 = arith.extui %gt3A_65 : i1 to i32
      %cond3A_67 = arith.constant 0 : i32
      %cond3A_68 = arith.cmpi ne, %convert_element_type3A_66, %cond3A_67 : i32
      scf.if %cond3A_68 {
        %dma_wait3A_91 = arith.constant 0 : i32
        %dma_wait3A_92 = arith.constant 0 : i32
        %dma_wait3A_93 = tpu.memref_slice %arg7[%dma_wait3A_91, %dma_wait3A_92] : memref<10000x128xf32, #tpu.memory_space<vmem_shared>> -> memref<10000x128xf32, #tpu.memory_space<vmem_shared>>
        tpu.wait_indirect_dma semaphore(%arg8 : memref<!tpu.dma_semaphore, #tpu.memory_space<semaphore_mem>>) src(%arg6 : memref<80x128xf32, #tpu.memory_space<vmem>>) dst(%dma_wait3A_93 : memref<10000x128xf32, #tpu.memory_space<vmem_shared>>)
      } else {
      }
      %mul3A_69 = arith.constant 80 : i32
      %mul3A_70 = arith.muli %mul3A_64, %mul3A_69 : i32
      %add3A_71 = arith.addi %mul3A_35, %mul3A_70 : i32
      "tpu.region"() ({
        %run_scoped3A = tpu.sem_alloc : memref<!tpu.dma_semaphore, #tpu.memory_space<semaphore_mem>>
        %dma_start3A_91 = tpu.memref_slice %arg2[%add3A_71] : memref<320000xi32, #tpu.memory_space<hbm>> -> memref<80xi32, #tpu.memory_space<hbm>>
        %dma_start3A_92 = tpu.memref_slice %arg2[%add3A_71] : memref<320000xi32, #tpu.memory_space<hbm>> -> memref<80xi32, #tpu.memory_space<hbm>>
        tpu.enqueue_dma source(%dma_start3A_92 : memref<80xi32, #tpu.memory_space<hbm>>) target(%arg4 : memref<80xi32, #tpu.memory_space<vmem>>) target_semaphore(%run_scoped3A : memref<!tpu.dma_semaphore, #tpu.memory_space<semaphore_mem>>)
        %dma_wait3A_93 = tpu.memref_slice %arg2[%add3A_71] : memref<320000xi32, #tpu.memory_space<hbm>> -> memref<80xi32, #tpu.memory_space<hbm>>
        %dma_wait3A_94 = tpu.memref_slice %arg2[%add3A_71] : memref<320000xi32, #tpu.memory_space<hbm>> -> memref<80xi32, #tpu.memory_space<hbm>>
        tpu.wait_dma2 semaphore(%run_scoped3A : memref<!tpu.dma_semaphore, #tpu.memory_space<semaphore_mem>>) src(%dma_wait3A_94 : memref<80xi32, #tpu.memory_space<hbm>>) dst(%arg4 : memref<80xi32, #tpu.memory_space<vmem>>)
        tpu.yield
      }) : () -> ()
      %dma_start3A_72 = arith.constant 0 : i32
      %dma_start3A_73 = arith.constant 0 : i32
      %dma_start3A_74 = tpu.memref_slice %arg7[%dma_start3A_72, %dma_start3A_73] : memref<10000x128xf32, #tpu.memory_space<vmem_shared>> -> memref<10000x128xf32, #tpu.memory_space<vmem_shared>>
      tpu.enqueue_indirect_dma source(%arg6 : memref<80x128xf32, #tpu.memory_space<vmem>>) target(%dma_start3A_74 : memref<10000x128xf32, #tpu.memory_space<vmem_shared>>) offsets(%arg4 : memref<80xi32, #tpu.memory_space<vmem>>) semaphore(%arg8 : memref<!tpu.dma_semaphore, #tpu.memory_space<semaphore_mem>>) {add = true}
      %mul3A_75 = arith.constant 2 : i32
      %mul3A_76 = arith.muli %mul3A_75, %scan3A_61 : i32
      %add3A_77 = arith.constant 1 : i32
      %add3A_78 = arith.addi %mul3A_76, %add3A_77 : i32
      %gt3A_79 = arith.constant 0 : i32
      %gt3A_80 = arith.cmpi sgt, %scan3A_61, %gt3A_79 : i32
      %convert_element_type3A_81 = arith.extui %gt3A_80 : i1 to i32
      %cond3A_82 = arith.constant 0 : i32
      %cond3A_83 = arith.cmpi ne, %convert_element_type3A_81, %cond3A_82 : i32
      scf.if %cond3A_83 {
        %dma_wait3A_91 = arith.constant 0 : i32
        %dma_wait3A_92 = arith.constant 0 : i32
        %dma_wait3A_93 = tpu.memref_slice %arg7[%dma_wait3A_91, %dma_wait3A_92] : memref<10000x128xf32, #tpu.memory_space<vmem_shared>> -> memref<10000x128xf32, #tpu.memory_space<vmem_shared>>
        tpu.wait_indirect_dma semaphore(%arg9 : memref<!tpu.dma_semaphore, #tpu.memory_space<semaphore_mem>>) src(%arg6 : memref<80x128xf32, #tpu.memory_space<vmem>>) dst(%dma_wait3A_93 : memref<10000x128xf32, #tpu.memory_space<vmem_shared>>)
      } else {
      }
      %mul3A_84 = arith.constant 80 : i32
      %mul3A_85 = arith.muli %add3A_78, %mul3A_84 : i32
      %add3A_86 = arith.addi %mul3A_35, %mul3A_85 : i32
      "tpu.region"() ({
        %run_scoped3A = tpu.sem_alloc : memref<!tpu.dma_semaphore, #tpu.memory_space<semaphore_mem>>
        %dma_start3A_91 = tpu.memref_slice %arg2[%add3A_86] : memref<320000xi32, #tpu.memory_space<hbm>> -> memref<80xi32, #tpu.memory_space<hbm>>
        %dma_start3A_92 = tpu.memref_slice %arg2[%add3A_86] : memref<320000xi32, #tpu.memory_space<hbm>> -> memref<80xi32, #tpu.memory_space<hbm>>
        tpu.enqueue_dma source(%dma_start3A_92 : memref<80xi32, #tpu.memory_space<hbm>>) target(%arg5 : memref<80xi32, #tpu.memory_space<vmem>>) target_semaphore(%run_scoped3A : memref<!tpu.dma_semaphore, #tpu.memory_space<semaphore_mem>>)
        %dma_wait3A_93 = tpu.memref_slice %arg2[%add3A_86] : memref<320000xi32, #tpu.memory_space<hbm>> -> memref<80xi32, #tpu.memory_space<hbm>>
        %dma_wait3A_94 = tpu.memref_slice %arg2[%add3A_86] : memref<320000xi32, #tpu.memory_space<hbm>> -> memref<80xi32, #tpu.memory_space<hbm>>
        tpu.wait_dma2 semaphore(%run_scoped3A : memref<!tpu.dma_semaphore, #tpu.memory_space<semaphore_mem>>) src(%dma_wait3A_94 : memref<80xi32, #tpu.memory_space<hbm>>) dst(%arg5 : memref<80xi32, #tpu.memory_space<vmem>>)
        tpu.yield
      }) : () -> ()
      %dma_start3A_87 = arith.constant 0 : i32
      %dma_start3A_88 = arith.constant 0 : i32
      %dma_start3A_89 = tpu.memref_slice %arg7[%dma_start3A_87, %dma_start3A_88] : memref<10000x128xf32, #tpu.memory_space<vmem_shared>> -> memref<10000x128xf32, #tpu.memory_space<vmem_shared>>
      tpu.enqueue_indirect_dma source(%arg6 : memref<80x128xf32, #tpu.memory_space<vmem>>) target(%dma_start3A_89 : memref<10000x128xf32, #tpu.memory_space<vmem_shared>>) offsets(%arg5 : memref<80xi32, #tpu.memory_space<vmem>>) semaphore(%arg9 : memref<!tpu.dma_semaphore, #tpu.memory_space<semaphore_mem>>) {add = true}
      %scan3A_90 = arith.constant 0 : i32
      scf.yield %scan3A_90 : i32
    }
    %scan3A_42 = arith.constant 62 : i32
    %dma_wait3A = arith.constant 0 : i32
    %dma_wait3A_43 = arith.constant 0 : i32
    %dma_wait3A_44 = tpu.memref_slice %arg7[%dma_wait3A, %dma_wait3A_43] : memref<10000x128xf32, #tpu.memory_space<vmem_shared>> -> memref<10000x128xf32, #tpu.memory_space<vmem_shared>>
    tpu.wait_indirect_dma semaphore(%arg8 : memref<!tpu.dma_semaphore, #tpu.memory_space<semaphore_mem>>) src(%arg6 : memref<80x128xf32, #tpu.memory_space<vmem>>) dst(%dma_wait3A_44 : memref<10000x128xf32, #tpu.memory_space<vmem_shared>>)
    %add3A_45 = arith.constant 9920 : i32
    %add3A_46 = arith.addi %mul3A_35, %add3A_45 : i32
    "tpu.region"() ({
      %run_scoped3A = tpu.sem_alloc : memref<!tpu.dma_semaphore, #tpu.memory_space<semaphore_mem>>
      %dma_start3A_61 = tpu.memref_slice %arg2[%add3A_46] : memref<320000xi32, #tpu.memory_space<hbm>> -> memref<80xi32, #tpu.memory_space<hbm>>
      %dma_start3A_62 = tpu.memref_slice %arg2[%add3A_46] : memref<320000xi32, #tpu.memory_space<hbm>> -> memref<80xi32, #tpu.memory_space<hbm>>
      tpu.enqueue_dma source(%dma_start3A_62 : memref<80xi32, #tpu.memory_space<hbm>>) target(%arg4 : memref<80xi32, #tpu.memory_space<vmem>>) target_semaphore(%run_scoped3A : memref<!tpu.dma_semaphore, #tpu.memory_space<semaphore_mem>>)
      %dma_wait3A_63 = tpu.memref_slice %arg2[%add3A_46] : memref<320000xi32, #tpu.memory_space<hbm>> -> memref<80xi32, #tpu.memory_space<hbm>>
      %dma_wait3A_64 = tpu.memref_slice %arg2[%add3A_46] : memref<320000xi32, #tpu.memory_space<hbm>> -> memref<80xi32, #tpu.memory_space<hbm>>
      tpu.wait_dma2 semaphore(%run_scoped3A : memref<!tpu.dma_semaphore, #tpu.memory_space<semaphore_mem>>) src(%dma_wait3A_64 : memref<80xi32, #tpu.memory_space<hbm>>) dst(%arg4 : memref<80xi32, #tpu.memory_space<vmem>>)
      tpu.yield
    }) : () -> ()
    %dma_start3A = arith.constant 0 : i32
    %dma_start3A_47 = arith.constant 0 : i32
    %dma_start3A_48 = tpu.memref_slice %arg7[%dma_start3A, %dma_start3A_47] : memref<10000x128xf32, #tpu.memory_space<vmem_shared>> -> memref<10000x128xf32, #tpu.memory_space<vmem_shared>>
    tpu.enqueue_indirect_dma source(%arg6 : memref<80x128xf32, #tpu.memory_space<vmem>>) target(%dma_start3A_48 : memref<10000x128xf32, #tpu.memory_space<vmem_shared>>) offsets(%arg4 : memref<80xi32, #tpu.memory_space<vmem>>) semaphore(%arg8 : memref<!tpu.dma_semaphore, #tpu.memory_space<semaphore_mem>>) {add = true}
    %dma_wait3A_49 = arith.constant 0 : i32
    %dma_wait3A_50 = arith.constant 0 : i32
    %dma_wait3A_51 = tpu.memref_slice %arg7[%dma_wait3A_49, %dma_wait3A_50] : memref<10000x128xf32, #tpu.memory_space<vmem_shared>> -> memref<10000x128xf32, #tpu.memory_space<vmem_shared>>
    tpu.wait_indirect_dma semaphore(%arg8 : memref<!tpu.dma_semaphore, #tpu.memory_space<semaphore_mem>>) src(%arg6 : memref<80x128xf32, #tpu.memory_space<vmem>>) dst(%dma_wait3A_51 : memref<10000x128xf32, #tpu.memory_space<vmem_shared>>)
    %dma_wait3A_52 = arith.constant 0 : i32
    %dma_wait3A_53 = arith.constant 0 : i32
    %dma_wait3A_54 = tpu.memref_slice %arg7[%dma_wait3A_52, %dma_wait3A_53] : memref<10000x128xf32, #tpu.memory_space<vmem_shared>> -> memref<10000x128xf32, #tpu.memory_space<vmem_shared>>
    tpu.wait_indirect_dma semaphore(%arg9 : memref<!tpu.dma_semaphore, #tpu.memory_space<semaphore_mem>>) src(%arg6 : memref<80x128xf32, #tpu.memory_space<vmem>>) dst(%dma_wait3A_54 : memref<10000x128xf32, #tpu.memory_space<vmem_shared>>)
    %barrier3A_55 = arith.constant 0 : index
    tpu.barrier barrier_id(%barrier3A_55)
    "tpu.region"() ({
      %run_scoped3A = tpu.sem_alloc : memref<!tpu.dma_semaphore, #tpu.memory_space<semaphore_mem>>
      %dma_start3A_61 = arith.constant 0 : i32
      %dma_start3A_62 = tpu.memref_slice %arg3[%arg0, %mul3A_7, %dma_start3A_61] : memref<2x10000x128xf32, #tpu.memory_space<hbm>> -> memref<1x624x128xf32, #tpu.memory_space<hbm>>
      %dma_start3A_63 = tpu.memref_squeeze %dma_start3A_62 : memref<1x624x128xf32, #tpu.memory_space<hbm>> -> memref<624x128xf32, #tpu.memory_space<hbm>>
      %dma_start3A_64 = arith.constant 0 : i32
      %dma_start3A_65 = tpu.memref_slice %arg7[%mul3A_7, %dma_start3A_64] : memref<10000x128xf32, #tpu.memory_space<vmem_shared>> -> memref<624x128xf32, #tpu.memory_space<vmem_shared>>
      tpu.enqueue_dma source(%dma_start3A_65 : memref<624x128xf32, #tpu.memory_space<vmem_shared>>) target(%dma_start3A_63 : memref<624x128xf32, #tpu.memory_space<hbm>>) target_semaphore(%run_scoped3A : memref<!tpu.dma_semaphore, #tpu.memory_space<semaphore_mem>>)
      %dma_wait3A_66 = arith.constant 0 : i32
      %dma_wait3A_67 = tpu.memref_slice %arg3[%arg0, %mul3A_7, %dma_wait3A_66] : memref<2x10000x128xf32, #tpu.memory_space<hbm>> -> memref<1x624x128xf32, #tpu.memory_space<hbm>>
      %dma_wait3A_68 = tpu.memref_squeeze %dma_wait3A_67 : memref<1x624x128xf32, #tpu.memory_space<hbm>> -> memref<624x128xf32, #tpu.memory_space<hbm>>
      %dma_wait3A_69 = arith.constant 0 : i32
      %dma_wait3A_70 = tpu.memref_slice %arg7[%mul3A_7, %dma_wait3A_69] : memref<10000x128xf32, #tpu.memory_space<vmem_shared>> -> memref<624x128xf32, #tpu.memory_space<vmem_shared>>
      tpu.wait_dma2 semaphore(%run_scoped3A : memref<!tpu.dma_semaphore, #tpu.memory_space<semaphore_mem>>) src(%dma_wait3A_70 : memref<624x128xf32, #tpu.memory_space<vmem_shared>>) dst(%dma_wait3A_68 : memref<624x128xf32, #tpu.memory_space<hbm>>)
      tpu.yield
    }) : () -> ()
    %eq3A_56 = arith.constant 15 : i32
    %eq3A_57 = arith.cmpi eq, %arg1, %eq3A_56 : i32
    %convert_element_type3A_58 = arith.extui %eq3A_57 : i1 to i32
    %cond3A_59 = arith.constant 0 : i32
    %cond3A_60 = arith.cmpi ne, %convert_element_type3A_58, %cond3A_59 : i32
    scf.if %cond3A_60 {
      "tpu.region"() ({
        %run_scoped3A = tpu.sem_alloc : memref<!tpu.dma_semaphore, #tpu.memory_space<semaphore_mem>>
        %dma_start3A_61 = arith.constant 9984 : i32
        %dma_start3A_62 = arith.constant 0 : i32
        %dma_start3A_63 = tpu.memref_slice %arg3[%arg0, %dma_start3A_61, %dma_start3A_62] : memref<2x10000x128xf32, #tpu.memory_space<hbm>> -> memref<1x16x128xf32, #tpu.memory_space<hbm>>
        %dma_start3A_64 = tpu.memref_squeeze %dma_start3A_63 : memref<1x16x128xf32, #tpu.memory_space<hbm>> -> memref<16x128xf32, #tpu.memory_space<hbm>>
        %dma_start3A_65 = arith.constant 9984 : i32
        %dma_start3A_66 = arith.constant 0 : i32
        %dma_start3A_67 = tpu.memref_slice %arg7[%dma_start3A_65, %dma_start3A_66] : memref<10000x128xf32, #tpu.memory_space<vmem_shared>> -> memref<16x128xf32, #tpu.memory_space<vmem_shared>>
        tpu.enqueue_dma source(%dma_start3A_67 : memref<16x128xf32, #tpu.memory_space<vmem_shared>>) target(%dma_start3A_64 : memref<16x128xf32, #tpu.memory_space<hbm>>) target_semaphore(%run_scoped3A : memref<!tpu.dma_semaphore, #tpu.memory_space<semaphore_mem>>)
        %dma_wait3A_68 = arith.constant 9984 : i32
        %dma_wait3A_69 = arith.constant 0 : i32
        %dma_wait3A_70 = tpu.memref_slice %arg3[%arg0, %dma_wait3A_68, %dma_wait3A_69] : memref<2x10000x128xf32, #tpu.memory_space<hbm>> -> memref<1x16x128xf32, #tpu.memory_space<hbm>>
        %dma_wait3A_71 = tpu.memref_squeeze %dma_wait3A_70 : memref<1x16x128xf32, #tpu.memory_space<hbm>> -> memref<16x128xf32, #tpu.memory_space<hbm>>
        %dma_wait3A_72 = arith.constant 9984 : i32
        %dma_wait3A_73 = arith.constant 0 : i32
        %dma_wait3A_74 = tpu.memref_slice %arg7[%dma_wait3A_72, %dma_wait3A_73] : memref<10000x128xf32, #tpu.memory_space<vmem_shared>> -> memref<16x128xf32, #tpu.memory_space<vmem_shared>>
        tpu.wait_dma2 semaphore(%run_scoped3A : memref<!tpu.dma_semaphore, #tpu.memory_space<semaphore_mem>>) src(%dma_wait3A_74 : memref<16x128xf32, #tpu.memory_space<vmem_shared>>) dst(%dma_wait3A_71 : memref<16x128xf32, #tpu.memory_space<hbm>>)
        tpu.yield
      }) : () -> ()
    } else {
    }
    return
  }
}

module attributes {stable_mosaic.version = 14 : i64} {
  func.func @body(%arg0: i32, %arg1: memref<8000x16xf32, #tpu.memory_space<vmem>>, %arg2: memref<16x128xf32, #tpu.memory_space<vmem>>, %arg3: memref<1x128xf32, #tpu.memory_space<vmem>>, %arg4: memref<2000x128xf32, #tpu.memory_space<vmem>>, %arg5: memref<128x128xf32, #tpu.memory_space<vmem>>, %arg6: memref<128x128xf32, #tpu.memory_space<vmem>>, %arg7: memref<8000x128xf32, #tpu.memory_space<vmem>>, %arg8: memref<2000x128xf32, #tpu.memory_space<vmem>>, %arg9: memref<2000x128xf32, #tpu.memory_space<vmem>>) attributes {dimension_semantics = [#tpu.dimension_semantics<arbitrary>], iteration_bounds = array<i64: 40>, scalar_prefetch = 0 : i64, scratch_operands = 0 : i64, tpu.core_type = #tpu.core_type<tc>, window_params = [{transform_indices = @transform_0, window_bounds = array<i64: 8000, 16>}, {pipeline_mode = #tpu.pipeline_mode<synchronous>, transform_indices = @transform_1, window_bounds = array<i64: 16, 128>}, {pipeline_mode = #tpu.pipeline_mode<synchronous>, transform_indices = @transform_2, window_bounds = array<i64: 1, 128>}, {transform_indices = @transform_3, window_bounds = array<i64: 2000, 128>}, {pipeline_mode = #tpu.pipeline_mode<synchronous>, transform_indices = @transform_4, window_bounds = array<i64: 128, 128>}, {pipeline_mode = #tpu.pipeline_mode<synchronous>, transform_indices = @transform_5, window_bounds = array<i64: 128, 128>}, {transform_indices = @transform_6, window_bounds = array<i64: 8000, 128>}, {transform_indices = @transform_7, window_bounds = array<i64: 2000, 128>}, {transform_indices = @transform_8, window_bounds = array<i64: 2000, 128>}]} {
    %get3A = arith.constant 0 : index
    %get3A_0 = arith.constant 0 : index
    %get3A_1 = vector.load %arg1[%get3A, %get3A_0] : memref<8000x16xf32, #tpu.memory_space<vmem>>, vector<8000x16xf32>
    %get3A_2 = arith.constant 0 : index
    %get3A_3 = arith.constant 0 : index
    %get3A_4 = vector.load %arg2[%get3A_2, %get3A_3] : memref<16x128xf32, #tpu.memory_space<vmem>>, vector<16x128xf32>
    %dot_general3A = arith.constant dense<0.000000e+00> : vector<8000x128xf32>
    %dot_general3A_5 = tpu.matmul %get3A_1, %get3A_4, %dot_general3A {dimension_numbers = #tpu.dot_dimension_numbers<[1], [0], [0], [1], [0, 0, 1, 1], [], []>, transpose_lhs_hint = false} : vector<8000x16xf32>, vector<16x128xf32>, vector<8000x128xf32> -> vector<8000x128xf32>
    %get3A_6 = arith.constant 0 : index
    %get3A_7 = arith.constant 0 : index
    %get3A_8 = vector.load %arg3[%get3A_6, %get3A_7] : memref<1x128xf32, #tpu.memory_space<vmem>>, vector<1x128xf32>
    %add3A = vector.broadcast %get3A_8 : vector<1x128xf32> to vector<8000x128xf32>
    %add3A_9 = arith.addf %dot_general3A_5, %add3A : vector<8000x128xf32>
    %swap3A = arith.constant 0 : index
    %swap3A_10 = arith.constant 0 : index
    %swap3A_11 = vector.load %arg7[%swap3A, %swap3A_10] : memref<8000x128xf32, #tpu.memory_space<vmem>>, vector<8000x128xf32>
    tpu.vector_store %arg7[%swap3A, %swap3A_10], %add3A_9 {strides = array<i32>} : memref<8000x128xf32, #tpu.memory_space<vmem>>, vector<8000x128xf32>,
    %get3A_12 = arith.constant 0 : index
    %get3A_13 = arith.constant 0 : index
    %get3A_14 = vector.load %arg4[%get3A_12, %get3A_13] : memref<2000x128xf32, #tpu.memory_space<vmem>>, vector<2000x128xf32>
    %get3A_15 = arith.constant 0 : index
    %get3A_16 = arith.constant 0 : index
    %get3A_17 = vector.load %arg5[%get3A_15, %get3A_16] : memref<128x128xf32, #tpu.memory_space<vmem>>, vector<128x128xf32>
    %dot_general3A_18 = arith.constant dense<0.000000e+00> : vector<2000x128xf32>
    %dot_general3A_19 = tpu.matmul %get3A_14, %get3A_17, %dot_general3A_18 {dimension_numbers = #tpu.dot_dimension_numbers<[1], [0], [0], [1], [0, 0, 1, 1], [], []>, transpose_lhs_hint = false} : vector<2000x128xf32>, vector<128x128xf32>, vector<2000x128xf32> -> vector<2000x128xf32>
    %swap3A_20 = arith.constant 0 : index
    %swap3A_21 = arith.constant 0 : index
    %swap3A_22 = vector.load %arg8[%swap3A_20, %swap3A_21] : memref<2000x128xf32, #tpu.memory_space<vmem>>, vector<2000x128xf32>
    tpu.vector_store %arg8[%swap3A_20, %swap3A_21], %dot_general3A_19 {strides = array<i32>} : memref<2000x128xf32, #tpu.memory_space<vmem>>, vector<2000x128xf32>,
    %get3A_23 = arith.constant 0 : index
    %get3A_24 = arith.constant 0 : index
    %get3A_25 = vector.load %arg6[%get3A_23, %get3A_24] : memref<128x128xf32, #tpu.memory_space<vmem>>, vector<128x128xf32>
    %dot_general3A_26 = arith.constant dense<0.000000e+00> : vector<2000x128xf32>
    %dot_general3A_27 = tpu.matmul %get3A_14, %get3A_25, %dot_general3A_26 {dimension_numbers = #tpu.dot_dimension_numbers<[1], [0], [0], [1], [0, 0, 1, 1], [], []>, transpose_lhs_hint = false} : vector<2000x128xf32>, vector<128x128xf32>, vector<2000x128xf32> -> vector<2000x128xf32>
    %swap3A_28 = arith.constant 0 : index
    %swap3A_29 = arith.constant 0 : index
    %swap3A_30 = vector.load %arg9[%swap3A_28, %swap3A_29] : memref<2000x128xf32, #tpu.memory_space<vmem>>, vector<2000x128xf32>
    tpu.vector_store %arg9[%swap3A_28, %swap3A_29], %dot_general3A_27 {strides = array<i32>} : memref<2000x128xf32, #tpu.memory_space<vmem>>, vector<2000x128xf32>,
    return
  }
  func.func @transform_0(%arg0: i32) -> (i32, i32) {
    %c0_i32 = arith.constant 0 : i32
    %c0_i32_0 = arith.constant 0 : i32
    return %arg0, %c0_i32 : i32, i32
  }
  func.func @transform_1(%arg0: i32) -> (i32, i32) {
    %c0_i32 = arith.constant 0 : i32
    %c0_i32_0 = arith.constant 0 : i32
    %c0_i32_1 = arith.constant 0 : i32
    return %c0_i32, %c0_i32_0 : i32, i32
  }
  func.func @transform_2(%arg0: i32) -> (i32, i32) {
    %c0_i32 = arith.constant 0 : i32
    %c0_i32_0 = arith.constant 0 : i32
    %c0_i32_1 = arith.constant 0 : i32
    return %c0_i32, %c0_i32_0 : i32, i32
  }
  func.func @transform_3(%arg0: i32) -> (i32, i32) {
    %min3A = arith.constant 4 : i32
    %min3A_0 = arith.minsi %arg0, %min3A : i32
    %c0_i32 = arith.constant 0 : i32
    %c0_i32_1 = arith.constant 0 : i32
    return %min3A_0, %c0_i32 : i32, i32
  }
  func.func @transform_4(%arg0: i32) -> (i32, i32) {
    %c0_i32 = arith.constant 0 : i32
    %c0_i32_0 = arith.constant 0 : i32
    %c0_i32_1 = arith.constant 0 : i32
    return %c0_i32, %c0_i32_0 : i32, i32
  }
  func.func @transform_5(%arg0: i32) -> (i32, i32) {
    %c0_i32 = arith.constant 0 : i32
    %c0_i32_0 = arith.constant 0 : i32
    %c0_i32_1 = arith.constant 0 : i32
    return %c0_i32, %c0_i32_0 : i32, i32
  }
  func.func @transform_6(%arg0: i32) -> (i32, i32) {
    %c0_i32 = arith.constant 0 : i32
    %c0_i32_0 = arith.constant 0 : i32
    return %arg0, %c0_i32 : i32, i32
  }
  func.func @transform_7(%arg0: i32) -> (i32, i32) {
    %min3A = arith.constant 4 : i32
    %min3A_0 = arith.minsi %arg0, %min3A : i32
    %c0_i32 = arith.constant 0 : i32
    %c0_i32_1 = arith.constant 0 : i32
    return %min3A_0, %c0_i32 : i32, i32
  }
  func.func @transform_8(%arg0: i32) -> (i32, i32) {
    %min3A = arith.constant 4 : i32
    %min3A_0 = arith.minsi %arg0, %min3A : i32
    %c0_i32 = arith.constant 0 : i32
    %c0_i32_1 = arith.constant 0 : i32
    return %min3A_0, %c0_i32 : i32, i32
  }
}

module attributes {stable_mosaic.version = 14 : i64} {
  func.func @body(%arg0: i32, %arg1: memref<2000x128xf32, #tpu.memory_space<vmem>>, %arg2: memref<2x2000x128xf32, #tpu.memory_space<vmem>>, %arg3: memref<2x2000x128xf32, #tpu.memory_space<vmem>>, %arg4: memref<128x128xf32, #tpu.memory_space<vmem>>, %arg5: memref<1x128xf32, #tpu.memory_space<vmem>>, %arg6: memref<128x128xf32, #tpu.memory_space<vmem>>, %arg7: memref<128x128xf32, #tpu.memory_space<vmem>>, %arg8: memref<1x128xf32, #tpu.memory_space<vmem>>, %arg9: memref<128x128xf32, #tpu.memory_space<vmem>>, %arg10: memref<1x128xf32, #tpu.memory_space<vmem>>, %arg11: memref<1x128xf32, #tpu.memory_space<vmem>>, %arg12: memref<1x128xf32, #tpu.memory_space<vmem>>, %arg13: memref<2000x128xf32, #tpu.memory_space<vmem>>) attributes {dimension_semantics = [#tpu.dimension_semantics<arbitrary>], iteration_bounds = array<i64: 5>, scalar_prefetch = 0 : i64, scratch_operands = 0 : i64, tpu.core_type = #tpu.core_type<tc>, window_params = [{transform_indices = @transform_0, window_bounds = array<i64: 2000, 128>}, {transform_indices = @transform_1, window_bounds = array<i64: 2, 2000, 128>}, {transform_indices = @transform_2, window_bounds = array<i64: 2, 2000, 128>}, {pipeline_mode = #tpu.pipeline_mode<synchronous>, transform_indices = @transform_3, window_bounds = array<i64: 128, 128>}, {pipeline_mode = #tpu.pipeline_mode<synchronous>, transform_indices = @transform_4, window_bounds = array<i64: 1, 128>}, {pipeline_mode = #tpu.pipeline_mode<synchronous>, transform_indices = @transform_5, window_bounds = array<i64: 128, 128>}, {pipeline_mode = #tpu.pipeline_mode<synchronous>, transform_indices = @transform_6, window_bounds = array<i64: 128, 128>}, {pipeline_mode = #tpu.pipeline_mode<synchronous>, transform_indices = @transform_7, window_bounds = array<i64: 1, 128>}, {pipeline_mode = #tpu.pipeline_mode<synchronous>, transform_indices = @transform_8, window_bounds = array<i64: 128, 128>}, {pipeline_mode = #tpu.pipeline_mode<synchronous>, transform_indices = @transform_9, window_bounds = array<i64: 1, 128>}, {pipeline_mode = #tpu.pipeline_mode<synchronous>, transform_indices = @transform_10, window_bounds = array<i64: 1, 128>}, {pipeline_mode = #tpu.pipeline_mode<synchronous>, transform_indices = @transform_11, window_bounds = array<i64: 1, 128>}, {transform_indices = @transform_12, window_bounds = array<i64: 2000, 128>}]} {
    %get3A = arith.constant 0 : index
    %get3A_0 = arith.constant 0 : index
    %get3A_1 = vector.load %arg1[%get3A, %get3A_0] : memref<2000x128xf32, #tpu.memory_space<vmem>>, vector<2000x128xf32>
    %get3A_2 = arith.constant 0 : index
    %get3A_3 = arith.constant 0 : index
    %get3A_4 = arith.constant 0 : index
    %get3A_5 = vector.load %arg2[%get3A_2, %get3A_3, %get3A_4] : memref<2x2000x128xf32, #tpu.memory_space<vmem>>, vector<1x2000x128xf32>
    %get3A_6 = vector.shape_cast %get3A_5 : vector<1x2000x128xf32> to vector<2000x128xf32>
    %get3A_7 = arith.constant 1 : index
    %get3A_8 = arith.constant 0 : index
    %get3A_9 = arith.constant 0 : index
    %get3A_10 = vector.load %arg2[%get3A_7, %get3A_8, %get3A_9] : memref<2x2000x128xf32, #tpu.memory_space<vmem>>, vector<1x2000x128xf32>
    %get3A_11 = vector.shape_cast %get3A_10 : vector<1x2000x128xf32> to vector<2000x128xf32>
    %add3A = arith.addf %get3A_6, %get3A_11 : vector<2000x128xf32>
    %get3A_12 = arith.constant 0 : index
    %get3A_13 = arith.constant 0 : index
    %get3A_14 = arith.constant 0 : index
    %get3A_15 = vector.load %arg3[%get3A_12, %get3A_13, %get3A_14] : memref<2x2000x128xf32, #tpu.memory_space<vmem>>, vector<1x2000x1xf32>
    %get3A_16 = vector.shape_cast %get3A_15 : vector<1x2000x1xf32> to vector<2000x1xf32>
    %get3A_17 = arith.constant 1 : index
    %get3A_18 = arith.constant 0 : index
    %get3A_19 = arith.constant 0 : index
    %get3A_20 = vector.load %arg3[%get3A_17, %get3A_18, %get3A_19] : memref<2x2000x128xf32, #tpu.memory_space<vmem>>, vector<1x2000x1xf32>
    %get3A_21 = vector.shape_cast %get3A_20 : vector<1x2000x1xf32> to vector<2000x1xf32>
    %add3A_22 = arith.addf %get3A_16, %get3A_21 : vector<2000x1xf32>
    %get3A_23 = arith.constant 0 : index
    %get3A_24 = arith.constant 0 : index
    %get3A_25 = vector.load %arg4[%get3A_23, %get3A_24] : memref<128x128xf32, #tpu.memory_space<vmem>>, vector<128x128xf32>
    %dot_general3A = arith.constant dense<0.000000e+00> : vector<2000x128xf32>
    %dot_general3A_26 = tpu.matmul %add3A, %get3A_25, %dot_general3A {dimension_numbers = #tpu.dot_dimension_numbers<[1], [0], [0], [1], [0, 0, 1, 1], [], []>, transpose_lhs_hint = false} : vector<2000x128xf32>, vector<128x128xf32>, vector<2000x128xf32> -> vector<2000x128xf32>
    %get3A_27 = arith.constant 0 : index
    %get3A_28 = arith.constant 0 : index
    %get3A_29 = vector.load %arg5[%get3A_27, %get3A_28] : memref<1x128xf32, #tpu.memory_space<vmem>>, vector<1x128xf32>
    %mul3A = vector.broadcast %add3A_22 : vector<2000x1xf32> to vector<2000x128xf32>
    %mul3A_30 = vector.broadcast %get3A_29 : vector<1x128xf32> to vector<2000x128xf32>
    %mul3A_31 = arith.mulf %mul3A, %mul3A_30 : vector<2000x128xf32>
    %add3A_32 = arith.addf %dot_general3A_26, %mul3A_31 : vector<2000x128xf32>
    %get3A_33 = arith.constant 0 : index
    %get3A_34 = arith.constant 0 : index
    %get3A_35 = vector.load %arg6[%get3A_33, %get3A_34] : memref<128x128xf32, #tpu.memory_space<vmem>>, vector<128x128xf32>
    %dot_general3A_36 = arith.constant dense<0.000000e+00> : vector<2000x128xf32>
    %dot_general3A_37 = tpu.matmul %get3A_1, %get3A_35, %dot_general3A_36 {dimension_numbers = #tpu.dot_dimension_numbers<[1], [0], [0], [1], [0, 0, 1, 1], [], []>, transpose_lhs_hint = false} : vector<2000x128xf32>, vector<128x128xf32>, vector<2000x128xf32> -> vector<2000x128xf32>
    %get3A_38 = arith.constant 0 : index
    %get3A_39 = arith.constant 0 : index
    %get3A_40 = vector.load %arg7[%get3A_38, %get3A_39] : memref<128x128xf32, #tpu.memory_space<vmem>>, vector<128x128xf32>
    %dot_general3A_41 = arith.constant dense<0.000000e+00> : vector<2000x128xf32>
    %dot_general3A_42 = tpu.matmul %add3A_32, %get3A_40, %dot_general3A_41 {dimension_numbers = #tpu.dot_dimension_numbers<[1], [0], [0], [1], [0, 0, 1, 1], [], []>, transpose_lhs_hint = false} : vector<2000x128xf32>, vector<128x128xf32>, vector<2000x128xf32> -> vector<2000x128xf32>
    %add3A_43 = arith.addf %dot_general3A_37, %dot_general3A_42 : vector<2000x128xf32>
    %get3A_44 = arith.constant 0 : index
    %get3A_45 = arith.constant 0 : index
    %get3A_46 = vector.load %arg8[%get3A_44, %get3A_45] : memref<1x128xf32, #tpu.memory_space<vmem>>, vector<1x128xf32>
    %add3A_47 = vector.broadcast %get3A_46 : vector<1x128xf32> to vector<2000x128xf32>
    %add3A_48 = arith.addf %add3A_43, %add3A_47 : vector<2000x128xf32>
    %max3A = arith.constant 0.000000e+00 : f32
    %max3A_49 = vector.broadcast %max3A : f32 to vector<2000x128xf32>
    %max3A_50 = arith.maximumf %add3A_48, %max3A_49 : vector<2000x128xf32>
    %get3A_51 = arith.constant 0 : index
    %get3A_52 = arith.constant 0 : index
    %get3A_53 = vector.load %arg9[%get3A_51, %get3A_52] : memref<128x128xf32, #tpu.memory_space<vmem>>, vector<128x128xf32>
    %dot_general3A_54 = arith.constant dense<0.000000e+00> : vector<2000x128xf32>
    %dot_general3A_55 = tpu.matmul %max3A_50, %get3A_53, %dot_general3A_54 {dimension_numbers = #tpu.dot_dimension_numbers<[1], [0], [0], [1], [0, 0, 1, 1], [], []>, transpose_lhs_hint = false} : vector<2000x128xf32>, vector<128x128xf32>, vector<2000x128xf32> -> vector<2000x128xf32>
    %get3A_56 = arith.constant 0 : index
    %get3A_57 = arith.constant 0 : index
    %get3A_58 = vector.load %arg10[%get3A_56, %get3A_57] : memref<1x128xf32, #tpu.memory_space<vmem>>, vector<1x128xf32>
    %add3A_59 = vector.broadcast %get3A_58 : vector<1x128xf32> to vector<2000x128xf32>
    %add3A_60 = arith.addf %dot_general3A_55, %add3A_59 : vector<2000x128xf32>
    %add3A_61 = arith.addf %get3A_1, %add3A_60 : vector<2000x128xf32>
    %reduce_sum3A = arith.constant dense<0.000000e+00> : vector<2000xf32>
    %reduce_sum3A_62 = vector.multi_reduction <add>, %add3A_61, %reduce_sum3A [1] : vector<2000x128xf32> to vector<2000xf32>
    %broadcast_in_dim3A = vector.shape_cast %reduce_sum3A_62 : vector<2000xf32> to vector<2000x1xf32>
    %div3A = arith.constant 1.280000e+02 : f32
    %div3A_63 = vector.broadcast %div3A : f32 to vector<2000x1xf32>
    %div3A_64 = arith.divf %broadcast_in_dim3A, %div3A_63 : vector<2000x1xf32>
    %sub3A = vector.broadcast %div3A_64 : vector<2000x1xf32> to vector<2000x128xf32>
    %sub3A_65 = arith.subf %add3A_61, %sub3A : vector<2000x128xf32>
    %mul3A_66 = arith.mulf %sub3A_65, %sub3A_65 : vector<2000x128xf32>
    %reduce_sum3A_67 = arith.constant dense<0.000000e+00> : vector<2000xf32>
    %reduce_sum3A_68 = vector.multi_reduction <add>, %mul3A_66, %reduce_sum3A_67 [1] : vector<2000x128xf32> to vector<2000xf32>
    %broadcast_in_dim3A_69 = vector.shape_cast %reduce_sum3A_68 : vector<2000xf32> to vector<2000x1xf32>
    %div3A_70 = arith.constant 1.280000e+02 : f32
    %div3A_71 = vector.broadcast %div3A_70 : f32 to vector<2000x1xf32>
    %div3A_72 = arith.divf %broadcast_in_dim3A_69, %div3A_71 : vector<2000x1xf32>
    %add3A_73 = arith.constant 9.99999974E-6 : f32
    %add3A_74 = vector.broadcast %add3A_73 : f32 to vector<2000x1xf32>
    %add3A_75 = arith.addf %div3A_72, %add3A_74 : vector<2000x1xf32>
    %rsqrt3A = math.rsqrt %add3A_75 : vector<2000x1xf32>
    %mul3A_76 = vector.broadcast %rsqrt3A : vector<2000x1xf32> to vector<2000x128xf32>
    %mul3A_77 = arith.mulf %sub3A_65, %mul3A_76 : vector<2000x128xf32>
    %get3A_78 = arith.constant 0 : index
    %get3A_79 = arith.constant 0 : index
    %get3A_80 = vector.load %arg11[%get3A_78, %get3A_79] : memref<1x128xf32, #tpu.memory_space<vmem>>, vector<1x128xf32>
    %mul3A_81 = vector.broadcast %get3A_80 : vector<1x128xf32> to vector<2000x128xf32>
    %mul3A_82 = arith.mulf %mul3A_77, %mul3A_81 : vector<2000x128xf32>
    %get3A_83 = arith.constant 0 : index
    %get3A_84 = arith.constant 0 : index
    %get3A_85 = vector.load %arg12[%get3A_83, %get3A_84] : memref<1x128xf32, #tpu.memory_space<vmem>>, vector<1x128xf32>
    %add3A_86 = vector.broadcast %get3A_85 : vector<1x128xf32> to vector<2000x128xf32>
    %add3A_87 = arith.addf %mul3A_82, %add3A_86 : vector<2000x128xf32>
    %swap3A = arith.constant 0 : index
    %swap3A_88 = arith.constant 0 : index
    %swap3A_89 = vector.load %arg13[%swap3A, %swap3A_88] : memref<2000x128xf32, #tpu.memory_space<vmem>>, vector<2000x128xf32>
    tpu.vector_store %arg13[%swap3A, %swap3A_88], %add3A_87 {strides = array<i32>} : memref<2000x128xf32, #tpu.memory_space<vmem>>, vector<2000x128xf32>,
    return
  }
  func.func @transform_0(%arg0: i32) -> (i32, i32) {
    %c0_i32 = arith.constant 0 : i32
    %c0_i32_0 = arith.constant 0 : i32
    return %arg0, %c0_i32 : i32, i32
  }
  func.func @transform_1(%arg0: i32) -> (i32, i32, i32) {
    %c0_i32 = arith.constant 0 : i32
    %c0_i32_0 = arith.constant 0 : i32
    %c0_i32_1 = arith.constant 0 : i32
    return %c0_i32, %arg0, %c0_i32_0 : i32, i32, i32
  }
  func.func @transform_2(%arg0: i32) -> (i32, i32, i32) {
    %c0_i32 = arith.constant 0 : i32
    %c0_i32_0 = arith.constant 0 : i32
    %c0_i32_1 = arith.constant 0 : i32
    return %c0_i32, %arg0, %c0_i32_0 : i32, i32, i32
  }
  func.func @transform_3(%arg0: i32) -> (i32, i32) {
    %c0_i32 = arith.constant 0 : i32
    %c0_i32_0 = arith.constant 0 : i32
    %c0_i32_1 = arith.constant 0 : i32
    return %c0_i32, %c0_i32_0 : i32, i32
  }
  func.func @transform_4(%arg0: i32) -> (i32, i32) {
    %c0_i32 = arith.constant 0 : i32
    %c0_i32_0 = arith.constant 0 : i32
    %c0_i32_1 = arith.constant 0 : i32
    return %c0_i32, %c0_i32_0 : i32, i32
  }
  func.func @transform_5(%arg0: i32) -> (i32, i32) {
    %c0_i32 = arith.constant 0 : i32
    %c0_i32_0 = arith.constant 0 : i32
    %c0_i32_1 = arith.constant 0 : i32
    return %c0_i32, %c0_i32_0 : i32, i32
  }
  func.func @transform_6(%arg0: i32) -> (i32, i32) {
    %c0_i32 = arith.constant 0 : i32
    %c0_i32_0 = arith.constant 0 : i32
    %c0_i32_1 = arith.constant 0 : i32
    return %c0_i32, %c0_i32_0 : i32, i32
  }
  func.func @transform_7(%arg0: i32) -> (i32, i32) {
    %c0_i32 = arith.constant 0 : i32
    %c0_i32_0 = arith.constant 0 : i32
    %c0_i32_1 = arith.constant 0 : i32
    return %c0_i32, %c0_i32_0 : i32, i32
  }
  func.func @transform_8(%arg0: i32) -> (i32, i32) {
    %c0_i32 = arith.constant 0 : i32
    %c0_i32_0 = arith.constant 0 : i32
    %c0_i32_1 = arith.constant 0 : i32
    return %c0_i32, %c0_i32_0 : i32, i32
  }
  func.func @transform_9(%arg0: i32) -> (i32, i32) {
    %c0_i32 = arith.constant 0 : i32
    %c0_i32_0 = arith.constant 0 : i32
    %c0_i32_1 = arith.constant 0 : i32
    return %c0_i32, %c0_i32_0 : i32, i32
  }
  func.func @transform_10(%arg0: i32) -> (i32, i32) {
    %c0_i32 = arith.constant 0 : i32
    %c0_i32_0 = arith.constant 0 : i32
    %c0_i32_1 = arith.constant 0 : i32
    return %c0_i32, %c0_i32_0 : i32, i32
  }
  func.func @transform_11(%arg0: i32) -> (i32, i32) {
    %c0_i32 = arith.constant 0 : i32
    %c0_i32_0 = arith.constant 0 : i32
    %c0_i32_1 = arith.constant 0 : i32
    return %c0_i32, %c0_i32_0 : i32, i32
  }
  func.func @transform_12(%arg0: i32) -> (i32, i32) {
    %c0_i32 = arith.constant 0 : i32
    %c0_i32_0 = arith.constant 0 : i32
    return %arg0, %c0_i32 : i32, i32
  }
}

</mosaic_0001>

<sc_bundles>
// kernel: kernel.6.cloned.1.call-start
scs
__scs_entry_jumppad:
0x0: {  	(pc) =	sbr.rel $0x88, $3  }
0x1: {  	(tag) =	ssettag $0x0;
	lr =	simm.s32 $0x1  }
0x2: {  	[smem:$0x3F90] =	sst lr;
	_ =	strace $0xD0000000  }
0x3: {  	_ = 	snop  }
0x4: {  	_ = 	snop  }
0x5: {  	_ = 	snop  }
0x6: {  	_ = 	snop  }
0x7: {  	_ = 	snop  }
__scs_overlays_trampoline_lowered:
0x8: {  	[smem:$0x3F9F] =	sst s0  }
0x9: {  	[smem:$0x3FA0] =	sst s1  }
0xa: {  	[smem:$0x3FA1] =	sst s2  }
0xb: {  	[smem:$0x3FA2] =	sst s3  }
0xc: {  	[smem:$0x3FA3] =	sst s4  }
0xd: {  	[smem:$0x3FA4] =	sst s5  }
0xe: {  	[smem:$0x3FA5] =	sst s6  }
0xf: {  	[smem:$0x3FA6] =	sst s7  }
0x10: {  	[smem:$0x3FA7] =	sst s8  }
0x11: {  	[smem:$0x3FA8] =	sst s9;
	s0 =	simm.s32 @!p0 $0x0  }
0x12: {  	s1 =	sld [smem:$0x3F8E];
	s0 =	simm.s32 @p0 $0x1  }
0x13: {  	[smem:$0x3FA9] =	sst s0;
	s0 =	simm.s32 @!p1 $0x0  }
0x14: {  	s2 =	sld [smem:$0x3F8D];
	s0 =	simm.s32 @p1 $0x1  }
0x15: {  	[smem:$0x3FAA] =	sst s0;
	s0 =	simm.s32 @!p2 $0x0  }
0x16: {  	s3 =	sld [smem:$0x3FDB];
	s0 =	simm.s32 @p2 $0x1  }
0x17: {  	s4 =	simm.s32 $0x1BF5;
	[smem:$0x3FAC] =	sst s0  }
0x18: {  	s0 =	sld [smem:$0x3F8F];
	_ =	swait.ge [sflag:s4], $0x0  }
0x19: {  	s7 =	sld [smem:$0x3F90]  }
0x1a: {  	s8 =	sadd.s32 $0xFFFFE003, lr  }
0x1b: {  	s9 =	sadd.s32 $0xFFFFFEF7, lr;
	s5 =	simm.s32 $0xFFFFFFFF;
	p2 =	slt.u32 s8, $0xFFFFF086  }
0x1c: {  	p1 =	slt.u32 s9, $0xF7A;
	s5 =	simm.s32 @!p2 $0x0  }
0x1d: {  	s5 =	simm.s32 @p1 $0x1;
	p0 =	seq.s32 s7, s2  }
0x1e: {  	s7 =	smul.u32 @!p0 $0xF7A, s2;
	p2 =	seq.s32 @!p0 s5, $0x0  }
0x1f: {  	s9 =	smul.u32 $0xF7A, s1;
	s8 =	simm.s32 @!p0 $0x1BF5;
	p2 =	por !p2, p0  }
0x20: {  	[sflag:s8] =	ssyncset.s32 @!p0 $0xFFFFF086;
	s6 =	sadd.s32 @!p0 s3, s7;
	s7 =	simm.s32 @!p0 $0x108  }
0x21: {  	s3 =	sadd.s32 s3, s9;
	s6 =	sadd.s32 @!p0 $0x88, s6;
	s7 =	simm.s32 @p2 $0x1082  }
0x22: {  	[simem:s7], [sflag:s8] =	dma.local @!p0 [hbm:s6], $0xF7A  }
0x23: {  	s9 =	sor.u32 $0xD0000000, s2;
	s6 =	simm.s32 $0x108;
	_ =	swait.ge @!p0 [sflag:s8], $0x0  }
0x24: {  	s3 =	sadd.s32 $0x88, s3;
	s6 =	simm.s32 @!p1 $0x1082;
	[sflag:s4] =	ssyncset.s32 $0xFFFFF086  }
0x25: {  	[simem:s6], [sflag:s4] =	dma.local [hbm:s3], $0xF7A  }
0x26: {  	[smem:$0x3F90] =	sst s1;
	(tag) =	ssettag s2;
	_ =	strace s9  }
0x27: {  	s1 =	sld [smem:$0x3FA0]  }
0x28: {  	s2 =	sld [smem:$0x3FA1]  }
0x29: {  	s4 =	sld [smem:$0x3FA3]  }
0x2a: {  	p0 =	seq.s32 s5, $0x0;
	s5 =	sld [smem:$0x3FA4]  }
0x2b: {  	s6 =	sld [smem:$0x3FA5]  }
0x2c: {  	s7 =	sld [smem:$0x3FA6]  }
0x2d: {  	s3 =	simm.s32 $0x108;
	s8 =	sld [smem:$0x3FA7]  }
0x2e: {  	s3 =	simm.s32 @!p0 $0x1082;
	s9 =	sld [smem:$0x3FA8]  }
0x2f: {  	lr =	sadd.s32 s0, s3;
	s0 =	sld [smem:$0x3F9F]  }
0x30: {  	s3 =	sld [smem:$0x3FA2]  }
0x31: {  	[smem:$0x3FAB] =	sst s10  }
0x32: {  	s10 =	sld [smem:$0x3FA9];
	_ =	sdelay $0x3  }
0x33: {  	p0 =	seq.s32 s10, $0x1;
	s10 =	sld [smem:$0x3FAB];
	_ =	sdelay $0x3  }
0x34: {  	[smem:$0x3FAB] =	sst s10  }
0x35: {  	s10 =	sld [smem:$0x3FAA];
	_ =	sdelay $0x3  }
0x36: {  	p1 =	seq.s32 s10, $0x1;
	s10 =	sld [smem:$0x3FAB];
	_ =	sdelay $0x3  }
0x37: {  	[smem:$0x3FAB] =	sst s10  }
0x38: {  	s10 =	sld [smem:$0x3FAC]  }
0x39: {  	_ = 	snop;
	(pc) =	sbr.ind lr, $3  }
0x3a: {  	_ = 	snop  }
0x3b: {  	_ = 	snop  }
0x3c: {  	p2 =	seq.s32 s10, $0x1;
	s10 =	sld [smem:$0x3FAB]  }
0x3d: {  	_ =	shalt  }
0x3e: {  	_ =	shalt  }
0x3f: {  	_ =	shalt  }
0x40: {  	_ =	shalt  }
0x41: {  	_ =	shalt  }
0x42: {  	_ =	shalt  }
0x43: {  	_ =	shalt  }
0x44: {  	_ =	shalt  }
0x45: {  	_ =	shalt  }
0x46: {  	_ =	shalt  }
0x47: {  	_ =	shalt  }
0x48: {  	_ =	shalt  }
0x49: {  	_ =	shalt  }
0x4a: {  	_ =	shalt  }
0x4b: {  	_ =	shalt  }
0x4c: {  	_ =	shalt  }
0x4d: {  	_ =	shalt  }
0x4e: {  	_ =	shalt  }
0x4f: {  	_ =	shalt  }
0x50: {  	_ =	shalt  }
0x51: {  	_ =	shalt  }
0x52: {  	_ =	shalt  }
0x53: {  	_ =	shalt  }
0x54: {  	_ =	shalt  }
0x55: {  	_ =	shalt  }
0x56: {  	_ =	shalt  }
0x57: {  	_ =	shalt  }
0x58: {  	_ =	shalt  }
0x59: {  	_ =	shalt  }
0x5a: {  	_ =	shalt  }
0x5b: {  	_ =	shalt  }
0x5c: {  	_ =	shalt  }
0x5d: {  	_ =	shalt  }
0x5e: {  	_ =	shalt  }
0x5f: {  	_ =	shalt  }
0x60: {  	_ =	shalt  }
0x61: {  	_ =	shalt  }
0x62: {  	_ =	shalt  }
0x63: {  	_ =	shalt  }
0x64: {  	_ =	shalt  }
0x65: {  	_ =	shalt  }
0x66: {  	_ =	shalt  }
0x67: {  	_ =	shalt  }
0x68: {  	_ =	shalt  }
0x69: {  	_ =	shalt  }
0x6a: {  	_ =	shalt  }
0x6b: {  	_ =	shalt  }
0x6c: {  	_ =	shalt  }
0x6d: {  	_ =	shalt  }
0x6e: {  	_ =	shalt  }
0x6f: {  	_ =	shalt  }
0x70: {  	_ =	shalt  }
0x71: {  	_ =	shalt  }
0x72: {  	_ =	shalt  }
0x73: {  	_ =	shalt  }
0x74: {  	_ =	shalt  }
0x75: {  	_ =	shalt  }
0x76: {  	_ =	shalt  }
0x77: {  	_ =	shalt  }
0x78: {  	_ =	shalt  }
0x79: {  	_ =	shalt  }
0x7a: {  	_ =	shalt  }
0x7b: {  	_ =	shalt  }
0x7c: {  	_ =	shalt  }
0x7d: {  	_ =	shalt  }
0x7e: {  	_ =	shalt  }
0x7f: {  	_ =	shalt  }
0x80: {  	_ =	shalt  }
0x81: {  	_ =	shalt  }
0x82: {  	_ =	shalt  }
0x83: {  	_ =	shalt  }
0x84: {  	_ =	shalt  }
0x85: {  	_ =	shalt  }
0x86: {  	_ =	shalt  }
0x87: {  	_ =	shalt  }
.Lfunc_end0:
.L_simem_size_0:
called_computation_lowered:
.L_overlay_start_0:
0x88: {  	s2 =	sld [smem:$0x3FD9]  }
0x89: {  	s3 =	sld [smem:$0x3FFE];
	_ =	sdelay $0x1  }
0x8a: {  	s1 =	srdreg.scid  }
0x8b: {  	s0 =	sand.u32 $0x1, s1  }
0x8c: {  	s17 =	sshll.u32 s0, $0xA;
	s2 =	sadd.s32 s3, s2  }
0x8d: {  	s2 =	sadd.s32 s2, s17  }
0x8e: {  	[smem:$0x3FB7] =	sst s2  }
0x8f: {  	_ = 	snop  }
0x90: {  	s2 =	sld [smem:$0x3FD0];
	(tm) =	ssettm $0x1  }
0x91: {  	s18 =	sld [smem:$0x3FFB];
	_ =	sdelay $0x3  }
0x92: {  	_ =	strace s18  }
0x93: {  	s3 =	sld [smem:$0x3FFC];
	_ =	sdelay $0x3  }
0x94: {  	_ =	strace s3  }
0x95: {  	s3 =	sld [smem:$0x3FFD];
	_ =	sdelay $0x3  }
0x96: {  	_ =	strace s3  }
0x97: {  	_ =	strace $0x8FFFFFFF  }
0x98: {  	s19 =	sld [smem:$0x3FDB];
	_ =	sdelay $0x1  }
0x99: {  	s4 =	simm.s32 $_scs_section_size  }
0x9a: {  	s5 =	simm.s32 $_size__tile_overlayer_lowered;
	s6 =	simm.s32 $_tile_overlayer_lowered  }
0x9b: {  	s22 =	simm.s32 $0x1BFF;
	s21 =	sshll.u32 s6, $0x1;
	s3 =	sadd.s32 s4, s19  }
0x9c: {  	s7 =	simm.s32 $0x0;
	s20 =	sshll.u32 s5, $0x1;
	s5 =	sadd.s32 s21, s3  }
0x9d: {  	[timem:s7], [sflag:s22] =	dma.local [hbm:s5], s20  }
0x9e: {  	_ =	swait.ge [sflag:s22], s20  }
0x9f: {  	s4 =	ssub.s32 $0x0, s20;
	[sflag:s22] =	ssyncset.done $0x0  }
0xa0: {  	[sflag:s22] =	ssyncadd.s32 s4;
	_ =	sdelay $0x1  }
0xa1: {  	s23 =	simm.s32 $0x1B8B  }
0xa2: {  	_ =	swait.ge [sflag:s23], $0x1  }
0xa3: {  	[sflag:s23] =	ssyncset.done $0x0  }
0xa4: {  	s25 =	simm.s32 $0x1B8E;
	s24 =	sld [smem:$0x3FFE];
	[sflag:s23] =	ssyncadd.s32 $0xFFFFFFFF  }
0xa5: {  	s26 =	simm.s32 $execute0_lowered;
	[smem:$0x3FD2] =	sst s25  }
0xa6: {  	s5 =	sshll.u32 s26, $0x1;
	_ =	strace $0x80000046;
	[dreg:$0x1] =	wrdreg $0xFFFFFFFF  }
0xa7: {  	s28 =	simm.s32 $_size_execute0_lowered;
	s3 =	sadd.s32 s3, s5;
	[dreg:$0x0] =	wrdreg $0x0  }
0xa8: {  	s5 =	sshll.u32 s28, $0x1;
	[dreg:$0x2] =	wrdreg s3  }
0xa9: {  	[dreg:$0x3] =	wrdreg s5  }
0xaa: {  	[dreg:$0x4] =	wrdreg $0xC0  }
0xab: {  	_ =	task [dreg:s7], $0x5FFFF  }
0xac: {  	[dreg:$0x1] =	wrdreg $0xFFFFFFFF  }
0xad: {  	[dreg:$0x0] =	wrdreg $0x60  }
0xae: {  	[dreg:$0x2] =	wrdreg s2  }
0xaf: {  	[dreg:$0x3] =	wrdreg s24  }
0xb0: {  	[dreg:$0x4] =	wrdreg $0xC2000  }
0xb1: {  	[dreg:$0x5] =	wrdreg $0x9  }
0xb2: {  	_ =	task.clear_ibuf [dreg:s7], $0x6FFFF;
	_ =	strace $0x90000046  }
0xb3: {  	s29 =	simm.s32 $0x9;
	_ =	strace $0x80000048  }
0xb4: {  	_ =	swait.ge [sflag:s29], $0x1  }
0xb5: {  	[sflag:s29] =	ssyncadd.s32 $0xFFFFFFFF  }
0xb6: {  	_ =	strace $0x90000048  }
0xb7: {  	_ =	sfence  }
0xb8: {  	s30 =	sld [smem:$0x0];
	_ =	sdelay $0x2  }
0xb9: {  	s31 =	sshll.u32 s1, $0xD;
	s1 =	sshrl.u32 s1, $0x2  }
0xba: {  	s3 =	sand.u32 $0x4000, s31;
	s1 =	sadd.s32 s1, s30  }
0xbb: {  	s0 =	sor.u32 s3, s0;
	s1 =	sshll.u32 s1, $0x11  }
0xbc: {  	s0 =	sor.u32 s1, s0  }
0xbd: {  	s0 =	sadd.s32 $0x8F2B, s0  }
0xbe: {  	[sflag:s0] =	ssyncadd.remote.s32 $0x1  }
0xbf: {  	_ =	sfence.sel $0xFFFF  }
0xc0: {  	[dreg:$0x0] =	wrdreg $0xFFFFFFFF;
	(pc) =	sbr.abs _section_cstart, $3  }
0xc1: {  	[dreg:$0x1] =	wrdreg $0xFFFFFFFF  }
0xc2: {  	_ =	task.clear_ibuf [dreg:s7], $0x2FFFF;
	_ =	strace $0x9FFFFFFF  }
0xc3: {  	(tm) =	ssettm $0x7FFFFFFF  }
tec
execute0_lowered:
.L_overlay_start_1:
0x0: {  	(tag) =	ssettag $0x1  }
0x1: {  	s1 =	rddreg [dreg:$0x0]  }
0x2: {  	s0 =	rddreg [dreg:$0x1]  }
0x3: {  	s2 =	rddreg [dreg:$0x2];
	s3 =	simm.s32 $0x0;
	s4 =	srdreg.scid  }
0x4: {  	s17 =	stileid.u32;
	s29 =	simm.s32 $0x100;
	s30 =	simm.s32 $0x7  }
0x5: {  	s31 =	simm.s32 $0x40;
	[smem:$0x7FF] =	sst s3;
	s5 =	sadd.s32 $0x3200, s0  }
0x6: {  	s6 =	sadd.s32 $0x2A400, s0;
	s4 =	sand.u32 $0x1, s4;
	s8 =	smul.u32 $0x4E000, s17  }
0x7: {  	s7 =	sadd.s32 $0x4EF000, s0;
	s0 =	sadd.s32 $0x51600, s0;
	s16 =	smul.u32 $0x13800, s17  }
0x8: {  	p1 =	sne.s32 s17, $0xF;
	_ =	strace $0x80000047;
	s9 =	sshll.u32 s4, $0x4  }
0x9: {  	s10 =	ssub.s32 $0x2, s4;
	s4 =	smul.u32 $0x138800, s4;
	s9 =	sor.u32 s17, s9  }
0xa: {  	s11 =	sshrl.u32 s10, $0x1;
	s8 =	sshrl.u32 s8, $0x2;
	s17 =	simm.s32 $0x5  }
0xb: {  	s12 =	smul.u32 $0x9C, s9;
	s13 =	ssub.s32 s10, s11;
	s8 =	sadd.s32 s8, s2  }
0xc: {  	s23 =	smin.u32 s9, $0x8;
	s10 =	sadd.s32 $0x138000, s2;
	s24 =	sadd.s32 $0x12000, s8  }
0xd: {  	p0 =	slt.u32 s9, $0x8;
	s19 =	smax.u32 s13, $0x1;
	[dreg:$0x4] =	wrdreg s24  }
0xe: {  	s20 =	sadd.s32 $0x2000, s8;
	s21 =	sadd.s32 $0x4000, s8;
	[dreg:$0xb] =	wrdreg s19  }
0xf: {  	s22 =	sadd.s32 $0x6000, s8;
	s13 =	simm.s32 $0x1;
	[dreg:$0xc] =	wrdreg s20  }
0x10: {  	s11 =	sadd.s32 s23, s12;
	s12 =	simm.s32 $0x9D;
	[dreg:$0xd] =	wrdreg s21  }
0x11: {  	[dreg:$0xe] =	wrdreg s22;
	s23 =	sadd.s32 $0x8000, s8;
	s24 =	sadd.s32 $0xA000, s8  }
0x12: {  	s25 =	sshll.u32 s11, $0x5;
	s12 =	simm.s32 @!p0 $0x9C;
	[dreg:$0xf] =	wrdreg s23  }
0x13: {  	s14 =	sshll.u32 s11, $0xA;
	[dreg:$0x10] =	wrdreg s24;
	s9 =	sadd.s32 s1, s25  }
0x14: {  	s26 =	sadd.s32 $0x1, s11;
	s14 =	sadd.s32 s7, s14;
	[dreg:$0x5] =	wrdreg s9  }
0x15: {  	s15 =	sshll.u32 s26, $0x5;
	s25 =	sadd.s32 $0xC000, s8;
	[dreg:$0x6] =	wrdreg s14  }
0x16: {  	s15 =	sand.u32 $0x1FFFFFE0, s15;
	s9 =	sshll.u32 s26, $0xA;
	[dreg:$0x11] =	wrdreg s25  }
0x17: {  	s26 =	sadd.s32 $0xE000, s8;
	s14 =	simm.s32 $0x2;
	s28 =	sadd.s32 s1, s15  }
0x18: {  	s9 =	sand.u32 $0x1FFFFC00, s9;
	s15 =	sadd.s32 s16, s4;
	[dreg:$0x12] =	wrdreg s26  }
0x19: {  	s4 =	sshrl.u32 s4, $0x3;
	s16 =	sand.u32 $0x1, s12;
	[dreg:$0x7] =	wrdreg s28  }
0x1a: {  	s9 =	sadd.s32 s7, s9;
	s4 =	sadd.s32 s0, s4;
	p0 =	seq.s32 s16, $0x0  }
.Ltmp0:
0x1b: {  	s28 =	sadd.s32 $0x10000, s8;
	s16 =	simm.s32 $0x4;
	(pc) =	sbr.rel .LBB2_1-.Ltmp0, $4  }
0x1c: {  	[dreg:$0x8] =	wrdreg s9;
	s9 =	sshrl.u32 s15, $0x3;
	s18 =	sadd.s32 $0x27000, s4  }
0x1d: {  	[dreg:$0x13] =	wrdreg s28;
	s4 =	simm.s32 $0x6180;
	s15 =	simm.s32 $0x3  }
0x1e: {  	s0 =	sadd.s32 s0, s9;
	[dreg:$0xa] =	wrdreg s18;
	s9 =	simm.s32 $0x6200  }
0x1f: {  	v0 =	vimm.f32 $0.0e+00;
	s18 =	simm.s32 $0x6;
	[dreg:$0x9] =	wrdreg s0;
	s0 =	simm.s32 $0x80  }
.LBB2_13:
0x20: {  	s19 =	stileid.u32  }
0x21: {  	[bflag:$0x0] =	sbarrier.arrive $0xFFFF;
	s19 =	sshll.u32 s19, $0x6  }
0x22: {  	s20 =	sshrl.u32 s8, $0x3;
	s21 =	rddreg [dreg:$0x9];
	s19 =	sor.u32 $0x1C07, s19  }
0x23: {  	[hbm:s21], [sflag:s19] =	dma.local [spmem:s20], $0x2700  }
0x24: {  	_ =	swait.ge [sflag:s30], $0x2700  }
0x25: {  	[sflag:s30] =	ssyncset.done $0x0  }
0x26: {  	s20 =	sshrl.u32 @!p1 s10, $0x3;
	s21 =	rddreg [dreg:$0xa];
	[sflag:s30] =	ssyncadd.s32 $0xFFFFD900  }
0x27: {  	[hbm:s21], [sflag:s19] =	dma.local @!p1 [spmem:s20], $0x100  }
0x28: {  	s19 =	simm.s32 @!p1 $0x7  }
0x29: {  	_ =	swait.ge @!p1 [sflag:s19], $0x100  }
0x2a: {  	s3 =	sadd.s32 $0x1, s3;
	s28 =	rddreg [dreg:$0xb]  }
0x2b: {  	p2 =	sne.s32 s3, s28  }
.Ltmp1:
0x2c: {  	_ = 	snop;
	(pc) =	sbr.rel @!p2 .LBB2_14-.Ltmp1, $3  }
0x2d: {  	_ =	sdelay $0x1  }
0x2e: {  	[sflag:s19] =	ssyncset.done @!p1 $0x0  }
0x2f: {  	[sflag:s19] =	ssyncadd.s32 @!p1 $0xFFFFFF00  }
.LBB2_1:
0x30: {  	s19 =	simm.s32 $0x0;
	s20 =	simm.s32 $0x200  }
.LBB2_2:
0x31: {  	p2 =	sne.s32 s20, $0x7E00;
	[tilespmem:s19+$0x170] =	vst v0  }
0x32: {  	[tilespmem:s19+$0x100] =	vst v0  }
0x33: {  	[tilespmem:s19+$0x110] =	vst v0  }
.Ltmp2:
0x34: {  	[tilespmem:s19+$0x120] =	vst v0;
	(pc) =	sbr.rel @p2 .LBB2_2-.Ltmp2, $4  }
0x35: {  	[tilespmem:s19+$0x130] =	vst v0  }
0x36: {  	[tilespmem:s19+$0x140] =	vst v0  }
0x37: {  	[tilespmem:s19+$0x150] =	vst v0  }
0x38: {  	[tilespmem:s19+$0x160] =	vst v0;
	s19 =	sshra.s32 s20, $0x2;
	s20 =	sadd.s32 $0x200, s20  }
0x39: {  	[tilespmem:s19+$0x170] =	vst v0  }
0x3a: {  	[tilespmem:s19+$0x100] =	vst v0  }
0x3b: {  	[tilespmem:s19+$0x110] =	vst v0  }
0x3c: {  	[tilespmem:s19+$0x120] =	vst v0  }
0x3d: {  	[tilespmem:s19+$0x130] =	vst v0  }
0x3e: {  	[tilespmem:s19+$0x140] =	vst v0  }
0x3f: {  	[tilespmem:s19+$0x150] =	vst v0  }
0x40: {  	[tilespmem:s19+$0x160] =	vst v0  }
0x41: {  	[spmem:s8] =	stream.linear.scatter [tilespmem:s29], [sflag:$0x7], $0x2000, $0x38;
	[tilespmem:$0x1FA80] =	vst v63  }
0x42: {  	_ =	swait.ge [sflag:s30], $0x2000  }
0x43: {  	[sflag:s30] =	ssyncset.done $0x0  }
0x44: {  	s20 =	rddreg [dreg:$0xc];
	[sflag:s30] =	ssyncadd.s32 $0xFFFFE000  }
0x45: {  	[spmem:s20] =	stream.linear.scatter [tilespmem:s29], [sflag:$0x7], $0x2000, $0x38;
	[tilespmem:$0x1FA80] =	vst v63  }
0x46: {  	_ =	swait.ge [sflag:s30], $0x2000  }
0x47: {  	[sflag:s30] =	ssyncset.done $0x0  }
0x48: {  	s21 =	rddreg [dreg:$0xd];
	[sflag:s30] =	ssyncadd.s32 $0xFFFFE000  }
0x49: {  	[spmem:s21] =	stream.linear.scatter [tilespmem:s29], [sflag:$0x7], $0x2000, $0x38;
	[tilespmem:$0x1FA80] =	vst v63  }
0x4a: {  	_ =	swait.ge [sflag:s30], $0x2000  }
0x4b: {  	[sflag:s30] =	ssyncset.done $0x0  }
0x4c: {  	s22 =	rddreg [dreg:$0xe];
	[sflag:s30] =	ssyncadd.s32 $0xFFFFE000  }
0x4d: {  	[spmem:s22] =	stream.linear.scatter [tilespmem:s29], [sflag:$0x7], $0x2000, $0x38;
	[tilespmem:$0x1FA80] =	vst v63  }
0x4e: {  	_ =	swait.ge [sflag:s30], $0x2000  }
0x4f: {  	[sflag:s30] =	ssyncset.done $0x0  }
0x50: {  	s23 =	rddreg [dreg:$0xf];
	[sflag:s30] =	ssyncadd.s32 $0xFFFFE000  }
0x51: {  	[spmem:s23] =	stream.linear.scatter [tilespmem:s29], [sflag:$0x7], $0x2000, $0x38;
	[tilespmem:$0x1FA80] =	vst v63  }
0x52: {  	_ =	swait.ge [sflag:s30], $0x2000  }
0x53: {  	[sflag:s30] =	ssyncset.done $0x0  }
0x54: {  	s24 =	rddreg [dreg:$0x10];
	[sflag:s30] =	ssyncadd.s32 $0xFFFFE000  }
0x55: {  	[spmem:s24] =	stream.linear.scatter [tilespmem:s29], [sflag:$0x7], $0x2000, $0x38;
	[tilespmem:$0x1FA80] =	vst v63  }
0x56: {  	_ =	swait.ge [sflag:s30], $0x2000  }
0x57: {  	[sflag:s30] =	ssyncset.done $0x0  }
0x58: {  	s25 =	rddreg [dreg:$0x11];
	[sflag:s30] =	ssyncadd.s32 $0xFFFFE000  }
0x59: {  	[spmem:s25] =	stream.linear.scatter [tilespmem:s29], [sflag:$0x7], $0x2000, $0x38;
	[tilespmem:$0x1FA80] =	vst v63  }
0x5a: {  	_ =	swait.ge [sflag:s30], $0x2000  }
0x5b: {  	[sflag:s30] =	ssyncset.done $0x0  }
0x5c: {  	s26 =	rddreg [dreg:$0x12];
	[sflag:s30] =	ssyncadd.s32 $0xFFFFE000  }
0x5d: {  	[spmem:s26] =	stream.linear.scatter [tilespmem:s29], [sflag:$0x7], $0x2000, $0x38;
	[tilespmem:$0x1FA80] =	vst v63  }
0x5e: {  	_ =	swait.ge [sflag:s30], $0x2000  }
0x5f: {  	[sflag:s30] =	ssyncset.done $0x0  }
0x60: {  	s28 =	rddreg [dreg:$0x13];
	[sflag:s30] =	ssyncadd.s32 $0xFFFFE000  }
0x61: {  	[spmem:s28] =	stream.linear.scatter [tilespmem:s29], [sflag:$0x7], $0x2000, $0x38;
	[tilespmem:$0x1FA80] =	vst v63  }
0x62: {  	_ =	swait.ge [sflag:s30], $0x2000  }
0x63: {  	[sflag:s30] =	ssyncset.done $0x0  }
0x64: {  	s20 =	rddreg [dreg:$0x4];
	[sflag:s30] =	ssyncadd.s32 $0xFFFFE000  }
0x65: {  	[spmem:s20] =	stream.linear.scatter [tilespmem:s29], [sflag:$0x7], $0x1800, $0x38;
	[tilespmem:$0x1FA80] =	vst v63  }
0x66: {  	_ =	swait.ge [sflag:s30], $0x1800  }
0x67: {  	[sflag:s30] =	ssyncset.done $0x0  }
0x68: {  	s19 =	simm.s32 @!p1 $0x100;
	[sflag:s30] =	ssyncadd.s32 $0xFFFFE800  }
0x69: {  	[spmem:s10] =	stream.linear.scatter @!p1 [tilespmem:s19], [sflag:$0x7], $0x800, $0x38;
	[tilespmem:$0x1FA80] =	vst v63  }
0x6a: {  	s19 =	simm.s32 @!p1 $0x7  }
0x6b: {  	_ =	swait.ge @!p1 [sflag:s19], $0x800  }
0x6c: {  	[sflag:s19] =	ssyncset.done @!p1 $0x0  }
0x6d: {  	[sflag:s19] =	ssyncadd.s32 @!p1 $0xFFFFF800  }
0x6e: {  	[bflag:$0x0] =	sbarrier.arrive $0xFFFF  }
0x6f: {  	s19 =	simm.s32 $0x0;
	s20 =	rddreg [dreg:$0x5]  }
0x70: {  	[tilespmem:s19], [sflag:$0x7] =	stream.linear.gather [hbm4b:s20+s19], $0x100, $0x38;
	[tilespmem:$0x1FA80] =	vst v63  }
0x71: {  	_ =	swait.ge [sflag:s30], $0x100  }
0x72: {  	[sflag:s30] =	ssyncset.done $0x0  }
0x73: {  	[sflag:s30] =	ssyncadd.s32 $0xFFFFFF00  }
0x74: {  	[tilespmem:s29], [sflag:$0x1] =	stream.indirect.gather [hbm4b:s5+s31], $0x80, s19, s31, $0xb8;
	[tilespmem:$0x1FA80] =	vst v63  }
0x75: {  	s21 =	simm.s32 $0x2100  }
0x76: {  	[tilespmem:s21], [sflag:$0x2] =	stream.indirect.gather [hbm4b:s6+s31], $0x80, s0, s31, $0xb8;
	[tilespmem:$0x1FA80] =	vst v63  }
0x77: {  	s22 =	rddreg [dreg:$0x6];
	s21 =	simm.s32 $0x4100  }
0x78: {  	[tilespmem:s21], [sflag:$0x3] =	stream.linear.gather [hbm4b:s22+s19], $0x2000, $0x38;
	[tilespmem:$0x1FA80] =	vst v63  }
0x79: {  	s24 =	simm.s32 $0x6100;
	s23 =	rddreg [dreg:$0x7]  }
0x7a: {  	[tilespmem:s24], [sflag:$0x7] =	stream.linear.gather [hbm4b:s23+s19], $0x100, $0x38;
	[tilespmem:$0x1FA80] =	vst v63  }
0x7b: {  	_ =	swait.ge [sflag:s30], $0x100  }
0x7c: {  	[sflag:s30] =	ssyncset.done $0x0  }
0x7d: {  	[sflag:s30] =	ssyncadd.s32 $0xFFFFFF00  }
0x7e: {  	[tilespmem:s9], [sflag:$0x4] =	stream.indirect.gather [hbm4b:s5+s31], $0x80, s24, s31, $0xb8;
	[tilespmem:$0x1FA80] =	vst v63  }
0x7f: {  	s25 =	simm.s32 $0x8200  }
0x80: {  	[tilespmem:s25], [sflag:$0x5] =	stream.indirect.gather [hbm4b:s6+s31], $0x80, s4, s31, $0xb8;
	[tilespmem:$0x1FA80] =	vst v63  }
0x81: {  	s28 =	simm.s32 $0xA200;
	s26 =	rddreg [dreg:$0x8]  }
0x82: {  	[tilespmem:s28], [sflag:$0x6] =	stream.linear.gather [hbm4b:s26+s19], $0x2000, $0x38;
	[tilespmem:$0x1FA80] =	vst v63  }
.LBB2_4:
0x83: {  	_ =	swait.ge [sflag:s13], $0x2000  }
0x84: {  	[sflag:s13] =	ssyncset.done $0x0  }
0x85: {  	[sflag:s13] =	ssyncadd.s32 $0xFFFFE000  }
0x86: {  	_ =	swait.ge [sflag:s14], $0x2000  }
0x87: {  	[sflag:s14] =	ssyncset.done $0x0  }
0x88: {  	[sflag:s14] =	ssyncadd.s32 $0xFFFFE000  }
0x89: {  	_ =	swait.ge [sflag:s15], $0x2000  }
0x8a: {  	[sflag:s15] =	ssyncset.done $0x0  }
0x8b: {  	s20 =	simm.s32 $0x200;
	[sflag:s15] =	ssyncadd.s32 $0xFFFFE000  }
0x8c: {  	s25 =	simm.s32 $0x2200;
	v1 =	vld [tilespmem:s20+$0x80]  }
0x8d: {  	s24 =	simm.s32 $0x4200;
	v2 =	vld [tilespmem:s25+$0x80]  }
0x8e: {  	v3 =	vld [tilespmem:s24+$0x80]  }
0x8f: {  	v4 =	vld [tilespmem:s24+$0xFFFFFF00]  }
0x90: {  	v6 =	vld [tilespmem:s20+$0xFFFFFF80]  }
0x91: {  	v8 =	vld [tilespmem:s25+$0xFFFFFF80]  }
0x92: {  	s21 =	simm.s32 $0x400;
	v9 =	vld [tilespmem:s25+$0x0]  }
0x93: {  	s22 =	simm.s32 $0x2400;
	v13 =	vld [tilespmem:s21+$0x80]  }
0x94: {  	v14 =	vld [tilespmem:s22+$0x80]  }
0x95: {  	v16 =	vld [tilespmem:s21+$0xFFFFFF80];
	v1 =	vadd.f32 v2, v1  }
0x96: {  	v17 =	vld [tilespmem:s22+$0xFFFFFF80]  }
0x97: {  	v2 =	vld [tilespmem:s25+$0xFFFFFF00];
	v1 =	vadd.f32 v3, v1  }
0x98: {  	s23 =	simm.s32 $0x4400;
	v3 =	vld [tilespmem:s20+$0xFFFFFF00]  }
0x99: {  	v18 =	vld [tilespmem:s23+$0x0];
	v1 =	vmax.f32 v1, $0.0e+00  }
0x9a: {  	[tilespmem:s20+$0x80] =	vst v1;
	v1 =	vld [tilespmem:s20+$0x90]  }
0x9b: {  	v5 =	vld [tilespmem:s25+$0x90]  }
0x9c: {  	v7 =	vld [tilespmem:s24+$0x90]  }
0x9d: {  	v2 =	vadd.f32 v2, v3;
	v3 =	vld [tilespmem:s20+$0x0]  }
0x9e: {  	v19 =	vld [tilespmem:s21+$0xFFFFFF90]  }
0x9f: {  	v38 =	vld [tilespmem:s21+$0x10]  }
0xa0: {  	v2 =	vadd.f32 v4, v2;
	v4 =	vld [tilespmem:s24+$0xFFFFFF80];
	v1 =	vadd.f32 v5, v1  }
0xa1: {  	v5 =	vld [tilespmem:s20+$0xFFFFFF10]  }
0xa2: {  	v2 =	vmax.f32 v2, $0.0e+00;
	v3 =	vadd.f32 v9, v3;
	v9 =	vld [tilespmem:s20+$0x10];
	v1 =	vadd.f32 v7, v1  }
0xa3: {  	[tilespmem:s20+$0xFFFFFF00] =	vst v2;
	v7 =	vld [tilespmem:s24+$0x0]  }
0xa4: {  	v2 =	vld [tilespmem:s25+$0xFFFFFF10];
	v1 =	vmax.f32 v1, $0.0e+00  }
0xa5: {  	v10 =	vld [tilespmem:s24+$0xFFFFFF10];
	[tilespmem:s20+$0x90] =	vst v1;
	v1 =	vadd.f32 v8, v6  }
0xa6: {  	v6 =	vld [tilespmem:s20+$0xA0]  }
0xa7: {  	v8 =	vld [tilespmem:s25+$0xA0];
	v1 =	vadd.f32 v4, v1  }
0xa8: {  	v4 =	vld [tilespmem:s20+$0xFFFFFF90];
	v3 =	vadd.f32 v7, v3  }
0xa9: {  	v7 =	vld [tilespmem:s24+$0xA0];
	v2 =	vadd.f32 v2, v5;
	v1 =	vmax.f32 v1, $0.0e+00  }
0xaa: {  	v5 =	vld [tilespmem:s20+$0xFFFFFF20];
	[tilespmem:s20+$0xFFFFFF80] =	vst v1;
	v1 =	vmax.f32 v3, $0.0e+00  }
0xab: {  	v3 =	vld [tilespmem:s25+$0xFFFFFF90];
	[tilespmem:s20+$0x0] =	vst v1;
	v1 =	vadd.f32 v10, v2  }
0xac: {  	v2 =	vadd.f32 v8, v6;
	v8 =	vld [tilespmem:s24+$0xFFFFFF90]  }
0xad: {  	v6 =	vld [tilespmem:s25+$0x10];
	v1 =	vmax.f32 v1, $0.0e+00  }
0xae: {  	v2 =	vadd.f32 v7, v2;
	v7 =	vld [tilespmem:s24+$0x10];
	[tilespmem:s20+$0xFFFFFF10] =	vst v1  }
0xaf: {  	v1 =	vld [tilespmem:s25+$0xFFFFFF20]  }
0xb0: {  	v2 =	vmax.f32 v2, $0.0e+00;
	v10 =	vld [tilespmem:s24+$0xFFFFFF20]  }
0xb1: {  	[tilespmem:s20+$0xA0] =	vst v2;
	v2 =	vadd.f32 v3, v4;
	v3 =	vld [tilespmem:s20+$0xB0]  }
0xb2: {  	v4 =	vadd.f32 v6, v9;
	v6 =	vld [tilespmem:s25+$0xB0]  }
0xb3: {  	v9 =	vld [tilespmem:s20+$0xFFFFFFA0];
	v2 =	vadd.f32 v8, v2  }
0xb4: {  	v8 =	vld [tilespmem:s20+$0x20]  }
0xb5: {  	v4 =	vadd.f32 v7, v4;
	v7 =	vld [tilespmem:s24+$0xB0];
	v2 =	vmax.f32 v2, $0.0e+00;
	v1 =	vadd.f32 v1, v5  }
0xb6: {  	v5 =	vld [tilespmem:s20+$0xFFFFFF30];
	[tilespmem:s20+$0xFFFFFF90] =	vst v2  }
0xb7: {  	v2 =	vmax.f32 v4, $0.0e+00;
	v4 =	vld [tilespmem:s25+$0xFFFFFFA0];
	v1 =	vadd.f32 v10, v1  }
0xb8: {  	[tilespmem:s20+$0x10] =	vst v2;
	v2 =	vadd.f32 v6, v3;
	v6 =	vld [tilespmem:s24+$0xFFFFFFA0]  }
0xb9: {  	v3 =	vld [tilespmem:s25+$0x20];
	v1 =	vmax.f32 v1, $0.0e+00  }
0xba: {  	v2 =	vadd.f32 v7, v2;
	v7 =	vld [tilespmem:s24+$0x20];
	[tilespmem:s20+$0xFFFFFF20] =	vst v1  }
0xbb: {  	v1 =	vld [tilespmem:s25+$0xFFFFFF30]  }
0xbc: {  	v2 =	vmax.f32 v2, $0.0e+00;
	v10 =	vld [tilespmem:s24+$0xFFFFFF30]  }
0xbd: {  	[tilespmem:s20+$0xB0] =	vst v2;
	v2 =	vadd.f32 v4, v9;
	v4 =	vld [tilespmem:s20+$0xC0]  }
0xbe: {  	v9 =	vld [tilespmem:s20+$0xFFFFFFB0];
	v3 =	vadd.f32 v3, v8  }
0xbf: {  	v8 =	vld [tilespmem:s25+$0xC0];
	v2 =	vadd.f32 v6, v2  }
0xc0: {  	v6 =	vld [tilespmem:s24+$0xC0];
	v3 =	vadd.f32 v7, v3  }
0xc1: {  	v7 =	vld [tilespmem:s20+$0x30];
	v2 =	vmax.f32 v2, $0.0e+00;
	v1 =	vadd.f32 v1, v5  }
0xc2: {  	v5 =	vld [tilespmem:s20+$0xFFFFFF40];
	[tilespmem:s20+$0xFFFFFFA0] =	vst v2;
	v2 =	vmax.f32 v3, $0.0e+00  }
0xc3: {  	[tilespmem:s20+$0x20] =	vst v2;
	v1 =	vadd.f32 v10, v1;
	v2 =	vld [tilespmem:s25+$0xFFFFFFB0]  }
0xc4: {  	v3 =	vadd.f32 v8, v4;
	v4 =	vld [tilespmem:s25+$0x30]  }
0xc5: {  	v8 =	vld [tilespmem:s24+$0xFFFFFFB0];
	v1 =	vmax.f32 v1, $0.0e+00  }
0xc6: {  	v3 =	vadd.f32 v6, v3;
	[tilespmem:s20+$0xFFFFFF30] =	vst v1;
	v1 =	vld [tilespmem:s24+$0x30]  }
0xc7: {  	v6 =	vld [tilespmem:s25+$0xFFFFFF40]  }
0xc8: {  	v3 =	vmax.f32 v3, $0.0e+00;
	v10 =	vld [tilespmem:s24+$0xFFFFFF40];
	v2 =	vadd.f32 v2, v9  }
0xc9: {  	[tilespmem:s20+$0xC0] =	vst v3;
	v3 =	vadd.f32 v4, v7;
	v4 =	vld [tilespmem:s20+$0xD0]  }
0xca: {  	v7 =	vld [tilespmem:s25+$0xD0];
	v2 =	vadd.f32 v8, v2  }
0xcb: {  	v9 =	vld [tilespmem:s20+$0xFFFFFFC0]  }
0xcc: {  	v1 =	vadd.f32 v1, v3;
	v3 =	vld [tilespmem:s24+$0xD0];
	v2 =	vmax.f32 v2, $0.0e+00  }
0xcd: {  	v8 =	vld [tilespmem:s20+$0x40];
	[tilespmem:s20+$0xFFFFFFB0] =	vst v2  }
0xce: {  	v1 =	vmax.f32 v1, $0.0e+00;
	v2 =	vld [tilespmem:s25+$0xFFFFFFC0]  }
0xcf: {  	[tilespmem:s20+$0x30] =	vst v1;
	v4 =	vadd.f32 v7, v4;
	v7 =	vld [tilespmem:s24+$0xFFFFFFC0]  }
0xd0: {  	v5 =	vadd.f32 v6, v5;
	v1 =	vld [tilespmem:s25+$0x40]  }
0xd1: {  	v6 =	vld [tilespmem:s24+$0x40];
	v3 =	vadd.f32 v3, v4  }
0xd2: {  	v5 =	vadd.f32 v10, v5;
	v4 =	vld [tilespmem:s20+$0xFFFFFF50]  }
0xd3: {  	v3 =	vmax.f32 v3, $0.0e+00;
	v2 =	vadd.f32 v2, v9;
	v9 =	vld [tilespmem:s20+$0xFFFFFFD0]  }
0xd4: {  	[tilespmem:s20+$0xD0] =	vst v3;
	v3 =	vmax.f32 v5, $0.0e+00;
	v5 =	vld [tilespmem:s20+$0xE0]  }
0xd5: {  	v1 =	vadd.f32 v1, v8;
	v8 =	vld [tilespmem:s20+$0x50];
	v2 =	vadd.f32 v7, v2  }
0xd6: {  	[tilespmem:s20+$0xFFFFFF40] =	vst v3;
	v3 =	vld [tilespmem:s25+$0xE0]  }
0xd7: {  	v1 =	vadd.f32 v6, v1;
	v6 =	vld [tilespmem:s25+$0xFFFFFF50];
	v2 =	vmax.f32 v2, $0.0e+00  }
0xd8: {  	[tilespmem:s20+$0xFFFFFFC0] =	vst v2;
	v2 =	vld [tilespmem:s24+$0xE0]  }
0xd9: {  	v10 =	vld [tilespmem:s24+$0xFFFFFF50];
	v1 =	vmax.f32 v1, $0.0e+00  }
0xda: {  	v7 =	vld [tilespmem:s25+$0xFFFFFFD0];
	[tilespmem:s20+$0x40] =	vst v1  }
0xdb: {  	v3 =	vadd.f32 v3, v5;
	v1 =	vld [tilespmem:s25+$0x50]  }
0xdc: {  	v5 =	vld [tilespmem:s24+$0xFFFFFFD0]  }
0xdd: {  	v11 =	vld [tilespmem:s24+$0x50];
	v2 =	vadd.f32 v2, v3;
	v3 =	vadd.f32 v6, v4  }
0xde: {  	v42 =	vld [tilespmem:s21+$0xFFFFFFA0]  }
0xdf: {  	v43 =	vld [tilespmem:s21+$0x20];
	v6 =	vadd.f32 v7, v9;
	v3 =	vadd.f32 v10, v3  }
0xe0: {  	v4 =	vld [tilespmem:s20+$0xFFFFFF60];
	v8 =	vadd.f32 v1, v8  }
0xe1: {  	v7 =	vld [tilespmem:s20+$0xFFFFFFE0];
	v5 =	vadd.f32 v5, v6;
	v3 =	vmax.f32 v3, $0.0e+00  }
0xe2: {  	v6 =	vadd.f32 v11, v8;
	v8 =	vld [tilespmem:s20+$0x60];
	[tilespmem:s20+$0xFFFFFF50] =	vst v3  }
0xe3: {  	v3 =	vmax.f32 v5, $0.0e+00;
	v5 =	vld [tilespmem:s25+$0xFFFFFF60]  }
0xe4: {  	[tilespmem:s20+$0xFFFFFFD0] =	vst v3;
	v3 =	vmax.f32 v6, $0.0e+00;
	v10 =	vld [tilespmem:s24+$0xFFFFFF60]  }
0xe5: {  	v6 =	vld [tilespmem:s25+$0xFFFFFFE0];
	[tilespmem:s20+$0x50] =	vst v3  }
0xe6: {  	v3 =	vld [tilespmem:s25+$0x60]  }
0xe7: {  	v11 =	vld [tilespmem:s24+$0xFFFFFFE0]  }
0xe8: {  	v12 =	vld [tilespmem:s24+$0x60];
	v4 =	vadd.f32 v5, v4  }
0xe9: {  	v47 =	vld [tilespmem:s21+$0xFFFFFFB0]  }
0xea: {  	v6 =	vadd.f32 v6, v7;
	v7 =	vadd.f32 v10, v4;
	v10 =	vld [tilespmem:s23+$0x80]  }
0xeb: {  	v48 =	vld [tilespmem:s21+$0x30];
	v3 =	vadd.f32 v3, v8  }
0xec: {  	v51 =	vld [tilespmem:s21+$0xFFFFFFC0];
	v6 =	vadd.f32 v11, v6  }
0xed: {  	v54 =	vld [tilespmem:s21+$0xFFFFFF50];
	v11 =	vadd.f32 v12, v3;
	v12 =	vadd.f32 v14, v13  }
0xee: {  	v55 =	vld [tilespmem:s21+$0xFFFFFFD0]  }
0xef: {  	v14 =	vld [tilespmem:s23+$0xFFFFFF00];
	v6 =	vmax.f32 v6, $0.0e+00;
	v10 =	vadd.f32 v10, v12  }
0xf0: {  	[tilespmem:s20+$0xFFFFFFE0] =	vst v6;
	v6 =	vmax.f32 v11, $0.0e+00;
	v11 =	vld [tilespmem:s22+$0xFFFFFF00]  }
0xf1: {  	v12 =	vld [tilespmem:s21+$0xFFFFFF00];
	v10 =	vmax.f32 v10, $0.0e+00  }
0xf2: {  	[tilespmem:s21+$0x80] =	vst v10;
	v10 =	vld [tilespmem:s21+$0x90]  }
0xf3: {  	v13 =	vld [tilespmem:s22+$0x90]  }
0xf4: {  	v56 =	vld [tilespmem:s21+$0x50]  }
0xf5: {  	v15 =	vld [tilespmem:s23+$0x90]  }
0xf6: {  	v58 =	vld [tilespmem:s21+$0xFFFFFF60];
	v11 =	vadd.f32 v11, v12  }
0xf7: {  	v1 =	vld [tilespmem:s20+$0xF0]  }
0xf8: {  	v12 =	vld [tilespmem:s21+$0x0];
	v11 =	vadd.f32 v14, v11;
	v10 =	vadd.f32 v13, v10  }
0xf9: {  	v13 =	vld [tilespmem:s22+$0x0]  }
0xfa: {  	v14 =	vld [tilespmem:s23+$0xFFFFFF80];
	v11 =	vmax.f32 v11, $0.0e+00;
	v10 =	vadd.f32 v15, v10  }
0xfb: {  	[tilespmem:s21+$0xFFFFFF00] =	vst v11;
	v15 =	vld [tilespmem:s21+$0xFFFFFF10]  }
0xfc: {  	v11 =	vld [tilespmem:s22+$0xFFFFFF10];
	v10 =	vmax.f32 v10, $0.0e+00  }
0xfd: {  	v16 =	vadd.f32 v17, v16;
	[tilespmem:s21+$0x90] =	vst v10;
	v10 =	vld [tilespmem:s21+$0xA0]  }
0xfe: {  	v2 =	vmax.f32 v2, $0.0e+00;
	v12 =	vadd.f32 v13, v12;
	v13 =	vld [tilespmem:s23+$0xFFFFFF10]  }
0xff: {  	[tilespmem:s20+$0xE0] =	vst v2;
	v14 =	vadd.f32 v14, v16;
	v36 =	vld [tilespmem:s22+$0xA0]  }
0x100: {  	v2 =	vld [tilespmem:s25+$0xF0];
	v12 =	vadd.f32 v18, v12  }
0x101: {  	v14 =	vmax.f32 v14, $0.0e+00;
	v37 =	vld [tilespmem:s23+$0xA0];
	v11 =	vadd.f32 v11, v15  }
0x102: {  	[tilespmem:s21+$0xFFFFFF80] =	vst v14;
	v15 =	vld [tilespmem:s21+$0xFFFFFF20];
	v12 =	vmax.f32 v12, $0.0e+00  }
0x103: {  	v14 =	vld [tilespmem:s22+$0xFFFFFF90];
	[tilespmem:s21+$0x0] =	vst v12;
	v11 =	vadd.f32 v13, v11  }
0x104: {  	v10 =	vadd.f32 v36, v10;
	v12 =	vld [tilespmem:s22+$0x10]  }
0x105: {  	v13 =	vld [tilespmem:s23+$0xFFFFFF90];
	v11 =	vmax.f32 v11, $0.0e+00  }
0x106: {  	v39 =	vld [tilespmem:s23+$0x10];
	v10 =	vadd.f32 v37, v10;
	[tilespmem:s21+$0xFFFFFF10] =	vst v11  }
0x107: {  	v11 =	vld [tilespmem:s22+$0xFFFFFF20]  }
0x108: {  	v14 =	vadd.f32 v14, v19;
	v41 =	vld [tilespmem:s23+$0xFFFFFF20];
	v10 =	vmax.f32 v10, $0.0e+00  }
0x109: {  	[tilespmem:s21+$0xA0] =	vst v10;
	v10 =	vld [tilespmem:s21+$0xB0];
	v12 =	vadd.f32 v12, v38  }
0x10a: {  	v13 =	vadd.f32 v13, v14;
	v40 =	vld [tilespmem:s22+$0xB0]  }
0x10b: {  	v9 =	vld [tilespmem:s24+$0xF0];
	v12 =	vadd.f32 v39, v12  }
0x10c: {  	v14 =	vld [tilespmem:s23+$0xB0];
	v13 =	vmax.f32 v13, $0.0e+00;
	v11 =	vadd.f32 v11, v15  }
0x10d: {  	[tilespmem:s21+$0xFFFFFF90] =	vst v13;
	v15 =	vld [tilespmem:s21+$0xFFFFFF30];
	v12 =	vmax.f32 v12, $0.0e+00  }
0x10e: {  	v13 =	vld [tilespmem:s22+$0xFFFFFFA0];
	[tilespmem:s21+$0x10] =	vst v12;
	v11 =	vadd.f32 v41, v11  }
0x10f: {  	v10 =	vadd.f32 v40, v10;
	v12 =	vld [tilespmem:s22+$0x20]  }
0x110: {  	v44 =	vld [tilespmem:s23+$0x20];
	v11 =	vmax.f32 v11, $0.0e+00  }
0x111: {  	v10 =	vadd.f32 v14, v10;
	v14 =	vld [tilespmem:s23+$0xFFFFFFA0];
	[tilespmem:s21+$0xFFFFFF20] =	vst v11  }
0x112: {  	v11 =	vld [tilespmem:s22+$0xFFFFFF30]  }
0x113: {  	v46 =	vld [tilespmem:s23+$0xFFFFFF30];
	v10 =	vmax.f32 v10, $0.0e+00  }
0x114: {  	v13 =	vadd.f32 v13, v42;
	[tilespmem:s21+$0xB0] =	vst v10;
	v10 =	vld [tilespmem:s21+$0xC0]  }
0x115: {  	v12 =	vadd.f32 v12, v43;
	v45 =	vld [tilespmem:s22+$0xC0]  }
0x116: {  	v59 =	vld [tilespmem:s21+$0xFFFFFFE0];
	v13 =	vadd.f32 v14, v13  }
0x117: {  	v1 =	vadd.f32 v2, v1;
	v14 =	vld [tilespmem:s23+$0xC0];
	v12 =	vadd.f32 v44, v12  }
0x118: {  	v5 =	vld [tilespmem:s20+$0xFFFFFF70];
	v11 =	vadd.f32 v11, v15;
	v13 =	vmax.f32 v13, $0.0e+00  }
0x119: {  	v1 =	vadd.f32 v9, v1;
	v9 =	vld [tilespmem:s21+$0xFFFFFFF0];
	v12 =	vmax.f32 v12, $0.0e+00;
	[tilespmem:s21+$0xFFFFFFA0] =	vst v13  }
0x11a: {  	[tilespmem:s21+$0x20] =	vst v12;
	v11 =	vadd.f32 v46, v11;
	v10 =	vadd.f32 v45, v10;
	v12 =	vld [tilespmem:s22+$0xFFFFFFB0]  }
0x11b: {  	v13 =	vld [tilespmem:s22+$0x30]  }
0x11c: {  	v11 =	vmax.f32 v11, $0.0e+00;
	v10 =	vadd.f32 v14, v10;
	v14 =	vld [tilespmem:s23+$0xFFFFFFB0]  }
0x11d: {  	[tilespmem:s21+$0xFFFFFF30] =	vst v11;
	v11 =	vld [tilespmem:s23+$0x30]  }
0x11e: {  	v15 =	vld [tilespmem:s21+$0xFFFFFF40];
	v10 =	vmax.f32 v10, $0.0e+00  }
0x11f: {  	v49 =	vld [tilespmem:s22+$0xFFFFFF40];
	[tilespmem:s21+$0xC0] =	vst v10;
	v10 =	vadd.f32 v12, v47  }
0x120: {  	v12 =	vld [tilespmem:s21+$0xD0];
	v13 =	vadd.f32 v13, v48  }
0x121: {  	v50 =	vld [tilespmem:s22+$0xD0];
	v10 =	vadd.f32 v14, v10  }
0x122: {  	v52 =	vld [tilespmem:s23+$0xFFFFFF40];
	v11 =	vadd.f32 v11, v13  }
0x123: {  	v13 =	vld [tilespmem:s23+$0xD0];
	v10 =	vmax.f32 v10, $0.0e+00  }
0x124: {  	v14 =	vld [tilespmem:s21+$0x40];
	[tilespmem:s21+$0xFFFFFFB0] =	vst v10;
	v10 =	vmax.f32 v11, $0.0e+00  }
0x125: {  	v11 =	vld [tilespmem:s22+$0xFFFFFFC0];
	[tilespmem:s21+$0x30] =	vst v10  }
0x126: {  	v10 =	vadd.f32 v50, v12;
	v12 =	vld [tilespmem:s22+$0x40]  }
0x127: {  	v53 =	vld [tilespmem:s23+$0xFFFFFFC0]  }
0x128: {  	v4 =	vld [tilespmem:s20+$0xFFFFFFF0];
	v10 =	vadd.f32 v13, v10  }
0x129: {  	v15 =	vadd.f32 v49, v15;
	v13 =	vld [tilespmem:s23+$0x40]  }
0x12a: {  	v3 =	vld [tilespmem:s20+$0x70];
	v10 =	vmax.f32 v10, $0.0e+00;
	v11 =	vadd.f32 v11, v51  }
0x12b: {  	v7 =	vmax.f32 v7, $0.0e+00;
	[tilespmem:s21+$0xD0] =	vst v10;
	v10 =	vadd.f32 v52, v15;
	v12 =	vadd.f32 v12, v14;
	v14 =	vld [tilespmem:s21+$0xE0]  }
0x12c: {  	[tilespmem:s20+$0xFFFFFF60] =	vst v7;
	v15 =	vld [tilespmem:s22+$0xE0];
	v11 =	vadd.f32 v53, v11  }
0x12d: {  	v8 =	vld [tilespmem:s25+$0xFFFFFF70];
	v10 =	vmax.f32 v10, $0.0e+00  }
0x12e: {  	v12 =	vadd.f32 v13, v12;
	[tilespmem:s21+$0xFFFFFF40] =	vst v10;
	v10 =	vmax.f32 v11, $0.0e+00;
	v11 =	vld [tilespmem:s23+$0xE0]  }
0x12f: {  	v13 =	vld [tilespmem:s22+$0xFFFFFF50];
	[tilespmem:s21+$0xFFFFFFC0] =	vst v10  }
0x130: {  	v10 =	vmax.f32 v12, $0.0e+00;
	v12 =	vld [tilespmem:s22+$0xFFFFFFD0]  }
0x131: {  	[tilespmem:s21+$0x40] =	vst v10;
	v14 =	vadd.f32 v15, v14;
	v15 =	vld [tilespmem:s23+$0xFFFFFF50]  }
0x132: {  	v10 =	vld [tilespmem:s22+$0x50]  }
0x133: {  	v57 =	vld [tilespmem:s23+$0xFFFFFFD0];
	v11 =	vadd.f32 v11, v14  }
0x134: {  	v14 =	vld [tilespmem:s23+$0x50];
	v13 =	vadd.f32 v13, v54  }
0x135: {  	v63 =	vld [tilespmem:s24+$0xFFFFFF70];
	v11 =	vmax.f32 v11, $0.0e+00  }
0x136: {  	v7 =	vld [tilespmem:s25+$0xFFFFFFF0];
	v12 =	vadd.f32 v12, v55;
	[tilespmem:s21+$0xE0] =	vst v11;
	v11 =	vadd.f32 v15, v13  }
0x137: {  	v10 =	vadd.f32 v10, v56;
	v13 =	vld [tilespmem:s21+$0xF0]  }
0x138: {  	v12 =	vadd.f32 v57, v12;
	v15 =	vld [tilespmem:s22+$0xF0];
	v11 =	vmax.f32 v11, $0.0e+00  }
0x139: {  	v10 =	vadd.f32 v14, v10;
	v14 =	vld [tilespmem:s21+$0x60];
	[tilespmem:s21+$0xFFFFFF50] =	vst v11  }
0x13a: {  	v11 =	vmax.f32 v12, $0.0e+00;
	v12 =	vld [tilespmem:s22+$0xFFFFFF60]  }
0x13b: {  	[tilespmem:s21+$0xFFFFFFD0] =	vst v11;
	v10 =	vmax.f32 v10, $0.0e+00;
	v20 =	vld [tilespmem:s23+$0xFFFFFF60]  }
0x13c: {  	v61 =	vld [tilespmem:s22+$0xFFFFFFE0];
	[tilespmem:s21+$0x50] =	vst v10  }
0x13d: {  	v10 =	vld [tilespmem:s22+$0x60]  }
0x13e: {  	v21 =	vld [tilespmem:s23+$0xFFFFFFE0]  }
0x13f: {  	v2 =	vld [tilespmem:s23+$0x60]  }
0x140: {  	[tilespmem:s20+$0x60] =	vst v6;
	v60 =	vld [tilespmem:s23+$0xF0];
	v12 =	vadd.f32 v12, v58  }
0x141: {  	v6 =	vld [tilespmem:s25+$0x70];
	v62 =	vadd.f32 v61, v59  }
0x142: {  	v11 =	vld [tilespmem:s21+$0xFFFFFF70];
	v14 =	vadd.f32 v10, v14;
	v12 =	vadd.f32 v20, v12  }
0x143: {  	v1 =	vmax.f32 v1, $0.0e+00;
	v13 =	vadd.f32 v15, v13;
	v10 =	vld [tilespmem:s21+$0x70];
	v15 =	vadd.f32 v21, v62  }
0x144: {  	[tilespmem:s20+$0xF0] =	vst v1;
	v1 =	vmax.f32 v12, $0.0e+00;
	v2 =	vadd.f32 v2, v14;
	v12 =	vld [tilespmem:s24+$0xFFFFFFF0]  }
0x145: {  	v14 =	vadd.f32 v60, v13;
	v13 =	vld [tilespmem:s24+$0x70];
	[tilespmem:s21+$0xFFFFFF60] =	vst v1;
	v1 =	vmax.f32 v15, $0.0e+00  }
0x146: {  	v15 =	vadd.f32 v8, v5;
	[tilespmem:s21+$0xFFFFFFE0] =	vst v1;
	v8 =	vld [tilespmem:s22+$0xFFFFFF70];
	v2 =	vmax.f32 v2, $0.0e+00  }
0x147: {  	v1 =	vadd.f32 v7, v4;
	v5 =	vmax.f32 v14, $0.0e+00;
	v4 =	vld [tilespmem:s22+$0xFFFFFFF0];
	[tilespmem:s21+$0x60] =	vst v2  }
0x148: {  	s26 =	simm.s32 $0x600;
	s25 =	simm.s32 $0x4400;
	s24 =	simm.s32 $0x4;
	v2 =	vadd.f32 v6, v3;
	[tilespmem:s21+$0xF0] =	vst v5;
	v3 =	vadd.f32 v63, v15;
	v5 =	vld [tilespmem:s22+$0x70]  }
.LBB2_5:
0x149: {  	v6 =	vld [tilespmem:s26+$0x80];
	s22 =	sadd.s32 $0x200, s22;
	v1 =	vadd.f32 v12, v1  }
0x14a: {  	s24 =	sadd.s32 $0x4, s24;
	v7 =	vld [tilespmem:s22+$0x80];
	v12 =	vmax.f32 v3, $0.0e+00;
	v2 =	vadd.f32 v13, v2  }
0x14b: {  	s23 =	sadd.s32 $0x200, s23;
	p2 =	slt.u32 s24, $0x3C;
	v13 =	vld [tilespmem:s22+$0xFFFFFF00];
	v3 =	vadd.f32 v8, v11;
	[tilespmem:s20+$0xFFFFFF70] =	vst v12;
	v8 =	vmax.f32 v1, $0.0e+00  }
0x14c: {  	v11 =	vld [tilespmem:s23+$0x80];
	v1 =	vadd.f32 v4, v9;
	[tilespmem:s20+$0xFFFFFFF0] =	vst v8;
	v4 =	vmax.f32 v2, $0.0e+00  }
0x14d: {  	v8 =	vld [tilespmem:s26+$0xFFFFFF80];
	v2 =	vadd.f32 v5, v10;
	[tilespmem:s20+$0x70] =	vst v4;
	s20 =	smov.u32 s21;
	s21 =	smov.u32 s26  }
0x14e: {  	v4 =	vld [tilespmem:s22+$0xFFFFFF80]  }
0x14f: {  	v5 =	vld [tilespmem:s26+$0x0];
	v6 =	vadd.f32 v7, v6  }
0x150: {  	v7 =	vld [tilespmem:s22+$0x0]  }
0x151: {  	v9 =	vld [tilespmem:s26+$0xFFFFFF00];
	v6 =	vadd.f32 v11, v6  }
0x152: {  	v10 =	vld [tilespmem:s23+$0xFFFFFF00]  }
0x153: {  	v4 =	vadd.f32 v4, v8;
	v8 =	vld [tilespmem:s23+$0xFFFFFF80];
	v6 =	vmax.f32 v6, $0.0e+00  }
0x154: {  	[tilespmem:s26+$0x80] =	vst v6;
	v6 =	vld [tilespmem:s26+$0x90]  }
0x155: {  	v5 =	vadd.f32 v7, v5;
	v7 =	vld [tilespmem:s22+$0x90]  }
0x156: {  	v9 =	vadd.f32 v13, v9;
	v11 =	vld [tilespmem:s23+$0x0]  }
0x157: {  	v12 =	vld [tilespmem:s23+$0x90]  }
0x158: {  	v9 =	vadd.f32 v10, v9;
	v10 =	vld [tilespmem:s26+$0xFFFFFF10];
	v4 =	vadd.f32 v8, v4  }
0x159: {  	v8 =	vld [tilespmem:s26+$0xFFFFFF90]  }
0x15a: {  	v9 =	vmax.f32 v9, $0.0e+00;
	v4 =	vmax.f32 v4, $0.0e+00;
	v13 =	vld [tilespmem:s26+$0x10];
	v6 =	vadd.f32 v7, v6  }
0x15b: {  	[tilespmem:s26+$0xFFFFFF00] =	vst v9;
	v7 =	vld [tilespmem:s26+$0xFFFFFF20];
	v5 =	vadd.f32 v11, v5  }
0x15c: {  	v9 =	vld [tilespmem:s22+$0xFFFFFF10];
	[tilespmem:s26+$0xFFFFFF80] =	vst v4;
	v4 =	vadd.f32 v12, v6  }
0x15d: {  	v6 =	vld [tilespmem:s22+$0xFFFFFF90];
	v5 =	vmax.f32 v5, $0.0e+00  }
0x15e: {  	v11 =	vld [tilespmem:s23+$0xFFFFFF10];
	[tilespmem:s26+$0x0] =	vst v5;
	v4 =	vmax.f32 v4, $0.0e+00  }
0x15f: {  	[tilespmem:s26+$0x90] =	vst v4;
	v4 =	vld [tilespmem:s26+$0xA0]  }
0x160: {  	v5 =	vld [tilespmem:s22+$0xA0]  }
0x161: {  	v9 =	vadd.f32 v9, v10;
	v10 =	vld [tilespmem:s22+$0x10]  }
0x162: {  	v6 =	vadd.f32 v6, v8;
	v8 =	vld [tilespmem:s23+$0xA0]  }
0x163: {  	v9 =	vadd.f32 v11, v9;
	v11 =	vld [tilespmem:s23+$0xFFFFFF90]  }
0x164: {  	v12 =	vld [tilespmem:s23+$0x10]  }
0x165: {  	v9 =	vmax.f32 v9, $0.0e+00;
	v14 =	vld [tilespmem:s26+$0xFFFFFFA0];
	v4 =	vadd.f32 v5, v4  }
0x166: {  	[tilespmem:s26+$0xFFFFFF10] =	vst v9;
	v5 =	vadd.f32 v10, v13;
	v9 =	vld [tilespmem:s26+$0x20]  }
0x167: {  	v10 =	vld [tilespmem:s22+$0xFFFFFF20];
	v4 =	vadd.f32 v8, v4  }
0x168: {  	v8 =	vld [tilespmem:s23+$0xFFFFFF20];
	v6 =	vadd.f32 v11, v6  }
0x169: {  	v11 =	vld [tilespmem:s26+$0xFFFFFF30];
	v5 =	vadd.f32 v12, v5;
	v4 =	vmax.f32 v4, $0.0e+00  }
0x16a: {  	v6 =	vmax.f32 v6, $0.0e+00;
	[tilespmem:s26+$0xA0] =	vst v4;
	v4 =	vld [tilespmem:s26+$0xB0]  }
0x16b: {  	[tilespmem:s26+$0xFFFFFF90] =	vst v6;
	v5 =	vmax.f32 v5, $0.0e+00;
	v6 =	vld [tilespmem:s22+$0xB0]  }
0x16c: {  	v7 =	vadd.f32 v10, v7;
	v10 =	vld [tilespmem:s22+$0xFFFFFFA0];
	[tilespmem:s26+$0x10] =	vst v5  }
0x16d: {  	v5 =	vld [tilespmem:s23+$0xB0]  }
0x16e: {  	v7 =	vadd.f32 v8, v7;
	v8 =	vld [tilespmem:s22+$0x20]  }
0x16f: {  	v12 =	vld [tilespmem:s23+$0xFFFFFFA0]  }
0x170: {  	v7 =	vmax.f32 v7, $0.0e+00;
	v13 =	vld [tilespmem:s23+$0x20];
	v4 =	vadd.f32 v6, v4  }
0x171: {  	[tilespmem:s26+$0xFFFFFF20] =	vst v7;
	v6 =	vadd.f32 v10, v14;
	v7 =	vld [tilespmem:s26+$0xFFFFFFB0]  }
0x172: {  	v10 =	vld [tilespmem:s22+$0xFFFFFF30];
	v4 =	vadd.f32 v5, v4  }
0x173: {  	v5 =	vadd.f32 v8, v9;
	v8 =	vld [tilespmem:s26+$0x30]  }
0x174: {  	v9 =	vld [tilespmem:s23+$0xFFFFFF30];
	v6 =	vadd.f32 v12, v6;
	v4 =	vmax.f32 v4, $0.0e+00  }
0x175: {  	v5 =	vadd.f32 v13, v5;
	[tilespmem:s26+$0xB0] =	vst v4;
	v4 =	vld [tilespmem:s26+$0xC0]  }
0x176: {  	v6 =	vmax.f32 v6, $0.0e+00;
	v12 =	vld [tilespmem:s22+$0xC0]  }
0x177: {  	v10 =	vadd.f32 v10, v11;
	v11 =	vld [tilespmem:s26+$0xFFFFFF40];
	[tilespmem:s26+$0xFFFFFFA0] =	vst v6;
	v5 =	vmax.f32 v5, $0.0e+00  }
0x178: {  	[tilespmem:s26+$0x20] =	vst v5;
	v5 =	vld [tilespmem:s23+$0xC0]  }
0x179: {  	v6 =	vadd.f32 v9, v10;
	v9 =	vld [tilespmem:s22+$0xFFFFFFB0]  }
0x17a: {  	v10 =	vld [tilespmem:s22+$0x30]  }
0x17b: {  	v6 =	vmax.f32 v6, $0.0e+00;
	v13 =	vld [tilespmem:s23+$0xFFFFFFB0];
	v4 =	vadd.f32 v12, v4  }
0x17c: {  	[tilespmem:s26+$0xFFFFFF30] =	vst v6;
	v6 =	vld [tilespmem:s23+$0x30]  }
0x17d: {  	v12 =	vld [tilespmem:s22+$0xFFFFFF40];
	v4 =	vadd.f32 v5, v4  }
0x17e: {  	v5 =	vadd.f32 v9, v7;
	v7 =	vld [tilespmem:s26+$0xFFFFFFC0]  }
0x17f: {  	v8 =	vadd.f32 v10, v8;
	v9 =	vld [tilespmem:s26+$0x40];
	v4 =	vmax.f32 v4, $0.0e+00  }
0x180: {  	v5 =	vadd.f32 v13, v5;
	[tilespmem:s26+$0xC0] =	vst v4;
	v4 =	vld [tilespmem:s26+$0xD0]  }
0x181: {  	v6 =	vadd.f32 v6, v8;
	v8 =	vld [tilespmem:s22+$0xD0]  }
0x182: {  	v10 =	vadd.f32 v12, v11;
	v11 =	vld [tilespmem:s23+$0xFFFFFF40];
	v5 =	vmax.f32 v5, $0.0e+00  }
0x183: {  	[tilespmem:s26+$0xFFFFFFB0] =	vst v5;
	v5 =	vmax.f32 v6, $0.0e+00;
	v6 =	vld [tilespmem:s23+$0xD0]  }
0x184: {  	v12 =	vld [tilespmem:s22+$0xFFFFFFC0];
	[tilespmem:s26+$0x30] =	vst v5  }
0x185: {  	v5 =	vld [tilespmem:s22+$0x40]  }
0x186: {  	v13 =	vld [tilespmem:s23+$0xFFFFFFC0];
	v4 =	vadd.f32 v8, v4  }
0x187: {  	v8 =	vadd.f32 v11, v10;
	v10 =	vld [tilespmem:s23+$0x40]  }
0x188: {  	v11 =	vld [tilespmem:s26+$0xFFFFFF50];
	v4 =	vadd.f32 v6, v4  }
0x189: {  	v6 =	vmax.f32 v8, $0.0e+00;
	v7 =	vadd.f32 v12, v7;
	v8 =	vld [tilespmem:s26+$0xFFFFFFD0]  }
0x18a: {  	[tilespmem:s26+$0xFFFFFF40] =	vst v6;
	v5 =	vadd.f32 v5, v9;
	v6 =	vld [tilespmem:s26+$0x50];
	v4 =	vmax.f32 v4, $0.0e+00  }
0x18b: {  	v7 =	vadd.f32 v13, v7;
	[tilespmem:s26+$0xD0] =	vst v4;
	v4 =	vld [tilespmem:s26+$0xE0]  }
0x18c: {  	v5 =	vadd.f32 v10, v5;
	v9 =	vld [tilespmem:s22+$0xE0]  }
0x18d: {  	v10 =	vld [tilespmem:s22+$0xFFFFFF50];
	v7 =	vmax.f32 v7, $0.0e+00  }
0x18e: {  	[tilespmem:s26+$0xFFFFFFC0] =	vst v7;
	v5 =	vmax.f32 v5, $0.0e+00;
	v7 =	vld [tilespmem:s23+$0xE0]  }
0x18f: {  	v12 =	vld [tilespmem:s22+$0xFFFFFFD0];
	[tilespmem:s26+$0x40] =	vst v5  }
0x190: {  	v5 =	vld [tilespmem:s22+$0x50]  }
0x191: {  	v13 =	vld [tilespmem:s23+$0xFFFFFF50];
	v4 =	vadd.f32 v9, v4  }
0x192: {  	v9 =	vadd.f32 v10, v11;
	v10 =	vld [tilespmem:s23+$0xFFFFFFD0]  }
0x193: {  	v11 =	vld [tilespmem:s23+$0x50];
	v4 =	vadd.f32 v7, v4  }
0x194: {  	v7 =	vld [tilespmem:s26+$0xFFFFFF60];
	v8 =	vadd.f32 v12, v8  }
0x195: {  	v12 =	vld [tilespmem:s26+$0xFFFFFFE0];
	v5 =	vadd.f32 v5, v6;
	v4 =	vmax.f32 v4, $0.0e+00  }
0x196: {  	v6 =	vadd.f32 v13, v9;
	[tilespmem:s26+$0xE0] =	vst v4;
	v4 =	vld [tilespmem:s26+$0xF0]  }
0x197: {  	v8 =	vadd.f32 v10, v8;
	v9 =	vld [tilespmem:s22+$0xF0]  }
0x198: {  	v6 =	vmax.f32 v6, $0.0e+00;
	v5 =	vadd.f32 v11, v5;
	v10 =	vld [tilespmem:s26+$0x60]  }
0x199: {  	[tilespmem:s26+$0xFFFFFF50] =	vst v6;
	v6 =	vmax.f32 v8, $0.0e+00;
	v8 =	vld [tilespmem:s23+$0xF0]  }
0x19a: {  	v11 =	vld [tilespmem:s22+$0xFFFFFF60];
	[tilespmem:s26+$0xFFFFFFD0] =	vst v6;
	v5 =	vmax.f32 v5, $0.0e+00  }
0x19b: {  	v6 =	vld [tilespmem:s22+$0xFFFFFFE0];
	[tilespmem:s26+$0x50] =	vst v5  }
0x19c: {  	v5 =	vld [tilespmem:s22+$0x60];
	v4 =	vadd.f32 v9, v4  }
0x19d: {  	v13 =	vld [tilespmem:s23+$0xFFFFFF60]  }
0x19e: {  	v14 =	vld [tilespmem:s23+$0xFFFFFFE0];
	v4 =	vadd.f32 v8, v4  }
0x19f: {  	v7 =	vadd.f32 v11, v7;
	v8 =	vld [tilespmem:s23+$0x60]  }
0x1a0: {  	v11 =	vld [tilespmem:s26+$0xFFFFFF70];
	v6 =	vadd.f32 v6, v12;
	v4 =	vmax.f32 v4, $0.0e+00  }
0x1a1: {  	v9 =	vld [tilespmem:s26+$0xFFFFFFF0];
	v5 =	vadd.f32 v5, v10;
	[tilespmem:s26+$0xF0] =	vst v4  }
0x1a2: {  	v4 =	vadd.f32 v13, v7;
	v10 =	vld [tilespmem:s26+$0x70]  }
0x1a3: {  	v6 =	vadd.f32 v14, v6;
	v7 =	vld [tilespmem:s25+$0xFFFFFF70]  }
.Ltmp3:
0x1a4: {  	v4 =	vmax.f32 v4, $0.0e+00;
	v5 =	vadd.f32 v8, v5;
	v12 =	vld [tilespmem:s25+$0xFFFFFFF0];
	(pc) =	sbr.rel @p2 .LBB2_5-.Ltmp3, $4  }
0x1a5: {  	[tilespmem:s26+$0xFFFFFF60] =	vst v4;
	v4 =	vmax.f32 v6, $0.0e+00;
	v13 =	vld [tilespmem:s25+$0x70];
	s25 =	smov.u32 s23  }
0x1a6: {  	v8 =	vld [tilespmem:s22+$0xFFFFFF70];
	[tilespmem:s26+$0xFFFFFFE0] =	vst v4;
	v5 =	vmax.f32 v5, $0.0e+00  }
0x1a7: {  	v4 =	vld [tilespmem:s22+$0xFFFFFFF0];
	[tilespmem:s26+$0x60] =	vst v5  }
0x1a8: {  	s26 =	sadd.s32 $0x200, s26;
	v5 =	vld [tilespmem:s22+$0x70];
	v3 =	vadd.f32 v7, v3  }
0x1a9: {  	v6 =	vld [tilespmem:s25+$0xFFFFFF70]  }
0x1aa: {  	v7 =	vld [tilespmem:s25+$0xFFFFFFF0]  }
0x1ab: {  	v14 =	vld [tilespmem:s25+$0x70]  }
0x1ac: {  	v1 =	vadd.f32 v12, v1;
	v8 =	vadd.f32 v8, v11  }
0x1ad: {  	v3 =	vmax.f32 v3, $0.0e+00;
	v2 =	vadd.f32 v13, v2;
	v4 =	vadd.f32 v4, v9  }
0x1ae: {  	[tilespmem:s20+$0xFFFFFF70] =	vst v3;
	v1 =	vmax.f32 v1, $0.0e+00;
	v3 =	vadd.f32 v5, v10;
	v5 =	vadd.f32 v6, v8  }
0x1af: {  	[tilespmem:s20+$0xFFFFFFF0] =	vst v1;
	v1 =	vmax.f32 v2, $0.0e+00;
	v2 =	vadd.f32 v7, v4  }
0x1b0: {  	[tilespmem:s20+$0x70] =	vst v1;
	v3 =	vadd.f32 v14, v3;
	v1 =	vmax.f32 v5, $0.0e+00  }
0x1b1: {  	[tilespmem:s21+$0xFFFFFF70] =	vst v1;
	v1 =	vmax.f32 v2, $0.0e+00  }
0x1b2: {  	s20 =	sshll.u32 s19, $0x1;
	[tilespmem:s21+$0xFFFFFFF0] =	vst v1;
	v1 =	vmax.f32 v3, $0.0e+00  }
0x1b3: {  	[tilespmem:s21+$0x70] =	vst v1;
	s21 =	sadd.s32 $0x2, s20  }
0x1b4: {  	[spmem:s2] =	stream.indirect.scatter.add.f32 [tilespmem:s29], [sflag:$0x7], $0x80, s0, s31, $0xb8;
	[tilespmem:$0x1FA80] =	vst v63  }
0x1b5: {  	p2 =	sge.u32 s21, s12  }
0x1b6: {  	s21 =	sadd.s32 @!p2 s11, s21  }
0x1b7: {  	_ =	swait.ge [sflag:s30], $0x2000;
	s22 =	sshll.u32 @!p2 s21, $0x5  }
0x1b8: {  	[sflag:s30] =	ssyncset.done $0x0;
	s22 =	sand.u32 @!p2 $0x1FFFFFE0, s22  }
0x1b9: {  	s23 =	simm.s32 @!p2 $0x0;
	[sflag:s30] =	ssyncadd.s32 $0xFFFFE000;
	s22 =	sadd.s32 @!p2 s1, s22  }
0x1ba: {  	[tilespmem:s23], [sflag:$0x7] =	stream.linear.gather @!p2 [hbm4b:s22+s23], $0x100, $0x38;
	[tilespmem:$0x1FA80] =	vst v63  }
0x1bb: {  	s22 =	simm.s32 @!p2 $0x7  }
0x1bc: {  	_ =	swait.ge @!p2 [sflag:s22], $0x100  }
0x1bd: {  	s24 =	simm.s32 @!p2 $0x100;
	[sflag:s22] =	ssyncset.done @!p2 $0x0  }
0x1be: {  	s21 =	sshll.u32 @!p2 s21, $0xA;
	[sflag:s22] =	ssyncadd.s32 @!p2 $0xFFFFFF00;
	s22 =	simm.s32 @!p2 $0x40  }
0x1bf: {  	[tilespmem:s24], [sflag:$0x1] =	stream.indirect.gather @!p2 [hbm4b:s5+s22], $0x80, s23, s22, $0xb8;
	[tilespmem:$0x1FA80] =	vst v63  }
0x1c0: {  	s25 =	simm.s32 @!p2 $0x2100;
	s21 =	sand.u32 @!p2 $0x1FFFFC00, s21;
	s24 =	simm.s32 @!p2 $0x80  }
0x1c1: {  	[tilespmem:s25], [sflag:$0x2] =	stream.indirect.gather @!p2 [hbm4b:s6+s22], $0x80, s24, s22, $0xb8;
	[tilespmem:$0x1FA80] =	vst v63  }
0x1c2: {  	s21 =	sadd.s32 @!p2 s7, s21;
	s22 =	simm.s32 @!p2 $0x4100  }
0x1c3: {  	[tilespmem:s22], [sflag:$0x3] =	stream.linear.gather @!p2 [hbm4b:s21+s23], $0x2000, $0x38;
	[tilespmem:$0x1FA80] =	vst v63  }
0x1c4: {  	_ =	swait.ge [sflag:s16], $0x2000  }
0x1c5: {  	[sflag:s16] =	ssyncset.done $0x0  }
0x1c6: {  	[sflag:s16] =	ssyncadd.s32 $0xFFFFE000  }
0x1c7: {  	_ =	swait.ge [sflag:s17], $0x2000  }
0x1c8: {  	[sflag:s17] =	ssyncset.done $0x0  }
0x1c9: {  	[sflag:s17] =	ssyncadd.s32 $0xFFFFE000  }
0x1ca: {  	_ =	swait.ge [sflag:s18], $0x2000  }
0x1cb: {  	[sflag:s18] =	ssyncset.done $0x0  }
0x1cc: {  	s21 =	simm.s32 $0x6300;
	[sflag:s18] =	ssyncadd.s32 $0xFFFFE000  }
0x1cd: {  	s26 =	simm.s32 $0x8300;
	v1 =	vld [tilespmem:s21+$0x80]  }
0x1ce: {  	s25 =	simm.s32 $0xA300;
	v2 =	vld [tilespmem:s26+$0x80]  }
0x1cf: {  	v3 =	vld [tilespmem:s25+$0x80]  }
0x1d0: {  	v4 =	vld [tilespmem:s25+$0xFFFFFF00]  }
0x1d1: {  	v6 =	vld [tilespmem:s21+$0xFFFFFF80]  }
0x1d2: {  	v8 =	vld [tilespmem:s26+$0xFFFFFF80]  }
0x1d3: {  	s22 =	simm.s32 $0x6500;
	v9 =	vld [tilespmem:s26+$0x0]  }
0x1d4: {  	s23 =	simm.s32 $0x8500;
	v13 =	vld [tilespmem:s22+$0x80]  }
0x1d5: {  	v14 =	vld [tilespmem:s23+$0x80]  }
0x1d6: {  	v16 =	vld [tilespmem:s22+$0xFFFFFF80];
	v1 =	vadd.f32 v2, v1  }
0x1d7: {  	v17 =	vld [tilespmem:s23+$0xFFFFFF80]  }
0x1d8: {  	v2 =	vld [tilespmem:s26+$0xFFFFFF00];
	v1 =	vadd.f32 v3, v1  }
0x1d9: {  	s24 =	simm.s32 $0xA500;
	v3 =	vld [tilespmem:s21+$0xFFFFFF00]  }
0x1da: {  	v18 =	vld [tilespmem:s24+$0x0];
	v1 =	vmax.f32 v1, $0.0e+00  }
0x1db: {  	[tilespmem:s21+$0x80] =	vst v1;
	v1 =	vld [tilespmem:s21+$0x90]  }
0x1dc: {  	v5 =	vld [tilespmem:s26+$0x90]  }
0x1dd: {  	v7 =	vld [tilespmem:s25+$0x90]  }
0x1de: {  	v2 =	vadd.f32 v2, v3;
	v3 =	vld [tilespmem:s21+$0x0]  }
0x1df: {  	v19 =	vld [tilespmem:s22+$0xFFFFFF90]  }
0x1e0: {  	v38 =	vld [tilespmem:s22+$0x10]  }
0x1e1: {  	v2 =	vadd.f32 v4, v2;
	v4 =	vld [tilespmem:s25+$0xFFFFFF80];
	v1 =	vadd.f32 v5, v1  }
0x1e2: {  	v5 =	vld [tilespmem:s21+$0xFFFFFF10]  }
0x1e3: {  	v2 =	vmax.f32 v2, $0.0e+00;
	v3 =	vadd.f32 v9, v3;
	v9 =	vld [tilespmem:s21+$0x10];
	v1 =	vadd.f32 v7, v1  }
0x1e4: {  	[tilespmem:s21+$0xFFFFFF00] =	vst v2;
	v7 =	vld [tilespmem:s25+$0x0]  }
0x1e5: {  	v2 =	vld [tilespmem:s26+$0xFFFFFF10];
	v1 =	vmax.f32 v1, $0.0e+00  }
0x1e6: {  	v10 =	vld [tilespmem:s25+$0xFFFFFF10];
	[tilespmem:s21+$0x90] =	vst v1;
	v1 =	vadd.f32 v8, v6  }
0x1e7: {  	v6 =	vld [tilespmem:s21+$0xA0]  }
0x1e8: {  	v8 =	vld [tilespmem:s26+$0xA0];
	v1 =	vadd.f32 v4, v1  }
0x1e9: {  	v4 =	vld [tilespmem:s21+$0xFFFFFF90];
	v3 =	vadd.f32 v7, v3  }
0x1ea: {  	v7 =	vld [tilespmem:s25+$0xA0];
	v2 =	vadd.f32 v2, v5;
	v1 =	vmax.f32 v1, $0.0e+00  }
0x1eb: {  	v5 =	vld [tilespmem:s21+$0xFFFFFF20];
	[tilespmem:s21+$0xFFFFFF80] =	vst v1;
	v1 =	vmax.f32 v3, $0.0e+00  }
0x1ec: {  	v3 =	vld [tilespmem:s26+$0xFFFFFF90];
	[tilespmem:s21+$0x0] =	vst v1;
	v1 =	vadd.f32 v10, v2  }
0x1ed: {  	v2 =	vadd.f32 v8, v6;
	v8 =	vld [tilespmem:s25+$0xFFFFFF90]  }
0x1ee: {  	v6 =	vld [tilespmem:s26+$0x10];
	v1 =	vmax.f32 v1, $0.0e+00  }
0x1ef: {  	v2 =	vadd.f32 v7, v2;
	v7 =	vld [tilespmem:s25+$0x10];
	[tilespmem:s21+$0xFFFFFF10] =	vst v1  }
0x1f0: {  	v1 =	vld [tilespmem:s26+$0xFFFFFF20]  }
0x1f1: {  	v2 =	vmax.f32 v2, $0.0e+00;
	v10 =	vld [tilespmem:s25+$0xFFFFFF20]  }
0x1f2: {  	[tilespmem:s21+$0xA0] =	vst v2;
	v2 =	vadd.f32 v3, v4;
	v3 =	vld [tilespmem:s21+$0xB0]  }
0x1f3: {  	v4 =	vadd.f32 v6, v9;
	v6 =	vld [tilespmem:s26+$0xB0]  }
0x1f4: {  	v9 =	vld [tilespmem:s21+$0xFFFFFFA0];
	v2 =	vadd.f32 v8, v2  }
0x1f5: {  	v8 =	vld [tilespmem:s21+$0x20]  }
0x1f6: {  	v4 =	vadd.f32 v7, v4;
	v7 =	vld [tilespmem:s25+$0xB0];
	v2 =	vmax.f32 v2, $0.0e+00;
	v1 =	vadd.f32 v1, v5  }
0x1f7: {  	v5 =	vld [tilespmem:s21+$0xFFFFFF30];
	[tilespmem:s21+$0xFFFFFF90] =	vst v2  }
0x1f8: {  	v2 =	vmax.f32 v4, $0.0e+00;
	v4 =	vld [tilespmem:s26+$0xFFFFFFA0];
	v1 =	vadd.f32 v10, v1  }
0x1f9: {  	[tilespmem:s21+$0x10] =	vst v2;
	v2 =	vadd.f32 v6, v3;
	v6 =	vld [tilespmem:s25+$0xFFFFFFA0]  }
0x1fa: {  	v3 =	vld [tilespmem:s26+$0x20];
	v1 =	vmax.f32 v1, $0.0e+00  }
0x1fb: {  	v2 =	vadd.f32 v7, v2;
	v7 =	vld [tilespmem:s25+$0x20];
	[tilespmem:s21+$0xFFFFFF20] =	vst v1  }
0x1fc: {  	v1 =	vld [tilespmem:s26+$0xFFFFFF30]  }
0x1fd: {  	v2 =	vmax.f32 v2, $0.0e+00;
	v10 =	vld [tilespmem:s25+$0xFFFFFF30]  }
0x1fe: {  	[tilespmem:s21+$0xB0] =	vst v2;
	v2 =	vadd.f32 v4, v9;
	v4 =	vld [tilespmem:s21+$0xC0]  }
0x1ff: {  	v9 =	vld [tilespmem:s21+$0xFFFFFFB0];
	v3 =	vadd.f32 v3, v8  }
0x200: {  	v8 =	vld [tilespmem:s26+$0xC0];
	v2 =	vadd.f32 v6, v2  }
0x201: {  	v6 =	vld [tilespmem:s25+$0xC0];
	v3 =	vadd.f32 v7, v3  }
0x202: {  	v7 =	vld [tilespmem:s21+$0x30];
	v2 =	vmax.f32 v2, $0.0e+00;
	v1 =	vadd.f32 v1, v5  }
0x203: {  	v5 =	vld [tilespmem:s21+$0xFFFFFF40];
	[tilespmem:s21+$0xFFFFFFA0] =	vst v2;
	v2 =	vmax.f32 v3, $0.0e+00  }
0x204: {  	[tilespmem:s21+$0x20] =	vst v2;
	v1 =	vadd.f32 v10, v1;
	v2 =	vld [tilespmem:s26+$0xFFFFFFB0]  }
0x205: {  	v3 =	vadd.f32 v8, v4;
	v4 =	vld [tilespmem:s26+$0x30]  }
0x206: {  	v8 =	vld [tilespmem:s25+$0xFFFFFFB0];
	v1 =	vmax.f32 v1, $0.0e+00  }
0x207: {  	v3 =	vadd.f32 v6, v3;
	[tilespmem:s21+$0xFFFFFF30] =	vst v1;
	v1 =	vld [tilespmem:s25+$0x30]  }
0x208: {  	v6 =	vld [tilespmem:s26+$0xFFFFFF40]  }
0x209: {  	v3 =	vmax.f32 v3, $0.0e+00;
	v10 =	vld [tilespmem:s25+$0xFFFFFF40];
	v2 =	vadd.f32 v2, v9  }
0x20a: {  	[tilespmem:s21+$0xC0] =	vst v3;
	v3 =	vadd.f32 v4, v7;
	v4 =	vld [tilespmem:s21+$0xD0]  }
0x20b: {  	v7 =	vld [tilespmem:s26+$0xD0];
	v2 =	vadd.f32 v8, v2  }
0x20c: {  	v9 =	vld [tilespmem:s21+$0xFFFFFFC0]  }
0x20d: {  	v1 =	vadd.f32 v1, v3;
	v3 =	vld [tilespmem:s25+$0xD0];
	v2 =	vmax.f32 v2, $0.0e+00  }
0x20e: {  	v8 =	vld [tilespmem:s21+$0x40];
	[tilespmem:s21+$0xFFFFFFB0] =	vst v2  }
0x20f: {  	v1 =	vmax.f32 v1, $0.0e+00;
	v2 =	vld [tilespmem:s26+$0xFFFFFFC0]  }
0x210: {  	[tilespmem:s21+$0x30] =	vst v1;
	v4 =	vadd.f32 v7, v4;
	v7 =	vld [tilespmem:s25+$0xFFFFFFC0]  }
0x211: {  	v5 =	vadd.f32 v6, v5;
	v1 =	vld [tilespmem:s26+$0x40]  }
0x212: {  	v6 =	vld [tilespmem:s25+$0x40];
	v3 =	vadd.f32 v3, v4  }
0x213: {  	v5 =	vadd.f32 v10, v5;
	v4 =	vld [tilespmem:s21+$0xFFFFFF50]  }
0x214: {  	v3 =	vmax.f32 v3, $0.0e+00;
	v2 =	vadd.f32 v2, v9;
	v9 =	vld [tilespmem:s21+$0xFFFFFFD0]  }
0x215: {  	[tilespmem:s21+$0xD0] =	vst v3;
	v3 =	vmax.f32 v5, $0.0e+00;
	v5 =	vld [tilespmem:s21+$0xE0]  }
0x216: {  	v1 =	vadd.f32 v1, v8;
	v8 =	vld [tilespmem:s21+$0x50];
	v2 =	vadd.f32 v7, v2  }
0x217: {  	[tilespmem:s21+$0xFFFFFF40] =	vst v3;
	v3 =	vld [tilespmem:s26+$0xE0]  }
0x218: {  	v1 =	vadd.f32 v6, v1;
	v6 =	vld [tilespmem:s26+$0xFFFFFF50];
	v2 =	vmax.f32 v2, $0.0e+00  }
0x219: {  	[tilespmem:s21+$0xFFFFFFC0] =	vst v2;
	v2 =	vld [tilespmem:s25+$0xE0]  }
0x21a: {  	v10 =	vld [tilespmem:s25+$0xFFFFFF50];
	v1 =	vmax.f32 v1, $0.0e+00  }
0x21b: {  	v7 =	vld [tilespmem:s26+$0xFFFFFFD0];
	[tilespmem:s21+$0x40] =	vst v1  }
0x21c: {  	v3 =	vadd.f32 v3, v5;
	v1 =	vld [tilespmem:s26+$0x50]  }
0x21d: {  	v5 =	vld [tilespmem:s25+$0xFFFFFFD0]  }
0x21e: {  	v11 =	vld [tilespmem:s25+$0x50];
	v2 =	vadd.f32 v2, v3;
	v3 =	vadd.f32 v6, v4  }
0x21f: {  	v42 =	vld [tilespmem:s22+$0xFFFFFFA0]  }
0x220: {  	v43 =	vld [tilespmem:s22+$0x20];
	v6 =	vadd.f32 v7, v9;
	v3 =	vadd.f32 v10, v3  }
0x221: {  	v4 =	vld [tilespmem:s21+$0xFFFFFF60];
	v8 =	vadd.f32 v1, v8  }
0x222: {  	v7 =	vld [tilespmem:s21+$0xFFFFFFE0];
	v5 =	vadd.f32 v5, v6;
	v3 =	vmax.f32 v3, $0.0e+00  }
0x223: {  	v6 =	vadd.f32 v11, v8;
	v8 =	vld [tilespmem:s21+$0x60];
	[tilespmem:s21+$0xFFFFFF50] =	vst v3  }
0x224: {  	v3 =	vmax.f32 v5, $0.0e+00;
	v5 =	vld [tilespmem:s26+$0xFFFFFF60]  }
0x225: {  	[tilespmem:s21+$0xFFFFFFD0] =	vst v3;
	v3 =	vmax.f32 v6, $0.0e+00;
	v10 =	vld [tilespmem:s25+$0xFFFFFF60]  }
0x226: {  	v6 =	vld [tilespmem:s26+$0xFFFFFFE0];
	[tilespmem:s21+$0x50] =	vst v3  }
0x227: {  	v3 =	vld [tilespmem:s26+$0x60]  }
0x228: {  	v11 =	vld [tilespmem:s25+$0xFFFFFFE0]  }
0x229: {  	v12 =	vld [tilespmem:s25+$0x60];
	v4 =	vadd.f32 v5, v4  }
0x22a: {  	v47 =	vld [tilespmem:s22+$0xFFFFFFB0]  }
0x22b: {  	v6 =	vadd.f32 v6, v7;
	v7 =	vadd.f32 v10, v4;
	v10 =	vld [tilespmem:s24+$0x80]  }
0x22c: {  	v48 =	vld [tilespmem:s22+$0x30];
	v3 =	vadd.f32 v3, v8  }
0x22d: {  	v51 =	vld [tilespmem:s22+$0xFFFFFFC0];
	v6 =	vadd.f32 v11, v6  }
0x22e: {  	v54 =	vld [tilespmem:s22+$0xFFFFFF50];
	v11 =	vadd.f32 v12, v3;
	v12 =	vadd.f32 v14, v13  }
0x22f: {  	v55 =	vld [tilespmem:s22+$0xFFFFFFD0]  }
0x230: {  	v14 =	vld [tilespmem:s24+$0xFFFFFF00];
	v6 =	vmax.f32 v6, $0.0e+00;
	v10 =	vadd.f32 v10, v12  }
0x231: {  	[tilespmem:s21+$0xFFFFFFE0] =	vst v6;
	v6 =	vmax.f32 v11, $0.0e+00;
	v11 =	vld [tilespmem:s23+$0xFFFFFF00]  }
0x232: {  	v12 =	vld [tilespmem:s22+$0xFFFFFF00];
	v10 =	vmax.f32 v10, $0.0e+00  }
0x233: {  	[tilespmem:s22+$0x80] =	vst v10;
	v10 =	vld [tilespmem:s22+$0x90]  }
0x234: {  	v13 =	vld [tilespmem:s23+$0x90]  }
0x235: {  	v56 =	vld [tilespmem:s22+$0x50]  }
0x236: {  	v15 =	vld [tilespmem:s24+$0x90]  }
0x237: {  	v58 =	vld [tilespmem:s22+$0xFFFFFF60];
	v11 =	vadd.f32 v11, v12  }
0x238: {  	v1 =	vld [tilespmem:s21+$0xF0]  }
0x239: {  	v12 =	vld [tilespmem:s22+$0x0];
	v11 =	vadd.f32 v14, v11;
	v10 =	vadd.f32 v13, v10  }
0x23a: {  	v13 =	vld [tilespmem:s23+$0x0]  }
0x23b: {  	v14 =	vld [tilespmem:s24+$0xFFFFFF80];
	v11 =	vmax.f32 v11, $0.0e+00;
	v10 =	vadd.f32 v15, v10  }
0x23c: {  	[tilespmem:s22+$0xFFFFFF00] =	vst v11;
	v15 =	vld [tilespmem:s22+$0xFFFFFF10]  }
0x23d: {  	v11 =	vld [tilespmem:s23+$0xFFFFFF10];
	v10 =	vmax.f32 v10, $0.0e+00  }
0x23e: {  	v16 =	vadd.f32 v17, v16;
	[tilespmem:s22+$0x90] =	vst v10;
	v10 =	vld [tilespmem:s22+$0xA0]  }
0x23f: {  	v2 =	vmax.f32 v2, $0.0e+00;
	v12 =	vadd.f32 v13, v12;
	v13 =	vld [tilespmem:s24+$0xFFFFFF10]  }
0x240: {  	[tilespmem:s21+$0xE0] =	vst v2;
	v14 =	vadd.f32 v14, v16;
	v36 =	vld [tilespmem:s23+$0xA0]  }
0x241: {  	v2 =	vld [tilespmem:s26+$0xF0];
	v12 =	vadd.f32 v18, v12  }
0x242: {  	v14 =	vmax.f32 v14, $0.0e+00;
	v37 =	vld [tilespmem:s24+$0xA0];
	v11 =	vadd.f32 v11, v15  }
0x243: {  	[tilespmem:s22+$0xFFFFFF80] =	vst v14;
	v15 =	vld [tilespmem:s22+$0xFFFFFF20];
	v12 =	vmax.f32 v12, $0.0e+00  }
0x244: {  	v14 =	vld [tilespmem:s23+$0xFFFFFF90];
	[tilespmem:s22+$0x0] =	vst v12;
	v11 =	vadd.f32 v13, v11  }
0x245: {  	v10 =	vadd.f32 v36, v10;
	v12 =	vld [tilespmem:s23+$0x10]  }
0x246: {  	v13 =	vld [tilespmem:s24+$0xFFFFFF90];
	v11 =	vmax.f32 v11, $0.0e+00  }
0x247: {  	v39 =	vld [tilespmem:s24+$0x10];
	v10 =	vadd.f32 v37, v10;
	[tilespmem:s22+$0xFFFFFF10] =	vst v11  }
0x248: {  	v11 =	vld [tilespmem:s23+$0xFFFFFF20]  }
0x249: {  	v14 =	vadd.f32 v14, v19;
	v41 =	vld [tilespmem:s24+$0xFFFFFF20];
	v10 =	vmax.f32 v10, $0.0e+00  }
0x24a: {  	[tilespmem:s22+$0xA0] =	vst v10;
	v10 =	vld [tilespmem:s22+$0xB0];
	v12 =	vadd.f32 v12, v38  }
0x24b: {  	v13 =	vadd.f32 v13, v14;
	v40 =	vld [tilespmem:s23+$0xB0]  }
0x24c: {  	v9 =	vld [tilespmem:s25+$0xF0];
	v12 =	vadd.f32 v39, v12  }
0x24d: {  	v14 =	vld [tilespmem:s24+$0xB0];
	v13 =	vmax.f32 v13, $0.0e+00;
	v11 =	vadd.f32 v11, v15  }
0x24e: {  	[tilespmem:s22+$0xFFFFFF90] =	vst v13;
	v15 =	vld [tilespmem:s22+$0xFFFFFF30];
	v12 =	vmax.f32 v12, $0.0e+00  }
0x24f: {  	v13 =	vld [tilespmem:s23+$0xFFFFFFA0];
	[tilespmem:s22+$0x10] =	vst v12;
	v11 =	vadd.f32 v41, v11  }
0x250: {  	v10 =	vadd.f32 v40, v10;
	v12 =	vld [tilespmem:s23+$0x20]  }
0x251: {  	v44 =	vld [tilespmem:s24+$0x20];
	v11 =	vmax.f32 v11, $0.0e+00  }
0x252: {  	v10 =	vadd.f32 v14, v10;
	v14 =	vld [tilespmem:s24+$0xFFFFFFA0];
	[tilespmem:s22+$0xFFFFFF20] =	vst v11  }
0x253: {  	v11 =	vld [tilespmem:s23+$0xFFFFFF30]  }
0x254: {  	v46 =	vld [tilespmem:s24+$0xFFFFFF30];
	v10 =	vmax.f32 v10, $0.0e+00  }
0x255: {  	v13 =	vadd.f32 v13, v42;
	[tilespmem:s22+$0xB0] =	vst v10;
	v10 =	vld [tilespmem:s22+$0xC0]  }
0x256: {  	v12 =	vadd.f32 v12, v43;
	v45 =	vld [tilespmem:s23+$0xC0]  }
0x257: {  	v59 =	vld [tilespmem:s22+$0xFFFFFFE0];
	v13 =	vadd.f32 v14, v13  }
0x258: {  	v1 =	vadd.f32 v2, v1;
	v14 =	vld [tilespmem:s24+$0xC0];
	v12 =	vadd.f32 v44, v12  }
0x259: {  	v5 =	vld [tilespmem:s21+$0xFFFFFF70];
	v11 =	vadd.f32 v11, v15;
	v13 =	vmax.f32 v13, $0.0e+00  }
0x25a: {  	v1 =	vadd.f32 v9, v1;
	v9 =	vld [tilespmem:s22+$0xFFFFFFF0];
	v12 =	vmax.f32 v12, $0.0e+00;
	[tilespmem:s22+$0xFFFFFFA0] =	vst v13  }
0x25b: {  	[tilespmem:s22+$0x20] =	vst v12;
	v11 =	vadd.f32 v46, v11;
	v10 =	vadd.f32 v45, v10;
	v12 =	vld [tilespmem:s23+$0xFFFFFFB0]  }
0x25c: {  	v13 =	vld [tilespmem:s23+$0x30]  }
0x25d: {  	v11 =	vmax.f32 v11, $0.0e+00;
	v10 =	vadd.f32 v14, v10;
	v14 =	vld [tilespmem:s24+$0xFFFFFFB0]  }
0x25e: {  	[tilespmem:s22+$0xFFFFFF30] =	vst v11;
	v11 =	vld [tilespmem:s24+$0x30]  }
0x25f: {  	v15 =	vld [tilespmem:s22+$0xFFFFFF40];
	v10 =	vmax.f32 v10, $0.0e+00  }
0x260: {  	v49 =	vld [tilespmem:s23+$0xFFFFFF40];
	[tilespmem:s22+$0xC0] =	vst v10;
	v10 =	vadd.f32 v12, v47  }
0x261: {  	v12 =	vld [tilespmem:s22+$0xD0];
	v13 =	vadd.f32 v13, v48  }
0x262: {  	v50 =	vld [tilespmem:s23+$0xD0];
	v10 =	vadd.f32 v14, v10  }
0x263: {  	v52 =	vld [tilespmem:s24+$0xFFFFFF40];
	v11 =	vadd.f32 v11, v13  }
0x264: {  	v13 =	vld [tilespmem:s24+$0xD0];
	v10 =	vmax.f32 v10, $0.0e+00  }
0x265: {  	v14 =	vld [tilespmem:s22+$0x40];
	[tilespmem:s22+$0xFFFFFFB0] =	vst v10;
	v10 =	vmax.f32 v11, $0.0e+00  }
0x266: {  	v11 =	vld [tilespmem:s23+$0xFFFFFFC0];
	[tilespmem:s22+$0x30] =	vst v10  }
0x267: {  	v10 =	vadd.f32 v50, v12;
	v12 =	vld [tilespmem:s23+$0x40]  }
0x268: {  	v53 =	vld [tilespmem:s24+$0xFFFFFFC0]  }
0x269: {  	v4 =	vld [tilespmem:s21+$0xFFFFFFF0];
	v10 =	vadd.f32 v13, v10  }
0x26a: {  	v15 =	vadd.f32 v49, v15;
	v13 =	vld [tilespmem:s24+$0x40]  }
0x26b: {  	v3 =	vld [tilespmem:s21+$0x70];
	v10 =	vmax.f32 v10, $0.0e+00;
	v11 =	vadd.f32 v11, v51  }
0x26c: {  	v7 =	vmax.f32 v7, $0.0e+00;
	[tilespmem:s22+$0xD0] =	vst v10;
	v10 =	vadd.f32 v52, v15;
	v12 =	vadd.f32 v12, v14;
	v14 =	vld [tilespmem:s22+$0xE0]  }
0x26d: {  	[tilespmem:s21+$0xFFFFFF60] =	vst v7;
	v15 =	vld [tilespmem:s23+$0xE0];
	v11 =	vadd.f32 v53, v11  }
0x26e: {  	v8 =	vld [tilespmem:s26+$0xFFFFFF70];
	v10 =	vmax.f32 v10, $0.0e+00  }
0x26f: {  	v12 =	vadd.f32 v13, v12;
	[tilespmem:s22+$0xFFFFFF40] =	vst v10;
	v10 =	vmax.f32 v11, $0.0e+00;
	v11 =	vld [tilespmem:s24+$0xE0]  }
0x270: {  	v13 =	vld [tilespmem:s23+$0xFFFFFF50];
	[tilespmem:s22+$0xFFFFFFC0] =	vst v10  }
0x271: {  	v10 =	vmax.f32 v12, $0.0e+00;
	v12 =	vld [tilespmem:s23+$0xFFFFFFD0]  }
0x272: {  	[tilespmem:s22+$0x40] =	vst v10;
	v14 =	vadd.f32 v15, v14;
	v15 =	vld [tilespmem:s24+$0xFFFFFF50]  }
0x273: {  	v10 =	vld [tilespmem:s23+$0x50]  }
0x274: {  	v57 =	vld [tilespmem:s24+$0xFFFFFFD0];
	v11 =	vadd.f32 v11, v14  }
0x275: {  	v14 =	vld [tilespmem:s24+$0x50];
	v13 =	vadd.f32 v13, v54  }
0x276: {  	v63 =	vld [tilespmem:s25+$0xFFFFFF70];
	v11 =	vmax.f32 v11, $0.0e+00  }
0x277: {  	v7 =	vld [tilespmem:s26+$0xFFFFFFF0];
	v12 =	vadd.f32 v12, v55;
	[tilespmem:s22+$0xE0] =	vst v11;
	v11 =	vadd.f32 v15, v13  }
0x278: {  	v10 =	vadd.f32 v10, v56;
	v13 =	vld [tilespmem:s22+$0xF0]  }
0x279: {  	v12 =	vadd.f32 v57, v12;
	v15 =	vld [tilespmem:s23+$0xF0];
	v11 =	vmax.f32 v11, $0.0e+00  }
0x27a: {  	v10 =	vadd.f32 v14, v10;
	v14 =	vld [tilespmem:s22+$0x60];
	[tilespmem:s22+$0xFFFFFF50] =	vst v11  }
0x27b: {  	v11 =	vmax.f32 v12, $0.0e+00;
	v12 =	vld [tilespmem:s23+$0xFFFFFF60]  }
0x27c: {  	[tilespmem:s22+$0xFFFFFFD0] =	vst v11;
	v10 =	vmax.f32 v10, $0.0e+00;
	v20 =	vld [tilespmem:s24+$0xFFFFFF60]  }
0x27d: {  	v61 =	vld [tilespmem:s23+$0xFFFFFFE0];
	[tilespmem:s22+$0x50] =	vst v10  }
0x27e: {  	v10 =	vld [tilespmem:s23+$0x60]  }
0x27f: {  	v21 =	vld [tilespmem:s24+$0xFFFFFFE0]  }
0x280: {  	v2 =	vld [tilespmem:s24+$0x60]  }
0x281: {  	[tilespmem:s21+$0x60] =	vst v6;
	v60 =	vld [tilespmem:s24+$0xF0];
	v12 =	vadd.f32 v12, v58  }
0x282: {  	v6 =	vld [tilespmem:s26+$0x70];
	v62 =	vadd.f32 v61, v59  }
0x283: {  	v11 =	vld [tilespmem:s22+$0xFFFFFF70];
	v14 =	vadd.f32 v10, v14;
	v12 =	vadd.f32 v20, v12  }
0x284: {  	v1 =	vmax.f32 v1, $0.0e+00;
	v13 =	vadd.f32 v15, v13;
	v10 =	vld [tilespmem:s22+$0x70];
	v15 =	vadd.f32 v21, v62  }
0x285: {  	[tilespmem:s21+$0xF0] =	vst v1;
	v1 =	vmax.f32 v12, $0.0e+00;
	v2 =	vadd.f32 v2, v14;
	v12 =	vld [tilespmem:s25+$0xFFFFFFF0]  }
0x286: {  	v14 =	vadd.f32 v60, v13;
	v13 =	vld [tilespmem:s25+$0x70];
	[tilespmem:s22+$0xFFFFFF60] =	vst v1;
	v1 =	vmax.f32 v15, $0.0e+00  }
0x287: {  	v15 =	vadd.f32 v8, v5;
	[tilespmem:s22+$0xFFFFFFE0] =	vst v1;
	v8 =	vld [tilespmem:s23+$0xFFFFFF70];
	v2 =	vmax.f32 v2, $0.0e+00  }
0x288: {  	v1 =	vadd.f32 v7, v4;
	v5 =	vmax.f32 v14, $0.0e+00;
	v4 =	vld [tilespmem:s23+$0xFFFFFFF0];
	[tilespmem:s22+$0x60] =	vst v2  }
0x289: {  	s28 =	simm.s32 $0x6700;
	s26 =	simm.s32 $0xA500;
	s25 =	simm.s32 $0x4;
	v2 =	vadd.f32 v6, v3;
	[tilespmem:s22+$0xF0] =	vst v5;
	v3 =	vadd.f32 v63, v15;
	v5 =	vld [tilespmem:s23+$0x70]  }
.LBB2_7:
0x28a: {  	v6 =	vld [tilespmem:s28+$0x80];
	s23 =	sadd.s32 $0x200, s23;
	v1 =	vadd.f32 v12, v1  }
0x28b: {  	s25 =	sadd.s32 $0x4, s25;
	v7 =	vld [tilespmem:s23+$0x80];
	v12 =	vmax.f32 v3, $0.0e+00;
	v2 =	vadd.f32 v13, v2  }
0x28c: {  	s24 =	sadd.s32 $0x200, s24;
	p2 =	slt.u32 s25, $0x3C;
	v13 =	vld [tilespmem:s23+$0xFFFFFF00];
	v3 =	vadd.f32 v8, v11;
	[tilespmem:s21+$0xFFFFFF70] =	vst v12;
	v8 =	vmax.f32 v1, $0.0e+00  }
0x28d: {  	v11 =	vld [tilespmem:s24+$0x80];
	v1 =	vadd.f32 v4, v9;
	[tilespmem:s21+$0xFFFFFFF0] =	vst v8;
	v4 =	vmax.f32 v2, $0.0e+00  }
0x28e: {  	v8 =	vld [tilespmem:s28+$0xFFFFFF80];
	v2 =	vadd.f32 v5, v10;
	[tilespmem:s21+$0x70] =	vst v4;
	s21 =	smov.u32 s22;
	s22 =	smov.u32 s28  }
0x28f: {  	v4 =	vld [tilespmem:s23+$0xFFFFFF80]  }
0x290: {  	v5 =	vld [tilespmem:s28+$0x0];
	v6 =	vadd.f32 v7, v6  }
0x291: {  	v7 =	vld [tilespmem:s23+$0x0]  }
0x292: {  	v9 =	vld [tilespmem:s28+$0xFFFFFF00];
	v6 =	vadd.f32 v11, v6  }
0x293: {  	v10 =	vld [tilespmem:s24+$0xFFFFFF00]  }
0x294: {  	v4 =	vadd.f32 v4, v8;
	v8 =	vld [tilespmem:s24+$0xFFFFFF80];
	v6 =	vmax.f32 v6, $0.0e+00  }
0x295: {  	[tilespmem:s28+$0x80] =	vst v6;
	v6 =	vld [tilespmem:s28+$0x90]  }
0x296: {  	v5 =	vadd.f32 v7, v5;
	v7 =	vld [tilespmem:s23+$0x90]  }
0x297: {  	v9 =	vadd.f32 v13, v9;
	v11 =	vld [tilespmem:s24+$0x0]  }
0x298: {  	v12 =	vld [tilespmem:s24+$0x90]  }
0x299: {  	v9 =	vadd.f32 v10, v9;
	v10 =	vld [tilespmem:s28+$0xFFFFFF10];
	v4 =	vadd.f32 v8, v4  }
0x29a: {  	v8 =	vld [tilespmem:s28+$0xFFFFFF90]  }
0x29b: {  	v9 =	vmax.f32 v9, $0.0e+00;
	v4 =	vmax.f32 v4, $0.0e+00;
	v13 =	vld [tilespmem:s28+$0x10];
	v6 =	vadd.f32 v7, v6  }
0x29c: {  	[tilespmem:s28+$0xFFFFFF00] =	vst v9;
	v7 =	vld [tilespmem:s28+$0xFFFFFF20];
	v5 =	vadd.f32 v11, v5  }
0x29d: {  	v9 =	vld [tilespmem:s23+$0xFFFFFF10];
	[tilespmem:s28+$0xFFFFFF80] =	vst v4;
	v4 =	vadd.f32 v12, v6  }
0x29e: {  	v6 =	vld [tilespmem:s23+$0xFFFFFF90];
	v5 =	vmax.f32 v5, $0.0e+00  }
0x29f: {  	v11 =	vld [tilespmem:s24+$0xFFFFFF10];
	[tilespmem:s28+$0x0] =	vst v5;
	v4 =	vmax.f32 v4, $0.0e+00  }
0x2a0: {  	[tilespmem:s28+$0x90] =	vst v4;
	v4 =	vld [tilespmem:s28+$0xA0]  }
0x2a1: {  	v5 =	vld [tilespmem:s23+$0xA0]  }
0x2a2: {  	v9 =	vadd.f32 v9, v10;
	v10 =	vld [tilespmem:s23+$0x10]  }
0x2a3: {  	v6 =	vadd.f32 v6, v8;
	v8 =	vld [tilespmem:s24+$0xA0]  }
0x2a4: {  	v9 =	vadd.f32 v11, v9;
	v11 =	vld [tilespmem:s24+$0xFFFFFF90]  }
0x2a5: {  	v12 =	vld [tilespmem:s24+$0x10]  }
0x2a6: {  	v9 =	vmax.f32 v9, $0.0e+00;
	v14 =	vld [tilespmem:s28+$0xFFFFFFA0];
	v4 =	vadd.f32 v5, v4  }
0x2a7: {  	[tilespmem:s28+$0xFFFFFF10] =	vst v9;
	v5 =	vadd.f32 v10, v13;
	v9 =	vld [tilespmem:s28+$0x20]  }
0x2a8: {  	v10 =	vld [tilespmem:s23+$0xFFFFFF20];
	v4 =	vadd.f32 v8, v4  }
0x2a9: {  	v8 =	vld [tilespmem:s24+$0xFFFFFF20];
	v6 =	vadd.f32 v11, v6  }
0x2aa: {  	v11 =	vld [tilespmem:s28+$0xFFFFFF30];
	v5 =	vadd.f32 v12, v5;
	v4 =	vmax.f32 v4, $0.0e+00  }
0x2ab: {  	v6 =	vmax.f32 v6, $0.0e+00;
	[tilespmem:s28+$0xA0] =	vst v4;
	v4 =	vld [tilespmem:s28+$0xB0]  }
0x2ac: {  	[tilespmem:s28+$0xFFFFFF90] =	vst v6;
	v5 =	vmax.f32 v5, $0.0e+00;
	v6 =	vld [tilespmem:s23+$0xB0]  }
0x2ad: {  	v7 =	vadd.f32 v10, v7;
	v10 =	vld [tilespmem:s23+$0xFFFFFFA0];
	[tilespmem:s28+$0x10] =	vst v5  }
0x2ae: {  	v5 =	vld [tilespmem:s24+$0xB0]  }
0x2af: {  	v7 =	vadd.f32 v8, v7;
	v8 =	vld [tilespmem:s23+$0x20]  }
0x2b0: {  	v12 =	vld [tilespmem:s24+$0xFFFFFFA0]  }
0x2b1: {  	v7 =	vmax.f32 v7, $0.0e+00;
	v13 =	vld [tilespmem:s24+$0x20];
	v4 =	vadd.f32 v6, v4  }
0x2b2: {  	[tilespmem:s28+$0xFFFFFF20] =	vst v7;
	v6 =	vadd.f32 v10, v14;
	v7 =	vld [tilespmem:s28+$0xFFFFFFB0]  }
0x2b3: {  	v10 =	vld [tilespmem:s23+$0xFFFFFF30];
	v4 =	vadd.f32 v5, v4  }
0x2b4: {  	v5 =	vadd.f32 v8, v9;
	v8 =	vld [tilespmem:s28+$0x30]  }
0x2b5: {  	v9 =	vld [tilespmem:s24+$0xFFFFFF30];
	v6 =	vadd.f32 v12, v6;
	v4 =	vmax.f32 v4, $0.0e+00  }
0x2b6: {  	v5 =	vadd.f32 v13, v5;
	[tilespmem:s28+$0xB0] =	vst v4;
	v4 =	vld [tilespmem:s28+$0xC0]  }
0x2b7: {  	v6 =	vmax.f32 v6, $0.0e+00;
	v12 =	vld [tilespmem:s23+$0xC0]  }
0x2b8: {  	v10 =	vadd.f32 v10, v11;
	v11 =	vld [tilespmem:s28+$0xFFFFFF40];
	[tilespmem:s28+$0xFFFFFFA0] =	vst v6;
	v5 =	vmax.f32 v5, $0.0e+00  }
0x2b9: {  	[tilespmem:s28+$0x20] =	vst v5;
	v5 =	vld [tilespmem:s24+$0xC0]  }
0x2ba: {  	v6 =	vadd.f32 v9, v10;
	v9 =	vld [tilespmem:s23+$0xFFFFFFB0]  }
0x2bb: {  	v10 =	vld [tilespmem:s23+$0x30]  }
0x2bc: {  	v6 =	vmax.f32 v6, $0.0e+00;
	v13 =	vld [tilespmem:s24+$0xFFFFFFB0];
	v4 =	vadd.f32 v12, v4  }
0x2bd: {  	[tilespmem:s28+$0xFFFFFF30] =	vst v6;
	v6 =	vld [tilespmem:s24+$0x30]  }
0x2be: {  	v12 =	vld [tilespmem:s23+$0xFFFFFF40];
	v4 =	vadd.f32 v5, v4  }
0x2bf: {  	v5 =	vadd.f32 v9, v7;
	v7 =	vld [tilespmem:s28+$0xFFFFFFC0]  }
0x2c0: {  	v8 =	vadd.f32 v10, v8;
	v9 =	vld [tilespmem:s28+$0x40];
	v4 =	vmax.f32 v4, $0.0e+00  }
0x2c1: {  	v5 =	vadd.f32 v13, v5;
	[tilespmem:s28+$0xC0] =	vst v4;
	v4 =	vld [tilespmem:s28+$0xD0]  }
0x2c2: {  	v6 =	vadd.f32 v6, v8;
	v8 =	vld [tilespmem:s23+$0xD0]  }
0x2c3: {  	v10 =	vadd.f32 v12, v11;
	v11 =	vld [tilespmem:s24+$0xFFFFFF40];
	v5 =	vmax.f32 v5, $0.0e+00  }
0x2c4: {  	[tilespmem:s28+$0xFFFFFFB0] =	vst v5;
	v5 =	vmax.f32 v6, $0.0e+00;
	v6 =	vld [tilespmem:s24+$0xD0]  }
0x2c5: {  	v12 =	vld [tilespmem:s23+$0xFFFFFFC0];
	[tilespmem:s28+$0x30] =	vst v5  }
0x2c6: {  	v5 =	vld [tilespmem:s23+$0x40]  }
0x2c7: {  	v13 =	vld [tilespmem:s24+$0xFFFFFFC0];
	v4 =	vadd.f32 v8, v4  }
0x2c8: {  	v8 =	vadd.f32 v11, v10;
	v10 =	vld [tilespmem:s24+$0x40]  }
0x2c9: {  	v11 =	vld [tilespmem:s28+$0xFFFFFF50];
	v4 =	vadd.f32 v6, v4  }
0x2ca: {  	v6 =	vmax.f32 v8, $0.0e+00;
	v7 =	vadd.f32 v12, v7;
	v8 =	vld [tilespmem:s28+$0xFFFFFFD0]  }
0x2cb: {  	[tilespmem:s28+$0xFFFFFF40] =	vst v6;
	v5 =	vadd.f32 v5, v9;
	v6 =	vld [tilespmem:s28+$0x50];
	v4 =	vmax.f32 v4, $0.0e+00  }
0x2cc: {  	v7 =	vadd.f32 v13, v7;
	[tilespmem:s28+$0xD0] =	vst v4;
	v4 =	vld [tilespmem:s28+$0xE0]  }
0x2cd: {  	v5 =	vadd.f32 v10, v5;
	v9 =	vld [tilespmem:s23+$0xE0]  }
0x2ce: {  	v10 =	vld [tilespmem:s23+$0xFFFFFF50];
	v7 =	vmax.f32 v7, $0.0e+00  }
0x2cf: {  	[tilespmem:s28+$0xFFFFFFC0] =	vst v7;
	v5 =	vmax.f32 v5, $0.0e+00;
	v7 =	vld [tilespmem:s24+$0xE0]  }
0x2d0: {  	v12 =	vld [tilespmem:s23+$0xFFFFFFD0];
	[tilespmem:s28+$0x40] =	vst v5  }
0x2d1: {  	v5 =	vld [tilespmem:s23+$0x50]  }
0x2d2: {  	v13 =	vld [tilespmem:s24+$0xFFFFFF50];
	v4 =	vadd.f32 v9, v4  }
0x2d3: {  	v9 =	vadd.f32 v10, v11;
	v10 =	vld [tilespmem:s24+$0xFFFFFFD0]  }
0x2d4: {  	v11 =	vld [tilespmem:s24+$0x50];
	v4 =	vadd.f32 v7, v4  }
0x2d5: {  	v7 =	vld [tilespmem:s28+$0xFFFFFF60];
	v8 =	vadd.f32 v12, v8  }
0x2d6: {  	v12 =	vld [tilespmem:s28+$0xFFFFFFE0];
	v5 =	vadd.f32 v5, v6;
	v4 =	vmax.f32 v4, $0.0e+00  }
0x2d7: {  	v6 =	vadd.f32 v13, v9;
	[tilespmem:s28+$0xE0] =	vst v4;
	v4 =	vld [tilespmem:s28+$0xF0]  }
0x2d8: {  	v8 =	vadd.f32 v10, v8;
	v9 =	vld [tilespmem:s23+$0xF0]  }
0x2d9: {  	v6 =	vmax.f32 v6, $0.0e+00;
	v5 =	vadd.f32 v11, v5;
	v10 =	vld [tilespmem:s28+$0x60]  }
0x2da: {  	[tilespmem:s28+$0xFFFFFF50] =	vst v6;
	v6 =	vmax.f32 v8, $0.0e+00;
	v8 =	vld [tilespmem:s24+$0xF0]  }
0x2db: {  	v11 =	vld [tilespmem:s23+$0xFFFFFF60];
	[tilespmem:s28+$0xFFFFFFD0] =	vst v6;
	v5 =	vmax.f32 v5, $0.0e+00  }
0x2dc: {  	v6 =	vld [tilespmem:s23+$0xFFFFFFE0];
	[tilespmem:s28+$0x50] =	vst v5  }
0x2dd: {  	v5 =	vld [tilespmem:s23+$0x60];
	v4 =	vadd.f32 v9, v4  }
0x2de: {  	v13 =	vld [tilespmem:s24+$0xFFFFFF60]  }
0x2df: {  	v14 =	vld [tilespmem:s24+$0xFFFFFFE0];
	v4 =	vadd.f32 v8, v4  }
0x2e0: {  	v7 =	vadd.f32 v11, v7;
	v8 =	vld [tilespmem:s24+$0x60]  }
0x2e1: {  	v11 =	vld [tilespmem:s28+$0xFFFFFF70];
	v6 =	vadd.f32 v6, v12;
	v4 =	vmax.f32 v4, $0.0e+00  }
0x2e2: {  	v9 =	vld [tilespmem:s28+$0xFFFFFFF0];
	v5 =	vadd.f32 v5, v10;
	[tilespmem:s28+$0xF0] =	vst v4  }
0x2e3: {  	v4 =	vadd.f32 v13, v7;
	v10 =	vld [tilespmem:s28+$0x70]  }
0x2e4: {  	v6 =	vadd.f32 v14, v6;
	v7 =	vld [tilespmem:s26+$0xFFFFFF70]  }
.Ltmp4:
0x2e5: {  	v4 =	vmax.f32 v4, $0.0e+00;
	v5 =	vadd.f32 v8, v5;
	v12 =	vld [tilespmem:s26+$0xFFFFFFF0];
	(pc) =	sbr.rel @p2 .LBB2_7-.Ltmp4, $4  }
0x2e6: {  	[tilespmem:s28+$0xFFFFFF60] =	vst v4;
	v4 =	vmax.f32 v6, $0.0e+00;
	v13 =	vld [tilespmem:s26+$0x70];
	s26 =	smov.u32 s24  }
0x2e7: {  	v8 =	vld [tilespmem:s23+$0xFFFFFF70];
	[tilespmem:s28+$0xFFFFFFE0] =	vst v4;
	v5 =	vmax.f32 v5, $0.0e+00  }
0x2e8: {  	v4 =	vld [tilespmem:s23+$0xFFFFFFF0];
	[tilespmem:s28+$0x60] =	vst v5  }
0x2e9: {  	s28 =	sadd.s32 $0x200, s28;
	v5 =	vld [tilespmem:s23+$0x70];
	v3 =	vadd.f32 v7, v3  }
0x2ea: {  	v6 =	vld [tilespmem:s26+$0xFFFFFF70]  }
0x2eb: {  	v7 =	vld [tilespmem:s26+$0xFFFFFFF0]  }
0x2ec: {  	v14 =	vld [tilespmem:s26+$0x70]  }
0x2ed: {  	v1 =	vadd.f32 v12, v1;
	v8 =	vadd.f32 v8, v11  }
0x2ee: {  	v2 =	vadd.f32 v13, v2;
	v3 =	vmax.f32 v3, $0.0e+00;
	v4 =	vadd.f32 v4, v9  }
0x2ef: {  	[tilespmem:s21+$0xFFFFFF70] =	vst v3;
	v1 =	vmax.f32 v1, $0.0e+00;
	v3 =	vadd.f32 v5, v10;
	v63 =	vadd.f32 v6, v8  }
0x2f0: {  	[tilespmem:s21+$0xFFFFFFF0] =	vst v1;
	v1 =	vmax.f32 v2, $0.0e+00;
	v2 =	vadd.f32 v7, v4  }
0x2f1: {  	[tilespmem:s21+$0x70] =	vst v1;
	v3 =	vadd.f32 v14, v3;
	v1 =	vmax.f32 v63, $0.0e+00  }
0x2f2: {  	s20 =	sadd.s32 $0x3, s20;
	[tilespmem:s22+$0xFFFFFF70] =	vst v1;
	v1 =	vmax.f32 v2, $0.0e+00  }
0x2f3: {  	p2 =	sge.u32 s20, s12;
	[tilespmem:s22+$0xFFFFFFF0] =	vst v1;
	v1 =	vmax.f32 v3, $0.0e+00  }
0x2f4: {  	s20 =	sadd.s32 @!p2 s11, s20;
	[tilespmem:s22+$0x70] =	vst v1  }
0x2f5: {  	[spmem:s2] =	stream.indirect.scatter.add.f32 [tilespmem:s9], [sflag:$0x7], $0x80, s4, s31, $0xb8;
	[tilespmem:$0x1FA80] =	vst v63  }
0x2f6: {  	s21 =	sshll.u32 @!p2 s20, $0x5;
	_ =	swait.ge [sflag:s30], $0x2000  }
0x2f7: {  	s23 =	simm.s32 @!p2 $0x6100;
	s21 =	sand.u32 @!p2 $0x1FFFFFE0, s21;
	[sflag:s30] =	ssyncset.done $0x0  }
0x2f8: {  	s21 =	sadd.s32 @!p2 s1, s21;
	s22 =	simm.s32 @!p2 $0x0;
	[sflag:s30] =	ssyncadd.s32 $0xFFFFE000  }
0x2f9: {  	[tilespmem:s23], [sflag:$0x7] =	stream.linear.gather @!p2 [hbm4b:s21+s22], $0x100, $0x38;
	[tilespmem:$0x1FA80] =	vst v63  }
0x2fa: {  	s21 =	simm.s32 @!p2 $0x7  }
0x2fb: {  	_ =	swait.ge @!p2 [sflag:s21], $0x100  }
0x2fc: {  	s24 =	simm.s32 @!p2 $0x6200;
	[sflag:s21] =	ssyncset.done @!p2 $0x0  }
0x2fd: {  	s20 =	sshll.u32 @!p2 s20, $0xA;
	[sflag:s21] =	ssyncadd.s32 @!p2 $0xFFFFFF00;
	s21 =	simm.s32 @!p2 $0x40  }
0x2fe: {  	[tilespmem:s24], [sflag:$0x4] =	stream.indirect.gather @!p2 [hbm4b:s5+s21], $0x80, s23, s21, $0xb8;
	[tilespmem:$0x1FA80] =	vst v63  }
0x2ff: {  	s20 =	sand.u32 @!p2 $0x1FFFFC00, s20;
	s23 =	simm.s32 @!p2 $0x6180;
	s24 =	simm.s32 @!p2 $0x8200  }
0x300: {  	[tilespmem:s24], [sflag:$0x5] =	stream.indirect.gather @!p2 [hbm4b:s6+s21], $0x80, s23, s21, $0xb8;
	[tilespmem:$0x1FA80] =	vst v63  }
0x301: {  	s19 =	sadd.s32 $0x1, s19;
	s20 =	sadd.s32 @!p2 s7, s20;
	s21 =	simm.s32 @!p2 $0xA200  }
0x302: {  	[tilespmem:s21], [sflag:$0x6] =	stream.linear.gather @!p2 [hbm4b:s20+s22], $0x2000, $0x38;
	[tilespmem:$0x1FA80] =	vst v63  }
0x303: {  	p2 =	sne.s32 s19, $0x4E  }
.Ltmp5:
0x304: {  	_ = 	snop;
	(pc) =	sbr.rel @p2 .LBB2_4-.Ltmp5, $1  }
0x305: {  	_ =	sdelay $0x3  }
.Ltmp6:
0x306: {  	(pc) =	sbr.rel @p0 .LBB2_13-.Ltmp6, $1  }
0x307: {  	_ =	sdelay $0x3  }
0x308: {  	_ =	swait.ge [sflag:s13], $0x2000  }
0x309: {  	[sflag:s13] =	ssyncset.done $0x0  }
0x30a: {  	[sflag:s13] =	ssyncadd.s32 $0xFFFFE000  }
0x30b: {  	_ =	swait.ge [sflag:s14], $0x2000  }
0x30c: {  	[sflag:s14] =	ssyncset.done $0x0  }
0x30d: {  	[sflag:s14] =	ssyncadd.s32 $0xFFFFE000  }
0x30e: {  	_ =	swait.ge [sflag:s15], $0x2000  }
0x30f: {  	[sflag:s15] =	ssyncset.done $0x0  }
0x310: {  	s19 =	simm.s32 $0x200;
	[sflag:s15] =	ssyncadd.s32 $0xFFFFE000  }
0x311: {  	s24 =	simm.s32 $0x2200;
	v1 =	vld [tilespmem:s19+$0x80]  }
0x312: {  	s23 =	simm.s32 $0x4200;
	v2 =	vld [tilespmem:s24+$0x80]  }
0x313: {  	v3 =	vld [tilespmem:s23+$0x80]  }
0x314: {  	v4 =	vld [tilespmem:s23+$0xFFFFFF00]  }
0x315: {  	v6 =	vld [tilespmem:s19+$0xFFFFFF80]  }
0x316: {  	v8 =	vld [tilespmem:s24+$0xFFFFFF80]  }
0x317: {  	s20 =	simm.s32 $0x400;
	v9 =	vld [tilespmem:s24+$0x0]  }
0x318: {  	s21 =	simm.s32 $0x2400;
	v13 =	vld [tilespmem:s20+$0x80]  }
0x319: {  	v14 =	vld [tilespmem:s21+$0x80]  }
0x31a: {  	v16 =	vld [tilespmem:s20+$0xFFFFFF80];
	v1 =	vadd.f32 v2, v1  }
0x31b: {  	v17 =	vld [tilespmem:s21+$0xFFFFFF80]  }
0x31c: {  	v2 =	vld [tilespmem:s24+$0xFFFFFF00];
	v1 =	vadd.f32 v3, v1  }
0x31d: {  	s22 =	simm.s32 $0x4400;
	v3 =	vld [tilespmem:s19+$0xFFFFFF00]  }
0x31e: {  	v18 =	vld [tilespmem:s22+$0x0];
	v1 =	vmax.f32 v1, $0.0e+00  }
0x31f: {  	[tilespmem:s19+$0x80] =	vst v1;
	v1 =	vld [tilespmem:s19+$0x90]  }
0x320: {  	v5 =	vld [tilespmem:s24+$0x90]  }
0x321: {  	v7 =	vld [tilespmem:s23+$0x90]  }
0x322: {  	v2 =	vadd.f32 v2, v3;
	v3 =	vld [tilespmem:s19+$0x0]  }
0x323: {  	v19 =	vld [tilespmem:s20+$0xFFFFFF90]  }
0x324: {  	v38 =	vld [tilespmem:s20+$0x10]  }
0x325: {  	v2 =	vadd.f32 v4, v2;
	v4 =	vld [tilespmem:s23+$0xFFFFFF80];
	v1 =	vadd.f32 v5, v1  }
0x326: {  	v5 =	vld [tilespmem:s19+$0xFFFFFF10]  }
0x327: {  	v2 =	vmax.f32 v2, $0.0e+00;
	v3 =	vadd.f32 v9, v3;
	v9 =	vld [tilespmem:s19+$0x10];
	v1 =	vadd.f32 v7, v1  }
0x328: {  	[tilespmem:s19+$0xFFFFFF00] =	vst v2;
	v7 =	vld [tilespmem:s23+$0x0]  }
0x329: {  	v2 =	vld [tilespmem:s24+$0xFFFFFF10];
	v1 =	vmax.f32 v1, $0.0e+00  }
0x32a: {  	v10 =	vld [tilespmem:s23+$0xFFFFFF10];
	[tilespmem:s19+$0x90] =	vst v1;
	v1 =	vadd.f32 v8, v6  }
0x32b: {  	v6 =	vld [tilespmem:s19+$0xA0]  }
0x32c: {  	v8 =	vld [tilespmem:s24+$0xA0];
	v1 =	vadd.f32 v4, v1  }
0x32d: {  	v4 =	vld [tilespmem:s19+$0xFFFFFF90];
	v3 =	vadd.f32 v7, v3  }
0x32e: {  	v7 =	vld [tilespmem:s23+$0xA0];
	v2 =	vadd.f32 v2, v5;
	v1 =	vmax.f32 v1, $0.0e+00  }
0x32f: {  	v5 =	vld [tilespmem:s19+$0xFFFFFF20];
	[tilespmem:s19+$0xFFFFFF80] =	vst v1;
	v1 =	vmax.f32 v3, $0.0e+00  }
0x330: {  	v3 =	vld [tilespmem:s24+$0xFFFFFF90];
	[tilespmem:s19+$0x0] =	vst v1;
	v1 =	vadd.f32 v10, v2  }
0x331: {  	v2 =	vadd.f32 v8, v6;
	v8 =	vld [tilespmem:s23+$0xFFFFFF90]  }
0x332: {  	v6 =	vld [tilespmem:s24+$0x10];
	v1 =	vmax.f32 v1, $0.0e+00  }
0x333: {  	v2 =	vadd.f32 v7, v2;
	v7 =	vld [tilespmem:s23+$0x10];
	[tilespmem:s19+$0xFFFFFF10] =	vst v1  }
0x334: {  	v1 =	vld [tilespmem:s24+$0xFFFFFF20]  }
0x335: {  	v2 =	vmax.f32 v2, $0.0e+00;
	v10 =	vld [tilespmem:s23+$0xFFFFFF20]  }
0x336: {  	[tilespmem:s19+$0xA0] =	vst v2;
	v2 =	vadd.f32 v3, v4;
	v3 =	vld [tilespmem:s19+$0xB0]  }
0x337: {  	v4 =	vadd.f32 v6, v9;
	v6 =	vld [tilespmem:s24+$0xB0]  }
0x338: {  	v9 =	vld [tilespmem:s19+$0xFFFFFFA0];
	v2 =	vadd.f32 v8, v2  }
0x339: {  	v8 =	vld [tilespmem:s19+$0x20]  }
0x33a: {  	v4 =	vadd.f32 v7, v4;
	v7 =	vld [tilespmem:s23+$0xB0];
	v2 =	vmax.f32 v2, $0.0e+00;
	v1 =	vadd.f32 v1, v5  }
0x33b: {  	v5 =	vld [tilespmem:s19+$0xFFFFFF30];
	[tilespmem:s19+$0xFFFFFF90] =	vst v2  }
0x33c: {  	v2 =	vmax.f32 v4, $0.0e+00;
	v4 =	vld [tilespmem:s24+$0xFFFFFFA0];
	v1 =	vadd.f32 v10, v1  }
0x33d: {  	[tilespmem:s19+$0x10] =	vst v2;
	v2 =	vadd.f32 v6, v3;
	v6 =	vld [tilespmem:s23+$0xFFFFFFA0]  }
0x33e: {  	v3 =	vld [tilespmem:s24+$0x20];
	v1 =	vmax.f32 v1, $0.0e+00  }
0x33f: {  	v2 =	vadd.f32 v7, v2;
	v7 =	vld [tilespmem:s23+$0x20];
	[tilespmem:s19+$0xFFFFFF20] =	vst v1  }
0x340: {  	v1 =	vld [tilespmem:s24+$0xFFFFFF30]  }
0x341: {  	v2 =	vmax.f32 v2, $0.0e+00;
	v10 =	vld [tilespmem:s23+$0xFFFFFF30]  }
0x342: {  	[tilespmem:s19+$0xB0] =	vst v2;
	v2 =	vadd.f32 v4, v9;
	v4 =	vld [tilespmem:s19+$0xC0]  }
0x343: {  	v9 =	vld [tilespmem:s19+$0xFFFFFFB0];
	v3 =	vadd.f32 v3, v8  }
0x344: {  	v8 =	vld [tilespmem:s24+$0xC0];
	v2 =	vadd.f32 v6, v2  }
0x345: {  	v6 =	vld [tilespmem:s23+$0xC0];
	v3 =	vadd.f32 v7, v3  }
0x346: {  	v7 =	vld [tilespmem:s19+$0x30];
	v2 =	vmax.f32 v2, $0.0e+00;
	v1 =	vadd.f32 v1, v5  }
0x347: {  	v5 =	vld [tilespmem:s19+$0xFFFFFF40];
	[tilespmem:s19+$0xFFFFFFA0] =	vst v2;
	v2 =	vmax.f32 v3, $0.0e+00  }
0x348: {  	[tilespmem:s19+$0x20] =	vst v2;
	v1 =	vadd.f32 v10, v1;
	v2 =	vld [tilespmem:s24+$0xFFFFFFB0]  }
0x349: {  	v3 =	vadd.f32 v8, v4;
	v4 =	vld [tilespmem:s24+$0x30]  }
0x34a: {  	v8 =	vld [tilespmem:s23+$0xFFFFFFB0];
	v1 =	vmax.f32 v1, $0.0e+00  }
0x34b: {  	v3 =	vadd.f32 v6, v3;
	[tilespmem:s19+$0xFFFFFF30] =	vst v1;
	v1 =	vld [tilespmem:s23+$0x30]  }
0x34c: {  	v6 =	vld [tilespmem:s24+$0xFFFFFF40]  }
0x34d: {  	v3 =	vmax.f32 v3, $0.0e+00;
	v10 =	vld [tilespmem:s23+$0xFFFFFF40];
	v2 =	vadd.f32 v2, v9  }
0x34e: {  	[tilespmem:s19+$0xC0] =	vst v3;
	v3 =	vadd.f32 v4, v7;
	v4 =	vld [tilespmem:s19+$0xD0]  }
0x34f: {  	v7 =	vld [tilespmem:s24+$0xD0];
	v2 =	vadd.f32 v8, v2  }
0x350: {  	v9 =	vld [tilespmem:s19+$0xFFFFFFC0]  }
0x351: {  	v1 =	vadd.f32 v1, v3;
	v3 =	vld [tilespmem:s23+$0xD0];
	v2 =	vmax.f32 v2, $0.0e+00  }
0x352: {  	v8 =	vld [tilespmem:s19+$0x40];
	[tilespmem:s19+$0xFFFFFFB0] =	vst v2  }
0x353: {  	v1 =	vmax.f32 v1, $0.0e+00;
	v2 =	vld [tilespmem:s24+$0xFFFFFFC0]  }
0x354: {  	[tilespmem:s19+$0x30] =	vst v1;
	v4 =	vadd.f32 v7, v4;
	v7 =	vld [tilespmem:s23+$0xFFFFFFC0]  }
0x355: {  	v5 =	vadd.f32 v6, v5;
	v1 =	vld [tilespmem:s24+$0x40]  }
0x356: {  	v6 =	vld [tilespmem:s23+$0x40];
	v3 =	vadd.f32 v3, v4  }
0x357: {  	v5 =	vadd.f32 v10, v5;
	v4 =	vld [tilespmem:s19+$0xFFFFFF50]  }
0x358: {  	v3 =	vmax.f32 v3, $0.0e+00;
	v2 =	vadd.f32 v2, v9;
	v9 =	vld [tilespmem:s19+$0xFFFFFFD0]  }
0x359: {  	[tilespmem:s19+$0xD0] =	vst v3;
	v3 =	vmax.f32 v5, $0.0e+00;
	v5 =	vld [tilespmem:s19+$0xE0]  }
0x35a: {  	v1 =	vadd.f32 v1, v8;
	v8 =	vld [tilespmem:s19+$0x50];
	v2 =	vadd.f32 v7, v2  }
0x35b: {  	[tilespmem:s19+$0xFFFFFF40] =	vst v3;
	v3 =	vld [tilespmem:s24+$0xE0]  }
0x35c: {  	v1 =	vadd.f32 v6, v1;
	v6 =	vld [tilespmem:s24+$0xFFFFFF50];
	v2 =	vmax.f32 v2, $0.0e+00  }
0x35d: {  	[tilespmem:s19+$0xFFFFFFC0] =	vst v2;
	v2 =	vld [tilespmem:s23+$0xE0]  }
0x35e: {  	v10 =	vld [tilespmem:s23+$0xFFFFFF50];
	v1 =	vmax.f32 v1, $0.0e+00  }
0x35f: {  	v7 =	vld [tilespmem:s24+$0xFFFFFFD0];
	[tilespmem:s19+$0x40] =	vst v1  }
0x360: {  	v3 =	vadd.f32 v3, v5;
	v1 =	vld [tilespmem:s24+$0x50]  }
0x361: {  	v5 =	vld [tilespmem:s23+$0xFFFFFFD0]  }
0x362: {  	v11 =	vld [tilespmem:s23+$0x50];
	v2 =	vadd.f32 v2, v3;
	v3 =	vadd.f32 v6, v4  }
0x363: {  	v42 =	vld [tilespmem:s20+$0xFFFFFFA0]  }
0x364: {  	v43 =	vld [tilespmem:s20+$0x20];
	v6 =	vadd.f32 v7, v9;
	v3 =	vadd.f32 v10, v3  }
0x365: {  	v4 =	vld [tilespmem:s19+$0xFFFFFF60];
	v8 =	vadd.f32 v1, v8  }
0x366: {  	v7 =	vld [tilespmem:s19+$0xFFFFFFE0];
	v5 =	vadd.f32 v5, v6;
	v3 =	vmax.f32 v3, $0.0e+00  }
0x367: {  	v6 =	vadd.f32 v11, v8;
	v8 =	vld [tilespmem:s19+$0x60];
	[tilespmem:s19+$0xFFFFFF50] =	vst v3  }
0x368: {  	v3 =	vmax.f32 v5, $0.0e+00;
	v5 =	vld [tilespmem:s24+$0xFFFFFF60]  }
0x369: {  	[tilespmem:s19+$0xFFFFFFD0] =	vst v3;
	v3 =	vmax.f32 v6, $0.0e+00;
	v10 =	vld [tilespmem:s23+$0xFFFFFF60]  }
0x36a: {  	v6 =	vld [tilespmem:s24+$0xFFFFFFE0];
	[tilespmem:s19+$0x50] =	vst v3  }
0x36b: {  	v3 =	vld [tilespmem:s24+$0x60]  }
0x36c: {  	v11 =	vld [tilespmem:s23+$0xFFFFFFE0]  }
0x36d: {  	v12 =	vld [tilespmem:s23+$0x60];
	v4 =	vadd.f32 v5, v4  }
0x36e: {  	v47 =	vld [tilespmem:s20+$0xFFFFFFB0]  }
0x36f: {  	v6 =	vadd.f32 v6, v7;
	v7 =	vadd.f32 v10, v4;
	v10 =	vld [tilespmem:s22+$0x80]  }
0x370: {  	v48 =	vld [tilespmem:s20+$0x30];
	v3 =	vadd.f32 v3, v8  }
0x371: {  	v51 =	vld [tilespmem:s20+$0xFFFFFFC0];
	v6 =	vadd.f32 v11, v6  }
0x372: {  	v54 =	vld [tilespmem:s20+$0xFFFFFF50];
	v11 =	vadd.f32 v12, v3;
	v12 =	vadd.f32 v14, v13  }
0x373: {  	v55 =	vld [tilespmem:s20+$0xFFFFFFD0]  }
0x374: {  	v14 =	vld [tilespmem:s22+$0xFFFFFF00];
	v6 =	vmax.f32 v6, $0.0e+00;
	v10 =	vadd.f32 v10, v12  }
0x375: {  	[tilespmem:s19+$0xFFFFFFE0] =	vst v6;
	v6 =	vmax.f32 v11, $0.0e+00;
	v11 =	vld [tilespmem:s21+$0xFFFFFF00]  }
0x376: {  	v12 =	vld [tilespmem:s20+$0xFFFFFF00];
	v10 =	vmax.f32 v10, $0.0e+00  }
0x377: {  	[tilespmem:s20+$0x80] =	vst v10;
	v10 =	vld [tilespmem:s20+$0x90]  }
0x378: {  	v13 =	vld [tilespmem:s21+$0x90]  }
0x379: {  	v56 =	vld [tilespmem:s20+$0x50]  }
0x37a: {  	v15 =	vld [tilespmem:s22+$0x90]  }
0x37b: {  	v58 =	vld [tilespmem:s20+$0xFFFFFF60];
	v11 =	vadd.f32 v11, v12  }
0x37c: {  	v1 =	vld [tilespmem:s19+$0xF0]  }
0x37d: {  	v12 =	vld [tilespmem:s20+$0x0];
	v11 =	vadd.f32 v14, v11;
	v10 =	vadd.f32 v13, v10  }
0x37e: {  	v13 =	vld [tilespmem:s21+$0x0]  }
0x37f: {  	v14 =	vld [tilespmem:s22+$0xFFFFFF80];
	v11 =	vmax.f32 v11, $0.0e+00;
	v10 =	vadd.f32 v15, v10  }
0x380: {  	[tilespmem:s20+$0xFFFFFF00] =	vst v11;
	v15 =	vld [tilespmem:s20+$0xFFFFFF10]  }
0x381: {  	v11 =	vld [tilespmem:s21+$0xFFFFFF10];
	v10 =	vmax.f32 v10, $0.0e+00  }
0x382: {  	v16 =	vadd.f32 v17, v16;
	[tilespmem:s20+$0x90] =	vst v10;
	v10 =	vld [tilespmem:s20+$0xA0]  }
0x383: {  	v2 =	vmax.f32 v2, $0.0e+00;
	v12 =	vadd.f32 v13, v12;
	v13 =	vld [tilespmem:s22+$0xFFFFFF10]  }
0x384: {  	[tilespmem:s19+$0xE0] =	vst v2;
	v14 =	vadd.f32 v14, v16;
	v36 =	vld [tilespmem:s21+$0xA0]  }
0x385: {  	v2 =	vld [tilespmem:s24+$0xF0];
	v12 =	vadd.f32 v18, v12  }
0x386: {  	v14 =	vmax.f32 v14, $0.0e+00;
	v37 =	vld [tilespmem:s22+$0xA0];
	v11 =	vadd.f32 v11, v15  }
0x387: {  	[tilespmem:s20+$0xFFFFFF80] =	vst v14;
	v15 =	vld [tilespmem:s20+$0xFFFFFF20];
	v12 =	vmax.f32 v12, $0.0e+00  }
0x388: {  	v14 =	vld [tilespmem:s21+$0xFFFFFF90];
	[tilespmem:s20+$0x0] =	vst v12;
	v11 =	vadd.f32 v13, v11  }
0x389: {  	v10 =	vadd.f32 v36, v10;
	v12 =	vld [tilespmem:s21+$0x10]  }
0x38a: {  	v13 =	vld [tilespmem:s22+$0xFFFFFF90];
	v11 =	vmax.f32 v11, $0.0e+00  }
0x38b: {  	v39 =	vld [tilespmem:s22+$0x10];
	v10 =	vadd.f32 v37, v10;
	[tilespmem:s20+$0xFFFFFF10] =	vst v11  }
0x38c: {  	v11 =	vld [tilespmem:s21+$0xFFFFFF20]  }
0x38d: {  	v14 =	vadd.f32 v14, v19;
	v41 =	vld [tilespmem:s22+$0xFFFFFF20];
	v10 =	vmax.f32 v10, $0.0e+00  }
0x38e: {  	[tilespmem:s20+$0xA0] =	vst v10;
	v10 =	vld [tilespmem:s20+$0xB0];
	v12 =	vadd.f32 v12, v38  }
0x38f: {  	v13 =	vadd.f32 v13, v14;
	v40 =	vld [tilespmem:s21+$0xB0]  }
0x390: {  	v9 =	vld [tilespmem:s23+$0xF0];
	v12 =	vadd.f32 v39, v12  }
0x391: {  	v14 =	vld [tilespmem:s22+$0xB0];
	v13 =	vmax.f32 v13, $0.0e+00;
	v11 =	vadd.f32 v11, v15  }
0x392: {  	[tilespmem:s20+$0xFFFFFF90] =	vst v13;
	v15 =	vld [tilespmem:s20+$0xFFFFFF30];
	v12 =	vmax.f32 v12, $0.0e+00  }
0x393: {  	v13 =	vld [tilespmem:s21+$0xFFFFFFA0];
	[tilespmem:s20+$0x10] =	vst v12;
	v11 =	vadd.f32 v41, v11  }
0x394: {  	v10 =	vadd.f32 v40, v10;
	v12 =	vld [tilespmem:s21+$0x20]  }
0x395: {  	v44 =	vld [tilespmem:s22+$0x20];
	v11 =	vmax.f32 v11, $0.0e+00  }
0x396: {  	v10 =	vadd.f32 v14, v10;
	v14 =	vld [tilespmem:s22+$0xFFFFFFA0];
	[tilespmem:s20+$0xFFFFFF20] =	vst v11  }
0x397: {  	v11 =	vld [tilespmem:s21+$0xFFFFFF30]  }
0x398: {  	v46 =	vld [tilespmem:s22+$0xFFFFFF30];
	v10 =	vmax.f32 v10, $0.0e+00  }
0x399: {  	v13 =	vadd.f32 v13, v42;
	[tilespmem:s20+$0xB0] =	vst v10;
	v10 =	vld [tilespmem:s20+$0xC0]  }
0x39a: {  	v12 =	vadd.f32 v12, v43;
	v45 =	vld [tilespmem:s21+$0xC0]  }
0x39b: {  	v59 =	vld [tilespmem:s20+$0xFFFFFFE0];
	v13 =	vadd.f32 v14, v13  }
0x39c: {  	v1 =	vadd.f32 v2, v1;
	v14 =	vld [tilespmem:s22+$0xC0];
	v12 =	vadd.f32 v44, v12  }
0x39d: {  	v5 =	vld [tilespmem:s19+$0xFFFFFF70];
	v11 =	vadd.f32 v11, v15;
	v13 =	vmax.f32 v13, $0.0e+00  }
0x39e: {  	v1 =	vadd.f32 v9, v1;
	v9 =	vld [tilespmem:s20+$0xFFFFFFF0];
	v12 =	vmax.f32 v12, $0.0e+00;
	[tilespmem:s20+$0xFFFFFFA0] =	vst v13  }
0x39f: {  	[tilespmem:s20+$0x20] =	vst v12;
	v11 =	vadd.f32 v46, v11;
	v10 =	vadd.f32 v45, v10;
	v12 =	vld [tilespmem:s21+$0xFFFFFFB0]  }
0x3a0: {  	v13 =	vld [tilespmem:s21+$0x30]  }
0x3a1: {  	v11 =	vmax.f32 v11, $0.0e+00;
	v10 =	vadd.f32 v14, v10;
	v14 =	vld [tilespmem:s22+$0xFFFFFFB0]  }
0x3a2: {  	[tilespmem:s20+$0xFFFFFF30] =	vst v11;
	v11 =	vld [tilespmem:s22+$0x30]  }
0x3a3: {  	v15 =	vld [tilespmem:s20+$0xFFFFFF40];
	v10 =	vmax.f32 v10, $0.0e+00  }
0x3a4: {  	v49 =	vld [tilespmem:s21+$0xFFFFFF40];
	[tilespmem:s20+$0xC0] =	vst v10;
	v10 =	vadd.f32 v12, v47  }
0x3a5: {  	v12 =	vld [tilespmem:s20+$0xD0];
	v13 =	vadd.f32 v13, v48  }
0x3a6: {  	v50 =	vld [tilespmem:s21+$0xD0];
	v10 =	vadd.f32 v14, v10  }
0x3a7: {  	v52 =	vld [tilespmem:s22+$0xFFFFFF40];
	v11 =	vadd.f32 v11, v13  }
0x3a8: {  	v13 =	vld [tilespmem:s22+$0xD0];
	v10 =	vmax.f32 v10, $0.0e+00  }
0x3a9: {  	v14 =	vld [tilespmem:s20+$0x40];
	[tilespmem:s20+$0xFFFFFFB0] =	vst v10;
	v10 =	vmax.f32 v11, $0.0e+00  }
0x3aa: {  	v11 =	vld [tilespmem:s21+$0xFFFFFFC0];
	[tilespmem:s20+$0x30] =	vst v10  }
0x3ab: {  	v10 =	vadd.f32 v50, v12;
	v12 =	vld [tilespmem:s21+$0x40]  }
0x3ac: {  	v53 =	vld [tilespmem:s22+$0xFFFFFFC0]  }
0x3ad: {  	v4 =	vld [tilespmem:s19+$0xFFFFFFF0];
	v10 =	vadd.f32 v13, v10  }
0x3ae: {  	v15 =	vadd.f32 v49, v15;
	v13 =	vld [tilespmem:s22+$0x40]  }
0x3af: {  	v3 =	vld [tilespmem:s19+$0x70];
	v10 =	vmax.f32 v10, $0.0e+00;
	v11 =	vadd.f32 v11, v51  }
0x3b0: {  	v7 =	vmax.f32 v7, $0.0e+00;
	[tilespmem:s20+$0xD0] =	vst v10;
	v10 =	vadd.f32 v52, v15;
	v12 =	vadd.f32 v12, v14;
	v14 =	vld [tilespmem:s20+$0xE0]  }
0x3b1: {  	[tilespmem:s19+$0xFFFFFF60] =	vst v7;
	v15 =	vld [tilespmem:s21+$0xE0];
	v11 =	vadd.f32 v53, v11  }
0x3b2: {  	v8 =	vld [tilespmem:s24+$0xFFFFFF70];
	v10 =	vmax.f32 v10, $0.0e+00  }
0x3b3: {  	v12 =	vadd.f32 v13, v12;
	[tilespmem:s20+$0xFFFFFF40] =	vst v10;
	v10 =	vmax.f32 v11, $0.0e+00;
	v11 =	vld [tilespmem:s22+$0xE0]  }
0x3b4: {  	v13 =	vld [tilespmem:s21+$0xFFFFFF50];
	[tilespmem:s20+$0xFFFFFFC0] =	vst v10  }
0x3b5: {  	v10 =	vmax.f32 v12, $0.0e+00;
	v12 =	vld [tilespmem:s21+$0xFFFFFFD0]  }
0x3b6: {  	[tilespmem:s20+$0x40] =	vst v10;
	v14 =	vadd.f32 v15, v14;
	v15 =	vld [tilespmem:s22+$0xFFFFFF50]  }
0x3b7: {  	v10 =	vld [tilespmem:s21+$0x50]  }
0x3b8: {  	v57 =	vld [tilespmem:s22+$0xFFFFFFD0];
	v11 =	vadd.f32 v11, v14  }
0x3b9: {  	v14 =	vld [tilespmem:s22+$0x50];
	v13 =	vadd.f32 v13, v54  }
0x3ba: {  	v63 =	vld [tilespmem:s23+$0xFFFFFF70];
	v11 =	vmax.f32 v11, $0.0e+00  }
0x3bb: {  	v7 =	vld [tilespmem:s24+$0xFFFFFFF0];
	v12 =	vadd.f32 v12, v55;
	[tilespmem:s20+$0xE0] =	vst v11;
	v11 =	vadd.f32 v15, v13  }
0x3bc: {  	v10 =	vadd.f32 v10, v56;
	v13 =	vld [tilespmem:s20+$0xF0]  }
0x3bd: {  	v12 =	vadd.f32 v57, v12;
	v15 =	vld [tilespmem:s21+$0xF0];
	v11 =	vmax.f32 v11, $0.0e+00  }
0x3be: {  	v10 =	vadd.f32 v14, v10;
	v14 =	vld [tilespmem:s20+$0x60];
	[tilespmem:s20+$0xFFFFFF50] =	vst v11  }
0x3bf: {  	v11 =	vmax.f32 v12, $0.0e+00;
	v12 =	vld [tilespmem:s21+$0xFFFFFF60]  }
0x3c0: {  	[tilespmem:s20+$0xFFFFFFD0] =	vst v11;
	v10 =	vmax.f32 v10, $0.0e+00;
	v20 =	vld [tilespmem:s22+$0xFFFFFF60]  }
0x3c1: {  	v61 =	vld [tilespmem:s21+$0xFFFFFFE0];
	[tilespmem:s20+$0x50] =	vst v10  }
0x3c2: {  	v10 =	vld [tilespmem:s21+$0x60]  }
0x3c3: {  	v21 =	vld [tilespmem:s22+$0xFFFFFFE0]  }
0x3c4: {  	v2 =	vld [tilespmem:s22+$0x60]  }
0x3c5: {  	[tilespmem:s19+$0x60] =	vst v6;
	v60 =	vld [tilespmem:s22+$0xF0];
	v12 =	vadd.f32 v12, v58  }
0x3c6: {  	v6 =	vld [tilespmem:s24+$0x70];
	v62 =	vadd.f32 v61, v59  }
0x3c7: {  	v11 =	vld [tilespmem:s20+$0xFFFFFF70];
	v14 =	vadd.f32 v10, v14;
	v12 =	vadd.f32 v20, v12  }
0x3c8: {  	v1 =	vmax.f32 v1, $0.0e+00;
	v13 =	vadd.f32 v15, v13;
	v10 =	vld [tilespmem:s20+$0x70];
	v15 =	vadd.f32 v21, v62  }
0x3c9: {  	[tilespmem:s19+$0xF0] =	vst v1;
	v1 =	vmax.f32 v12, $0.0e+00;
	v2 =	vadd.f32 v2, v14;
	v12 =	vld [tilespmem:s23+$0xFFFFFFF0]  }
0x3ca: {  	v14 =	vadd.f32 v60, v13;
	v13 =	vld [tilespmem:s23+$0x70];
	[tilespmem:s20+$0xFFFFFF60] =	vst v1;
	v1 =	vmax.f32 v15, $0.0e+00  }
0x3cb: {  	v15 =	vadd.f32 v8, v5;
	[tilespmem:s20+$0xFFFFFFE0] =	vst v1;
	v8 =	vld [tilespmem:s21+$0xFFFFFF70];
	v2 =	vmax.f32 v2, $0.0e+00  }
0x3cc: {  	v1 =	vadd.f32 v7, v4;
	v5 =	vmax.f32 v14, $0.0e+00;
	v4 =	vld [tilespmem:s21+$0xFFFFFFF0];
	[tilespmem:s20+$0x60] =	vst v2  }
0x3cd: {  	s25 =	simm.s32 $0x600;
	s24 =	simm.s32 $0x4400;
	s23 =	simm.s32 $0x4;
	v2 =	vadd.f32 v6, v3;
	[tilespmem:s20+$0xF0] =	vst v5;
	v3 =	vadd.f32 v63, v15;
	v5 =	vld [tilespmem:s21+$0x70]  }
.LBB2_11:
0x3ce: {  	v6 =	vld [tilespmem:s25+$0x80];
	s21 =	sadd.s32 $0x200, s21;
	v1 =	vadd.f32 v12, v1  }
0x3cf: {  	s23 =	sadd.s32 $0x4, s23;
	v7 =	vld [tilespmem:s21+$0x80];
	v12 =	vmax.f32 v3, $0.0e+00;
	v2 =	vadd.f32 v13, v2  }
0x3d0: {  	s22 =	sadd.s32 $0x200, s22;
	p2 =	slt.u32 s23, $0x3C;
	v13 =	vld [tilespmem:s21+$0xFFFFFF00];
	v3 =	vadd.f32 v8, v11;
	[tilespmem:s19+$0xFFFFFF70] =	vst v12;
	v8 =	vmax.f32 v1, $0.0e+00  }
0x3d1: {  	v11 =	vld [tilespmem:s22+$0x80];
	v1 =	vadd.f32 v4, v9;
	[tilespmem:s19+$0xFFFFFFF0] =	vst v8;
	v4 =	vmax.f32 v2, $0.0e+00  }
0x3d2: {  	v8 =	vld [tilespmem:s25+$0xFFFFFF80];
	v2 =	vadd.f32 v5, v10;
	[tilespmem:s19+$0x70] =	vst v4;
	s19 =	smov.u32 s20;
	s20 =	smov.u32 s25  }
0x3d3: {  	v4 =	vld [tilespmem:s21+$0xFFFFFF80]  }
0x3d4: {  	v5 =	vld [tilespmem:s25+$0x0];
	v6 =	vadd.f32 v7, v6  }
0x3d5: {  	v7 =	vld [tilespmem:s21+$0x0]  }
0x3d6: {  	v9 =	vld [tilespmem:s25+$0xFFFFFF00];
	v6 =	vadd.f32 v11, v6  }
0x3d7: {  	v10 =	vld [tilespmem:s22+$0xFFFFFF00]  }
0x3d8: {  	v4 =	vadd.f32 v4, v8;
	v8 =	vld [tilespmem:s22+$0xFFFFFF80];
	v6 =	vmax.f32 v6, $0.0e+00  }
0x3d9: {  	[tilespmem:s25+$0x80] =	vst v6;
	v6 =	vld [tilespmem:s25+$0x90]  }
0x3da: {  	v5 =	vadd.f32 v7, v5;
	v7 =	vld [tilespmem:s21+$0x90]  }
0x3db: {  	v9 =	vadd.f32 v13, v9;
	v11 =	vld [tilespmem:s22+$0x0]  }
0x3dc: {  	v12 =	vld [tilespmem:s22+$0x90]  }
0x3dd: {  	v9 =	vadd.f32 v10, v9;
	v10 =	vld [tilespmem:s25+$0xFFFFFF10];
	v4 =	vadd.f32 v8, v4  }
0x3de: {  	v8 =	vld [tilespmem:s25+$0xFFFFFF90]  }
0x3df: {  	v9 =	vmax.f32 v9, $0.0e+00;
	v4 =	vmax.f32 v4, $0.0e+00;
	v13 =	vld [tilespmem:s25+$0x10];
	v6 =	vadd.f32 v7, v6  }
0x3e0: {  	[tilespmem:s25+$0xFFFFFF00] =	vst v9;
	v7 =	vld [tilespmem:s25+$0xFFFFFF20];
	v5 =	vadd.f32 v11, v5  }
0x3e1: {  	v9 =	vld [tilespmem:s21+$0xFFFFFF10];
	[tilespmem:s25+$0xFFFFFF80] =	vst v4;
	v4 =	vadd.f32 v12, v6  }
0x3e2: {  	v6 =	vld [tilespmem:s21+$0xFFFFFF90];
	v5 =	vmax.f32 v5, $0.0e+00  }
0x3e3: {  	v11 =	vld [tilespmem:s22+$0xFFFFFF10];
	[tilespmem:s25+$0x0] =	vst v5;
	v4 =	vmax.f32 v4, $0.0e+00  }
0x3e4: {  	[tilespmem:s25+$0x90] =	vst v4;
	v4 =	vld [tilespmem:s25+$0xA0]  }
0x3e5: {  	v5 =	vld [tilespmem:s21+$0xA0]  }
0x3e6: {  	v9 =	vadd.f32 v9, v10;
	v10 =	vld [tilespmem:s21+$0x10]  }
0x3e7: {  	v6 =	vadd.f32 v6, v8;
	v8 =	vld [tilespmem:s22+$0xA0]  }
0x3e8: {  	v9 =	vadd.f32 v11, v9;
	v11 =	vld [tilespmem:s22+$0xFFFFFF90]  }
0x3e9: {  	v12 =	vld [tilespmem:s22+$0x10]  }
0x3ea: {  	v9 =	vmax.f32 v9, $0.0e+00;
	v14 =	vld [tilespmem:s25+$0xFFFFFFA0];
	v4 =	vadd.f32 v5, v4  }
0x3eb: {  	[tilespmem:s25+$0xFFFFFF10] =	vst v9;
	v5 =	vadd.f32 v10, v13;
	v9 =	vld [tilespmem:s25+$0x20]  }
0x3ec: {  	v10 =	vld [tilespmem:s21+$0xFFFFFF20];
	v4 =	vadd.f32 v8, v4  }
0x3ed: {  	v8 =	vld [tilespmem:s22+$0xFFFFFF20];
	v6 =	vadd.f32 v11, v6  }
0x3ee: {  	v11 =	vld [tilespmem:s25+$0xFFFFFF30];
	v5 =	vadd.f32 v12, v5;
	v4 =	vmax.f32 v4, $0.0e+00  }
0x3ef: {  	v6 =	vmax.f32 v6, $0.0e+00;
	[tilespmem:s25+$0xA0] =	vst v4;
	v4 =	vld [tilespmem:s25+$0xB0]  }
0x3f0: {  	[tilespmem:s25+$0xFFFFFF90] =	vst v6;
	v5 =	vmax.f32 v5, $0.0e+00;
	v6 =	vld [tilespmem:s21+$0xB0]  }
0x3f1: {  	v7 =	vadd.f32 v10, v7;
	v10 =	vld [tilespmem:s21+$0xFFFFFFA0];
	[tilespmem:s25+$0x10] =	vst v5  }
0x3f2: {  	v5 =	vld [tilespmem:s22+$0xB0]  }
0x3f3: {  	v7 =	vadd.f32 v8, v7;
	v8 =	vld [tilespmem:s21+$0x20]  }
0x3f4: {  	v12 =	vld [tilespmem:s22+$0xFFFFFFA0]  }
0x3f5: {  	v7 =	vmax.f32 v7, $0.0e+00;
	v13 =	vld [tilespmem:s22+$0x20];
	v4 =	vadd.f32 v6, v4  }
0x3f6: {  	[tilespmem:s25+$0xFFFFFF20] =	vst v7;
	v6 =	vadd.f32 v10, v14;
	v7 =	vld [tilespmem:s25+$0xFFFFFFB0]  }
0x3f7: {  	v10 =	vld [tilespmem:s21+$0xFFFFFF30];
	v4 =	vadd.f32 v5, v4  }
0x3f8: {  	v5 =	vadd.f32 v8, v9;
	v8 =	vld [tilespmem:s25+$0x30]  }
0x3f9: {  	v9 =	vld [tilespmem:s22+$0xFFFFFF30];
	v6 =	vadd.f32 v12, v6;
	v4 =	vmax.f32 v4, $0.0e+00  }
0x3fa: {  	v5 =	vadd.f32 v13, v5;
	[tilespmem:s25+$0xB0] =	vst v4;
	v4 =	vld [tilespmem:s25+$0xC0]  }
0x3fb: {  	v6 =	vmax.f32 v6, $0.0e+00;
	v12 =	vld [tilespmem:s21+$0xC0]  }
0x3fc: {  	v10 =	vadd.f32 v10, v11;
	v11 =	vld [tilespmem:s25+$0xFFFFFF40];
	[tilespmem:s25+$0xFFFFFFA0] =	vst v6;
	v5 =	vmax.f32 v5, $0.0e+00  }
0x3fd: {  	[tilespmem:s25+$0x20] =	vst v5;
	v5 =	vld [tilespmem:s22+$0xC0]  }
0x3fe: {  	v6 =	vadd.f32 v9, v10;
	v9 =	vld [tilespmem:s21+$0xFFFFFFB0]  }
0x3ff: {  	v10 =	vld [tilespmem:s21+$0x30]  }
0x400: {  	v6 =	vmax.f32 v6, $0.0e+00;
	v13 =	vld [tilespmem:s22+$0xFFFFFFB0];
	v4 =	vadd.f32 v12, v4  }
0x401: {  	[tilespmem:s25+$0xFFFFFF30] =	vst v6;
	v6 =	vld [tilespmem:s22+$0x30]  }
0x402: {  	v12 =	vld [tilespmem:s21+$0xFFFFFF40];
	v4 =	vadd.f32 v5, v4  }
0x403: {  	v5 =	vadd.f32 v9, v7;
	v7 =	vld [tilespmem:s25+$0xFFFFFFC0]  }
0x404: {  	v8 =	vadd.f32 v10, v8;
	v9 =	vld [tilespmem:s25+$0x40];
	v4 =	vmax.f32 v4, $0.0e+00  }
0x405: {  	v5 =	vadd.f32 v13, v5;
	[tilespmem:s25+$0xC0] =	vst v4;
	v4 =	vld [tilespmem:s25+$0xD0]  }
0x406: {  	v6 =	vadd.f32 v6, v8;
	v8 =	vld [tilespmem:s21+$0xD0]  }
0x407: {  	v10 =	vadd.f32 v12, v11;
	v11 =	vld [tilespmem:s22+$0xFFFFFF40];
	v5 =	vmax.f32 v5, $0.0e+00  }
0x408: {  	[tilespmem:s25+$0xFFFFFFB0] =	vst v5;
	v5 =	vmax.f32 v6, $0.0e+00;
	v6 =	vld [tilespmem:s22+$0xD0]  }
0x409: {  	v12 =	vld [tilespmem:s21+$0xFFFFFFC0];
	[tilespmem:s25+$0x30] =	vst v5  }
0x40a: {  	v5 =	vld [tilespmem:s21+$0x40]  }
0x40b: {  	v13 =	vld [tilespmem:s22+$0xFFFFFFC0];
	v4 =	vadd.f32 v8, v4  }
0x40c: {  	v8 =	vadd.f32 v11, v10;
	v10 =	vld [tilespmem:s22+$0x40]  }
0x40d: {  	v11 =	vld [tilespmem:s25+$0xFFFFFF50];
	v4 =	vadd.f32 v6, v4  }
0x40e: {  	v6 =	vmax.f32 v8, $0.0e+00;
	v7 =	vadd.f32 v12, v7;
	v8 =	vld [tilespmem:s25+$0xFFFFFFD0]  }
0x40f: {  	[tilespmem:s25+$0xFFFFFF40] =	vst v6;
	v5 =	vadd.f32 v5, v9;
	v6 =	vld [tilespmem:s25+$0x50];
	v4 =	vmax.f32 v4, $0.0e+00  }
0x410: {  	v7 =	vadd.f32 v13, v7;
	[tilespmem:s25+$0xD0] =	vst v4;
	v4 =	vld [tilespmem:s25+$0xE0]  }
0x411: {  	v5 =	vadd.f32 v10, v5;
	v9 =	vld [tilespmem:s21+$0xE0]  }
0x412: {  	v10 =	vld [tilespmem:s21+$0xFFFFFF50];
	v7 =	vmax.f32 v7, $0.0e+00  }
0x413: {  	[tilespmem:s25+$0xFFFFFFC0] =	vst v7;
	v5 =	vmax.f32 v5, $0.0e+00;
	v7 =	vld [tilespmem:s22+$0xE0]  }
0x414: {  	v12 =	vld [tilespmem:s21+$0xFFFFFFD0];
	[tilespmem:s25+$0x40] =	vst v5  }
0x415: {  	v5 =	vld [tilespmem:s21+$0x50]  }
0x416: {  	v13 =	vld [tilespmem:s22+$0xFFFFFF50];
	v4 =	vadd.f32 v9, v4  }
0x417: {  	v9 =	vadd.f32 v10, v11;
	v10 =	vld [tilespmem:s22+$0xFFFFFFD0]  }
0x418: {  	v11 =	vld [tilespmem:s22+$0x50];
	v4 =	vadd.f32 v7, v4  }
0x419: {  	v7 =	vld [tilespmem:s25+$0xFFFFFF60];
	v8 =	vadd.f32 v12, v8  }
0x41a: {  	v12 =	vld [tilespmem:s25+$0xFFFFFFE0];
	v5 =	vadd.f32 v5, v6;
	v4 =	vmax.f32 v4, $0.0e+00  }
0x41b: {  	v6 =	vadd.f32 v13, v9;
	[tilespmem:s25+$0xE0] =	vst v4;
	v4 =	vld [tilespmem:s25+$0xF0]  }
0x41c: {  	v8 =	vadd.f32 v10, v8;
	v9 =	vld [tilespmem:s21+$0xF0]  }
0x41d: {  	v6 =	vmax.f32 v6, $0.0e+00;
	v5 =	vadd.f32 v11, v5;
	v10 =	vld [tilespmem:s25+$0x60]  }
0x41e: {  	[tilespmem:s25+$0xFFFFFF50] =	vst v6;
	v6 =	vmax.f32 v8, $0.0e+00;
	v8 =	vld [tilespmem:s22+$0xF0]  }
0x41f: {  	v11 =	vld [tilespmem:s21+$0xFFFFFF60];
	[tilespmem:s25+$0xFFFFFFD0] =	vst v6;
	v5 =	vmax.f32 v5, $0.0e+00  }
0x420: {  	v6 =	vld [tilespmem:s21+$0xFFFFFFE0];
	[tilespmem:s25+$0x50] =	vst v5  }
0x421: {  	v5 =	vld [tilespmem:s21+$0x60];
	v4 =	vadd.f32 v9, v4  }
0x422: {  	v13 =	vld [tilespmem:s22+$0xFFFFFF60]  }
0x423: {  	v14 =	vld [tilespmem:s22+$0xFFFFFFE0];
	v4 =	vadd.f32 v8, v4  }
0x424: {  	v7 =	vadd.f32 v11, v7;
	v8 =	vld [tilespmem:s22+$0x60]  }
0x425: {  	v11 =	vld [tilespmem:s25+$0xFFFFFF70];
	v6 =	vadd.f32 v6, v12;
	v4 =	vmax.f32 v4, $0.0e+00  }
0x426: {  	v9 =	vld [tilespmem:s25+$0xFFFFFFF0];
	v5 =	vadd.f32 v5, v10;
	[tilespmem:s25+$0xF0] =	vst v4  }
0x427: {  	v4 =	vadd.f32 v13, v7;
	v10 =	vld [tilespmem:s25+$0x70]  }
0x428: {  	v6 =	vadd.f32 v14, v6;
	v7 =	vld [tilespmem:s24+$0xFFFFFF70]  }
.Ltmp7:
0x429: {  	v4 =	vmax.f32 v4, $0.0e+00;
	v5 =	vadd.f32 v8, v5;
	v12 =	vld [tilespmem:s24+$0xFFFFFFF0];
	(pc) =	sbr.rel @p2 .LBB2_11-.Ltmp7, $4  }
0x42a: {  	[tilespmem:s25+$0xFFFFFF60] =	vst v4;
	v4 =	vmax.f32 v6, $0.0e+00;
	v13 =	vld [tilespmem:s24+$0x70];
	s24 =	smov.u32 s22  }
0x42b: {  	v8 =	vld [tilespmem:s21+$0xFFFFFF70];
	[tilespmem:s25+$0xFFFFFFE0] =	vst v4;
	v5 =	vmax.f32 v5, $0.0e+00  }
0x42c: {  	v4 =	vld [tilespmem:s21+$0xFFFFFFF0];
	[tilespmem:s25+$0x60] =	vst v5  }
0x42d: {  	s25 =	sadd.s32 $0x200, s25;
	v5 =	vld [tilespmem:s21+$0x70];
	v3 =	vadd.f32 v7, v3  }
0x42e: {  	v6 =	vld [tilespmem:s24+$0xFFFFFF70]  }
0x42f: {  	v7 =	vld [tilespmem:s24+$0xFFFFFFF0]  }
0x430: {  	v14 =	vld [tilespmem:s24+$0x70]  }
0x431: {  	v1 =	vadd.f32 v12, v1;
	v8 =	vadd.f32 v8, v11  }
0x432: {  	v2 =	vadd.f32 v13, v2;
	v3 =	vmax.f32 v3, $0.0e+00;
	v4 =	vadd.f32 v4, v9  }
0x433: {  	[tilespmem:s19+$0xFFFFFF70] =	vst v3;
	v1 =	vmax.f32 v1, $0.0e+00;
	v3 =	vadd.f32 v5, v10;
	v63 =	vadd.f32 v6, v8  }
0x434: {  	[tilespmem:s19+$0xFFFFFFF0] =	vst v1;
	v1 =	vmax.f32 v2, $0.0e+00;
	v2 =	vadd.f32 v7, v4  }
0x435: {  	[tilespmem:s19+$0x70] =	vst v1;
	v3 =	vadd.f32 v14, v3;
	v1 =	vmax.f32 v63, $0.0e+00  }
0x436: {  	[tilespmem:s20+$0xFFFFFF70] =	vst v1;
	v1 =	vmax.f32 v2, $0.0e+00  }
0x437: {  	[tilespmem:s20+$0xFFFFFFF0] =	vst v1;
	v1 =	vmax.f32 v3, $0.0e+00  }
.Ltmp8:
0x438: {  	[tilespmem:s20+$0x70] =	vst v1;
	(pc) =	sbr.rel .LBB2_13-.Ltmp8, $4  }
0x439: {  	[spmem:s2] =	stream.indirect.scatter.add.f32 [tilespmem:s29], [sflag:$0x7], $0x80, s0, s31, $0xb8;
	[tilespmem:$0x1FA80] =	vst v63  }
0x43a: {  	_ =	swait.ge [sflag:s30], $0x2000  }
0x43b: {  	[sflag:s30] =	ssyncset.done $0x0  }
0x43c: {  	[sflag:s30] =	ssyncadd.s32 $0xFFFFE000  }
.LBB2_14:
0x43d: {  	_ =	sfence.sel $0x180000  }
0x43e: {  	[bflag:$0x0] =	sbarrier.arrive $0xFFFF  }
0x43f: {  	_ =	strace $0x90000047  }
0x440: {  	s0 =	stileid.u32;
	[bflag:$0x2] =	sbarrier.arrive $0xFFFF  }
0x441: {  	p0 =	sne.s32 s0, $0x0;
	s0 =	rddreg [dreg:$0x3]  }
0x442: {  	s0 =	sadd.s32 @!p0 $0x100000, s0  }
0x443: {  	[sflag:s0] =	ssyncadd.tile.s32 @!p0 $0x1;
	_ =	shalt  }
.Lfunc_end2:
_tile_overlayer_lowered:
.L_overlay_start_2:
0x444: {  	(tag) =	ssettag $0x2  }
0x445: {  	s0 =	rddreg [dreg:$0x0];
	s2 =	stileid.u32  }
0x446: {  	s1 =	rddreg [dreg:$0x1];
	p0 =	sne.s32 s2, $0x0  }
0x447: {  	s3 =	rddreg [dreg:$0x2];
	[bflag:$0x3] =	sbarrier.arrive $0xFFFF;
	s2 =	simm.s32 @!p0 $0x1C07  }
0x448: {  	[timem:s3], [sflag:s2] =	dma.local @!p0 [hbm:s0], s1  }
0x449: {  	s0 =	simm.s32 @!p0 $0x7  }
0x44a: {  	_ =	swait.ge @!p0 [sflag:s0], s1  }
0x44b: {  	s1 =	ssub.s32 @!p0 $0x0, s1;
	[sflag:s0] =	ssyncset.done @!p0 $0x0  }
0x44c: {  	[sflag:s0] =	ssyncadd.s32 @!p0 s1  }
0x44d: {  	[bflag:$0x3] =	sbarrier.arrive $0xFFFF  }
0x44e: {  	_ =	shalt  }

// kernel: kernel.9.cloned.1.call-start
scs
__scs_entry_jumppad:
0x0: {  	(pc) =	sbr.rel $0x88, $3  }
0x1: {  	(tag) =	ssettag $0x0;
	lr =	simm.s32 $0x1  }
0x2: {  	[smem:$0x3F90] =	sst lr;
	_ =	strace $0xD0000000  }
0x3: {  	_ = 	snop  }
0x4: {  	_ = 	snop  }
0x5: {  	_ = 	snop  }
0x6: {  	_ = 	snop  }
0x7: {  	_ = 	snop  }
__scs_overlays_trampoline_lowered:
0x8: {  	[smem:$0x3F9F] =	sst s0  }
0x9: {  	[smem:$0x3FA0] =	sst s1  }
0xa: {  	[smem:$0x3FA1] =	sst s2  }
0xb: {  	[smem:$0x3FA2] =	sst s3  }
0xc: {  	[smem:$0x3FA3] =	sst s4  }
0xd: {  	[smem:$0x3FA4] =	sst s5  }
0xe: {  	[smem:$0x3FA5] =	sst s6  }
0xf: {  	[smem:$0x3FA6] =	sst s7  }
0x10: {  	[smem:$0x3FA7] =	sst s8  }
0x11: {  	[smem:$0x3FA8] =	sst s9;
	s0 =	simm.s32 @!p0 $0x0  }
0x12: {  	s1 =	sld [smem:$0x3F8E];
	s0 =	simm.s32 @p0 $0x1  }
0x13: {  	[smem:$0x3FA9] =	sst s0;
	s0 =	simm.s32 @!p1 $0x0  }
0x14: {  	s2 =	sld [smem:$0x3F8D];
	s0 =	simm.s32 @p1 $0x1  }
0x15: {  	[smem:$0x3FAA] =	sst s0;
	s0 =	simm.s32 @!p2 $0x0  }
0x16: {  	s3 =	sld [smem:$0x3FDB];
	s0 =	simm.s32 @p2 $0x1  }
0x17: {  	s4 =	simm.s32 $0x1BF5;
	[smem:$0x3FAC] =	sst s0  }
0x18: {  	s0 =	sld [smem:$0x3F8F];
	_ =	swait.ge [sflag:s4], $0x0  }
0x19: {  	s7 =	sld [smem:$0x3F90]  }
0x1a: {  	s8 =	sadd.s32 $0xFFFFE003, lr  }
0x1b: {  	s9 =	sadd.s32 $0xFFFFFEF7, lr;
	s5 =	simm.s32 $0xFFFFFFFF;
	p2 =	slt.u32 s8, $0xFFFFF086  }
0x1c: {  	p1 =	slt.u32 s9, $0xF7A;
	s5 =	simm.s32 @!p2 $0x0  }
0x1d: {  	s5 =	simm.s32 @p1 $0x1;
	p0 =	seq.s32 s7, s2  }
0x1e: {  	s7 =	smul.u32 @!p0 $0xF7A, s2;
	p2 =	seq.s32 @!p0 s5, $0x0  }
0x1f: {  	s9 =	smul.u32 $0xF7A, s1;
	s8 =	simm.s32 @!p0 $0x1BF5;
	p2 =	por !p2, p0  }
0x20: {  	[sflag:s8] =	ssyncset.s32 @!p0 $0xFFFFF086;
	s6 =	sadd.s32 @!p0 s3, s7;
	s7 =	simm.s32 @!p0 $0x108  }
0x21: {  	s3 =	sadd.s32 s3, s9;
	s6 =	sadd.s32 @!p0 $0x88, s6;
	s7 =	simm.s32 @p2 $0x1082  }
0x22: {  	[simem:s7], [sflag:s8] =	dma.local @!p0 [hbm:s6], $0xF7A  }
0x23: {  	s9 =	sor.u32 $0xD0000000, s2;
	s6 =	simm.s32 $0x108;
	_ =	swait.ge @!p0 [sflag:s8], $0x0  }
0x24: {  	s3 =	sadd.s32 $0x88, s3;
	s6 =	simm.s32 @!p1 $0x1082;
	[sflag:s4] =	ssyncset.s32 $0xFFFFF086  }
0x25: {  	[simem:s6], [sflag:s4] =	dma.local [hbm:s3], $0xF7A  }
0x26: {  	[smem:$0x3F90] =	sst s1;
	(tag) =	ssettag s2;
	_ =	strace s9  }
0x27: {  	s1 =	sld [smem:$0x3FA0]  }
0x28: {  	s2 =	sld [smem:$0x3FA1]  }
0x29: {  	s4 =	sld [smem:$0x3FA3]  }
0x2a: {  	p0 =	seq.s32 s5, $0x0;
	s5 =	sld [smem:$0x3FA4]  }
0x2b: {  	s6 =	sld [smem:$0x3FA5]  }
0x2c: {  	s7 =	sld [smem:$0x3FA6]  }
0x2d: {  	s3 =	simm.s32 $0x108;
	s8 =	sld [smem:$0x3FA7]  }
0x2e: {  	s3 =	simm.s32 @!p0 $0x1082;
	s9 =	sld [smem:$0x3FA8]  }
0x2f: {  	lr =	sadd.s32 s0, s3;
	s0 =	sld [smem:$0x3F9F]  }
0x30: {  	s3 =	sld [smem:$0x3FA2]  }
0x31: {  	[smem:$0x3FAB] =	sst s10  }
0x32: {  	s10 =	sld [smem:$0x3FA9];
	_ =	sdelay $0x3  }
0x33: {  	p0 =	seq.s32 s10, $0x1;
	s10 =	sld [smem:$0x3FAB];
	_ =	sdelay $0x3  }
0x34: {  	[smem:$0x3FAB] =	sst s10  }
0x35: {  	s10 =	sld [smem:$0x3FAA];
	_ =	sdelay $0x3  }
0x36: {  	p1 =	seq.s32 s10, $0x1;
	s10 =	sld [smem:$0x3FAB];
	_ =	sdelay $0x3  }
0x37: {  	[smem:$0x3FAB] =	sst s10  }
0x38: {  	s10 =	sld [smem:$0x3FAC]  }
0x39: {  	_ = 	snop;
	(pc) =	sbr.ind lr, $3  }
0x3a: {  	_ = 	snop  }
0x3b: {  	_ = 	snop  }
0x3c: {  	p2 =	seq.s32 s10, $0x1;
	s10 =	sld [smem:$0x3FAB]  }
0x3d: {  	_ =	shalt  }
0x3e: {  	_ =	shalt  }
0x3f: {  	_ =	shalt  }
0x40: {  	_ =	shalt  }
0x41: {  	_ =	shalt  }
0x42: {  	_ =	shalt  }
0x43: {  	_ =	shalt  }
0x44: {  	_ =	shalt  }
0x45: {  	_ =	shalt  }
0x46: {  	_ =	shalt  }
0x47: {  	_ =	shalt  }
0x48: {  	_ =	shalt  }
0x49: {  	_ =	shalt  }
0x4a: {  	_ =	shalt  }
0x4b: {  	_ =	shalt  }
0x4c: {  	_ =	shalt  }
0x4d: {  	_ =	shalt  }
0x4e: {  	_ =	shalt  }
0x4f: {  	_ =	shalt  }
0x50: {  	_ =	shalt  }
0x51: {  	_ =	shalt  }
0x52: {  	_ =	shalt  }
0x53: {  	_ =	shalt  }
0x54: {  	_ =	shalt  }
0x55: {  	_ =	shalt  }
0x56: {  	_ =	shalt  }
0x57: {  	_ =	shalt  }
0x58: {  	_ =	shalt  }
0x59: {  	_ =	shalt  }
0x5a: {  	_ =	shalt  }
0x5b: {  	_ =	shalt  }
0x5c: {  	_ =	shalt  }
0x5d: {  	_ =	shalt  }
0x5e: {  	_ =	shalt  }
0x5f: {  	_ =	shalt  }
0x60: {  	_ =	shalt  }
0x61: {  	_ =	shalt  }
0x62: {  	_ =	shalt  }
0x63: {  	_ =	shalt  }
0x64: {  	_ =	shalt  }
0x65: {  	_ =	shalt  }
0x66: {  	_ =	shalt  }
0x67: {  	_ =	shalt  }
0x68: {  	_ =	shalt  }
0x69: {  	_ =	shalt  }
0x6a: {  	_ =	shalt  }
0x6b: {  	_ =	shalt  }
0x6c: {  	_ =	shalt  }
0x6d: {  	_ =	shalt  }
0x6e: {  	_ =	shalt  }
0x6f: {  	_ =	shalt  }
0x70: {  	_ =	shalt  }
0x71: {  	_ =	shalt  }
0x72: {  	_ =	shalt  }
0x73: {  	_ =	shalt  }
0x74: {  	_ =	shalt  }
0x75: {  	_ =	shalt  }
0x76: {  	_ =	shalt  }
0x77: {  	_ =	shalt  }
0x78: {  	_ =	shalt  }
0x79: {  	_ =	shalt  }
0x7a: {  	_ =	shalt  }
0x7b: {  	_ =	shalt  }
0x7c: {  	_ =	shalt  }
0x7d: {  	_ =	shalt  }
0x7e: {  	_ =	shalt  }
0x7f: {  	_ =	shalt  }
0x80: {  	_ =	shalt  }
0x81: {  	_ =	shalt  }
0x82: {  	_ =	shalt  }
0x83: {  	_ =	shalt  }
0x84: {  	_ =	shalt  }
0x85: {  	_ =	shalt  }
0x86: {  	_ =	shalt  }
0x87: {  	_ =	shalt  }
.Lfunc_end0:
.L_simem_size_0:
called_computation.1_lowered:
.L_overlay_start_0:
0x88: {  	s2 =	sld [smem:$0x3FD9]  }
0x89: {  	s3 =	sld [smem:$0x3FFE];
	_ =	sdelay $0x1  }
0x8a: {  	s1 =	srdreg.scid  }
0x8b: {  	s0 =	sand.u32 $0x1, s1  }
0x8c: {  	s17 =	sshll.u32 s0, $0xA;
	s2 =	sadd.s32 s3, s2  }
0x8d: {  	s2 =	sadd.s32 s2, s17  }
0x8e: {  	[smem:$0x3FB7] =	sst s2  }
0x8f: {  	_ = 	snop  }
0x90: {  	(tm) =	ssettm $0x1  }
0x91: {  	s18 =	sld [smem:$0x3FFB];
	_ =	sdelay $0x3  }
0x92: {  	_ =	strace s18  }
0x93: {  	s2 =	sld [smem:$0x3FFC];
	_ =	sdelay $0x3  }
0x94: {  	_ =	strace s2  }
0x95: {  	s2 =	sld [smem:$0x3FFD];
	_ =	sdelay $0x3  }
0x96: {  	_ =	strace s2  }
0x97: {  	_ =	strace $0x8FFFFFFF  }
0x98: {  	s19 =	sld [smem:$0x3FDB];
	_ =	sdelay $0x1  }
0x99: {  	s20 =	simm.s32 $_scs_section_size  }
0x9a: {  	s4 =	simm.s32 $_size__tile_overlayer_lowered;
	s5 =	simm.s32 $_tile_overlayer_lowered  }
0x9b: {  	s6 =	simm.s32 $0x1BFF;
	s21 =	sshll.u32 s5, $0x1;
	s3 =	sadd.s32 s20, s19  }
0x9c: {  	s22 =	simm.s32 $0x0;
	s4 =	sshll.u32 s4, $0x1;
	s5 =	sadd.s32 s21, s3  }
0x9d: {  	[timem:s22], [sflag:s6] =	dma.local [hbm:s5], s4  }
0x9e: {  	_ =	swait.ge [sflag:s6], s4  }
0x9f: {  	s4 =	ssub.s32 $0x0, s4;
	[sflag:s6] =	ssyncset.done $0x0  }
0xa0: {  	[sflag:s6] =	ssyncadd.s32 s4;
	_ =	sdelay $0x1  }
0xa1: {  	s23 =	simm.s32 $0x1B8B  }
0xa2: {  	_ =	swait.ge [sflag:s23], $0x1  }
0xa3: {  	[sflag:s23] =	ssyncset.done $0x0  }
0xa4: {  	[sflag:s23] =	ssyncadd.s32 $0xFFFFFFFF  }
0xa5: {  	s4 =	sld [smem:$0x0]  }
0xa6: {  	s5 =	sand.u32 $0xFFFFFFFE, s1  }
0xa7: {  	p0 =	sne.s32 s1, s5  }
0xa8: {  	s5 =	sshll.u32 @p0 s5, $0xE  }
0xa9: {  	s5 =	sadd.s32 @p0 $0x11B8D, s5;
	s6 =	sshll.u32 @p0 s4, $0x11  }
0xaa: {  	s5 =	sor.u32 @p0 s6, s5  }
0xab: {  	[sflag:s5] =	ssyncadd.remote.s32 @p0 $0x1;
	_ =	sdelay $0x1  }
0xac: {  	s5 =	simm.s32 @p0 $0x1B8D  }
0xad: {  	_ =	swait.eq @p0 [sflag:s5], $0x1  }
0xae: {  	[sflag:s5] =	ssyncadd.s32 @p0 $0xFFFFFFFF  }
0xaf: {  	s6 =	sshll.u32 @!p0 s1, $0xE  }
0xb0: {  	s6 =	sor.u32 @!p0 $0x4000, s6;
	s5 =	simm.s32 @!p0 $0x1B8D  }
0xb1: {  	s4 =	sshll.u32 @!p0 s4, $0x11;
	s6 =	sadd.s32 @!p0 $0x11B8D, s6;
	_ =	swait.eq @!p0 [sflag:s5], $0x1  }
0xb2: {  	s4 =	sor.u32 @!p0 s4, s6;
	[sflag:s5] =	ssyncadd.s32 @!p0 $0xFFFFFFFF  }
0xb3: {  	s25 =	simm.s32 $0x1B8E;
	s24 =	sld [smem:$0x3FFE];
	[sflag:s4] =	ssyncadd.remote.s32 @!p0 $0x1  }
0xb4: {  	s26 =	simm.s32 $execute0_lowered;
	[smem:$0x3FD2] =	sst s25  }
0xb5: {  	s5 =	sshll.u32 s26, $0x1;
	_ =	strace $0x80000049;
	[dreg:$0x1] =	wrdreg $0xFFFFFFFF  }
0xb6: {  	s28 =	simm.s32 $_size_execute0_lowered;
	s3 =	sadd.s32 s3, s5;
	[dreg:$0x0] =	wrdreg $0x0  }
0xb7: {  	s5 =	sshll.u32 s28, $0x1;
	[dreg:$0x2] =	wrdreg s3  }
0xb8: {  	[dreg:$0x3] =	wrdreg s5  }
0xb9: {  	[dreg:$0x4] =	wrdreg $0xC0  }
0xba: {  	_ =	task [dreg:s22], $0x5FFFF  }
0xbb: {  	[dreg:$0x1] =	wrdreg $0xFFFFFFFF  }
0xbc: {  	[dreg:$0x0] =	wrdreg $0x60  }
0xbd: {  	[dreg:$0x2] =	wrdreg s24  }
0xbe: {  	[dreg:$0x3] =	wrdreg $0x29000  }
0xbf: {  	[dreg:$0x4] =	wrdreg $0xA  }
0xc0: {  	_ =	task.clear_ibuf [dreg:s22], $0x5FFFF;
	_ =	strace $0x90000049  }
0xc1: {  	s29 =	simm.s32 $0xA;
	_ =	strace $0x8000004B  }
0xc2: {  	_ =	swait.ge [sflag:s29], $0x1  }
0xc3: {  	[sflag:s29] =	ssyncadd.s32 $0xFFFFFFFF  }
0xc4: {  	_ =	strace $0x9000004B  }
0xc5: {  	_ =	sfence  }
0xc6: {  	s30 =	sld [smem:$0x0];
	_ =	sdelay $0x2  }
0xc7: {  	s31 =	sshll.u32 s1, $0xD;
	s1 =	sshrl.u32 s1, $0x2  }
0xc8: {  	s4 =	sand.u32 $0x4000, s31;
	s1 =	sadd.s32 s1, s30  }
0xc9: {  	s0 =	sor.u32 s4, s0;
	s1 =	sshll.u32 s1, $0x11  }
0xca: {  	s0 =	sor.u32 s1, s0  }
0xcb: {  	s0 =	sadd.s32 $0x8F2B, s0  }
0xcc: {  	[sflag:s0] =	ssyncadd.remote.s32 $0x1  }
0xcd: {  	_ =	sfence.sel $0xFFFF  }
0xce: {  	[dreg:$0x0] =	wrdreg $0xFFFFFFFF;
	(pc) =	sbr.abs _section_cstart, $3  }
0xcf: {  	[dreg:$0x1] =	wrdreg $0xFFFFFFFF  }
0xd0: {  	_ =	task.clear_ibuf [dreg:s22], $0x2FFFF;
	_ =	strace $0x9FFFFFFF  }
0xd1: {  	(tm) =	ssettm $0x7FFFFFFF  }
tec
execute0_lowered:
.L_overlay_start_1:
0x0: {  	(tag) =	ssettag $0x1  }
0x1: {  	s5 =	rddreg [dreg:$0x0]  }
0x2: {  	s1 =	rddreg [dreg:$0x1];
	s2 =	simm.s32 $0x0;
	s3 =	srdreg.scid  }
0x3: {  	s0 =	stileid.u32;
	s22 =	simm.s32 $0x100;
	s23 =	simm.s32 $0x3  }
0x4: {  	s24 =	simm.s32 $0x50;
	s25 =	simm.s32 $0x80;
	s28 =	simm.s32 $0x2  }
0x5: {  	s29 =	simm.s32 $0x0;
	[smem:$0x7FF] =	sst s2;
	s8 =	smul.u32 $0x4E000, s0  }
0x6: {  	s9 =	sand.u32 $0x1, s3;
	s4 =	sadd.s32 $0x4E5200, s5;
	s13 =	smul.u32 $0x13800, s0  }
0x7: {  	s10 =	sadd.s32 $0x9F800, s5;
	s15 =	smul.u32 $0x2710, s0;
	p0 =	sne.s32 s0, $0xF  }
0x8: {  	_ =	strace $0x8000004A;
	s6 =	sshll.u32 s9, $0x4;
	s11 =	smul.u32 $0x138800, s9  }
0x9: {  	s7 =	ssub.s32 $0x2, s9;
	s14 =	smul.u32 $0x27100, s9;
	s6 =	sor.u32 s0, s6  }
0xa: {  	s26 =	sshrl.u32 s7, $0x1;
	s30 =	sshrl.u32 s8, $0x2;
	s6 =	smul.u32 $0x2710, s6  }
0xb: {  	s12 =	ssub.s32 s7, s26;
	s5 =	sadd.s32 s30, s1;
	s7 =	sadd.s32 $0x138000, s1  }
0xc: {  	s13 =	sadd.s32 s13, s11;
	s11 =	sshrl.u32 s11, $0x3;
	s21 =	sadd.s32 s15, s14  }
0xd: {  	s26 =	simm.s32 $0x1;
	s13 =	sshrl.u32 s13, $0x3;
	s11 =	sadd.s32 s10, s11  }
0xe: {  	s12 =	smax.u32 s12, $0x1;
	s14 =	sadd.s32 $0x5000, s5;
	s15 =	sadd.s32 $0x7800, s5  }
0xf: {  	s18 =	sadd.s32 $0xF0, s21;
	s16 =	sadd.s32 $0xA000, s5;
	s17 =	sadd.s32 $0xC800, s5  }
0x10: {  	s21 =	sadd.s32 $0xA0, s21;
	s31 =	sshrl.u32 s6, $0x3;
	s6 =	sadd.s32 $0x11800, s5  }
0x11: {  	s10 =	sadd.s32 s10, s13;
	s11 =	sadd.s32 $0x27000, s11;
	s13 =	sadd.s32 $0x2800, s5  }
0x12: {  	v0 =	vimm.f32 $0.0e+00;
	vm0 =	vcmask $0x300;
	s20 =	sshrl.u32 s18, $0x3;
	s18 =	sadd.s32 $0xF000, s5;
	s8 =	sadd.s32 s4, s31  }
0x13: {  	v1 =	vsel vm0, $0x3F800000, v0;
	s20 =	sadd.s32 s20, s4;
	s9 =	sadd.s32 $0x4D8, s8;
	s19 =	sadd.s32 $0xA, s8  }
.LBB2_1:
0x14: {  	s30 =	simm.s32 $0x0;
	s31 =	simm.s32 $0x200  }
.LBB2_2:
0x15: {  	p1 =	sne.s32 s31, $0x9E00;
	[tilespmem:s30+$0x170] =	vst v0  }
0x16: {  	[tilespmem:s30+$0x100] =	vst v0  }
0x17: {  	[tilespmem:s30+$0x110] =	vst v0  }
.Ltmp0:
0x18: {  	[tilespmem:s30+$0x120] =	vst v0;
	(pc) =	sbr.rel @p1 .LBB2_2-.Ltmp0, $4  }
0x19: {  	[tilespmem:s30+$0x130] =	vst v0  }
0x1a: {  	[tilespmem:s30+$0x140] =	vst v0  }
0x1b: {  	[tilespmem:s30+$0x150] =	vst v0  }
0x1c: {  	[tilespmem:s30+$0x160] =	vst v0;
	s30 =	sshra.s32 s31, $0x2;
	s31 =	sadd.s32 $0x200, s31  }
0x1d: {  	[tilespmem:s30+$0x170] =	vst v0  }
0x1e: {  	[tilespmem:s30+$0x100] =	vst v0  }
0x1f: {  	[tilespmem:s30+$0x110] =	vst v0  }
0x20: {  	[tilespmem:s30+$0x120] =	vst v0  }
0x21: {  	[tilespmem:s30+$0x130] =	vst v0  }
0x22: {  	[tilespmem:s30+$0x140] =	vst v0  }
0x23: {  	[tilespmem:s30+$0x150] =	vst v0  }
0x24: {  	[tilespmem:s30+$0x160] =	vst v0  }
0x25: {  	[spmem:s5] =	stream.linear.scatter [tilespmem:s22], [sflag:$0x3], $0x2800, $0x38;
	[tilespmem:$0x16180] =	vst v63  }
0x26: {  	_ =	swait.ge [sflag:s23], $0x2800  }
0x27: {  	[sflag:s23] =	ssyncset.done $0x0  }
0x28: {  	[sflag:s23] =	ssyncadd.s32 $0xFFFFD800  }
0x29: {  	[spmem:s13] =	stream.linear.scatter [tilespmem:s22], [sflag:$0x3], $0x2800, $0x38;
	[tilespmem:$0x16180] =	vst v63  }
0x2a: {  	_ =	swait.ge [sflag:s23], $0x2800  }
0x2b: {  	[sflag:s23] =	ssyncset.done $0x0  }
0x2c: {  	[sflag:s23] =	ssyncadd.s32 $0xFFFFD800  }
0x2d: {  	[spmem:s14] =	stream.linear.scatter [tilespmem:s22], [sflag:$0x3], $0x2800, $0x38;
	[tilespmem:$0x16180] =	vst v63  }
0x2e: {  	_ =	swait.ge [sflag:s23], $0x2800  }
0x2f: {  	[sflag:s23] =	ssyncset.done $0x0  }
0x30: {  	[sflag:s23] =	ssyncadd.s32 $0xFFFFD800  }
0x31: {  	[spmem:s15] =	stream.linear.scatter [tilespmem:s22], [sflag:$0x3], $0x2800, $0x38;
	[tilespmem:$0x16180] =	vst v63  }
0x32: {  	_ =	swait.ge [sflag:s23], $0x2800  }
0x33: {  	[sflag:s23] =	ssyncset.done $0x0  }
0x34: {  	[sflag:s23] =	ssyncadd.s32 $0xFFFFD800  }
0x35: {  	[spmem:s16] =	stream.linear.scatter [tilespmem:s22], [sflag:$0x3], $0x2800, $0x38;
	[tilespmem:$0x16180] =	vst v63  }
0x36: {  	_ =	swait.ge [sflag:s23], $0x2800  }
0x37: {  	[sflag:s23] =	ssyncset.done $0x0  }
0x38: {  	[sflag:s23] =	ssyncadd.s32 $0xFFFFD800  }
0x39: {  	[spmem:s17] =	stream.linear.scatter [tilespmem:s22], [sflag:$0x3], $0x2800, $0x38;
	[tilespmem:$0x16180] =	vst v63  }
0x3a: {  	_ =	swait.ge [sflag:s23], $0x2800  }
0x3b: {  	[sflag:s23] =	ssyncset.done $0x0  }
0x3c: {  	[sflag:s23] =	ssyncadd.s32 $0xFFFFD800  }
0x3d: {  	[spmem:s18] =	stream.linear.scatter [tilespmem:s22], [sflag:$0x3], $0x2800, $0x38;
	[tilespmem:$0x16180] =	vst v63  }
0x3e: {  	_ =	swait.ge [sflag:s23], $0x2800  }
0x3f: {  	[sflag:s23] =	ssyncset.done $0x0  }
0x40: {  	[sflag:s23] =	ssyncadd.s32 $0xFFFFD800  }
0x41: {  	[spmem:s6] =	stream.linear.scatter [tilespmem:s22], [sflag:$0x3], $0x2000, $0x38;
	[tilespmem:$0x16180] =	vst v63  }
0x42: {  	_ =	swait.ge [sflag:s23], $0x2000  }
0x43: {  	[sflag:s23] =	ssyncset.done $0x0  }
0x44: {  	s30 =	simm.s32 @!p0 $0x100;
	[sflag:s23] =	ssyncadd.s32 $0xFFFFE000  }
0x45: {  	[spmem:s7] =	stream.linear.scatter @!p0 [tilespmem:s30], [sflag:$0x3], $0x800, $0x38;
	[tilespmem:$0x16180] =	vst v63  }
0x46: {  	s30 =	simm.s32 @!p0 $0x3  }
0x47: {  	_ =	swait.ge @!p0 [sflag:s30], $0x800  }
0x48: {  	[sflag:s30] =	ssyncset.done @!p0 $0x0  }
0x49: {  	s31 =	simm.s32 $0x0;
	[sflag:s30] =	ssyncadd.s32 @!p0 $0xFFFFF800;
	s30 =	simm.s32 $0x200  }
.LBB2_4:
0x4a: {  	p1 =	sne.s32 s30, $0x9E00;
	[tilespmem:s31+$0x100] =	vst v1;
	s31 =	smov.u32 s30;
	s30 =	sadd.s32 $0x200, s30  }
.Ltmp1:
0x4b: {  	(pc) =	sbr.rel @p1 .LBB2_4-.Ltmp1, $2  }
0x4c: {  	_ =	sdelay $0x2  }
0x4d: {  	s31 =	sshra.s32 s31, $0x2  }
0x4e: {  	[tilespmem:s31+$0x100] =	vst v1  }
0x4f: {  	s30 =	simm.s32 $0x0;
	[bflag:$0x0] =	sbarrier.arrive $0xFFFF  }
0x50: {  	[tilespmem:s30], [sflag:$0x3] =	stream.linear.gather [hbm4b:s8+s30], $0x50, $0x38;
	[tilespmem:$0x16180] =	vst v63  }
0x51: {  	_ =	swait.ge [sflag:s23], $0x50  }
0x52: {  	[sflag:s23] =	ssyncset.done $0x0  }
0x53: {  	[sflag:s23] =	ssyncadd.s32 $0xFFFFFFB0  }
0x54: {  	[spmem:s1] =	stream.indirect.scatter.add.f32 [tilespmem:s22], [sflag:$0x1], $0x80, s30, s24, $0xb8;
	[tilespmem:$0x16180] =	vst v63  }
0x55: {  	_ = 	snop  }
0x56: {  	[tilespmem:s25], [sflag:$0x3] =	stream.linear.gather [hbm4b:s19+s30], $0x50, $0x38;
	[tilespmem:$0x16180] =	vst v63  }
0x57: {  	_ =	swait.ge [sflag:s23], $0x50  }
0x58: {  	[sflag:s23] =	ssyncset.done $0x0  }
0x59: {  	[sflag:s23] =	ssyncadd.s32 $0xFFFFFFB0  }
0x5a: {  	[spmem:s1] =	stream.indirect.scatter.add.f32 [tilespmem:s22], [sflag:$0x2], $0x80, s25, s24, $0xb8;
	[tilespmem:$0x16180] =	vst v63  }
0x5b: {  	_ =	swait.ge [sflag:s26], $0x2800  }
0x5c: {  	s30 =	sshrl.u32 s21, $0x3;
	[sflag:s26] =	ssyncset.done $0x0  }
0x5d: {  	s30 =	sadd.s32 s4, s30;
	[sflag:s26] =	ssyncadd.s32 $0xFFFFD800  }
0x5e: {  	[tilespmem:s2], [sflag:$0x3] =	stream.linear.gather [hbm4b:s30+s2], $0x50, $0x38;
	[tilespmem:$0x16180] =	vst v63  }
0x5f: {  	_ =	swait.ge [sflag:s23], $0x50  }
0x60: {  	[sflag:s23] =	ssyncset.done $0x0  }
0x61: {  	[sflag:s23] =	ssyncadd.s32 $0xFFFFFFB0  }
0x62: {  	[spmem:s1] =	stream.indirect.scatter.add.f32 [tilespmem:s22], [sflag:$0x1], $0x80, s2, s24, $0xb8;
	[tilespmem:$0x16180] =	vst v63  }
0x63: {  	_ =	swait.ge [sflag:s28], $0x2800  }
0x64: {  	[sflag:s28] =	ssyncset.done $0x0  }
0x65: {  	s30 =	sadd.s32 $0x0, s20;
	[sflag:s28] =	ssyncadd.s32 $0xFFFFD800  }
0x66: {  	[tilespmem:s25], [sflag:$0x3] =	stream.linear.gather [hbm4b:s30+s2], $0x50, $0x38;
	[tilespmem:$0x16180] =	vst v63  }
0x67: {  	_ =	swait.ge [sflag:s23], $0x50  }
0x68: {  	[sflag:s23] =	ssyncset.done $0x0  }
0x69: {  	s31 =	sadd.s32 $0xA0, s21;
	s30 =	simm.s32 $0x14;
	[sflag:s23] =	ssyncadd.s32 $0xFFFFFFB0  }
.LBB2_6:
0x6a: {  	[spmem:s1] =	stream.indirect.scatter.add.f32 [tilespmem:s22], [sflag:$0x2], $0x80, s25, s24, $0xb8;
	[tilespmem:$0x16180] =	vst v63  }
0x6b: {  	s0 =	smov.u32 s30  }
0x6c: {  	p1 =	sne.s32 s30, $0x4B0;
	s30 =	sadd.s32 $0x14, s30;
	_ =	swait.ge [sflag:s26], $0x2800  }
0x6d: {  	s3 =	sshrl.u32 s31, $0x3;
	[sflag:s26] =	ssyncset.done $0x0  }
0x6e: {  	s3 =	sadd.s32 s4, s3;
	[sflag:s26] =	ssyncadd.s32 $0xFFFFD800  }
0x6f: {  	[tilespmem:s2], [sflag:$0x3] =	stream.linear.gather [hbm4b:s3+s2], $0x50, $0x38;
	[tilespmem:$0x16180] =	vst v63  }
0x70: {  	_ =	swait.ge [sflag:s23], $0x50  }
0x71: {  	[sflag:s23] =	ssyncset.done $0x0  }
0x72: {  	[sflag:s23] =	ssyncadd.s32 $0xFFFFFFB0  }
0x73: {  	[spmem:s1] =	stream.indirect.scatter.add.f32 [tilespmem:s22], [sflag:$0x1], $0x80, s2, s24, $0xb8;
	[tilespmem:$0x16180] =	vst v63  }
0x74: {  	_ =	swait.ge [sflag:s28], $0x2800  }
0x75: {  	[sflag:s28] =	ssyncset.done $0x0  }
.Ltmp2:
0x76: {  	s0 =	sadd.s32 s0, s20;
	[sflag:s28] =	ssyncadd.s32 $0xFFFFD800;
	(pc) =	sbr.rel @p1 .LBB2_6-.Ltmp2, $4  }
0x77: {  	[tilespmem:s25], [sflag:$0x3] =	stream.linear.gather [hbm4b:s0+s2], $0x50, $0x38;
	[tilespmem:$0x16180] =	vst v63  }
0x78: {  	_ =	swait.ge [sflag:s23], $0x50  }
0x79: {  	[sflag:s23] =	ssyncset.done $0x0  }
0x7a: {  	s31 =	sadd.s32 $0xA0, s31;
	[sflag:s23] =	ssyncadd.s32 $0xFFFFFFB0  }
0x7b: {  	[spmem:s1] =	stream.indirect.scatter.add.f32 [tilespmem:s22], [sflag:$0x2], $0x80, s25, s24, $0xb8;
	[tilespmem:$0x16180] =	vst v63  }
0x7c: {  	_ =	swait.ge [sflag:s26], $0x2800  }
0x7d: {  	[sflag:s26] =	ssyncset.done $0x0  }
0x7e: {  	[sflag:s26] =	ssyncadd.s32 $0xFFFFD800  }
0x7f: {  	[tilespmem:s2], [sflag:$0x3] =	stream.linear.gather [hbm4b:s9+s2], $0x50, $0x38;
	[tilespmem:$0x16180] =	vst v63  }
0x80: {  	_ =	swait.ge [sflag:s23], $0x50  }
0x81: {  	[sflag:s23] =	ssyncset.done $0x0  }
0x82: {  	[sflag:s23] =	ssyncadd.s32 $0xFFFFFFB0  }
0x83: {  	[spmem:s1] =	stream.indirect.scatter.add.f32 [tilespmem:s22], [sflag:$0x1], $0x80, s2, s24, $0xb8;
	[tilespmem:$0x16180] =	vst v63  }
0x84: {  	_ =	swait.ge [sflag:s26], $0x2800  }
0x85: {  	[sflag:s26] =	ssyncset.done $0x0  }
0x86: {  	[sflag:s26] =	ssyncadd.s32 $0xFFFFD800  }
0x87: {  	_ =	swait.ge [sflag:s28], $0x2800  }
0x88: {  	s0 =	stileid.u32;
	[sflag:s28] =	ssyncset.done $0x0  }
0x89: {  	s0 =	sshll.u32 s0, $0x6;
	[sflag:s28] =	ssyncadd.s32 $0xFFFFD800  }
0x8a: {  	s3 =	sshrl.u32 s5, $0x3;
	s0 =	sor.u32 $0x1C03, s0;
	[bflag:$0x0] =	sbarrier.arrive $0xFFFF  }
0x8b: {  	[hbm:s10], [sflag:s0] =	dma.local [spmem:s3], $0x2700  }
0x8c: {  	_ =	swait.ge [sflag:s23], $0x2700  }
0x8d: {  	s29 =	sadd.s32 $0x1, s29;
	[sflag:s23] =	ssyncset.done $0x0  }
0x8e: {  	p1 =	sne.s32 s29, s12;
	s3 =	sshrl.u32 @!p0 s7, $0x3;
	[sflag:s23] =	ssyncadd.s32 $0xFFFFD900  }
0x8f: {  	[hbm:s11], [sflag:s0] =	dma.local @!p0 [spmem:s3], $0x100  }
.Ltmp3:
0x90: {  	_ = 	snop;
	(pc) =	sbr.rel @p1 .LBB2_1-.Ltmp3, $4  }
0x91: {  	s0 =	simm.s32 @!p0 $0x3  }
0x92: {  	_ =	swait.ge @!p0 [sflag:s0], $0x100  }
0x93: {  	[sflag:s0] =	ssyncset.done @!p0 $0x0  }
0x94: {  	[sflag:s0] =	ssyncadd.s32 @!p0 $0xFFFFFF00  }
0x95: {  	_ =	sfence.sel $0x180000  }
0x96: {  	[bflag:$0x0] =	sbarrier.arrive $0xFFFF  }
0x97: {  	_ =	strace $0x9000004A  }
0x98: {  	s0 =	stileid.u32;
	[bflag:$0x2] =	sbarrier.arrive $0xFFFF  }
0x99: {  	p0 =	sne.s32 s0, $0x0;
	s0 =	rddreg [dreg:$0x2]  }
0x9a: {  	s0 =	sadd.s32 @!p0 $0x100000, s0  }
0x9b: {  	[sflag:s0] =	ssyncadd.tile.s32 @!p0 $0x1;
	_ =	shalt  }
.Lfunc_end2:
_tile_overlayer_lowered:
.L_overlay_start_2:
0x9c: {  	(tag) =	ssettag $0x2  }
0x9d: {  	s0 =	rddreg [dreg:$0x0];
	s2 =	stileid.u32  }
0x9e: {  	s1 =	rddreg [dreg:$0x1];
	p0 =	sne.s32 s2, $0x0  }
0x9f: {  	s3 =	rddreg [dreg:$0x2];
	[bflag:$0x3] =	sbarrier.arrive $0xFFFF;
	s2 =	simm.s32 @!p0 $0x1C03  }
0xa0: {  	[timem:s3], [sflag:s2] =	dma.local @!p0 [hbm:s0], s1  }
0xa1: {  	s0 =	simm.s32 @!p0 $0x3  }
0xa2: {  	_ =	swait.ge @!p0 [sflag:s0], s1  }
0xa3: {  	s1 =	ssub.s32 @!p0 $0x0, s1;
	[sflag:s0] =	ssyncset.done @!p0 $0x0  }
0xa4: {  	[sflag:s0] =	ssyncadd.s32 @!p0 s1  }
0xa5: {  	[bflag:$0x3] =	sbarrier.arrive $0xFFFF  }
0xa6: {  	_ =	shalt  }

</sc_bundles>
